<compile_context>
chip_gen: v7x
topology: tpu7x:2x2x1
jax: 0.10.2.dev20260603
libtpu: 0.0.44.dev20260713+nightly
codegen_flags: <defaults>
</compile_context>

<pallas_src>
import functools

import jax
import jax.numpy as jnp
from jax import lax
from jax.experimental import pallas as pl
from jax.experimental.pallas import tpu as pltpu
from jax.experimental.pallas import tpu_sc as plsc

D_MODEL = 768
DPART = 256
S_TOTAL = 4096
NW = 32
S_PER_W = S_TOTAL // NW
CH = 16
N_CH = S_PER_W // CH


def _sc_fused(x, ix, iy, iz, Wx, Wy, Wz):
    B = x.shape[0]
    mesh = plsc.VectorSubcoreMesh(core_axis_name="c", subcore_axis_name="s")
    idx_t = pltpu.VMEM((S_PER_W,), jnp.int32)
    row_t = pltpu.VMEM((S_PER_W, DPART), jnp.float32)

    @functools.partial(
        pl.kernel,
        out_type=jax.ShapeDtypeStruct(x.shape, x.dtype),
        mesh=mesh,
        scratch_types=[
            idx_t, idx_t, idx_t, row_t, row_t, row_t,
            pltpu.VMEM((CH, D_MODEL), jnp.float32),
            pltpu.SemaphoreType.DMA, pltpu.SemaphoreType.DMA,
        ],
    )
    def k(x_hbm, ix_hbm, iy_hbm, iz_hbm, wx_hbm, wy_hbm, wz_hbm, o_hbm,
          ixv, iyv, izv, ex, ey, ez, xbuf, sem_i, sem_g):
        wid = lax.axis_index("s") * 2 + lax.axis_index("c")
        base = wid * S_PER_W
        sl = pl.ds(base, S_PER_W)
        ci = [pltpu.async_copy(h.at[sl], v, sem_i)
              for h, v in ((ix_hbm, ixv), (iy_hbm, iyv), (iz_hbm, izv))]
        for c in ci:
            c.wait()
        cg = [pltpu.async_copy(w.at[v], r, sem_g)
              for w, v, r in ((wx_hbm, ixv, ex), (wy_hbm, iyv, ey),
                              (wz_hbm, izv, ez))]
        for c in cg:
            c.wait()

        for b in range(B):
            def chunk_body(c, carry, b=b):
                r0 = c * CH
                rows = pl.ds(base + r0, CH)
                pltpu.sync_copy(x_hbm.at[b, rows], xbuf)

                def row_body(r, carry2):
                    for p, buf in enumerate((ex, ey, ez)):
                        for j in range(DPART // 16):
                            dst = pl.ds(p * DPART + j * 16, 16)
                            src = pl.ds(j * 16, 16)
                            xbuf[r, dst] = xbuf[r, dst] + buf[r0 + r, src]
                    return carry2

                lax.fori_loop(0, CH, row_body, 0)
                pltpu.sync_copy(xbuf, o_hbm.at[b, rows])
                return carry

            lax.fori_loop(0, N_CH, chunk_body, 0)

    return k(x, ix, iy, iz, Wx, Wy, Wz)


def kernel(x, src_tgt, src_pos_x, src_pos_y, src_pos_z, Wx, Wy, Wz):
    del src_tgt
    return _sc_fused(x, src_pos_x, src_pos_y, src_pos_z, Wx, Wy, Wz)

# --- scband reference (transcript-rebuilt; emitter-appended) ---
"""Pipeline reference for scband-positional-embedding3-d-2070174236686 (READ-ONLY COPY).

The authoritative reference and input builder live on the scoring server;
editing this copy changes nothing except your own understanding.
"""

import jax, jax.numpy as jnp
import numpy as np

D_MODEL = 768
SRC_SHAPE = (16, 16, 16)
TGT_SHAPE = (16, 16, 16)
TGT_OFFSET = (16, 16, 16)


def setup_inputs(seed: int = 0) -> dict:
    key = jax.random.key(seed)
    dpart = D_MODEL // 3
    x_max = TGT_OFFSET[0] + TGT_SHAPE[0]  # 32
    y_max = TGT_OFFSET[1] + TGT_SHAPE[1]  # 32
    z_max = TGT_OFFSET[2] + TGT_SHAPE[2]  # 32
    # src positions: flattened (i, j, k) grid, matching the torch __init__ loops
    idx = np.indices(SRC_SHAPE).reshape(3, -1)  # [3, 4096]
    k1, k2, k3, k4 = jax.random.split(key, 4)
    x = jax.random.normal(k1, (4, int(np.prod(SRC_SHAPE)), D_MODEL), dtype=jnp.float32)
    Wx = jax.random.normal(k2, (x_max, dpart), dtype=jnp.float32) * 0.02
    Wy = jax.random.normal(k3, (y_max, dpart), dtype=jnp.float32) * 0.02
    Wz = jax.random.normal(k4, (z_max, dpart), dtype=jnp.float32) * 0.02
    return {
        "x": x,
        "src_tgt": 1,
        "src_pos_x": jnp.asarray(idx[0], dtype=jnp.int32),
        "src_pos_y": jnp.asarray(idx[1], dtype=jnp.int32),
        "src_pos_z": jnp.asarray(idx[2], dtype=jnp.int32),
        "Wx": Wx,
        "Wy": Wy,
        "Wz": Wz,
    }


def reference(x, src_tgt, src_pos_x, src_pos_y, src_pos_z, Wx, Wy, Wz):
    # src_tgt=True path of PositionalEmbedding3D.forward:
    # gather per-axis positional embeddings and concat along feature dim,
    # then broadcast-add to x ([B, S, d_model] + [S, d_model]).
    # (The tgt path is never exercised here: src_tgt is constant True;
    #  the original tgt branch also mixes x.size(-1) and x.size(1) indices.)
    ex = jnp.take(Wx, src_pos_x, axis=0)
    ey = jnp.take(Wy, src_pos_y, axis=0)
    ez = jnp.take(Wz, src_pos_z, axis=0)
    pos_embedding = jnp.concatenate([ex, ey, ez], axis=-1)  # [S, d_model]
    return x + pos_embedding

if __name__ == "__main__":
    import jax
    _d = setup_inputs()
    print(jax.jit(kernel)(*tuple(_d.values())))

</pallas_src>

<mosaic_0001>
#map = affine_map<(d0, d1) -> (0, 0, 0)>
#map1 = affine_map<(d0, d1) -> (0)>
#map2 = affine_map<(d0, d1) -> (0, 0)>
module attributes {stable_mosaic.version = 14 : i64} {
  func.func @k(%arg0: i32, %arg1: i32, %arg2: memref<4x4096x768xf32, #tpu.memory_space<hbm>>, %arg3: memref<4096xi32, #tpu.memory_space<hbm>>, %arg4: memref<4096xi32, #tpu.memory_space<hbm>>, %arg5: memref<4096xi32, #tpu.memory_space<hbm>>, %arg6: memref<32x256xf32, #tpu.memory_space<hbm>>, %arg7: memref<32x256xf32, #tpu.memory_space<hbm>>, %arg8: memref<32x256xf32, #tpu.memory_space<hbm>>, %arg9: memref<4x4096x768xf32, #tpu.memory_space<hbm>>, %arg10: memref<128xi32, #tpu.memory_space<vmem>>, %arg11: memref<128xi32, #tpu.memory_space<vmem>>, %arg12: memref<128xi32, #tpu.memory_space<vmem>>, %arg13: memref<128x256xf32, #tpu.memory_space<vmem>>, %arg14: memref<128x256xf32, #tpu.memory_space<vmem>>, %arg15: memref<128x256xf32, #tpu.memory_space<vmem>>, %arg16: memref<16x768xf32, #tpu.memory_space<vmem>>, %arg17: memref<!tpu.dma_semaphore, #tpu.memory_space<semaphore_mem>>, %arg18: memref<!tpu.dma_semaphore, #tpu.memory_space<semaphore_mem>>) attributes {dimension_semantics = [#tpu.dimension_semantics<core_parallel>, #tpu.dimension_semantics<subcore_parallel>], iteration_bounds = array<i64: 2, 16>, scalar_prefetch = 0 : i64, scratch_operands = 9 : i64, tpu.core_type = #tpu.core_type<sc_vector_subcore>, window_params = [{transform_indices = #map}, {transform_indices = #map1}, {transform_indices = #map1}, {transform_indices = #map1}, {transform_indices = #map2}, {transform_indices = #map2}, {transform_indices = #map2}, {transform_indices = #map}]} {
    %mul3A = arith.constant 2 : i32
    %mul3A_0 = arith.muli %arg1, %mul3A : i32
    %add3A = arith.addi %mul3A_0, %arg0 : i32
    %mul3A_1 = arith.constant 128 : i32
    %mul3A_2 = arith.muli %add3A, %mul3A_1 : i32
    %dma_start3A = tpu.memref_slice %arg3[%mul3A_2] : memref<4096xi32, #tpu.memory_space<hbm>> -> memref<128xi32, #tpu.memory_space<hbm>>
    %dma_start3A_3 = tpu.memref_slice %arg3[%mul3A_2] : memref<4096xi32, #tpu.memory_space<hbm>> -> memref<128xi32, #tpu.memory_space<hbm>>
    tpu.enqueue_dma source(%dma_start3A_3 : memref<128xi32, #tpu.memory_space<hbm>>) target(%arg10 : memref<128xi32, #tpu.memory_space<vmem>>) target_semaphore(%arg17 : memref<!tpu.dma_semaphore, #tpu.memory_space<semaphore_mem>>)
    %dma_start3A_4 = tpu.memref_slice %arg4[%mul3A_2] : memref<4096xi32, #tpu.memory_space<hbm>> -> memref<128xi32, #tpu.memory_space<hbm>>
    %dma_start3A_5 = tpu.memref_slice %arg4[%mul3A_2] : memref<4096xi32, #tpu.memory_space<hbm>> -> memref<128xi32, #tpu.memory_space<hbm>>
    tpu.enqueue_dma source(%dma_start3A_5 : memref<128xi32, #tpu.memory_space<hbm>>) target(%arg11 : memref<128xi32, #tpu.memory_space<vmem>>) target_semaphore(%arg17 : memref<!tpu.dma_semaphore, #tpu.memory_space<semaphore_mem>>)
    %dma_start3A_6 = tpu.memref_slice %arg5[%mul3A_2] : memref<4096xi32, #tpu.memory_space<hbm>> -> memref<128xi32, #tpu.memory_space<hbm>>
    %dma_start3A_7 = tpu.memref_slice %arg5[%mul3A_2] : memref<4096xi32, #tpu.memory_space<hbm>> -> memref<128xi32, #tpu.memory_space<hbm>>
    tpu.enqueue_dma source(%dma_start3A_7 : memref<128xi32, #tpu.memory_space<hbm>>) target(%arg12 : memref<128xi32, #tpu.memory_space<vmem>>) target_semaphore(%arg17 : memref<!tpu.dma_semaphore, #tpu.memory_space<semaphore_mem>>)
    %dma_wait3A = tpu.memref_slice %arg3[%mul3A_2] : memref<4096xi32, #tpu.memory_space<hbm>> -> memref<128xi32, #tpu.memory_space<hbm>>
    %dma_wait3A_8 = tpu.memref_slice %arg3[%mul3A_2] : memref<4096xi32, #tpu.memory_space<hbm>> -> memref<128xi32, #tpu.memory_space<hbm>>
    tpu.wait_dma2 semaphore(%arg17 : memref<!tpu.dma_semaphore, #tpu.memory_space<semaphore_mem>>) src(%dma_wait3A_8 : memref<128xi32, #tpu.memory_space<hbm>>) dst(%arg10 : memref<128xi32, #tpu.memory_space<vmem>>)
    %dma_wait3A_9 = tpu.memref_slice %arg4[%mul3A_2] : memref<4096xi32, #tpu.memory_space<hbm>> -> memref<128xi32, #tpu.memory_space<hbm>>
    %dma_wait3A_10 = tpu.memref_slice %arg4[%mul3A_2] : memref<4096xi32, #tpu.memory_space<hbm>> -> memref<128xi32, #tpu.memory_space<hbm>>
    tpu.wait_dma2 semaphore(%arg17 : memref<!tpu.dma_semaphore, #tpu.memory_space<semaphore_mem>>) src(%dma_wait3A_10 : memref<128xi32, #tpu.memory_space<hbm>>) dst(%arg11 : memref<128xi32, #tpu.memory_space<vmem>>)
    %dma_wait3A_11 = tpu.memref_slice %arg5[%mul3A_2] : memref<4096xi32, #tpu.memory_space<hbm>> -> memref<128xi32, #tpu.memory_space<hbm>>
    %dma_wait3A_12 = tpu.memref_slice %arg5[%mul3A_2] : memref<4096xi32, #tpu.memory_space<hbm>> -> memref<128xi32, #tpu.memory_space<hbm>>
    tpu.wait_dma2 semaphore(%arg17 : memref<!tpu.dma_semaphore, #tpu.memory_space<semaphore_mem>>) src(%dma_wait3A_12 : memref<128xi32, #tpu.memory_space<hbm>>) dst(%arg12 : memref<128xi32, #tpu.memory_space<vmem>>)
    %dma_start3A_13 = arith.constant 0 : i32
    %dma_start3A_14 = arith.constant 0 : i32
    %dma_start3A_15 = tpu.memref_slice %arg6[%dma_start3A_13, %dma_start3A_14] : memref<32x256xf32, #tpu.memory_space<hbm>> -> memref<32x256xf32, #tpu.memory_space<hbm>>
    tpu.enqueue_indirect_dma source(%dma_start3A_15 : memref<32x256xf32, #tpu.memory_space<hbm>>) target(%arg13 : memref<128x256xf32, #tpu.memory_space<vmem>>) offsets(%arg10 : memref<128xi32, #tpu.memory_space<vmem>>) semaphore(%arg18 : memref<!tpu.dma_semaphore, #tpu.memory_space<semaphore_mem>>)
    %dma_start3A_16 = arith.constant 0 : i32
    %dma_start3A_17 = arith.constant 0 : i32
    %dma_start3A_18 = tpu.memref_slice %arg7[%dma_start3A_16, %dma_start3A_17] : memref<32x256xf32, #tpu.memory_space<hbm>> -> memref<32x256xf32, #tpu.memory_space<hbm>>
    tpu.enqueue_indirect_dma source(%dma_start3A_18 : memref<32x256xf32, #tpu.memory_space<hbm>>) target(%arg14 : memref<128x256xf32, #tpu.memory_space<vmem>>) offsets(%arg11 : memref<128xi32, #tpu.memory_space<vmem>>) semaphore(%arg18 : memref<!tpu.dma_semaphore, #tpu.memory_space<semaphore_mem>>)
    %dma_start3A_19 = arith.constant 0 : i32
    %dma_start3A_20 = arith.constant 0 : i32
    %dma_start3A_21 = tpu.memref_slice %arg8[%dma_start3A_19, %dma_start3A_20] : memref<32x256xf32, #tpu.memory_space<hbm>> -> memref<32x256xf32, #tpu.memory_space<hbm>>
    tpu.enqueue_indirect_dma source(%dma_start3A_21 : memref<32x256xf32, #tpu.memory_space<hbm>>) target(%arg15 : memref<128x256xf32, #tpu.memory_space<vmem>>) offsets(%arg12 : memref<128xi32, #tpu.memory_space<vmem>>) semaphore(%arg18 : memref<!tpu.dma_semaphore, #tpu.memory_space<semaphore_mem>>)
    %dma_wait3A_22 = arith.constant 0 : i32
    %dma_wait3A_23 = arith.constant 0 : i32
    %dma_wait3A_24 = tpu.memref_slice %arg6[%dma_wait3A_22, %dma_wait3A_23] : memref<32x256xf32, #tpu.memory_space<hbm>> -> memref<32x256xf32, #tpu.memory_space<hbm>>
    tpu.wait_indirect_dma semaphore(%arg18 : memref<!tpu.dma_semaphore, #tpu.memory_space<semaphore_mem>>) src(%dma_wait3A_24 : memref<32x256xf32, #tpu.memory_space<hbm>>) dst(%arg13 : memref<128x256xf32, #tpu.memory_space<vmem>>)
    %dma_wait3A_25 = arith.constant 0 : i32
    %dma_wait3A_26 = arith.constant 0 : i32
    %dma_wait3A_27 = tpu.memref_slice %arg7[%dma_wait3A_25, %dma_wait3A_26] : memref<32x256xf32, #tpu.memory_space<hbm>> -> memref<32x256xf32, #tpu.memory_space<hbm>>
    tpu.wait_indirect_dma semaphore(%arg18 : memref<!tpu.dma_semaphore, #tpu.memory_space<semaphore_mem>>) src(%dma_wait3A_27 : memref<32x256xf32, #tpu.memory_space<hbm>>) dst(%arg14 : memref<128x256xf32, #tpu.memory_space<vmem>>)
    %dma_wait3A_28 = arith.constant 0 : i32
    %dma_wait3A_29 = arith.constant 0 : i32
    %dma_wait3A_30 = tpu.memref_slice %arg8[%dma_wait3A_28, %dma_wait3A_29] : memref<32x256xf32, #tpu.memory_space<hbm>> -> memref<32x256xf32, #tpu.memory_space<hbm>>
    tpu.wait_indirect_dma semaphore(%arg18 : memref<!tpu.dma_semaphore, #tpu.memory_space<semaphore_mem>>) src(%dma_wait3A_30 : memref<32x256xf32, #tpu.memory_space<hbm>>) dst(%arg15 : memref<128x256xf32, #tpu.memory_space<vmem>>)
    %scan3A = arith.constant 0 : i32
    %scan3A_31 = arith.constant 0 : i32
    %scan3A_32 = arith.constant 8 : i32
    %scan3A_33 = arith.addi %scan3A_31, %scan3A_32 : i32
    %scan3A_34 = arith.constant 1 : i32
    scf.for %scan3A_54 = %scan3A_31 to %scan3A_33 step %scan3A_34  : i32 {
      %mul3A_55 = arith.constant 16 : i32
      %mul3A_56 = arith.muli %scan3A_54, %mul3A_55 : i32
      %add3A_57 = arith.addi %mul3A_2, %mul3A_56 : i32
      %run_scoped3A = arith.constant 0 : i32
      "tpu.region"() ({
        %run_scoped3A_65 = tpu.sem_alloc : memref<!tpu.dma_semaphore, #tpu.memory_space<semaphore_mem>>
        %dma_start3A_66 = arith.constant 0 : i32
        %dma_start3A_67 = tpu.memref_slice %arg2[%run_scoped3A, %add3A_57, %dma_start3A_66] : memref<4x4096x768xf32, #tpu.memory_space<hbm>> -> memref<1x16x768xf32, #tpu.memory_space<hbm>>
        %dma_start3A_68 = tpu.memref_squeeze %dma_start3A_67 : memref<1x16x768xf32, #tpu.memory_space<hbm>> -> memref<16x768xf32, #tpu.memory_space<hbm>>
        %dma_start3A_69 = arith.constant 0 : i32
        %dma_start3A_70 = tpu.memref_slice %arg2[%run_scoped3A, %add3A_57, %dma_start3A_69] : memref<4x4096x768xf32, #tpu.memory_space<hbm>> -> memref<1x16x768xf32, #tpu.memory_space<hbm>>
        %dma_start3A_71 = tpu.memref_squeeze %dma_start3A_70 : memref<1x16x768xf32, #tpu.memory_space<hbm>> -> memref<16x768xf32, #tpu.memory_space<hbm>>
        tpu.enqueue_dma source(%dma_start3A_71 : memref<16x768xf32, #tpu.memory_space<hbm>>) target(%arg16 : memref<16x768xf32, #tpu.memory_space<vmem>>) target_semaphore(%run_scoped3A_65 : memref<!tpu.dma_semaphore, #tpu.memory_space<semaphore_mem>>)
        %dma_wait3A_72 = arith.constant 0 : i32
        %dma_wait3A_73 = tpu.memref_slice %arg2[%run_scoped3A, %add3A_57, %dma_wait3A_72] : memref<4x4096x768xf32, #tpu.memory_space<hbm>> -> memref<1x16x768xf32, #tpu.memory_space<hbm>>
        %dma_wait3A_74 = tpu.memref_squeeze %dma_wait3A_73 : memref<1x16x768xf32, #tpu.memory_space<hbm>> -> memref<16x768xf32, #tpu.memory_space<hbm>>
        %dma_wait3A_75 = arith.constant 0 : i32
        %dma_wait3A_76 = tpu.memref_slice %arg2[%run_scoped3A, %add3A_57, %dma_wait3A_75] : memref<4x4096x768xf32, #tpu.memory_space<hbm>> -> memref<1x16x768xf32, #tpu.memory_space<hbm>>
        %dma_wait3A_77 = tpu.memref_squeeze %dma_wait3A_76 : memref<1x16x768xf32, #tpu.memory_space<hbm>> -> memref<16x768xf32, #tpu.memory_space<hbm>>
        tpu.wait_dma2 semaphore(%run_scoped3A_65 : memref<!tpu.dma_semaphore, #tpu.memory_space<semaphore_mem>>) src(%dma_wait3A_77 : memref<16x768xf32, #tpu.memory_space<hbm>>) dst(%arg16 : memref<16x768xf32, #tpu.memory_space<vmem>>)
        tpu.yield
      }) : () -> ()
      %scan3A_58 = arith.constant 0 : i32
      %scan3A_59 = arith.constant 0 : i32
      %scan3A_60 = arith.constant 16 : i32
      %scan3A_61 = arith.addi %scan3A_59, %scan3A_60 : i32
      %scan3A_62 = arith.constant 1 : i32
      scf.for %scan3A_65 = %scan3A_59 to %scan3A_61 step %scan3A_62  : i32 {
        %get3A = arith.index_cast %scan3A_65 : i32 to index
        %get3A_66 = arith.constant 0 : index
        %get3A_67 = tpu.vector_load %arg16[%get3A, %get3A_66] {strides = array<i32>} : memref<16x768xf32, #tpu.memory_space<vmem>>, vector<1x16xf32>,
        %get3A_68 = vector.shape_cast %get3A_67 : vector<1x16xf32> to vector<16xf32>
        %add3A_69 = arith.addi %mul3A_56, %scan3A_65 : i32
        %get3A_70 = arith.index_cast %add3A_69 : i32 to index
        %get3A_71 = arith.constant 0 : index
        %get3A_72 = tpu.vector_load %arg13[%get3A_70, %get3A_71] {strides = array<i32>} : memref<128x256xf32, #tpu.memory_space<vmem>>, vector<1x16xf32>,
        %get3A_73 = vector.shape_cast %get3A_72 : vector<1x16xf32> to vector<16xf32>
        %add3A_74 = arith.addf %get3A_68, %get3A_73 : vector<16xf32>
        %swap3A = arith.index_cast %scan3A_65 : i32 to index
        %swap3A_75 = arith.constant 0 : index
        %swap3A_76 = tpu.vector_load %arg16[%swap3A, %swap3A_75] {strides = array<i32>} : memref<16x768xf32, #tpu.memory_space<vmem>>, vector<1x16xf32>,
        %swap3A_77 = vector.shape_cast %swap3A_76 : vector<1x16xf32> to vector<16xf32>
        %swap3A_78 = vector.shape_cast %add3A_74 : vector<16xf32> to vector<1x16xf32>
        tpu.vector_store %arg16[%swap3A, %swap3A_75], %swap3A_78 {strides = array<i32>} : memref<16x768xf32, #tpu.memory_space<vmem>>, vector<1x16xf32>,
        %get3A_79 = arith.index_cast %scan3A_65 : i32 to index
        %get3A_80 = arith.constant 16 : index
        %get3A_81 = tpu.vector_load %arg16[%get3A_79, %get3A_80] {strides = array<i32>} : memref<16x768xf32, #tpu.memory_space<vmem>>, vector<1x16xf32>,
        %get3A_82 = vector.shape_cast %get3A_81 : vector<1x16xf32> to vector<16xf32>
        %add3A_83 = arith.addi %mul3A_56, %scan3A_65 : i32
        %get3A_84 = arith.index_cast %add3A_83 : i32 to index
        %get3A_85 = arith.constant 16 : index
        %get3A_86 = tpu.vector_load %arg13[%get3A_84, %get3A_85] {strides = array<i32>} : memref<128x256xf32, #tpu.memory_space<vmem>>, vector<1x16xf32>,
        %get3A_87 = vector.shape_cast %get3A_86 : vector<1x16xf32> to vector<16xf32>
        %add3A_88 = arith.addf %get3A_82, %get3A_87 : vector<16xf32>
        %swap3A_89 = arith.index_cast %scan3A_65 : i32 to index
        %swap3A_90 = arith.constant 16 : index
        %swap3A_91 = tpu.vector_load %arg16[%swap3A_89, %swap3A_90] {strides = array<i32>} : memref<16x768xf32, #tpu.memory_space<vmem>>, vector<1x16xf32>,
        %swap3A_92 = vector.shape_cast %swap3A_91 : vector<1x16xf32> to vector<16xf32>
        %swap3A_93 = vector.shape_cast %add3A_88 : vector<16xf32> to vector<1x16xf32>
        tpu.vector_store %arg16[%swap3A_89, %swap3A_90], %swap3A_93 {strides = array<i32>} : memref<16x768xf32, #tpu.memory_space<vmem>>, vector<1x16xf32>,
        %get3A_94 = arith.index_cast %scan3A_65 : i32 to index
        %get3A_95 = arith.constant 32 : index
        %get3A_96 = tpu.vector_load %arg16[%get3A_94, %get3A_95] {strides = array<i32>} : memref<16x768xf32, #tpu.memory_space<vmem>>, vector<1x16xf32>,
        %get3A_97 = vector.shape_cast %get3A_96 : vector<1x16xf32> to vector<16xf32>
        %add3A_98 = arith.addi %mul3A_56, %scan3A_65 : i32
        %get3A_99 = arith.index_cast %add3A_98 : i32 to index
        %get3A_100 = arith.constant 32 : index
        %get3A_101 = tpu.vector_load %arg13[%get3A_99, %get3A_100] {strides = array<i32>} : memref<128x256xf32, #tpu.memory_space<vmem>>, vector<1x16xf32>,
        %get3A_102 = vector.shape_cast %get3A_101 : vector<1x16xf32> to vector<16xf32>
        %add3A_103 = arith.addf %get3A_97, %get3A_102 : vector<16xf32>
        %swap3A_104 = arith.index_cast %scan3A_65 : i32 to index
        %swap3A_105 = arith.constant 32 : index
        %swap3A_106 = tpu.vector_load %arg16[%swap3A_104, %swap3A_105] {strides = array<i32>} : memref<16x768xf32, #tpu.memory_space<vmem>>, vector<1x16xf32>,
        %swap3A_107 = vector.shape_cast %swap3A_106 : vector<1x16xf32> to vector<16xf32>
        %swap3A_108 = vector.shape_cast %add3A_103 : vector<16xf32> to vector<1x16xf32>
        tpu.vector_store %arg16[%swap3A_104, %swap3A_105], %swap3A_108 {strides = array<i32>} : memref<16x768xf32, #tpu.memory_space<vmem>>, vector<1x16xf32>,
        %get3A_109 = arith.index_cast %scan3A_65 : i32 to index
        %get3A_110 = arith.constant 48 : index
        %get3A_111 = tpu.vector_load %arg16[%get3A_109, %get3A_110] {strides = array<i32>} : memref<16x768xf32, #tpu.memory_space<vmem>>, vector<1x16xf32>,
        %get3A_112 = vector.shape_cast %get3A_111 : vector<1x16xf32> to vector<16xf32>
        %add3A_113 = arith.addi %mul3A_56, %scan3A_65 : i32
        %get3A_114 = arith.index_cast %add3A_113 : i32 to index
        %get3A_115 = arith.constant 48 : index
        %get3A_116 = tpu.vector_load %arg13[%get3A_114, %get3A_115] {strides = array<i32>} : memref<128x256xf32, #tpu.memory_space<vmem>>, vector<1x16xf32>,
        %get3A_117 = vector.shape_cast %get3A_116 : vector<1x16xf32> to vector<16xf32>
        %add3A_118 = arith.addf %get3A_112, %get3A_117 : vector<16xf32>
        %swap3A_119 = arith.index_cast %scan3A_65 : i32 to index
        %swap3A_120 = arith.constant 48 : index
        %swap3A_121 = tpu.vector_load %arg16[%swap3A_119, %swap3A_120] {strides = array<i32>} : memref<16x768xf32, #tpu.memory_space<vmem>>, vector<1x16xf32>,
        %swap3A_122 = vector.shape_cast %swap3A_121 : vector<1x16xf32> to vector<16xf32>
        %swap3A_123 = vector.shape_cast %add3A_118 : vector<16xf32> to vector<1x16xf32>
        tpu.vector_store %arg16[%swap3A_119, %swap3A_120], %swap3A_123 {strides = array<i32>} : memref<16x768xf32, #tpu.memory_space<vmem>>, vector<1x16xf32>,
        %get3A_124 = arith.index_cast %scan3A_65 : i32 to index
        %get3A_125 = arith.constant 64 : index
        %get3A_126 = tpu.vector_load %arg16[%get3A_124, %get3A_125] {strides = array<i32>} : memref<16x768xf32, #tpu.memory_space<vmem>>, vector<1x16xf32>,
        %get3A_127 = vector.shape_cast %get3A_126 : vector<1x16xf32> to vector<16xf32>
        %add3A_128 = arith.addi %mul3A_56, %scan3A_65 : i32
        %get3A_129 = arith.index_cast %add3A_128 : i32 to index
        %get3A_130 = arith.constant 64 : index
        %get3A_131 = tpu.vector_load %arg13[%get3A_129, %get3A_130] {strides = array<i32>} : memref<128x256xf32, #tpu.memory_space<vmem>>, vector<1x16xf32>,
        %get3A_132 = vector.shape_cast %get3A_131 : vector<1x16xf32> to vector<16xf32>
        %add3A_133 = arith.addf %get3A_127, %get3A_132 : vector<16xf32>
        %swap3A_134 = arith.index_cast %scan3A_65 : i32 to index
        %swap3A_135 = arith.constant 64 : index
        %swap3A_136 = tpu.vector_load %arg16[%swap3A_134, %swap3A_135] {strides = array<i32>} : memref<16x768xf32, #tpu.memory_space<vmem>>, vector<1x16xf32>,
        %swap3A_137 = vector.shape_cast %swap3A_136 : vector<1x16xf32> to vector<16xf32>
        %swap3A_138 = vector.shape_cast %add3A_133 : vector<16xf32> to vector<1x16xf32>
        tpu.vector_store %arg16[%swap3A_134, %swap3A_135], %swap3A_138 {strides = array<i32>} : memref<16x768xf32, #tpu.memory_space<vmem>>, vector<1x16xf32>,
        %get3A_139 = arith.index_cast %scan3A_65 : i32 to index
        %get3A_140 = arith.constant 80 : index
        %get3A_141 = tpu.vector_load %arg16[%get3A_139, %get3A_140] {strides = array<i32>} : memref<16x768xf32, #tpu.memory_space<vmem>>, vector<1x16xf32>,
        %get3A_142 = vector.shape_cast %get3A_141 : vector<1x16xf32> to vector<16xf32>
        %add3A_143 = arith.addi %mul3A_56, %scan3A_65 : i32
        %get3A_144 = arith.index_cast %add3A_143 : i32 to index
        %get3A_145 = arith.constant 80 : index
        %get3A_146 = tpu.vector_load %arg13[%get3A_144, %get3A_145] {strides = array<i32>} : memref<128x256xf32, #tpu.memory_space<vmem>>, vector<1x16xf32>,
        %get3A_147 = vector.shape_cast %get3A_146 : vector<1x16xf32> to vector<16xf32>
        %add3A_148 = arith.addf %get3A_142, %get3A_147 : vector<16xf32>
        %swap3A_149 = arith.index_cast %scan3A_65 : i32 to index
        %swap3A_150 = arith.constant 80 : index
        %swap3A_151 = tpu.vector_load %arg16[%swap3A_149, %swap3A_150] {strides = array<i32>} : memref<16x768xf32, #tpu.memory_space<vmem>>, vector<1x16xf32>,
        %swap3A_152 = vector.shape_cast %swap3A_151 : vector<1x16xf32> to vector<16xf32>
        %swap3A_153 = vector.shape_cast %add3A_148 : vector<16xf32> to vector<1x16xf32>
        tpu.vector_store %arg16[%swap3A_149, %swap3A_150], %swap3A_153 {strides = array<i32>} : memref<16x768xf32, #tpu.memory_space<vmem>>, vector<1x16xf32>,
        %get3A_154 = arith.index_cast %scan3A_65 : i32 to index
        %get3A_155 = arith.constant 96 : index
        %get3A_156 = tpu.vector_load %arg16[%get3A_154, %get3A_155] {strides = array<i32>} : memref<16x768xf32, #tpu.memory_space<vmem>>, vector<1x16xf32>,
        %get3A_157 = vector.shape_cast %get3A_156 : vector<1x16xf32> to vector<16xf32>
        %add3A_158 = arith.addi %mul3A_56, %scan3A_65 : i32
        %get3A_159 = arith.index_cast %add3A_158 : i32 to index
        %get3A_160 = arith.constant 96 : index
        %get3A_161 = tpu.vector_load %arg13[%get3A_159, %get3A_160] {strides = array<i32>} : memref<128x256xf32, #tpu.memory_space<vmem>>, vector<1x16xf32>,
        %get3A_162 = vector.shape_cast %get3A_161 : vector<1x16xf32> to vector<16xf32>
        %add3A_163 = arith.addf %get3A_157, %get3A_162 : vector<16xf32>
        %swap3A_164 = arith.index_cast %scan3A_65 : i32 to index
        %swap3A_165 = arith.constant 96 : index
        %swap3A_166 = tpu.vector_load %arg16[%swap3A_164, %swap3A_165] {strides = array<i32>} : memref<16x768xf32, #tpu.memory_space<vmem>>, vector<1x16xf32>,
        %swap3A_167 = vector.shape_cast %swap3A_166 : vector<1x16xf32> to vector<16xf32>
        %swap3A_168 = vector.shape_cast %add3A_163 : vector<16xf32> to vector<1x16xf32>
        tpu.vector_store %arg16[%swap3A_164, %swap3A_165], %swap3A_168 {strides = array<i32>} : memref<16x768xf32, #tpu.memory_space<vmem>>, vector<1x16xf32>,
        %get3A_169 = arith.index_cast %scan3A_65 : i32 to index
        %get3A_170 = arith.constant 112 : index
        %get3A_171 = tpu.vector_load %arg16[%get3A_169, %get3A_170] {strides = array<i32>} : memref<16x768xf32, #tpu.memory_space<vmem>>, vector<1x16xf32>,
        %get3A_172 = vector.shape_cast %get3A_171 : vector<1x16xf32> to vector<16xf32>
        %add3A_173 = arith.addi %mul3A_56, %scan3A_65 : i32
        %get3A_174 = arith.index_cast %add3A_173 : i32 to index
        %get3A_175 = arith.constant 112 : index
        %get3A_176 = tpu.vector_load %arg13[%get3A_174, %get3A_175] {strides = array<i32>} : memref<128x256xf32, #tpu.memory_space<vmem>>, vector<1x16xf32>,
        %get3A_177 = vector.shape_cast %get3A_176 : vector<1x16xf32> to vector<16xf32>
        %add3A_178 = arith.addf %get3A_172, %get3A_177 : vector<16xf32>
        %swap3A_179 = arith.index_cast %scan3A_65 : i32 to index
        %swap3A_180 = arith.constant 112 : index
        %swap3A_181 = tpu.vector_load %arg16[%swap3A_179, %swap3A_180] {strides = array<i32>} : memref<16x768xf32, #tpu.memory_space<vmem>>, vector<1x16xf32>,
        %swap3A_182 = vector.shape_cast %swap3A_181 : vector<1x16xf32> to vector<16xf32>
        %swap3A_183 = vector.shape_cast %add3A_178 : vector<16xf32> to vector<1x16xf32>
        tpu.vector_store %arg16[%swap3A_179, %swap3A_180], %swap3A_183 {strides = array<i32>} : memref<16x768xf32, #tpu.memory_space<vmem>>, vector<1x16xf32>,
        %get3A_184 = arith.index_cast %scan3A_65 : i32 to index
        %get3A_185 = arith.constant 128 : index
        %get3A_186 = tpu.vector_load %arg16[%get3A_184, %get3A_185] {strides = array<i32>} : memref<16x768xf32, #tpu.memory_space<vmem>>, vector<1x16xf32>,
        %get3A_187 = vector.shape_cast %get3A_186 : vector<1x16xf32> to vector<16xf32>
        %add3A_188 = arith.addi %mul3A_56, %scan3A_65 : i32
        %get3A_189 = arith.index_cast %add3A_188 : i32 to index
        %get3A_190 = arith.constant 128 : index
        %get3A_191 = tpu.vector_load %arg13[%get3A_189, %get3A_190] {strides = array<i32>} : memref<128x256xf32, #tpu.memory_space<vmem>>, vector<1x16xf32>,
        %get3A_192 = vector.shape_cast %get3A_191 : vector<1x16xf32> to vector<16xf32>
        %add3A_193 = arith.addf %get3A_187, %get3A_192 : vector<16xf32>
        %swap3A_194 = arith.index_cast %scan3A_65 : i32 to index
        %swap3A_195 = arith.constant 128 : index
        %swap3A_196 = tpu.vector_load %arg16[%swap3A_194, %swap3A_195] {strides = array<i32>} : memref<16x768xf32, #tpu.memory_space<vmem>>, vector<1x16xf32>,
        %swap3A_197 = vector.shape_cast %swap3A_196 : vector<1x16xf32> to vector<16xf32>
        %swap3A_198 = vector.shape_cast %add3A_193 : vector<16xf32> to vector<1x16xf32>
        tpu.vector_store %arg16[%swap3A_194, %swap3A_195], %swap3A_198 {strides = array<i32>} : memref<16x768xf32, #tpu.memory_space<vmem>>, vector<1x16xf32>,
        %get3A_199 = arith.index_cast %scan3A_65 : i32 to index
        %get3A_200 = arith.constant 144 : index
        %get3A_201 = tpu.vector_load %arg16[%get3A_199, %get3A_200] {strides = array<i32>} : memref<16x768xf32, #tpu.memory_space<vmem>>, vector<1x16xf32>,
        %get3A_202 = vector.shape_cast %get3A_201 : vector<1x16xf32> to vector<16xf32>
        %add3A_203 = arith.addi %mul3A_56, %scan3A_65 : i32
        %get3A_204 = arith.index_cast %add3A_203 : i32 to index
        %get3A_205 = arith.constant 144 : index
        %get3A_206 = tpu.vector_load %arg13[%get3A_204, %get3A_205] {strides = array<i32>} : memref<128x256xf32, #tpu.memory_space<vmem>>, vector<1x16xf32>,
        %get3A_207 = vector.shape_cast %get3A_206 : vector<1x16xf32> to vector<16xf32>
        %add3A_208 = arith.addf %get3A_202, %get3A_207 : vector<16xf32>
        %swap3A_209 = arith.index_cast %scan3A_65 : i32 to index
        %swap3A_210 = arith.constant 144 : index
        %swap3A_211 = tpu.vector_load %arg16[%swap3A_209, %swap3A_210] {strides = array<i32>} : memref<16x768xf32, #tpu.memory_space<vmem>>, vector<1x16xf32>,
        %swap3A_212 = vector.shape_cast %swap3A_211 : vector<1x16xf32> to vector<16xf32>
        %swap3A_213 = vector.shape_cast %add3A_208 : vector<16xf32> to vector<1x16xf32>
        tpu.vector_store %arg16[%swap3A_209, %swap3A_210], %swap3A_213 {strides = array<i32>} : memref<16x768xf32, #tpu.memory_space<vmem>>, vector<1x16xf32>,
        %get3A_214 = arith.index_cast %scan3A_65 : i32 to index
        %get3A_215 = arith.constant 160 : index
        %get3A_216 = tpu.vector_load %arg16[%get3A_214, %get3A_215] {strides = array<i32>} : memref<16x768xf32, #tpu.memory_space<vmem>>, vector<1x16xf32>,
        %get3A_217 = vector.shape_cast %get3A_216 : vector<1x16xf32> to vector<16xf32>
        %add3A_218 = arith.addi %mul3A_56, %scan3A_65 : i32
        %get3A_219 = arith.index_cast %add3A_218 : i32 to index
        %get3A_220 = arith.constant 160 : index
        %get3A_221 = tpu.vector_load %arg13[%get3A_219, %get3A_220] {strides = array<i32>} : memref<128x256xf32, #tpu.memory_space<vmem>>, vector<1x16xf32>,
        %get3A_222 = vector.shape_cast %get3A_221 : vector<1x16xf32> to vector<16xf32>
        %add3A_223 = arith.addf %get3A_217, %get3A_222 : vector<16xf32>
        %swap3A_224 = arith.index_cast %scan3A_65 : i32 to index
        %swap3A_225 = arith.constant 160 : index
        %swap3A_226 = tpu.vector_load %arg16[%swap3A_224, %swap3A_225] {strides = array<i32>} : memref<16x768xf32, #tpu.memory_space<vmem>>, vector<1x16xf32>,
        %swap3A_227 = vector.shape_cast %swap3A_226 : vector<1x16xf32> to vector<16xf32>
        %swap3A_228 = vector.shape_cast %add3A_223 : vector<16xf32> to vector<1x16xf32>
        tpu.vector_store %arg16[%swap3A_224, %swap3A_225], %swap3A_228 {strides = array<i32>} : memref<16x768xf32, #tpu.memory_space<vmem>>, vector<1x16xf32>,
        %get3A_229 = arith.index_cast %scan3A_65 : i32 to index
        %get3A_230 = arith.constant 176 : index
        %get3A_231 = tpu.vector_load %arg16[%get3A_229, %get3A_230] {strides = array<i32>} : memref<16x768xf32, #tpu.memory_space<vmem>>, vector<1x16xf32>,
        %get3A_232 = vector.shape_cast %get3A_231 : vector<1x16xf32> to vector<16xf32>
        %add3A_233 = arith.addi %mul3A_56, %scan3A_65 : i32
        %get3A_234 = arith.index_cast %add3A_233 : i32 to index
        %get3A_235 = arith.constant 176 : index
        %get3A_236 = tpu.vector_load %arg13[%get3A_234, %get3A_235] {strides = array<i32>} : memref<128x256xf32, #tpu.memory_space<vmem>>, vector<1x16xf32>,
        %get3A_237 = vector.shape_cast %get3A_236 : vector<1x16xf32> to vector<16xf32>
        %add3A_238 = arith.addf %get3A_232, %get3A_237 : vector<16xf32>
        %swap3A_239 = arith.index_cast %scan3A_65 : i32 to index
        %swap3A_240 = arith.constant 176 : index
        %swap3A_241 = tpu.vector_load %arg16[%swap3A_239, %swap3A_240] {strides = array<i32>} : memref<16x768xf32, #tpu.memory_space<vmem>>, vector<1x16xf32>,
        %swap3A_242 = vector.shape_cast %swap3A_241 : vector<1x16xf32> to vector<16xf32>
        %swap3A_243 = vector.shape_cast %add3A_238 : vector<16xf32> to vector<1x16xf32>
        tpu.vector_store %arg16[%swap3A_239, %swap3A_240], %swap3A_243 {strides = array<i32>} : memref<16x768xf32, #tpu.memory_space<vmem>>, vector<1x16xf32>,
        %get3A_244 = arith.index_cast %scan3A_65 : i32 to index
        %get3A_245 = arith.constant 192 : index
        %get3A_246 = tpu.vector_load %arg16[%get3A_244, %get3A_245] {strides = array<i32>} : memref<16x768xf32, #tpu.memory_space<vmem>>, vector<1x16xf32>,
        %get3A_247 = vector.shape_cast %get3A_246 : vector<1x16xf32> to vector<16xf32>
        %add3A_248 = arith.addi %mul3A_56, %scan3A_65 : i32
        %get3A_249 = arith.index_cast %add3A_248 : i32 to index
        %get3A_250 = arith.constant 192 : index
        %get3A_251 = tpu.vector_load %arg13[%get3A_249, %get3A_250] {strides = array<i32>} : memref<128x256xf32, #tpu.memory_space<vmem>>, vector<1x16xf32>,
        %get3A_252 = vector.shape_cast %get3A_251 : vector<1x16xf32> to vector<16xf32>
        %add3A_253 = arith.addf %get3A_247, %get3A_252 : vector<16xf32>
        %swap3A_254 = arith.index_cast %scan3A_65 : i32 to index
        %swap3A_255 = arith.constant 192 : index
        %swap3A_256 = tpu.vector_load %arg16[%swap3A_254, %swap3A_255] {strides = array<i32>} : memref<16x768xf32, #tpu.memory_space<vmem>>, vector<1x16xf32>,
        %swap3A_257 = vector.shape_cast %swap3A_256 : vector<1x16xf32> to vector<16xf32>
        %swap3A_258 = vector.shape_cast %add3A_253 : vector<16xf32> to vector<1x16xf32>
        tpu.vector_store %arg16[%swap3A_254, %swap3A_255], %swap3A_258 {strides = array<i32>} : memref<16x768xf32, #tpu.memory_space<vmem>>, vector<1x16xf32>,
        %get3A_259 = arith.index_cast %scan3A_65 : i32 to index
        %get3A_260 = arith.constant 208 : index
        %get3A_261 = tpu.vector_load %arg16[%get3A_259, %get3A_260] {strides = array<i32>} : memref<16x768xf32, #tpu.memory_space<vmem>>, vector<1x16xf32>,
        %get3A_262 = vector.shape_cast %get3A_261 : vector<1x16xf32> to vector<16xf32>
        %add3A_263 = arith.addi %mul3A_56, %scan3A_65 : i32
        %get3A_264 = arith.index_cast %add3A_263 : i32 to index
        %get3A_265 = arith.constant 208 : index
        %get3A_266 = tpu.vector_load %arg13[%get3A_264, %get3A_265] {strides = array<i32>} : memref<128x256xf32, #tpu.memory_space<vmem>>, vector<1x16xf32>,
        %get3A_267 = vector.shape_cast %get3A_266 : vector<1x16xf32> to vector<16xf32>
        %add3A_268 = arith.addf %get3A_262, %get3A_267 : vector<16xf32>
        %swap3A_269 = arith.index_cast %scan3A_65 : i32 to index
        %swap3A_270 = arith.constant 208 : index
        %swap3A_271 = tpu.vector_load %arg16[%swap3A_269, %swap3A_270] {strides = array<i32>} : memref<16x768xf32, #tpu.memory_space<vmem>>, vector<1x16xf32>,
        %swap3A_272 = vector.shape_cast %swap3A_271 : vector<1x16xf32> to vector<16xf32>
        %swap3A_273 = vector.shape_cast %add3A_268 : vector<16xf32> to vector<1x16xf32>
        tpu.vector_store %arg16[%swap3A_269, %swap3A_270], %swap3A_273 {strides = array<i32>} : memref<16x768xf32, #tpu.memory_space<vmem>>, vector<1x16xf32>,
        %get3A_274 = arith.index_cast %scan3A_65 : i32 to index
        %get3A_275 = arith.constant 224 : index
        %get3A_276 = tpu.vector_load %arg16[%get3A_274, %get3A_275] {strides = array<i32>} : memref<16x768xf32, #tpu.memory_space<vmem>>, vector<1x16xf32>,
        %get3A_277 = vector.shape_cast %get3A_276 : vector<1x16xf32> to vector<16xf32>
        %add3A_278 = arith.addi %mul3A_56, %scan3A_65 : i32
        %get3A_279 = arith.index_cast %add3A_278 : i32 to index
        %get3A_280 = arith.constant 224 : index
        %get3A_281 = tpu.vector_load %arg13[%get3A_279, %get3A_280] {strides = array<i32>} : memref<128x256xf32, #tpu.memory_space<vmem>>, vector<1x16xf32>,
        %get3A_282 = vector.shape_cast %get3A_281 : vector<1x16xf32> to vector<16xf32>
        %add3A_283 = arith.addf %get3A_277, %get3A_282 : vector<16xf32>
        %swap3A_284 = arith.index_cast %scan3A_65 : i32 to index
        %swap3A_285 = arith.constant 224 : index
        %swap3A_286 = tpu.vector_load %arg16[%swap3A_284, %swap3A_285] {strides = array<i32>} : memref<16x768xf32, #tpu.memory_space<vmem>>, vector<1x16xf32>,
        %swap3A_287 = vector.shape_cast %swap3A_286 : vector<1x16xf32> to vector<16xf32>
        %swap3A_288 = vector.shape_cast %add3A_283 : vector<16xf32> to vector<1x16xf32>
        tpu.vector_store %arg16[%swap3A_284, %swap3A_285], %swap3A_288 {strides = array<i32>} : memref<16x768xf32, #tpu.memory_space<vmem>>, vector<1x16xf32>,
        %get3A_289 = arith.index_cast %scan3A_65 : i32 to index
        %get3A_290 = arith.constant 240 : index
        %get3A_291 = tpu.vector_load %arg16[%get3A_289, %get3A_290] {strides = array<i32>} : memref<16x768xf32, #tpu.memory_space<vmem>>, vector<1x16xf32>,
        %get3A_292 = vector.shape_cast %get3A_291 : vector<1x16xf32> to vector<16xf32>
        %add3A_293 = arith.addi %mul3A_56, %scan3A_65 : i32
        %get3A_294 = arith.index_cast %add3A_293 : i32 to index
        %get3A_295 = arith.constant 240 : index
        %get3A_296 = tpu.vector_load %arg13[%get3A_294, %get3A_295] {strides = array<i32>} : memref<128x256xf32, #tpu.memory_space<vmem>>, vector<1x16xf32>,
        %get3A_297 = vector.shape_cast %get3A_296 : vector<1x16xf32> to vector<16xf32>
        %add3A_298 = arith.addf %get3A_292, %get3A_297 : vector<16xf32>
        %swap3A_299 = arith.index_cast %scan3A_65 : i32 to index
        %swap3A_300 = arith.constant 240 : index
        %swap3A_301 = tpu.vector_load %arg16[%swap3A_299, %swap3A_300] {strides = array<i32>} : memref<16x768xf32, #tpu.memory_space<vmem>>, vector<1x16xf32>,
        %swap3A_302 = vector.shape_cast %swap3A_301 : vector<1x16xf32> to vector<16xf32>
        %swap3A_303 = vector.shape_cast %add3A_298 : vector<16xf32> to vector<1x16xf32>
        tpu.vector_store %arg16[%swap3A_299, %swap3A_300], %swap3A_303 {strides = array<i32>} : memref<16x768xf32, #tpu.memory_space<vmem>>, vector<1x16xf32>,
        %get3A_304 = arith.index_cast %scan3A_65 : i32 to index
        %get3A_305 = arith.constant 256 : index
        %get3A_306 = tpu.vector_load %arg16[%get3A_304, %get3A_305] {strides = array<i32>} : memref<16x768xf32, #tpu.memory_space<vmem>>, vector<1x16xf32>,
        %get3A_307 = vector.shape_cast %get3A_306 : vector<1x16xf32> to vector<16xf32>
        %add3A_308 = arith.addi %mul3A_56, %scan3A_65 : i32
        %get3A_309 = arith.index_cast %add3A_308 : i32 to index
        %get3A_310 = arith.constant 0 : index
        %get3A_311 = tpu.vector_load %arg14[%get3A_309, %get3A_310] {strides = array<i32>} : memref<128x256xf32, #tpu.memory_space<vmem>>, vector<1x16xf32>,
        %get3A_312 = vector.shape_cast %get3A_311 : vector<1x16xf32> to vector<16xf32>
        %add3A_313 = arith.addf %get3A_307, %get3A_312 : vector<16xf32>
        %swap3A_314 = arith.index_cast %scan3A_65 : i32 to index
        %swap3A_315 = arith.constant 256 : index
        %swap3A_316 = tpu.vector_load %arg16[%swap3A_314, %swap3A_315] {strides = array<i32>} : memref<16x768xf32, #tpu.memory_space<vmem>>, vector<1x16xf32>,
        %swap3A_317 = vector.shape_cast %swap3A_316 : vector<1x16xf32> to vector<16xf32>
        %swap3A_318 = vector.shape_cast %add3A_313 : vector<16xf32> to vector<1x16xf32>
        tpu.vector_store %arg16[%swap3A_314, %swap3A_315], %swap3A_318 {strides = array<i32>} : memref<16x768xf32, #tpu.memory_space<vmem>>, vector<1x16xf32>,
        %get3A_319 = arith.index_cast %scan3A_65 : i32 to index
        %get3A_320 = arith.constant 272 : index
        %get3A_321 = tpu.vector_load %arg16[%get3A_319, %get3A_320] {strides = array<i32>} : memref<16x768xf32, #tpu.memory_space<vmem>>, vector<1x16xf32>,
        %get3A_322 = vector.shape_cast %get3A_321 : vector<1x16xf32> to vector<16xf32>
        %add3A_323 = arith.addi %mul3A_56, %scan3A_65 : i32
        %get3A_324 = arith.index_cast %add3A_323 : i32 to index
        %get3A_325 = arith.constant 16 : index
        %get3A_326 = tpu.vector_load %arg14[%get3A_324, %get3A_325] {strides = array<i32>} : memref<128x256xf32, #tpu.memory_space<vmem>>, vector<1x16xf32>,
        %get3A_327 = vector.shape_cast %get3A_326 : vector<1x16xf32> to vector<16xf32>
        %add3A_328 = arith.addf %get3A_322, %get3A_327 : vector<16xf32>
        %swap3A_329 = arith.index_cast %scan3A_65 : i32 to index
        %swap3A_330 = arith.constant 272 : index
        %swap3A_331 = tpu.vector_load %arg16[%swap3A_329, %swap3A_330] {strides = array<i32>} : memref<16x768xf32, #tpu.memory_space<vmem>>, vector<1x16xf32>,
        %swap3A_332 = vector.shape_cast %swap3A_331 : vector<1x16xf32> to vector<16xf32>
        %swap3A_333 = vector.shape_cast %add3A_328 : vector<16xf32> to vector<1x16xf32>
        tpu.vector_store %arg16[%swap3A_329, %swap3A_330], %swap3A_333 {strides = array<i32>} : memref<16x768xf32, #tpu.memory_space<vmem>>, vector<1x16xf32>,
        %get3A_334 = arith.index_cast %scan3A_65 : i32 to index
        %get3A_335 = arith.constant 288 : index
        %get3A_336 = tpu.vector_load %arg16[%get3A_334, %get3A_335] {strides = array<i32>} : memref<16x768xf32, #tpu.memory_space<vmem>>, vector<1x16xf32>,
        %get3A_337 = vector.shape_cast %get3A_336 : vector<1x16xf32> to vector<16xf32>
        %add3A_338 = arith.addi %mul3A_56, %scan3A_65 : i32
        %get3A_339 = arith.index_cast %add3A_338 : i32 to index
        %get3A_340 = arith.constant 32 : index
        %get3A_341 = tpu.vector_load %arg14[%get3A_339, %get3A_340] {strides = array<i32>} : memref<128x256xf32, #tpu.memory_space<vmem>>, vector<1x16xf32>,
        %get3A_342 = vector.shape_cast %get3A_341 : vector<1x16xf32> to vector<16xf32>
        %add3A_343 = arith.addf %get3A_337, %get3A_342 : vector<16xf32>
        %swap3A_344 = arith.index_cast %scan3A_65 : i32 to index
        %swap3A_345 = arith.constant 288 : index
        %swap3A_346 = tpu.vector_load %arg16[%swap3A_344, %swap3A_345] {strides = array<i32>} : memref<16x768xf32, #tpu.memory_space<vmem>>, vector<1x16xf32>,
        %swap3A_347 = vector.shape_cast %swap3A_346 : vector<1x16xf32> to vector<16xf32>
        %swap3A_348 = vector.shape_cast %add3A_343 : vector<16xf32> to vector<1x16xf32>
        tpu.vector_store %arg16[%swap3A_344, %swap3A_345], %swap3A_348 {strides = array<i32>} : memref<16x768xf32, #tpu.memory_space<vmem>>, vector<1x16xf32>,
        %get3A_349 = arith.index_cast %scan3A_65 : i32 to index
        %get3A_350 = arith.constant 304 : index
        %get3A_351 = tpu.vector_load %arg16[%get3A_349, %get3A_350] {strides = array<i32>} : memref<16x768xf32, #tpu.memory_space<vmem>>, vector<1x16xf32>,
        %get3A_352 = vector.shape_cast %get3A_351 : vector<1x16xf32> to vector<16xf32>
        %add3A_353 = arith.addi %mul3A_56, %scan3A_65 : i32
        %get3A_354 = arith.index_cast %add3A_353 : i32 to index
        %get3A_355 = arith.constant 48 : index
        %get3A_356 = tpu.vector_load %arg14[%get3A_354, %get3A_355] {strides = array<i32>} : memref<128x256xf32, #tpu.memory_space<vmem>>, vector<1x16xf32>,
        %get3A_357 = vector.shape_cast %get3A_356 : vector<1x16xf32> to vector<16xf32>
        %add3A_358 = arith.addf %get3A_352, %get3A_357 : vector<16xf32>
        %swap3A_359 = arith.index_cast %scan3A_65 : i32 to index
        %swap3A_360 = arith.constant 304 : index
        %swap3A_361 = tpu.vector_load %arg16[%swap3A_359, %swap3A_360] {strides = array<i32>} : memref<16x768xf32, #tpu.memory_space<vmem>>, vector<1x16xf32>,
        %swap3A_362 = vector.shape_cast %swap3A_361 : vector<1x16xf32> to vector<16xf32>
        %swap3A_363 = vector.shape_cast %add3A_358 : vector<16xf32> to vector<1x16xf32>
        tpu.vector_store %arg16[%swap3A_359, %swap3A_360], %swap3A_363 {strides = array<i32>} : memref<16x768xf32, #tpu.memory_space<vmem>>, vector<1x16xf32>,
        %get3A_364 = arith.index_cast %scan3A_65 : i32 to index
        %get3A_365 = arith.constant 320 : index
        %get3A_366 = tpu.vector_load %arg16[%get3A_364, %get3A_365] {strides = array<i32>} : memref<16x768xf32, #tpu.memory_space<vmem>>, vector<1x16xf32>,
        %get3A_367 = vector.shape_cast %get3A_366 : vector<1x16xf32> to vector<16xf32>
        %add3A_368 = arith.addi %mul3A_56, %scan3A_65 : i32
        %get3A_369 = arith.index_cast %add3A_368 : i32 to index
        %get3A_370 = arith.constant 64 : index
        %get3A_371 = tpu.vector_load %arg14[%get3A_369, %get3A_370] {strides = array<i32>} : memref<128x256xf32, #tpu.memory_space<vmem>>, vector<1x16xf32>,
        %get3A_372 = vector.shape_cast %get3A_371 : vector<1x16xf32> to vector<16xf32>
        %add3A_373 = arith.addf %get3A_367, %get3A_372 : vector<16xf32>
        %swap3A_374 = arith.index_cast %scan3A_65 : i32 to index
        %swap3A_375 = arith.constant 320 : index
        %swap3A_376 = tpu.vector_load %arg16[%swap3A_374, %swap3A_375] {strides = array<i32>} : memref<16x768xf32, #tpu.memory_space<vmem>>, vector<1x16xf32>,
        %swap3A_377 = vector.shape_cast %swap3A_376 : vector<1x16xf32> to vector<16xf32>
        %swap3A_378 = vector.shape_cast %add3A_373 : vector<16xf32> to vector<1x16xf32>
        tpu.vector_store %arg16[%swap3A_374, %swap3A_375], %swap3A_378 {strides = array<i32>} : memref<16x768xf32, #tpu.memory_space<vmem>>, vector<1x16xf32>,
        %get3A_379 = arith.index_cast %scan3A_65 : i32 to index
        %get3A_380 = arith.constant 336 : index
        %get3A_381 = tpu.vector_load %arg16[%get3A_379, %get3A_380] {strides = array<i32>} : memref<16x768xf32, #tpu.memory_space<vmem>>, vector<1x16xf32>,
        %get3A_382 = vector.shape_cast %get3A_381 : vector<1x16xf32> to vector<16xf32>
        %add3A_383 = arith.addi %mul3A_56, %scan3A_65 : i32
        %get3A_384 = arith.index_cast %add3A_383 : i32 to index
        %get3A_385 = arith.constant 80 : index
        %get3A_386 = tpu.vector_load %arg14[%get3A_384, %get3A_385] {strides = array<i32>} : memref<128x256xf32, #tpu.memory_space<vmem>>, vector<1x16xf32>,
        %get3A_387 = vector.shape_cast %get3A_386 : vector<1x16xf32> to vector<16xf32>
        %add3A_388 = arith.addf %get3A_382, %get3A_387 : vector<16xf32>
        %swap3A_389 = arith.index_cast %scan3A_65 : i32 to index
        %swap3A_390 = arith.constant 336 : index
        %swap3A_391 = tpu.vector_load %arg16[%swap3A_389, %swap3A_390] {strides = array<i32>} : memref<16x768xf32, #tpu.memory_space<vmem>>, vector<1x16xf32>,
        %swap3A_392 = vector.shape_cast %swap3A_391 : vector<1x16xf32> to vector<16xf32>
        %swap3A_393 = vector.shape_cast %add3A_388 : vector<16xf32> to vector<1x16xf32>
        tpu.vector_store %arg16[%swap3A_389, %swap3A_390], %swap3A_393 {strides = array<i32>} : memref<16x768xf32, #tpu.memory_space<vmem>>, vector<1x16xf32>,
        %get3A_394 = arith.index_cast %scan3A_65 : i32 to index
        %get3A_395 = arith.constant 352 : index
        %get3A_396 = tpu.vector_load %arg16[%get3A_394, %get3A_395] {strides = array<i32>} : memref<16x768xf32, #tpu.memory_space<vmem>>, vector<1x16xf32>,
        %get3A_397 = vector.shape_cast %get3A_396 : vector<1x16xf32> to vector<16xf32>
        %add3A_398 = arith.addi %mul3A_56, %scan3A_65 : i32
        %get3A_399 = arith.index_cast %add3A_398 : i32 to index
        %get3A_400 = arith.constant 96 : index
        %get3A_401 = tpu.vector_load %arg14[%get3A_399, %get3A_400] {strides = array<i32>} : memref<128x256xf32, #tpu.memory_space<vmem>>, vector<1x16xf32>,
        %get3A_402 = vector.shape_cast %get3A_401 : vector<1x16xf32> to vector<16xf32>
        %add3A_403 = arith.addf %get3A_397, %get3A_402 : vector<16xf32>
        %swap3A_404 = arith.index_cast %scan3A_65 : i32 to index
        %swap3A_405 = arith.constant 352 : index
        %swap3A_406 = tpu.vector_load %arg16[%swap3A_404, %swap3A_405] {strides = array<i32>} : memref<16x768xf32, #tpu.memory_space<vmem>>, vector<1x16xf32>,
        %swap3A_407 = vector.shape_cast %swap3A_406 : vector<1x16xf32> to vector<16xf32>
        %swap3A_408 = vector.shape_cast %add3A_403 : vector<16xf32> to vector<1x16xf32>
        tpu.vector_store %arg16[%swap3A_404, %swap3A_405], %swap3A_408 {strides = array<i32>} : memref<16x768xf32, #tpu.memory_space<vmem>>, vector<1x16xf32>,
        %get3A_409 = arith.index_cast %scan3A_65 : i32 to index
        %get3A_410 = arith.constant 368 : index
        %get3A_411 = tpu.vector_load %arg16[%get3A_409, %get3A_410] {strides = array<i32>} : memref<16x768xf32, #tpu.memory_space<vmem>>, vector<1x16xf32>,
        %get3A_412 = vector.shape_cast %get3A_411 : vector<1x16xf32> to vector<16xf32>
        %add3A_413 = arith.addi %mul3A_56, %scan3A_65 : i32
        %get3A_414 = arith.index_cast %add3A_413 : i32 to index
        %get3A_415 = arith.constant 112 : index
        %get3A_416 = tpu.vector_load %arg14[%get3A_414, %get3A_415] {strides = array<i32>} : memref<128x256xf32, #tpu.memory_space<vmem>>, vector<1x16xf32>,
        %get3A_417 = vector.shape_cast %get3A_416 : vector<1x16xf32> to vector<16xf32>
        %add3A_418 = arith.addf %get3A_412, %get3A_417 : vector<16xf32>
        %swap3A_419 = arith.index_cast %scan3A_65 : i32 to index
        %swap3A_420 = arith.constant 368 : index
        %swap3A_421 = tpu.vector_load %arg16[%swap3A_419, %swap3A_420] {strides = array<i32>} : memref<16x768xf32, #tpu.memory_space<vmem>>, vector<1x16xf32>,
        %swap3A_422 = vector.shape_cast %swap3A_421 : vector<1x16xf32> to vector<16xf32>
        %swap3A_423 = vector.shape_cast %add3A_418 : vector<16xf32> to vector<1x16xf32>
        tpu.vector_store %arg16[%swap3A_419, %swap3A_420], %swap3A_423 {strides = array<i32>} : memref<16x768xf32, #tpu.memory_space<vmem>>, vector<1x16xf32>,
        %get3A_424 = arith.index_cast %scan3A_65 : i32 to index
        %get3A_425 = arith.constant 384 : index
        %get3A_426 = tpu.vector_load %arg16[%get3A_424, %get3A_425] {strides = array<i32>} : memref<16x768xf32, #tpu.memory_space<vmem>>, vector<1x16xf32>,
        %get3A_427 = vector.shape_cast %get3A_426 : vector<1x16xf32> to vector<16xf32>
        %add3A_428 = arith.addi %mul3A_56, %scan3A_65 : i32
        %get3A_429 = arith.index_cast %add3A_428 : i32 to index
        %get3A_430 = arith.constant 128 : index
        %get3A_431 = tpu.vector_load %arg14[%get3A_429, %get3A_430] {strides = array<i32>} : memref<128x256xf32, #tpu.memory_space<vmem>>, vector<1x16xf32>,
        %get3A_432 = vector.shape_cast %get3A_431 : vector<1x16xf32> to vector<16xf32>
        %add3A_433 = arith.addf %get3A_427, %get3A_432 : vector<16xf32>
        %swap3A_434 = arith.index_cast %scan3A_65 : i32 to index
        %swap3A_435 = arith.constant 384 : index
        %swap3A_436 = tpu.vector_load %arg16[%swap3A_434, %swap3A_435] {strides = array<i32>} : memref<16x768xf32, #tpu.memory_space<vmem>>, vector<1x16xf32>,
        %swap3A_437 = vector.shape_cast %swap3A_436 : vector<1x16xf32> to vector<16xf32>
        %swap3A_438 = vector.shape_cast %add3A_433 : vector<16xf32> to vector<1x16xf32>
        tpu.vector_store %arg16[%swap3A_434, %swap3A_435], %swap3A_438 {strides = array<i32>} : memref<16x768xf32, #tpu.memory_space<vmem>>, vector<1x16xf32>,
        %get3A_439 = arith.index_cast %scan3A_65 : i32 to index
        %get3A_440 = arith.constant 400 : index
        %get3A_441 = tpu.vector_load %arg16[%get3A_439, %get3A_440] {strides = array<i32>} : memref<16x768xf32, #tpu.memory_space<vmem>>, vector<1x16xf32>,
        %get3A_442 = vector.shape_cast %get3A_441 : vector<1x16xf32> to vector<16xf32>
        %add3A_443 = arith.addi %mul3A_56, %scan3A_65 : i32
        %get3A_444 = arith.index_cast %add3A_443 : i32 to index
        %get3A_445 = arith.constant 144 : index
        %get3A_446 = tpu.vector_load %arg14[%get3A_444, %get3A_445] {strides = array<i32>} : memref<128x256xf32, #tpu.memory_space<vmem>>, vector<1x16xf32>,
        %get3A_447 = vector.shape_cast %get3A_446 : vector<1x16xf32> to vector<16xf32>
        %add3A_448 = arith.addf %get3A_442, %get3A_447 : vector<16xf32>
        %swap3A_449 = arith.index_cast %scan3A_65 : i32 to index
        %swap3A_450 = arith.constant 400 : index
        %swap3A_451 = tpu.vector_load %arg16[%swap3A_449, %swap3A_450] {strides = array<i32>} : memref<16x768xf32, #tpu.memory_space<vmem>>, vector<1x16xf32>,
        %swap3A_452 = vector.shape_cast %swap3A_451 : vector<1x16xf32> to vector<16xf32>
        %swap3A_453 = vector.shape_cast %add3A_448 : vector<16xf32> to vector<1x16xf32>
        tpu.vector_store %arg16[%swap3A_449, %swap3A_450], %swap3A_453 {strides = array<i32>} : memref<16x768xf32, #tpu.memory_space<vmem>>, vector<1x16xf32>,
        %get3A_454 = arith.index_cast %scan3A_65 : i32 to index
        %get3A_455 = arith.constant 416 : index
        %get3A_456 = tpu.vector_load %arg16[%get3A_454, %get3A_455] {strides = array<i32>} : memref<16x768xf32, #tpu.memory_space<vmem>>, vector<1x16xf32>,
        %get3A_457 = vector.shape_cast %get3A_456 : vector<1x16xf32> to vector<16xf32>
        %add3A_458 = arith.addi %mul3A_56, %scan3A_65 : i32
        %get3A_459 = arith.index_cast %add3A_458 : i32 to index
        %get3A_460 = arith.constant 160 : index
        %get3A_461 = tpu.vector_load %arg14[%get3A_459, %get3A_460] {strides = array<i32>} : memref<128x256xf32, #tpu.memory_space<vmem>>, vector<1x16xf32>,
        %get3A_462 = vector.shape_cast %get3A_461 : vector<1x16xf32> to vector<16xf32>
        %add3A_463 = arith.addf %get3A_457, %get3A_462 : vector<16xf32>
        %swap3A_464 = arith.index_cast %scan3A_65 : i32 to index
        %swap3A_465 = arith.constant 416 : index
        %swap3A_466 = tpu.vector_load %arg16[%swap3A_464, %swap3A_465] {strides = array<i32>} : memref<16x768xf32, #tpu.memory_space<vmem>>, vector<1x16xf32>,
        %swap3A_467 = vector.shape_cast %swap3A_466 : vector<1x16xf32> to vector<16xf32>
        %swap3A_468 = vector.shape_cast %add3A_463 : vector<16xf32> to vector<1x16xf32>
        tpu.vector_store %arg16[%swap3A_464, %swap3A_465], %swap3A_468 {strides = array<i32>} : memref<16x768xf32, #tpu.memory_space<vmem>>, vector<1x16xf32>,
        %get3A_469 = arith.index_cast %scan3A_65 : i32 to index
        %get3A_470 = arith.constant 432 : index
        %get3A_471 = tpu.vector_load %arg16[%get3A_469, %get3A_470] {strides = array<i32>} : memref<16x768xf32, #tpu.memory_space<vmem>>, vector<1x16xf32>,
        %get3A_472 = vector.shape_cast %get3A_471 : vector<1x16xf32> to vector<16xf32>
        %add3A_473 = arith.addi %mul3A_56, %scan3A_65 : i32
        %get3A_474 = arith.index_cast %add3A_473 : i32 to index
        %get3A_475 = arith.constant 176 : index
        %get3A_476 = tpu.vector_load %arg14[%get3A_474, %get3A_475] {strides = array<i32>} : memref<128x256xf32, #tpu.memory_space<vmem>>, vector<1x16xf32>,
        %get3A_477 = vector.shape_cast %get3A_476 : vector<1x16xf32> to vector<16xf32>
        %add3A_478 = arith.addf %get3A_472, %get3A_477 : vector<16xf32>
        %swap3A_479 = arith.index_cast %scan3A_65 : i32 to index
        %swap3A_480 = arith.constant 432 : index
        %swap3A_481 = tpu.vector_load %arg16[%swap3A_479, %swap3A_480] {strides = array<i32>} : memref<16x768xf32, #tpu.memory_space<vmem>>, vector<1x16xf32>,
        %swap3A_482 = vector.shape_cast %swap3A_481 : vector<1x16xf32> to vector<16xf32>
        %swap3A_483 = vector.shape_cast %add3A_478 : vector<16xf32> to vector<1x16xf32>
        tpu.vector_store %arg16[%swap3A_479, %swap3A_480], %swap3A_483 {strides = array<i32>} : memref<16x768xf32, #tpu.memory_space<vmem>>, vector<1x16xf32>,
        %get3A_484 = arith.index_cast %scan3A_65 : i32 to index
        %get3A_485 = arith.constant 448 : index
        %get3A_486 = tpu.vector_load %arg16[%get3A_484, %get3A_485] {strides = array<i32>} : memref<16x768xf32, #tpu.memory_space<vmem>>, vector<1x16xf32>,
        %get3A_487 = vector.shape_cast %get3A_486 : vector<1x16xf32> to vector<16xf32>
        %add3A_488 = arith.addi %mul3A_56, %scan3A_65 : i32
        %get3A_489 = arith.index_cast %add3A_488 : i32 to index
        %get3A_490 = arith.constant 192 : index
        %get3A_491 = tpu.vector_load %arg14[%get3A_489, %get3A_490] {strides = array<i32>} : memref<128x256xf32, #tpu.memory_space<vmem>>, vector<1x16xf32>,
        %get3A_492 = vector.shape_cast %get3A_491 : vector<1x16xf32> to vector<16xf32>
        %add3A_493 = arith.addf %get3A_487, %get3A_492 : vector<16xf32>
        %swap3A_494 = arith.index_cast %scan3A_65 : i32 to index
        %swap3A_495 = arith.constant 448 : index
        %swap3A_496 = tpu.vector_load %arg16[%swap3A_494, %swap3A_495] {strides = array<i32>} : memref<16x768xf32, #tpu.memory_space<vmem>>, vector<1x16xf32>,
        %swap3A_497 = vector.shape_cast %swap3A_496 : vector<1x16xf32> to vector<16xf32>
        %swap3A_498 = vector.shape_cast %add3A_493 : vector<16xf32> to vector<1x16xf32>
        tpu.vector_store %arg16[%swap3A_494, %swap3A_495], %swap3A_498 {strides = array<i32>} : memref<16x768xf32, #tpu.memory_space<vmem>>, vector<1x16xf32>,
        %get3A_499 = arith.index_cast %scan3A_65 : i32 to index
        %get3A_500 = arith.constant 464 : index
        %get3A_501 = tpu.vector_load %arg16[%get3A_499, %get3A_500] {strides = array<i32>} : memref<16x768xf32, #tpu.memory_space<vmem>>, vector<1x16xf32>,
        %get3A_502 = vector.shape_cast %get3A_501 : vector<1x16xf32> to vector<16xf32>
        %add3A_503 = arith.addi %mul3A_56, %scan3A_65 : i32
        %get3A_504 = arith.index_cast %add3A_503 : i32 to index
        %get3A_505 = arith.constant 208 : index
        %get3A_506 = tpu.vector_load %arg14[%get3A_504, %get3A_505] {strides = array<i32>} : memref<128x256xf32, #tpu.memory_space<vmem>>, vector<1x16xf32>,
        %get3A_507 = vector.shape_cast %get3A_506 : vector<1x16xf32> to vector<16xf32>
        %add3A_508 = arith.addf %get3A_502, %get3A_507 : vector<16xf32>
        %swap3A_509 = arith.index_cast %scan3A_65 : i32 to index
        %swap3A_510 = arith.constant 464 : index
        %swap3A_511 = tpu.vector_load %arg16[%swap3A_509, %swap3A_510] {strides = array<i32>} : memref<16x768xf32, #tpu.memory_space<vmem>>, vector<1x16xf32>,
        %swap3A_512 = vector.shape_cast %swap3A_511 : vector<1x16xf32> to vector<16xf32>
        %swap3A_513 = vector.shape_cast %add3A_508 : vector<16xf32> to vector<1x16xf32>
        tpu.vector_store %arg16[%swap3A_509, %swap3A_510], %swap3A_513 {strides = array<i32>} : memref<16x768xf32, #tpu.memory_space<vmem>>, vector<1x16xf32>,
        %get3A_514 = arith.index_cast %scan3A_65 : i32 to index
        %get3A_515 = arith.constant 480 : index
        %get3A_516 = tpu.vector_load %arg16[%get3A_514, %get3A_515] {strides = array<i32>} : memref<16x768xf32, #tpu.memory_space<vmem>>, vector<1x16xf32>,
        %get3A_517 = vector.shape_cast %get3A_516 : vector<1x16xf32> to vector<16xf32>
        %add3A_518 = arith.addi %mul3A_56, %scan3A_65 : i32
        %get3A_519 = arith.index_cast %add3A_518 : i32 to index
        %get3A_520 = arith.constant 224 : index
        %get3A_521 = tpu.vector_load %arg14[%get3A_519, %get3A_520] {strides = array<i32>} : memref<128x256xf32, #tpu.memory_space<vmem>>, vector<1x16xf32>,
        %get3A_522 = vector.shape_cast %get3A_521 : vector<1x16xf32> to vector<16xf32>
        %add3A_523 = arith.addf %get3A_517, %get3A_522 : vector<16xf32>
        %swap3A_524 = arith.index_cast %scan3A_65 : i32 to index
        %swap3A_525 = arith.constant 480 : index
        %swap3A_526 = tpu.vector_load %arg16[%swap3A_524, %swap3A_525] {strides = array<i32>} : memref<16x768xf32, #tpu.memory_space<vmem>>, vector<1x16xf32>,
        %swap3A_527 = vector.shape_cast %swap3A_526 : vector<1x16xf32> to vector<16xf32>
        %swap3A_528 = vector.shape_cast %add3A_523 : vector<16xf32> to vector<1x16xf32>
        tpu.vector_store %arg16[%swap3A_524, %swap3A_525], %swap3A_528 {strides = array<i32>} : memref<16x768xf32, #tpu.memory_space<vmem>>, vector<1x16xf32>,
        %get3A_529 = arith.index_cast %scan3A_65 : i32 to index
        %get3A_530 = arith.constant 496 : index
        %get3A_531 = tpu.vector_load %arg16[%get3A_529, %get3A_530] {strides = array<i32>} : memref<16x768xf32, #tpu.memory_space<vmem>>, vector<1x16xf32>,
        %get3A_532 = vector.shape_cast %get3A_531 : vector<1x16xf32> to vector<16xf32>
        %add3A_533 = arith.addi %mul3A_56, %scan3A_65 : i32
        %get3A_534 = arith.index_cast %add3A_533 : i32 to index
        %get3A_535 = arith.constant 240 : index
        %get3A_536 = tpu.vector_load %arg14[%get3A_534, %get3A_535] {strides = array<i32>} : memref<128x256xf32, #tpu.memory_space<vmem>>, vector<1x16xf32>,
        %get3A_537 = vector.shape_cast %get3A_536 : vector<1x16xf32> to vector<16xf32>
        %add3A_538 = arith.addf %get3A_532, %get3A_537 : vector<16xf32>
        %swap3A_539 = arith.index_cast %scan3A_65 : i32 to index
        %swap3A_540 = arith.constant 496 : index
        %swap3A_541 = tpu.vector_load %arg16[%swap3A_539, %swap3A_540] {strides = array<i32>} : memref<16x768xf32, #tpu.memory_space<vmem>>, vector<1x16xf32>,
        %swap3A_542 = vector.shape_cast %swap3A_541 : vector<1x16xf32> to vector<16xf32>
        %swap3A_543 = vector.shape_cast %add3A_538 : vector<16xf32> to vector<1x16xf32>
        tpu.vector_store %arg16[%swap3A_539, %swap3A_540], %swap3A_543 {strides = array<i32>} : memref<16x768xf32, #tpu.memory_space<vmem>>, vector<1x16xf32>,
        %get3A_544 = arith.index_cast %scan3A_65 : i32 to index
        %get3A_545 = arith.constant 512 : index
        %get3A_546 = tpu.vector_load %arg16[%get3A_544, %get3A_545] {strides = array<i32>} : memref<16x768xf32, #tpu.memory_space<vmem>>, vector<1x16xf32>,
        %get3A_547 = vector.shape_cast %get3A_546 : vector<1x16xf32> to vector<16xf32>
        %add3A_548 = arith.addi %mul3A_56, %scan3A_65 : i32
        %get3A_549 = arith.index_cast %add3A_548 : i32 to index
        %get3A_550 = arith.constant 0 : index
        %get3A_551 = tpu.vector_load %arg15[%get3A_549, %get3A_550] {strides = array<i32>} : memref<128x256xf32, #tpu.memory_space<vmem>>, vector<1x16xf32>,
        %get3A_552 = vector.shape_cast %get3A_551 : vector<1x16xf32> to vector<16xf32>
        %add3A_553 = arith.addf %get3A_547, %get3A_552 : vector<16xf32>
        %swap3A_554 = arith.index_cast %scan3A_65 : i32 to index
        %swap3A_555 = arith.constant 512 : index
        %swap3A_556 = tpu.vector_load %arg16[%swap3A_554, %swap3A_555] {strides = array<i32>} : memref<16x768xf32, #tpu.memory_space<vmem>>, vector<1x16xf32>,
        %swap3A_557 = vector.shape_cast %swap3A_556 : vector<1x16xf32> to vector<16xf32>
        %swap3A_558 = vector.shape_cast %add3A_553 : vector<16xf32> to vector<1x16xf32>
        tpu.vector_store %arg16[%swap3A_554, %swap3A_555], %swap3A_558 {strides = array<i32>} : memref<16x768xf32, #tpu.memory_space<vmem>>, vector<1x16xf32>,
        %get3A_559 = arith.index_cast %scan3A_65 : i32 to index
        %get3A_560 = arith.constant 528 : index
        %get3A_561 = tpu.vector_load %arg16[%get3A_559, %get3A_560] {strides = array<i32>} : memref<16x768xf32, #tpu.memory_space<vmem>>, vector<1x16xf32>,
        %get3A_562 = vector.shape_cast %get3A_561 : vector<1x16xf32> to vector<16xf32>
        %add3A_563 = arith.addi %mul3A_56, %scan3A_65 : i32
        %get3A_564 = arith.index_cast %add3A_563 : i32 to index
        %get3A_565 = arith.constant 16 : index
        %get3A_566 = tpu.vector_load %arg15[%get3A_564, %get3A_565] {strides = array<i32>} : memref<128x256xf32, #tpu.memory_space<vmem>>, vector<1x16xf32>,
        %get3A_567 = vector.shape_cast %get3A_566 : vector<1x16xf32> to vector<16xf32>
        %add3A_568 = arith.addf %get3A_562, %get3A_567 : vector<16xf32>
        %swap3A_569 = arith.index_cast %scan3A_65 : i32 to index
        %swap3A_570 = arith.constant 528 : index
        %swap3A_571 = tpu.vector_load %arg16[%swap3A_569, %swap3A_570] {strides = array<i32>} : memref<16x768xf32, #tpu.memory_space<vmem>>, vector<1x16xf32>,
        %swap3A_572 = vector.shape_cast %swap3A_571 : vector<1x16xf32> to vector<16xf32>
        %swap3A_573 = vector.shape_cast %add3A_568 : vector<16xf32> to vector<1x16xf32>
        tpu.vector_store %arg16[%swap3A_569, %swap3A_570], %swap3A_573 {strides = array<i32>} : memref<16x768xf32, #tpu.memory_space<vmem>>, vector<1x16xf32>,
        %get3A_574 = arith.index_cast %scan3A_65 : i32 to index
        %get3A_575 = arith.constant 544 : index
        %get3A_576 = tpu.vector_load %arg16[%get3A_574, %get3A_575] {strides = array<i32>} : memref<16x768xf32, #tpu.memory_space<vmem>>, vector<1x16xf32>,
        %get3A_577 = vector.shape_cast %get3A_576 : vector<1x16xf32> to vector<16xf32>
        %add3A_578 = arith.addi %mul3A_56, %scan3A_65 : i32
        %get3A_579 = arith.index_cast %add3A_578 : i32 to index
        %get3A_580 = arith.constant 32 : index
        %get3A_581 = tpu.vector_load %arg15[%get3A_579, %get3A_580] {strides = array<i32>} : memref<128x256xf32, #tpu.memory_space<vmem>>, vector<1x16xf32>,
        %get3A_582 = vector.shape_cast %get3A_581 : vector<1x16xf32> to vector<16xf32>
        %add3A_583 = arith.addf %get3A_577, %get3A_582 : vector<16xf32>
        %swap3A_584 = arith.index_cast %scan3A_65 : i32 to index
        %swap3A_585 = arith.constant 544 : index
        %swap3A_586 = tpu.vector_load %arg16[%swap3A_584, %swap3A_585] {strides = array<i32>} : memref<16x768xf32, #tpu.memory_space<vmem>>, vector<1x16xf32>,
        %swap3A_587 = vector.shape_cast %swap3A_586 : vector<1x16xf32> to vector<16xf32>
        %swap3A_588 = vector.shape_cast %add3A_583 : vector<16xf32> to vector<1x16xf32>
        tpu.vector_store %arg16[%swap3A_584, %swap3A_585], %swap3A_588 {strides = array<i32>} : memref<16x768xf32, #tpu.memory_space<vmem>>, vector<1x16xf32>,
        %get3A_589 = arith.index_cast %scan3A_65 : i32 to index
        %get3A_590 = arith.constant 560 : index
        %get3A_591 = tpu.vector_load %arg16[%get3A_589, %get3A_590] {strides = array<i32>} : memref<16x768xf32, #tpu.memory_space<vmem>>, vector<1x16xf32>,
        %get3A_592 = vector.shape_cast %get3A_591 : vector<1x16xf32> to vector<16xf32>
        %add3A_593 = arith.addi %mul3A_56, %scan3A_65 : i32
        %get3A_594 = arith.index_cast %add3A_593 : i32 to index
        %get3A_595 = arith.constant 48 : index
        %get3A_596 = tpu.vector_load %arg15[%get3A_594, %get3A_595] {strides = array<i32>} : memref<128x256xf32, #tpu.memory_space<vmem>>, vector<1x16xf32>,
        %get3A_597 = vector.shape_cast %get3A_596 : vector<1x16xf32> to vector<16xf32>
        %add3A_598 = arith.addf %get3A_592, %get3A_597 : vector<16xf32>
        %swap3A_599 = arith.index_cast %scan3A_65 : i32 to index
        %swap3A_600 = arith.constant 560 : index
        %swap3A_601 = tpu.vector_load %arg16[%swap3A_599, %swap3A_600] {strides = array<i32>} : memref<16x768xf32, #tpu.memory_space<vmem>>, vector<1x16xf32>,
        %swap3A_602 = vector.shape_cast %swap3A_601 : vector<1x16xf32> to vector<16xf32>
        %swap3A_603 = vector.shape_cast %add3A_598 : vector<16xf32> to vector<1x16xf32>
        tpu.vector_store %arg16[%swap3A_599, %swap3A_600], %swap3A_603 {strides = array<i32>} : memref<16x768xf32, #tpu.memory_space<vmem>>, vector<1x16xf32>,
        %get3A_604 = arith.index_cast %scan3A_65 : i32 to index
        %get3A_605 = arith.constant 576 : index
        %get3A_606 = tpu.vector_load %arg16[%get3A_604, %get3A_605] {strides = array<i32>} : memref<16x768xf32, #tpu.memory_space<vmem>>, vector<1x16xf32>,
        %get3A_607 = vector.shape_cast %get3A_606 : vector<1x16xf32> to vector<16xf32>
        %add3A_608 = arith.addi %mul3A_56, %scan3A_65 : i32
        %get3A_609 = arith.index_cast %add3A_608 : i32 to index
        %get3A_610 = arith.constant 64 : index
        %get3A_611 = tpu.vector_load %arg15[%get3A_609, %get3A_610] {strides = array<i32>} : memref<128x256xf32, #tpu.memory_space<vmem>>, vector<1x16xf32>,
        %get3A_612 = vector.shape_cast %get3A_611 : vector<1x16xf32> to vector<16xf32>
        %add3A_613 = arith.addf %get3A_607, %get3A_612 : vector<16xf32>
        %swap3A_614 = arith.index_cast %scan3A_65 : i32 to index
        %swap3A_615 = arith.constant 576 : index
        %swap3A_616 = tpu.vector_load %arg16[%swap3A_614, %swap3A_615] {strides = array<i32>} : memref<16x768xf32, #tpu.memory_space<vmem>>, vector<1x16xf32>,
        %swap3A_617 = vector.shape_cast %swap3A_616 : vector<1x16xf32> to vector<16xf32>
        %swap3A_618 = vector.shape_cast %add3A_613 : vector<16xf32> to vector<1x16xf32>
        tpu.vector_store %arg16[%swap3A_614, %swap3A_615], %swap3A_618 {strides = array<i32>} : memref<16x768xf32, #tpu.memory_space<vmem>>, vector<1x16xf32>,
        %get3A_619 = arith.index_cast %scan3A_65 : i32 to index
        %get3A_620 = arith.constant 592 : index
        %get3A_621 = tpu.vector_load %arg16[%get3A_619, %get3A_620] {strides = array<i32>} : memref<16x768xf32, #tpu.memory_space<vmem>>, vector<1x16xf32>,
        %get3A_622 = vector.shape_cast %get3A_621 : vector<1x16xf32> to vector<16xf32>
        %add3A_623 = arith.addi %mul3A_56, %scan3A_65 : i32
        %get3A_624 = arith.index_cast %add3A_623 : i32 to index
        %get3A_625 = arith.constant 80 : index
        %get3A_626 = tpu.vector_load %arg15[%get3A_624, %get3A_625] {strides = array<i32>} : memref<128x256xf32, #tpu.memory_space<vmem>>, vector<1x16xf32>,
        %get3A_627 = vector.shape_cast %get3A_626 : vector<1x16xf32> to vector<16xf32>
        %add3A_628 = arith.addf %get3A_622, %get3A_627 : vector<16xf32>
        %swap3A_629 = arith.index_cast %scan3A_65 : i32 to index
        %swap3A_630 = arith.constant 592 : index
        %swap3A_631 = tpu.vector_load %arg16[%swap3A_629, %swap3A_630] {strides = array<i32>} : memref<16x768xf32, #tpu.memory_space<vmem>>, vector<1x16xf32>,
        %swap3A_632 = vector.shape_cast %swap3A_631 : vector<1x16xf32> to vector<16xf32>
        %swap3A_633 = vector.shape_cast %add3A_628 : vector<16xf32> to vector<1x16xf32>
        tpu.vector_store %arg16[%swap3A_629, %swap3A_630], %swap3A_633 {strides = array<i32>} : memref<16x768xf32, #tpu.memory_space<vmem>>, vector<1x16xf32>,
        %get3A_634 = arith.index_cast %scan3A_65 : i32 to index
        %get3A_635 = arith.constant 608 : index
        %get3A_636 = tpu.vector_load %arg16[%get3A_634, %get3A_635] {strides = array<i32>} : memref<16x768xf32, #tpu.memory_space<vmem>>, vector<1x16xf32>,
        %get3A_637 = vector.shape_cast %get3A_636 : vector<1x16xf32> to vector<16xf32>
        %add3A_638 = arith.addi %mul3A_56, %scan3A_65 : i32
        %get3A_639 = arith.index_cast %add3A_638 : i32 to index
        %get3A_640 = arith.constant 96 : index
        %get3A_641 = tpu.vector_load %arg15[%get3A_639, %get3A_640] {strides = array<i32>} : memref<128x256xf32, #tpu.memory_space<vmem>>, vector<1x16xf32>,
        %get3A_642 = vector.shape_cast %get3A_641 : vector<1x16xf32> to vector<16xf32>
        %add3A_643 = arith.addf %get3A_637, %get3A_642 : vector<16xf32>
        %swap3A_644 = arith.index_cast %scan3A_65 : i32 to index
        %swap3A_645 = arith.constant 608 : index
        %swap3A_646 = tpu.vector_load %arg16[%swap3A_644, %swap3A_645] {strides = array<i32>} : memref<16x768xf32, #tpu.memory_space<vmem>>, vector<1x16xf32>,
        %swap3A_647 = vector.shape_cast %swap3A_646 : vector<1x16xf32> to vector<16xf32>
        %swap3A_648 = vector.shape_cast %add3A_643 : vector<16xf32> to vector<1x16xf32>
        tpu.vector_store %arg16[%swap3A_644, %swap3A_645], %swap3A_648 {strides = array<i32>} : memref<16x768xf32, #tpu.memory_space<vmem>>, vector<1x16xf32>,
        %get3A_649 = arith.index_cast %scan3A_65 : i32 to index
        %get3A_650 = arith.constant 624 : index
        %get3A_651 = tpu.vector_load %arg16[%get3A_649, %get3A_650] {strides = array<i32>} : memref<16x768xf32, #tpu.memory_space<vmem>>, vector<1x16xf32>,
        %get3A_652 = vector.shape_cast %get3A_651 : vector<1x16xf32> to vector<16xf32>
        %add3A_653 = arith.addi %mul3A_56, %scan3A_65 : i32
        %get3A_654 = arith.index_cast %add3A_653 : i32 to index
        %get3A_655 = arith.constant 112 : index
        %get3A_656 = tpu.vector_load %arg15[%get3A_654, %get3A_655] {strides = array<i32>} : memref<128x256xf32, #tpu.memory_space<vmem>>, vector<1x16xf32>,
        %get3A_657 = vector.shape_cast %get3A_656 : vector<1x16xf32> to vector<16xf32>
        %add3A_658 = arith.addf %get3A_652, %get3A_657 : vector<16xf32>
        %swap3A_659 = arith.index_cast %scan3A_65 : i32 to index
        %swap3A_660 = arith.constant 624 : index
        %swap3A_661 = tpu.vector_load %arg16[%swap3A_659, %swap3A_660] {strides = array<i32>} : memref<16x768xf32, #tpu.memory_space<vmem>>, vector<1x16xf32>,
        %swap3A_662 = vector.shape_cast %swap3A_661 : vector<1x16xf32> to vector<16xf32>
        %swap3A_663 = vector.shape_cast %add3A_658 : vector<16xf32> to vector<1x16xf32>
        tpu.vector_store %arg16[%swap3A_659, %swap3A_660], %swap3A_663 {strides = array<i32>} : memref<16x768xf32, #tpu.memory_space<vmem>>, vector<1x16xf32>,
        %get3A_664 = arith.index_cast %scan3A_65 : i32 to index
        %get3A_665 = arith.constant 640 : index
        %get3A_666 = tpu.vector_load %arg16[%get3A_664, %get3A_665] {strides = array<i32>} : memref<16x768xf32, #tpu.memory_space<vmem>>, vector<1x16xf32>,
        %get3A_667 = vector.shape_cast %get3A_666 : vector<1x16xf32> to vector<16xf32>
        %add3A_668 = arith.addi %mul3A_56, %scan3A_65 : i32
        %get3A_669 = arith.index_cast %add3A_668 : i32 to index
        %get3A_670 = arith.constant 128 : index
        %get3A_671 = tpu.vector_load %arg15[%get3A_669, %get3A_670] {strides = array<i32>} : memref<128x256xf32, #tpu.memory_space<vmem>>, vector<1x16xf32>,
        %get3A_672 = vector.shape_cast %get3A_671 : vector<1x16xf32> to vector<16xf32>
        %add3A_673 = arith.addf %get3A_667, %get3A_672 : vector<16xf32>
        %swap3A_674 = arith.index_cast %scan3A_65 : i32 to index
        %swap3A_675 = arith.constant 640 : index
        %swap3A_676 = tpu.vector_load %arg16[%swap3A_674, %swap3A_675] {strides = array<i32>} : memref<16x768xf32, #tpu.memory_space<vmem>>, vector<1x16xf32>,
        %swap3A_677 = vector.shape_cast %swap3A_676 : vector<1x16xf32> to vector<16xf32>
        %swap3A_678 = vector.shape_cast %add3A_673 : vector<16xf32> to vector<1x16xf32>
        tpu.vector_store %arg16[%swap3A_674, %swap3A_675], %swap3A_678 {strides = array<i32>} : memref<16x768xf32, #tpu.memory_space<vmem>>, vector<1x16xf32>,
        %get3A_679 = arith.index_cast %scan3A_65 : i32 to index
        %get3A_680 = arith.constant 656 : index
        %get3A_681 = tpu.vector_load %arg16[%get3A_679, %get3A_680] {strides = array<i32>} : memref<16x768xf32, #tpu.memory_space<vmem>>, vector<1x16xf32>,
        %get3A_682 = vector.shape_cast %get3A_681 : vector<1x16xf32> to vector<16xf32>
        %add3A_683 = arith.addi %mul3A_56, %scan3A_65 : i32
        %get3A_684 = arith.index_cast %add3A_683 : i32 to index
        %get3A_685 = arith.constant 144 : index
        %get3A_686 = tpu.vector_load %arg15[%get3A_684, %get3A_685] {strides = array<i32>} : memref<128x256xf32, #tpu.memory_space<vmem>>, vector<1x16xf32>,
        %get3A_687 = vector.shape_cast %get3A_686 : vector<1x16xf32> to vector<16xf32>
        %add3A_688 = arith.addf %get3A_682, %get3A_687 : vector<16xf32>
        %swap3A_689 = arith.index_cast %scan3A_65 : i32 to index
        %swap3A_690 = arith.constant 656 : index
        %swap3A_691 = tpu.vector_load %arg16[%swap3A_689, %swap3A_690] {strides = array<i32>} : memref<16x768xf32, #tpu.memory_space<vmem>>, vector<1x16xf32>,
        %swap3A_692 = vector.shape_cast %swap3A_691 : vector<1x16xf32> to vector<16xf32>
        %swap3A_693 = vector.shape_cast %add3A_688 : vector<16xf32> to vector<1x16xf32>
        tpu.vector_store %arg16[%swap3A_689, %swap3A_690], %swap3A_693 {strides = array<i32>} : memref<16x768xf32, #tpu.memory_space<vmem>>, vector<1x16xf32>,
        %get3A_694 = arith.index_cast %scan3A_65 : i32 to index
        %get3A_695 = arith.constant 672 : index
        %get3A_696 = tpu.vector_load %arg16[%get3A_694, %get3A_695] {strides = array<i32>} : memref<16x768xf32, #tpu.memory_space<vmem>>, vector<1x16xf32>,
        %get3A_697 = vector.shape_cast %get3A_696 : vector<1x16xf32> to vector<16xf32>
        %add3A_698 = arith.addi %mul3A_56, %scan3A_65 : i32
        %get3A_699 = arith.index_cast %add3A_698 : i32 to index
        %get3A_700 = arith.constant 160 : index
        %get3A_701 = tpu.vector_load %arg15[%get3A_699, %get3A_700] {strides = array<i32>} : memref<128x256xf32, #tpu.memory_space<vmem>>, vector<1x16xf32>,
        %get3A_702 = vector.shape_cast %get3A_701 : vector<1x16xf32> to vector<16xf32>
        %add3A_703 = arith.addf %get3A_697, %get3A_702 : vector<16xf32>
        %swap3A_704 = arith.index_cast %scan3A_65 : i32 to index
        %swap3A_705 = arith.constant 672 : index
        %swap3A_706 = tpu.vector_load %arg16[%swap3A_704, %swap3A_705] {strides = array<i32>} : memref<16x768xf32, #tpu.memory_space<vmem>>, vector<1x16xf32>,
        %swap3A_707 = vector.shape_cast %swap3A_706 : vector<1x16xf32> to vector<16xf32>
        %swap3A_708 = vector.shape_cast %add3A_703 : vector<16xf32> to vector<1x16xf32>
        tpu.vector_store %arg16[%swap3A_704, %swap3A_705], %swap3A_708 {strides = array<i32>} : memref<16x768xf32, #tpu.memory_space<vmem>>, vector<1x16xf32>,
        %get3A_709 = arith.index_cast %scan3A_65 : i32 to index
        %get3A_710 = arith.constant 688 : index
        %get3A_711 = tpu.vector_load %arg16[%get3A_709, %get3A_710] {strides = array<i32>} : memref<16x768xf32, #tpu.memory_space<vmem>>, vector<1x16xf32>,
        %get3A_712 = vector.shape_cast %get3A_711 : vector<1x16xf32> to vector<16xf32>
        %add3A_713 = arith.addi %mul3A_56, %scan3A_65 : i32
        %get3A_714 = arith.index_cast %add3A_713 : i32 to index
        %get3A_715 = arith.constant 176 : index
        %get3A_716 = tpu.vector_load %arg15[%get3A_714, %get3A_715] {strides = array<i32>} : memref<128x256xf32, #tpu.memory_space<vmem>>, vector<1x16xf32>,
        %get3A_717 = vector.shape_cast %get3A_716 : vector<1x16xf32> to vector<16xf32>
        %add3A_718 = arith.addf %get3A_712, %get3A_717 : vector<16xf32>
        %swap3A_719 = arith.index_cast %scan3A_65 : i32 to index
        %swap3A_720 = arith.constant 688 : index
        %swap3A_721 = tpu.vector_load %arg16[%swap3A_719, %swap3A_720] {strides = array<i32>} : memref<16x768xf32, #tpu.memory_space<vmem>>, vector<1x16xf32>,
        %swap3A_722 = vector.shape_cast %swap3A_721 : vector<1x16xf32> to vector<16xf32>
        %swap3A_723 = vector.shape_cast %add3A_718 : vector<16xf32> to vector<1x16xf32>
        tpu.vector_store %arg16[%swap3A_719, %swap3A_720], %swap3A_723 {strides = array<i32>} : memref<16x768xf32, #tpu.memory_space<vmem>>, vector<1x16xf32>,
        %get3A_724 = arith.index_cast %scan3A_65 : i32 to index
        %get3A_725 = arith.constant 704 : index
        %get3A_726 = tpu.vector_load %arg16[%get3A_724, %get3A_725] {strides = array<i32>} : memref<16x768xf32, #tpu.memory_space<vmem>>, vector<1x16xf32>,
        %get3A_727 = vector.shape_cast %get3A_726 : vector<1x16xf32> to vector<16xf32>
        %add3A_728 = arith.addi %mul3A_56, %scan3A_65 : i32
        %get3A_729 = arith.index_cast %add3A_728 : i32 to index
        %get3A_730 = arith.constant 192 : index
        %get3A_731 = tpu.vector_load %arg15[%get3A_729, %get3A_730] {strides = array<i32>} : memref<128x256xf32, #tpu.memory_space<vmem>>, vector<1x16xf32>,
        %get3A_732 = vector.shape_cast %get3A_731 : vector<1x16xf32> to vector<16xf32>
        %add3A_733 = arith.addf %get3A_727, %get3A_732 : vector<16xf32>
        %swap3A_734 = arith.index_cast %scan3A_65 : i32 to index
        %swap3A_735 = arith.constant 704 : index
        %swap3A_736 = tpu.vector_load %arg16[%swap3A_734, %swap3A_735] {strides = array<i32>} : memref<16x768xf32, #tpu.memory_space<vmem>>, vector<1x16xf32>,
        %swap3A_737 = vector.shape_cast %swap3A_736 : vector<1x16xf32> to vector<16xf32>
        %swap3A_738 = vector.shape_cast %add3A_733 : vector<16xf32> to vector<1x16xf32>
        tpu.vector_store %arg16[%swap3A_734, %swap3A_735], %swap3A_738 {strides = array<i32>} : memref<16x768xf32, #tpu.memory_space<vmem>>, vector<1x16xf32>,
        %get3A_739 = arith.index_cast %scan3A_65 : i32 to index
        %get3A_740 = arith.constant 720 : index
        %get3A_741 = tpu.vector_load %arg16[%get3A_739, %get3A_740] {strides = array<i32>} : memref<16x768xf32, #tpu.memory_space<vmem>>, vector<1x16xf32>,
        %get3A_742 = vector.shape_cast %get3A_741 : vector<1x16xf32> to vector<16xf32>
        %add3A_743 = arith.addi %mul3A_56, %scan3A_65 : i32
        %get3A_744 = arith.index_cast %add3A_743 : i32 to index
        %get3A_745 = arith.constant 208 : index
        %get3A_746 = tpu.vector_load %arg15[%get3A_744, %get3A_745] {strides = array<i32>} : memref<128x256xf32, #tpu.memory_space<vmem>>, vector<1x16xf32>,
        %get3A_747 = vector.shape_cast %get3A_746 : vector<1x16xf32> to vector<16xf32>
        %add3A_748 = arith.addf %get3A_742, %get3A_747 : vector<16xf32>
        %swap3A_749 = arith.index_cast %scan3A_65 : i32 to index
        %swap3A_750 = arith.constant 720 : index
        %swap3A_751 = tpu.vector_load %arg16[%swap3A_749, %swap3A_750] {strides = array<i32>} : memref<16x768xf32, #tpu.memory_space<vmem>>, vector<1x16xf32>,
        %swap3A_752 = vector.shape_cast %swap3A_751 : vector<1x16xf32> to vector<16xf32>
        %swap3A_753 = vector.shape_cast %add3A_748 : vector<16xf32> to vector<1x16xf32>
        tpu.vector_store %arg16[%swap3A_749, %swap3A_750], %swap3A_753 {strides = array<i32>} : memref<16x768xf32, #tpu.memory_space<vmem>>, vector<1x16xf32>,
        %get3A_754 = arith.index_cast %scan3A_65 : i32 to index
        %get3A_755 = arith.constant 736 : index
        %get3A_756 = tpu.vector_load %arg16[%get3A_754, %get3A_755] {strides = array<i32>} : memref<16x768xf32, #tpu.memory_space<vmem>>, vector<1x16xf32>,
        %get3A_757 = vector.shape_cast %get3A_756 : vector<1x16xf32> to vector<16xf32>
        %add3A_758 = arith.addi %mul3A_56, %scan3A_65 : i32
        %get3A_759 = arith.index_cast %add3A_758 : i32 to index
        %get3A_760 = arith.constant 224 : index
        %get3A_761 = tpu.vector_load %arg15[%get3A_759, %get3A_760] {strides = array<i32>} : memref<128x256xf32, #tpu.memory_space<vmem>>, vector<1x16xf32>,
        %get3A_762 = vector.shape_cast %get3A_761 : vector<1x16xf32> to vector<16xf32>
        %add3A_763 = arith.addf %get3A_757, %get3A_762 : vector<16xf32>
        %swap3A_764 = arith.index_cast %scan3A_65 : i32 to index
        %swap3A_765 = arith.constant 736 : index
        %swap3A_766 = tpu.vector_load %arg16[%swap3A_764, %swap3A_765] {strides = array<i32>} : memref<16x768xf32, #tpu.memory_space<vmem>>, vector<1x16xf32>,
        %swap3A_767 = vector.shape_cast %swap3A_766 : vector<1x16xf32> to vector<16xf32>
        %swap3A_768 = vector.shape_cast %add3A_763 : vector<16xf32> to vector<1x16xf32>
        tpu.vector_store %arg16[%swap3A_764, %swap3A_765], %swap3A_768 {strides = array<i32>} : memref<16x768xf32, #tpu.memory_space<vmem>>, vector<1x16xf32>,
        %get3A_769 = arith.index_cast %scan3A_65 : i32 to index
        %get3A_770 = arith.constant 752 : index
        %get3A_771 = tpu.vector_load %arg16[%get3A_769, %get3A_770] {strides = array<i32>} : memref<16x768xf32, #tpu.memory_space<vmem>>, vector<1x16xf32>,
        %get3A_772 = vector.shape_cast %get3A_771 : vector<1x16xf32> to vector<16xf32>
        %add3A_773 = arith.addi %mul3A_56, %scan3A_65 : i32
        %get3A_774 = arith.index_cast %add3A_773 : i32 to index
        %get3A_775 = arith.constant 240 : index
        %get3A_776 = tpu.vector_load %arg15[%get3A_774, %get3A_775] {strides = array<i32>} : memref<128x256xf32, #tpu.memory_space<vmem>>, vector<1x16xf32>,
        %get3A_777 = vector.shape_cast %get3A_776 : vector<1x16xf32> to vector<16xf32>
        %add3A_778 = arith.addf %get3A_772, %get3A_777 : vector<16xf32>
        %swap3A_779 = arith.index_cast %scan3A_65 : i32 to index
        %swap3A_780 = arith.constant 752 : index
        %swap3A_781 = tpu.vector_load %arg16[%swap3A_779, %swap3A_780] {strides = array<i32>} : memref<16x768xf32, #tpu.memory_space<vmem>>, vector<1x16xf32>,
        %swap3A_782 = vector.shape_cast %swap3A_781 : vector<1x16xf32> to vector<16xf32>
        %swap3A_783 = vector.shape_cast %add3A_778 : vector<16xf32> to vector<1x16xf32>
        tpu.vector_store %arg16[%swap3A_779, %swap3A_780], %swap3A_783 {strides = array<i32>} : memref<16x768xf32, #tpu.memory_space<vmem>>, vector<1x16xf32>,
      }
      %scan3A_63 = arith.constant 16 : i32
      %run_scoped3A_64 = arith.constant 0 : i32
      "tpu.region"() ({
        %run_scoped3A_65 = tpu.sem_alloc : memref<!tpu.dma_semaphore, #tpu.memory_space<semaphore_mem>>
        %dma_start3A_66 = arith.constant 0 : i32
        %dma_start3A_67 = tpu.memref_slice %arg9[%run_scoped3A_64, %add3A_57, %dma_start3A_66] : memref<4x4096x768xf32, #tpu.memory_space<hbm>> -> memref<1x16x768xf32, #tpu.memory_space<hbm>>
        %dma_start3A_68 = tpu.memref_squeeze %dma_start3A_67 : memref<1x16x768xf32, #tpu.memory_space<hbm>> -> memref<16x768xf32, #tpu.memory_space<hbm>>
        %dma_start3A_69 = arith.constant 0 : i32
        %dma_start3A_70 = tpu.memref_slice %arg9[%run_scoped3A_64, %add3A_57, %dma_start3A_69] : memref<4x4096x768xf32, #tpu.memory_space<hbm>> -> memref<1x16x768xf32, #tpu.memory_space<hbm>>
        %dma_start3A_71 = tpu.memref_squeeze %dma_start3A_70 : memref<1x16x768xf32, #tpu.memory_space<hbm>> -> memref<16x768xf32, #tpu.memory_space<hbm>>
        tpu.enqueue_dma source(%arg16 : memref<16x768xf32, #tpu.memory_space<vmem>>) target(%dma_start3A_71 : memref<16x768xf32, #tpu.memory_space<hbm>>) target_semaphore(%run_scoped3A_65 : memref<!tpu.dma_semaphore, #tpu.memory_space<semaphore_mem>>)
        %dma_wait3A_72 = arith.constant 0 : i32
        %dma_wait3A_73 = tpu.memref_slice %arg9[%run_scoped3A_64, %add3A_57, %dma_wait3A_72] : memref<4x4096x768xf32, #tpu.memory_space<hbm>> -> memref<1x16x768xf32, #tpu.memory_space<hbm>>
        %dma_wait3A_74 = tpu.memref_squeeze %dma_wait3A_73 : memref<1x16x768xf32, #tpu.memory_space<hbm>> -> memref<16x768xf32, #tpu.memory_space<hbm>>
        %dma_wait3A_75 = arith.constant 0 : i32
        %dma_wait3A_76 = tpu.memref_slice %arg9[%run_scoped3A_64, %add3A_57, %dma_wait3A_75] : memref<4x4096x768xf32, #tpu.memory_space<hbm>> -> memref<1x16x768xf32, #tpu.memory_space<hbm>>
        %dma_wait3A_77 = tpu.memref_squeeze %dma_wait3A_76 : memref<1x16x768xf32, #tpu.memory_space<hbm>> -> memref<16x768xf32, #tpu.memory_space<hbm>>
        tpu.wait_dma2 semaphore(%run_scoped3A_65 : memref<!tpu.dma_semaphore, #tpu.memory_space<semaphore_mem>>) src(%arg16 : memref<16x768xf32, #tpu.memory_space<vmem>>) dst(%dma_wait3A_77 : memref<16x768xf32, #tpu.memory_space<hbm>>)
        tpu.yield
      }) : () -> ()
    }
    %scan3A_35 = arith.constant 8 : i32
    %scan3A_36 = arith.constant 0 : i32
    %scan3A_37 = arith.constant 0 : i32
    %scan3A_38 = arith.constant 8 : i32
    %scan3A_39 = arith.addi %scan3A_37, %scan3A_38 : i32
    %scan3A_40 = arith.constant 1 : i32
    scf.for %scan3A_54 = %scan3A_37 to %scan3A_39 step %scan3A_40  : i32 {
      %mul3A_55 = arith.constant 16 : i32
      %mul3A_56 = arith.muli %scan3A_54, %mul3A_55 : i32
      %add3A_57 = arith.addi %mul3A_2, %mul3A_56 : i32
      %run_scoped3A = arith.constant 1 : i32
      "tpu.region"() ({
        %run_scoped3A_65 = tpu.sem_alloc : memref<!tpu.dma_semaphore, #tpu.memory_space<semaphore_mem>>
        %dma_start3A_66 = arith.constant 0 : i32
        %dma_start3A_67 = tpu.memref_slice %arg2[%run_scoped3A, %add3A_57, %dma_start3A_66] : memref<4x4096x768xf32, #tpu.memory_space<hbm>> -> memref<1x16x768xf32, #tpu.memory_space<hbm>>
        %dma_start3A_68 = tpu.memref_squeeze %dma_start3A_67 : memref<1x16x768xf32, #tpu.memory_space<hbm>> -> memref<16x768xf32, #tpu.memory_space<hbm>>
        %dma_start3A_69 = arith.constant 0 : i32
        %dma_start3A_70 = tpu.memref_slice %arg2[%run_scoped3A, %add3A_57, %dma_start3A_69] : memref<4x4096x768xf32, #tpu.memory_space<hbm>> -> memref<1x16x768xf32, #tpu.memory_space<hbm>>
        %dma_start3A_71 = tpu.memref_squeeze %dma_start3A_70 : memref<1x16x768xf32, #tpu.memory_space<hbm>> -> memref<16x768xf32, #tpu.memory_space<hbm>>
        tpu.enqueue_dma source(%dma_start3A_71 : memref<16x768xf32, #tpu.memory_space<hbm>>) target(%arg16 : memref<16x768xf32, #tpu.memory_space<vmem>>) target_semaphore(%run_scoped3A_65 : memref<!tpu.dma_semaphore, #tpu.memory_space<semaphore_mem>>)
        %dma_wait3A_72 = arith.constant 0 : i32
        %dma_wait3A_73 = tpu.memref_slice %arg2[%run_scoped3A, %add3A_57, %dma_wait3A_72] : memref<4x4096x768xf32, #tpu.memory_space<hbm>> -> memref<1x16x768xf32, #tpu.memory_space<hbm>>
        %dma_wait3A_74 = tpu.memref_squeeze %dma_wait3A_73 : memref<1x16x768xf32, #tpu.memory_space<hbm>> -> memref<16x768xf32, #tpu.memory_space<hbm>>
        %dma_wait3A_75 = arith.constant 0 : i32
        %dma_wait3A_76 = tpu.memref_slice %arg2[%run_scoped3A, %add3A_57, %dma_wait3A_75] : memref<4x4096x768xf32, #tpu.memory_space<hbm>> -> memref<1x16x768xf32, #tpu.memory_space<hbm>>
        %dma_wait3A_77 = tpu.memref_squeeze %dma_wait3A_76 : memref<1x16x768xf32, #tpu.memory_space<hbm>> -> memref<16x768xf32, #tpu.memory_space<hbm>>
        tpu.wait_dma2 semaphore(%run_scoped3A_65 : memref<!tpu.dma_semaphore, #tpu.memory_space<semaphore_mem>>) src(%dma_wait3A_77 : memref<16x768xf32, #tpu.memory_space<hbm>>) dst(%arg16 : memref<16x768xf32, #tpu.memory_space<vmem>>)
        tpu.yield
      }) : () -> ()
      %scan3A_58 = arith.constant 0 : i32
      %scan3A_59 = arith.constant 0 : i32
      %scan3A_60 = arith.constant 16 : i32
      %scan3A_61 = arith.addi %scan3A_59, %scan3A_60 : i32
      %scan3A_62 = arith.constant 1 : i32
      scf.for %scan3A_65 = %scan3A_59 to %scan3A_61 step %scan3A_62  : i32 {
        %get3A = arith.index_cast %scan3A_65 : i32 to index
        %get3A_66 = arith.constant 0 : index
        %get3A_67 = tpu.vector_load %arg16[%get3A, %get3A_66] {strides = array<i32>} : memref<16x768xf32, #tpu.memory_space<vmem>>, vector<1x16xf32>,
        %get3A_68 = vector.shape_cast %get3A_67 : vector<1x16xf32> to vector<16xf32>
        %add3A_69 = arith.addi %mul3A_56, %scan3A_65 : i32
        %get3A_70 = arith.index_cast %add3A_69 : i32 to index
        %get3A_71 = arith.constant 0 : index
        %get3A_72 = tpu.vector_load %arg13[%get3A_70, %get3A_71] {strides = array<i32>} : memref<128x256xf32, #tpu.memory_space<vmem>>, vector<1x16xf32>,
        %get3A_73 = vector.shape_cast %get3A_72 : vector<1x16xf32> to vector<16xf32>
        %add3A_74 = arith.addf %get3A_68, %get3A_73 : vector<16xf32>
        %swap3A = arith.index_cast %scan3A_65 : i32 to index
        %swap3A_75 = arith.constant 0 : index
        %swap3A_76 = tpu.vector_load %arg16[%swap3A, %swap3A_75] {strides = array<i32>} : memref<16x768xf32, #tpu.memory_space<vmem>>, vector<1x16xf32>,
        %swap3A_77 = vector.shape_cast %swap3A_76 : vector<1x16xf32> to vector<16xf32>
        %swap3A_78 = vector.shape_cast %add3A_74 : vector<16xf32> to vector<1x16xf32>
        tpu.vector_store %arg16[%swap3A, %swap3A_75], %swap3A_78 {strides = array<i32>} : memref<16x768xf32, #tpu.memory_space<vmem>>, vector<1x16xf32>,
        %get3A_79 = arith.index_cast %scan3A_65 : i32 to index
        %get3A_80 = arith.constant 16 : index
        %get3A_81 = tpu.vector_load %arg16[%get3A_79, %get3A_80] {strides = array<i32>} : memref<16x768xf32, #tpu.memory_space<vmem>>, vector<1x16xf32>,
        %get3A_82 = vector.shape_cast %get3A_81 : vector<1x16xf32> to vector<16xf32>
        %add3A_83 = arith.addi %mul3A_56, %scan3A_65 : i32
        %get3A_84 = arith.index_cast %add3A_83 : i32 to index
        %get3A_85 = arith.constant 16 : index
        %get3A_86 = tpu.vector_load %arg13[%get3A_84, %get3A_85] {strides = array<i32>} : memref<128x256xf32, #tpu.memory_space<vmem>>, vector<1x16xf32>,
        %get3A_87 = vector.shape_cast %get3A_86 : vector<1x16xf32> to vector<16xf32>
        %add3A_88 = arith.addf %get3A_82, %get3A_87 : vector<16xf32>
        %swap3A_89 = arith.index_cast %scan3A_65 : i32 to index
        %swap3A_90 = arith.constant 16 : index
        %swap3A_91 = tpu.vector_load %arg16[%swap3A_89, %swap3A_90] {strides = array<i32>} : memref<16x768xf32, #tpu.memory_space<vmem>>, vector<1x16xf32>,
        %swap3A_92 = vector.shape_cast %swap3A_91 : vector<1x16xf32> to vector<16xf32>
        %swap3A_93 = vector.shape_cast %add3A_88 : vector<16xf32> to vector<1x16xf32>
        tpu.vector_store %arg16[%swap3A_89, %swap3A_90], %swap3A_93 {strides = array<i32>} : memref<16x768xf32, #tpu.memory_space<vmem>>, vector<1x16xf32>,
        %get3A_94 = arith.index_cast %scan3A_65 : i32 to index
        %get3A_95 = arith.constant 32 : index
        %get3A_96 = tpu.vector_load %arg16[%get3A_94, %get3A_95] {strides = array<i32>} : memref<16x768xf32, #tpu.memory_space<vmem>>, vector<1x16xf32>,
        %get3A_97 = vector.shape_cast %get3A_96 : vector<1x16xf32> to vector<16xf32>
        %add3A_98 = arith.addi %mul3A_56, %scan3A_65 : i32
        %get3A_99 = arith.index_cast %add3A_98 : i32 to index
        %get3A_100 = arith.constant 32 : index
        %get3A_101 = tpu.vector_load %arg13[%get3A_99, %get3A_100] {strides = array<i32>} : memref<128x256xf32, #tpu.memory_space<vmem>>, vector<1x16xf32>,
        %get3A_102 = vector.shape_cast %get3A_101 : vector<1x16xf32> to vector<16xf32>
        %add3A_103 = arith.addf %get3A_97, %get3A_102 : vector<16xf32>
        %swap3A_104 = arith.index_cast %scan3A_65 : i32 to index
        %swap3A_105 = arith.constant 32 : index
        %swap3A_106 = tpu.vector_load %arg16[%swap3A_104, %swap3A_105] {strides = array<i32>} : memref<16x768xf32, #tpu.memory_space<vmem>>, vector<1x16xf32>,
        %swap3A_107 = vector.shape_cast %swap3A_106 : vector<1x16xf32> to vector<16xf32>
        %swap3A_108 = vector.shape_cast %add3A_103 : vector<16xf32> to vector<1x16xf32>
        tpu.vector_store %arg16[%swap3A_104, %swap3A_105], %swap3A_108 {strides = array<i32>} : memref<16x768xf32, #tpu.memory_space<vmem>>, vector<1x16xf32>,
        %get3A_109 = arith.index_cast %scan3A_65 : i32 to index
        %get3A_110 = arith.constant 48 : index
        %get3A_111 = tpu.vector_load %arg16[%get3A_109, %get3A_110] {strides = array<i32>} : memref<16x768xf32, #tpu.memory_space<vmem>>, vector<1x16xf32>,
        %get3A_112 = vector.shape_cast %get3A_111 : vector<1x16xf32> to vector<16xf32>
        %add3A_113 = arith.addi %mul3A_56, %scan3A_65 : i32
        %get3A_114 = arith.index_cast %add3A_113 : i32 to index
        %get3A_115 = arith.constant 48 : index
        %get3A_116 = tpu.vector_load %arg13[%get3A_114, %get3A_115] {strides = array<i32>} : memref<128x256xf32, #tpu.memory_space<vmem>>, vector<1x16xf32>,
        %get3A_117 = vector.shape_cast %get3A_116 : vector<1x16xf32> to vector<16xf32>
        %add3A_118 = arith.addf %get3A_112, %get3A_117 : vector<16xf32>
        %swap3A_119 = arith.index_cast %scan3A_65 : i32 to index
        %swap3A_120 = arith.constant 48 : index
        %swap3A_121 = tpu.vector_load %arg16[%swap3A_119, %swap3A_120] {strides = array<i32>} : memref<16x768xf32, #tpu.memory_space<vmem>>, vector<1x16xf32>,
        %swap3A_122 = vector.shape_cast %swap3A_121 : vector<1x16xf32> to vector<16xf32>
        %swap3A_123 = vector.shape_cast %add3A_118 : vector<16xf32> to vector<1x16xf32>
        tpu.vector_store %arg16[%swap3A_119, %swap3A_120], %swap3A_123 {strides = array<i32>} : memref<16x768xf32, #tpu.memory_space<vmem>>, vector<1x16xf32>,
        %get3A_124 = arith.index_cast %scan3A_65 : i32 to index
        %get3A_125 = arith.constant 64 : index
        %get3A_126 = tpu.vector_load %arg16[%get3A_124, %get3A_125] {strides = array<i32>} : memref<16x768xf32, #tpu.memory_space<vmem>>, vector<1x16xf32>,
        %get3A_127 = vector.shape_cast %get3A_126 : vector<1x16xf32> to vector<16xf32>
        %add3A_128 = arith.addi %mul3A_56, %scan3A_65 : i32
        %get3A_129 = arith.index_cast %add3A_128 : i32 to index
        %get3A_130 = arith.constant 64 : index
        %get3A_131 = tpu.vector_load %arg13[%get3A_129, %get3A_130] {strides = array<i32>} : memref<128x256xf32, #tpu.memory_space<vmem>>, vector<1x16xf32>,
        %get3A_132 = vector.shape_cast %get3A_131 : vector<1x16xf32> to vector<16xf32>
        %add3A_133 = arith.addf %get3A_127, %get3A_132 : vector<16xf32>
        %swap3A_134 = arith.index_cast %scan3A_65 : i32 to index
        %swap3A_135 = arith.constant 64 : index
        %swap3A_136 = tpu.vector_load %arg16[%swap3A_134, %swap3A_135] {strides = array<i32>} : memref<16x768xf32, #tpu.memory_space<vmem>>, vector<1x16xf32>,
        %swap3A_137 = vector.shape_cast %swap3A_136 : vector<1x16xf32> to vector<16xf32>
        %swap3A_138 = vector.shape_cast %add3A_133 : vector<16xf32> to vector<1x16xf32>
        tpu.vector_store %arg16[%swap3A_134, %swap3A_135], %swap3A_138 {strides = array<i32>} : memref<16x768xf32, #tpu.memory_space<vmem>>, vector<1x16xf32>,
        %get3A_139 = arith.index_cast %scan3A_65 : i32 to index
        %get3A_140 = arith.constant 80 : index
        %get3A_141 = tpu.vector_load %arg16[%get3A_139, %get3A_140] {strides = array<i32>} : memref<16x768xf32, #tpu.memory_space<vmem>>, vector<1x16xf32>,
        %get3A_142 = vector.shape_cast %get3A_141 : vector<1x16xf32> to vector<16xf32>
        %add3A_143 = arith.addi %mul3A_56, %scan3A_65 : i32
        %get3A_144 = arith.index_cast %add3A_143 : i32 to index
        %get3A_145 = arith.constant 80 : index
        %get3A_146 = tpu.vector_load %arg13[%get3A_144, %get3A_145] {strides = array<i32>} : memref<128x256xf32, #tpu.memory_space<vmem>>, vector<1x16xf32>,
        %get3A_147 = vector.shape_cast %get3A_146 : vector<1x16xf32> to vector<16xf32>
        %add3A_148 = arith.addf %get3A_142, %get3A_147 : vector<16xf32>
        %swap3A_149 = arith.index_cast %scan3A_65 : i32 to index
        %swap3A_150 = arith.constant 80 : index
        %swap3A_151 = tpu.vector_load %arg16[%swap3A_149, %swap3A_150] {strides = array<i32>} : memref<16x768xf32, #tpu.memory_space<vmem>>, vector<1x16xf32>,
        %swap3A_152 = vector.shape_cast %swap3A_151 : vector<1x16xf32> to vector<16xf32>
        %swap3A_153 = vector.shape_cast %add3A_148 : vector<16xf32> to vector<1x16xf32>
        tpu.vector_store %arg16[%swap3A_149, %swap3A_150], %swap3A_153 {strides = array<i32>} : memref<16x768xf32, #tpu.memory_space<vmem>>, vector<1x16xf32>,
        %get3A_154 = arith.index_cast %scan3A_65 : i32 to index
        %get3A_155 = arith.constant 96 : index
        %get3A_156 = tpu.vector_load %arg16[%get3A_154, %get3A_155] {strides = array<i32>} : memref<16x768xf32, #tpu.memory_space<vmem>>, vector<1x16xf32>,
        %get3A_157 = vector.shape_cast %get3A_156 : vector<1x16xf32> to vector<16xf32>
        %add3A_158 = arith.addi %mul3A_56, %scan3A_65 : i32
        %get3A_159 = arith.index_cast %add3A_158 : i32 to index
        %get3A_160 = arith.constant 96 : index
        %get3A_161 = tpu.vector_load %arg13[%get3A_159, %get3A_160] {strides = array<i32>} : memref<128x256xf32, #tpu.memory_space<vmem>>, vector<1x16xf32>,
        %get3A_162 = vector.shape_cast %get3A_161 : vector<1x16xf32> to vector<16xf32>
        %add3A_163 = arith.addf %get3A_157, %get3A_162 : vector<16xf32>
        %swap3A_164 = arith.index_cast %scan3A_65 : i32 to index
        %swap3A_165 = arith.constant 96 : index
        %swap3A_166 = tpu.vector_load %arg16[%swap3A_164, %swap3A_165] {strides = array<i32>} : memref<16x768xf32, #tpu.memory_space<vmem>>, vector<1x16xf32>,
        %swap3A_167 = vector.shape_cast %swap3A_166 : vector<1x16xf32> to vector<16xf32>
        %swap3A_168 = vector.shape_cast %add3A_163 : vector<16xf32> to vector<1x16xf32>
        tpu.vector_store %arg16[%swap3A_164, %swap3A_165], %swap3A_168 {strides = array<i32>} : memref<16x768xf32, #tpu.memory_space<vmem>>, vector<1x16xf32>,
        %get3A_169 = arith.index_cast %scan3A_65 : i32 to index
        %get3A_170 = arith.constant 112 : index
        %get3A_171 = tpu.vector_load %arg16[%get3A_169, %get3A_170] {strides = array<i32>} : memref<16x768xf32, #tpu.memory_space<vmem>>, vector<1x16xf32>,
        %get3A_172 = vector.shape_cast %get3A_171 : vector<1x16xf32> to vector<16xf32>
        %add3A_173 = arith.addi %mul3A_56, %scan3A_65 : i32
        %get3A_174 = arith.index_cast %add3A_173 : i32 to index
        %get3A_175 = arith.constant 112 : index
        %get3A_176 = tpu.vector_load %arg13[%get3A_174, %get3A_175] {strides = array<i32>} : memref<128x256xf32, #tpu.memory_space<vmem>>, vector<1x16xf32>,
        %get3A_177 = vector.shape_cast %get3A_176 : vector<1x16xf32> to vector<16xf32>
        %add3A_178 = arith.addf %get3A_172, %get3A_177 : vector<16xf32>
        %swap3A_179 = arith.index_cast %scan3A_65 : i32 to index
        %swap3A_180 = arith.constant 112 : index
        %swap3A_181 = tpu.vector_load %arg16[%swap3A_179, %swap3A_180] {strides = array<i32>} : memref<16x768xf32, #tpu.memory_space<vmem>>, vector<1x16xf32>,
        %swap3A_182 = vector.shape_cast %swap3A_181 : vector<1x16xf32> to vector<16xf32>
        %swap3A_183 = vector.shape_cast %add3A_178 : vector<16xf32> to vector<1x16xf32>
        tpu.vector_store %arg16[%swap3A_179, %swap3A_180], %swap3A_183 {strides = array<i32>} : memref<16x768xf32, #tpu.memory_space<vmem>>, vector<1x16xf32>,
        %get3A_184 = arith.index_cast %scan3A_65 : i32 to index
        %get3A_185 = arith.constant 128 : index
        %get3A_186 = tpu.vector_load %arg16[%get3A_184, %get3A_185] {strides = array<i32>} : memref<16x768xf32, #tpu.memory_space<vmem>>, vector<1x16xf32>,
        %get3A_187 = vector.shape_cast %get3A_186 : vector<1x16xf32> to vector<16xf32>
        %add3A_188 = arith.addi %mul3A_56, %scan3A_65 : i32
        %get3A_189 = arith.index_cast %add3A_188 : i32 to index
        %get3A_190 = arith.constant 128 : index
        %get3A_191 = tpu.vector_load %arg13[%get3A_189, %get3A_190] {strides = array<i32>} : memref<128x256xf32, #tpu.memory_space<vmem>>, vector<1x16xf32>,
        %get3A_192 = vector.shape_cast %get3A_191 : vector<1x16xf32> to vector<16xf32>
        %add3A_193 = arith.addf %get3A_187, %get3A_192 : vector<16xf32>
        %swap3A_194 = arith.index_cast %scan3A_65 : i32 to index
        %swap3A_195 = arith.constant 128 : index
        %swap3A_196 = tpu.vector_load %arg16[%swap3A_194, %swap3A_195] {strides = array<i32>} : memref<16x768xf32, #tpu.memory_space<vmem>>, vector<1x16xf32>,
        %swap3A_197 = vector.shape_cast %swap3A_196 : vector<1x16xf32> to vector<16xf32>
        %swap3A_198 = vector.shape_cast %add3A_193 : vector<16xf32> to vector<1x16xf32>
        tpu.vector_store %arg16[%swap3A_194, %swap3A_195], %swap3A_198 {strides = array<i32>} : memref<16x768xf32, #tpu.memory_space<vmem>>, vector<1x16xf32>,
        %get3A_199 = arith.index_cast %scan3A_65 : i32 to index
        %get3A_200 = arith.constant 144 : index
        %get3A_201 = tpu.vector_load %arg16[%get3A_199, %get3A_200] {strides = array<i32>} : memref<16x768xf32, #tpu.memory_space<vmem>>, vector<1x16xf32>,
        %get3A_202 = vector.shape_cast %get3A_201 : vector<1x16xf32> to vector<16xf32>
        %add3A_203 = arith.addi %mul3A_56, %scan3A_65 : i32
        %get3A_204 = arith.index_cast %add3A_203 : i32 to index
        %get3A_205 = arith.constant 144 : index
        %get3A_206 = tpu.vector_load %arg13[%get3A_204, %get3A_205] {strides = array<i32>} : memref<128x256xf32, #tpu.memory_space<vmem>>, vector<1x16xf32>,
        %get3A_207 = vector.shape_cast %get3A_206 : vector<1x16xf32> to vector<16xf32>
        %add3A_208 = arith.addf %get3A_202, %get3A_207 : vector<16xf32>
        %swap3A_209 = arith.index_cast %scan3A_65 : i32 to index
        %swap3A_210 = arith.constant 144 : index
        %swap3A_211 = tpu.vector_load %arg16[%swap3A_209, %swap3A_210] {strides = array<i32>} : memref<16x768xf32, #tpu.memory_space<vmem>>, vector<1x16xf32>,
        %swap3A_212 = vector.shape_cast %swap3A_211 : vector<1x16xf32> to vector<16xf32>
        %swap3A_213 = vector.shape_cast %add3A_208 : vector<16xf32> to vector<1x16xf32>
        tpu.vector_store %arg16[%swap3A_209, %swap3A_210], %swap3A_213 {strides = array<i32>} : memref<16x768xf32, #tpu.memory_space<vmem>>, vector<1x16xf32>,
        %get3A_214 = arith.index_cast %scan3A_65 : i32 to index
        %get3A_215 = arith.constant 160 : index
        %get3A_216 = tpu.vector_load %arg16[%get3A_214, %get3A_215] {strides = array<i32>} : memref<16x768xf32, #tpu.memory_space<vmem>>, vector<1x16xf32>,
        %get3A_217 = vector.shape_cast %get3A_216 : vector<1x16xf32> to vector<16xf32>
        %add3A_218 = arith.addi %mul3A_56, %scan3A_65 : i32
        %get3A_219 = arith.index_cast %add3A_218 : i32 to index
        %get3A_220 = arith.constant 160 : index
        %get3A_221 = tpu.vector_load %arg13[%get3A_219, %get3A_220] {strides = array<i32>} : memref<128x256xf32, #tpu.memory_space<vmem>>, vector<1x16xf32>,
        %get3A_222 = vector.shape_cast %get3A_221 : vector<1x16xf32> to vector<16xf32>
        %add3A_223 = arith.addf %get3A_217, %get3A_222 : vector<16xf32>
        %swap3A_224 = arith.index_cast %scan3A_65 : i32 to index
        %swap3A_225 = arith.constant 160 : index
        %swap3A_226 = tpu.vector_load %arg16[%swap3A_224, %swap3A_225] {strides = array<i32>} : memref<16x768xf32, #tpu.memory_space<vmem>>, vector<1x16xf32>,
        %swap3A_227 = vector.shape_cast %swap3A_226 : vector<1x16xf32> to vector<16xf32>
        %swap3A_228 = vector.shape_cast %add3A_223 : vector<16xf32> to vector<1x16xf32>
        tpu.vector_store %arg16[%swap3A_224, %swap3A_225], %swap3A_228 {strides = array<i32>} : memref<16x768xf32, #tpu.memory_space<vmem>>, vector<1x16xf32>,
        %get3A_229 = arith.index_cast %scan3A_65 : i32 to index
        %get3A_230 = arith.constant 176 : index
        %get3A_231 = tpu.vector_load %arg16[%get3A_229, %get3A_230] {strides = array<i32>} : memref<16x768xf32, #tpu.memory_space<vmem>>, vector<1x16xf32>,
        %get3A_232 = vector.shape_cast %get3A_231 : vector<1x16xf32> to vector<16xf32>
        %add3A_233 = arith.addi %mul3A_56, %scan3A_65 : i32
        %get3A_234 = arith.index_cast %add3A_233 : i32 to index
        %get3A_235 = arith.constant 176 : index
        %get3A_236 = tpu.vector_load %arg13[%get3A_234, %get3A_235] {strides = array<i32>} : memref<128x256xf32, #tpu.memory_space<vmem>>, vector<1x16xf32>,
        %get3A_237 = vector.shape_cast %get3A_236 : vector<1x16xf32> to vector<16xf32>
        %add3A_238 = arith.addf %get3A_232, %get3A_237 : vector<16xf32>
        %swap3A_239 = arith.index_cast %scan3A_65 : i32 to index
        %swap3A_240 = arith.constant 176 : index
        %swap3A_241 = tpu.vector_load %arg16[%swap3A_239, %swap3A_240] {strides = array<i32>} : memref<16x768xf32, #tpu.memory_space<vmem>>, vector<1x16xf32>,
        %swap3A_242 = vector.shape_cast %swap3A_241 : vector<1x16xf32> to vector<16xf32>
        %swap3A_243 = vector.shape_cast %add3A_238 : vector<16xf32> to vector<1x16xf32>
        tpu.vector_store %arg16[%swap3A_239, %swap3A_240], %swap3A_243 {strides = array<i32>} : memref<16x768xf32, #tpu.memory_space<vmem>>, vector<1x16xf32>,
        %get3A_244 = arith.index_cast %scan3A_65 : i32 to index
        %get3A_245 = arith.constant 192 : index
        %get3A_246 = tpu.vector_load %arg16[%get3A_244, %get3A_245] {strides = array<i32>} : memref<16x768xf32, #tpu.memory_space<vmem>>, vector<1x16xf32>,
        %get3A_247 = vector.shape_cast %get3A_246 : vector<1x16xf32> to vector<16xf32>
        %add3A_248 = arith.addi %mul3A_56, %scan3A_65 : i32
        %get3A_249 = arith.index_cast %add3A_248 : i32 to index
        %get3A_250 = arith.constant 192 : index
        %get3A_251 = tpu.vector_load %arg13[%get3A_249, %get3A_250] {strides = array<i32>} : memref<128x256xf32, #tpu.memory_space<vmem>>, vector<1x16xf32>,
        %get3A_252 = vector.shape_cast %get3A_251 : vector<1x16xf32> to vector<16xf32>
        %add3A_253 = arith.addf %get3A_247, %get3A_252 : vector<16xf32>
        %swap3A_254 = arith.index_cast %scan3A_65 : i32 to index
        %swap3A_255 = arith.constant 192 : index
        %swap3A_256 = tpu.vector_load %arg16[%swap3A_254, %swap3A_255] {strides = array<i32>} : memref<16x768xf32, #tpu.memory_space<vmem>>, vector<1x16xf32>,
        %swap3A_257 = vector.shape_cast %swap3A_256 : vector<1x16xf32> to vector<16xf32>
        %swap3A_258 = vector.shape_cast %add3A_253 : vector<16xf32> to vector<1x16xf32>
        tpu.vector_store %arg16[%swap3A_254, %swap3A_255], %swap3A_258 {strides = array<i32>} : memref<16x768xf32, #tpu.memory_space<vmem>>, vector<1x16xf32>,
        %get3A_259 = arith.index_cast %scan3A_65 : i32 to index
        %get3A_260 = arith.constant 208 : index
        %get3A_261 = tpu.vector_load %arg16[%get3A_259, %get3A_260] {strides = array<i32>} : memref<16x768xf32, #tpu.memory_space<vmem>>, vector<1x16xf32>,
        %get3A_262 = vector.shape_cast %get3A_261 : vector<1x16xf32> to vector<16xf32>
        %add3A_263 = arith.addi %mul3A_56, %scan3A_65 : i32
        %get3A_264 = arith.index_cast %add3A_263 : i32 to index
        %get3A_265 = arith.constant 208 : index
        %get3A_266 = tpu.vector_load %arg13[%get3A_264, %get3A_265] {strides = array<i32>} : memref<128x256xf32, #tpu.memory_space<vmem>>, vector<1x16xf32>,
        %get3A_267 = vector.shape_cast %get3A_266 : vector<1x16xf32> to vector<16xf32>
        %add3A_268 = arith.addf %get3A_262, %get3A_267 : vector<16xf32>
        %swap3A_269 = arith.index_cast %scan3A_65 : i32 to index
        %swap3A_270 = arith.constant 208 : index
        %swap3A_271 = tpu.vector_load %arg16[%swap3A_269, %swap3A_270] {strides = array<i32>} : memref<16x768xf32, #tpu.memory_space<vmem>>, vector<1x16xf32>,
        %swap3A_272 = vector.shape_cast %swap3A_271 : vector<1x16xf32> to vector<16xf32>
        %swap3A_273 = vector.shape_cast %add3A_268 : vector<16xf32> to vector<1x16xf32>
        tpu.vector_store %arg16[%swap3A_269, %swap3A_270], %swap3A_273 {strides = array<i32>} : memref<16x768xf32, #tpu.memory_space<vmem>>, vector<1x16xf32>,
        %get3A_274 = arith.index_cast %scan3A_65 : i32 to index
        %get3A_275 = arith.constant 224 : index
        %get3A_276 = tpu.vector_load %arg16[%get3A_274, %get3A_275] {strides = array<i32>} : memref<16x768xf32, #tpu.memory_space<vmem>>, vector<1x16xf32>,
        %get3A_277 = vector.shape_cast %get3A_276 : vector<1x16xf32> to vector<16xf32>
        %add3A_278 = arith.addi %mul3A_56, %scan3A_65 : i32
        %get3A_279 = arith.index_cast %add3A_278 : i32 to index
        %get3A_280 = arith.constant 224 : index
        %get3A_281 = tpu.vector_load %arg13[%get3A_279, %get3A_280] {strides = array<i32>} : memref<128x256xf32, #tpu.memory_space<vmem>>, vector<1x16xf32>,
        %get3A_282 = vector.shape_cast %get3A_281 : vector<1x16xf32> to vector<16xf32>
        %add3A_283 = arith.addf %get3A_277, %get3A_282 : vector<16xf32>
        %swap3A_284 = arith.index_cast %scan3A_65 : i32 to index
        %swap3A_285 = arith.constant 224 : index
        %swap3A_286 = tpu.vector_load %arg16[%swap3A_284, %swap3A_285] {strides = array<i32>} : memref<16x768xf32, #tpu.memory_space<vmem>>, vector<1x16xf32>,
        %swap3A_287 = vector.shape_cast %swap3A_286 : vector<1x16xf32> to vector<16xf32>
        %swap3A_288 = vector.shape_cast %add3A_283 : vector<16xf32> to vector<1x16xf32>
        tpu.vector_store %arg16[%swap3A_284, %swap3A_285], %swap3A_288 {strides = array<i32>} : memref<16x768xf32, #tpu.memory_space<vmem>>, vector<1x16xf32>,
        %get3A_289 = arith.index_cast %scan3A_65 : i32 to index
        %get3A_290 = arith.constant 240 : index
        %get3A_291 = tpu.vector_load %arg16[%get3A_289, %get3A_290] {strides = array<i32>} : memref<16x768xf32, #tpu.memory_space<vmem>>, vector<1x16xf32>,
        %get3A_292 = vector.shape_cast %get3A_291 : vector<1x16xf32> to vector<16xf32>
        %add3A_293 = arith.addi %mul3A_56, %scan3A_65 : i32
        %get3A_294 = arith.index_cast %add3A_293 : i32 to index
        %get3A_295 = arith.constant 240 : index
        %get3A_296 = tpu.vector_load %arg13[%get3A_294, %get3A_295] {strides = array<i32>} : memref<128x256xf32, #tpu.memory_space<vmem>>, vector<1x16xf32>,
        %get3A_297 = vector.shape_cast %get3A_296 : vector<1x16xf32> to vector<16xf32>
        %add3A_298 = arith.addf %get3A_292, %get3A_297 : vector<16xf32>
        %swap3A_299 = arith.index_cast %scan3A_65 : i32 to index
        %swap3A_300 = arith.constant 240 : index
        %swap3A_301 = tpu.vector_load %arg16[%swap3A_299, %swap3A_300] {strides = array<i32>} : memref<16x768xf32, #tpu.memory_space<vmem>>, vector<1x16xf32>,
        %swap3A_302 = vector.shape_cast %swap3A_301 : vector<1x16xf32> to vector<16xf32>
        %swap3A_303 = vector.shape_cast %add3A_298 : vector<16xf32> to vector<1x16xf32>
        tpu.vector_store %arg16[%swap3A_299, %swap3A_300], %swap3A_303 {strides = array<i32>} : memref<16x768xf32, #tpu.memory_space<vmem>>, vector<1x16xf32>,
        %get3A_304 = arith.index_cast %scan3A_65 : i32 to index
        %get3A_305 = arith.constant 256 : index
        %get3A_306 = tpu.vector_load %arg16[%get3A_304, %get3A_305] {strides = array<i32>} : memref<16x768xf32, #tpu.memory_space<vmem>>, vector<1x16xf32>,
        %get3A_307 = vector.shape_cast %get3A_306 : vector<1x16xf32> to vector<16xf32>
        %add3A_308 = arith.addi %mul3A_56, %scan3A_65 : i32
        %get3A_309 = arith.index_cast %add3A_308 : i32 to index
        %get3A_310 = arith.constant 0 : index
        %get3A_311 = tpu.vector_load %arg14[%get3A_309, %get3A_310] {strides = array<i32>} : memref<128x256xf32, #tpu.memory_space<vmem>>, vector<1x16xf32>,
        %get3A_312 = vector.shape_cast %get3A_311 : vector<1x16xf32> to vector<16xf32>
        %add3A_313 = arith.addf %get3A_307, %get3A_312 : vector<16xf32>
        %swap3A_314 = arith.index_cast %scan3A_65 : i32 to index
        %swap3A_315 = arith.constant 256 : index
        %swap3A_316 = tpu.vector_load %arg16[%swap3A_314, %swap3A_315] {strides = array<i32>} : memref<16x768xf32, #tpu.memory_space<vmem>>, vector<1x16xf32>,
        %swap3A_317 = vector.shape_cast %swap3A_316 : vector<1x16xf32> to vector<16xf32>
        %swap3A_318 = vector.shape_cast %add3A_313 : vector<16xf32> to vector<1x16xf32>
        tpu.vector_store %arg16[%swap3A_314, %swap3A_315], %swap3A_318 {strides = array<i32>} : memref<16x768xf32, #tpu.memory_space<vmem>>, vector<1x16xf32>,
        %get3A_319 = arith.index_cast %scan3A_65 : i32 to index
        %get3A_320 = arith.constant 272 : index
        %get3A_321 = tpu.vector_load %arg16[%get3A_319, %get3A_320] {strides = array<i32>} : memref<16x768xf32, #tpu.memory_space<vmem>>, vector<1x16xf32>,
        %get3A_322 = vector.shape_cast %get3A_321 : vector<1x16xf32> to vector<16xf32>
        %add3A_323 = arith.addi %mul3A_56, %scan3A_65 : i32
        %get3A_324 = arith.index_cast %add3A_323 : i32 to index
        %get3A_325 = arith.constant 16 : index
        %get3A_326 = tpu.vector_load %arg14[%get3A_324, %get3A_325] {strides = array<i32>} : memref<128x256xf32, #tpu.memory_space<vmem>>, vector<1x16xf32>,
        %get3A_327 = vector.shape_cast %get3A_326 : vector<1x16xf32> to vector<16xf32>
        %add3A_328 = arith.addf %get3A_322, %get3A_327 : vector<16xf32>
        %swap3A_329 = arith.index_cast %scan3A_65 : i32 to index
        %swap3A_330 = arith.constant 272 : index
        %swap3A_331 = tpu.vector_load %arg16[%swap3A_329, %swap3A_330] {strides = array<i32>} : memref<16x768xf32, #tpu.memory_space<vmem>>, vector<1x16xf32>,
        %swap3A_332 = vector.shape_cast %swap3A_331 : vector<1x16xf32> to vector<16xf32>
        %swap3A_333 = vector.shape_cast %add3A_328 : vector<16xf32> to vector<1x16xf32>
        tpu.vector_store %arg16[%swap3A_329, %swap3A_330], %swap3A_333 {strides = array<i32>} : memref<16x768xf32, #tpu.memory_space<vmem>>, vector<1x16xf32>,
        %get3A_334 = arith.index_cast %scan3A_65 : i32 to index
        %get3A_335 = arith.constant 288 : index
        %get3A_336 = tpu.vector_load %arg16[%get3A_334, %get3A_335] {strides = array<i32>} : memref<16x768xf32, #tpu.memory_space<vmem>>, vector<1x16xf32>,
        %get3A_337 = vector.shape_cast %get3A_336 : vector<1x16xf32> to vector<16xf32>
        %add3A_338 = arith.addi %mul3A_56, %scan3A_65 : i32
        %get3A_339 = arith.index_cast %add3A_338 : i32 to index
        %get3A_340 = arith.constant 32 : index
        %get3A_341 = tpu.vector_load %arg14[%get3A_339, %get3A_340] {strides = array<i32>} : memref<128x256xf32, #tpu.memory_space<vmem>>, vector<1x16xf32>,
        %get3A_342 = vector.shape_cast %get3A_341 : vector<1x16xf32> to vector<16xf32>
        %add3A_343 = arith.addf %get3A_337, %get3A_342 : vector<16xf32>
        %swap3A_344 = arith.index_cast %scan3A_65 : i32 to index
        %swap3A_345 = arith.constant 288 : index
        %swap3A_346 = tpu.vector_load %arg16[%swap3A_344, %swap3A_345] {strides = array<i32>} : memref<16x768xf32, #tpu.memory_space<vmem>>, vector<1x16xf32>,
        %swap3A_347 = vector.shape_cast %swap3A_346 : vector<1x16xf32> to vector<16xf32>
        %swap3A_348 = vector.shape_cast %add3A_343 : vector<16xf32> to vector<1x16xf32>
        tpu.vector_store %arg16[%swap3A_344, %swap3A_345], %swap3A_348 {strides = array<i32>} : memref<16x768xf32, #tpu.memory_space<vmem>>, vector<1x16xf32>,
        %get3A_349 = arith.index_cast %scan3A_65 : i32 to index
        %get3A_350 = arith.constant 304 : index
        %get3A_351 = tpu.vector_load %arg16[%get3A_349, %get3A_350] {strides = array<i32>} : memref<16x768xf32, #tpu.memory_space<vmem>>, vector<1x16xf32>,
        %get3A_352 = vector.shape_cast %get3A_351 : vector<1x16xf32> to vector<16xf32>
        %add3A_353 = arith.addi %mul3A_56, %scan3A_65 : i32
        %get3A_354 = arith.index_cast %add3A_353 : i32 to index
        %get3A_355 = arith.constant 48 : index
        %get3A_356 = tpu.vector_load %arg14[%get3A_354, %get3A_355] {strides = array<i32>} : memref<128x256xf32, #tpu.memory_space<vmem>>, vector<1x16xf32>,
        %get3A_357 = vector.shape_cast %get3A_356 : vector<1x16xf32> to vector<16xf32>
        %add3A_358 = arith.addf %get3A_352, %get3A_357 : vector<16xf32>
        %swap3A_359 = arith.index_cast %scan3A_65 : i32 to index
        %swap3A_360 = arith.constant 304 : index
        %swap3A_361 = tpu.vector_load %arg16[%swap3A_359, %swap3A_360] {strides = array<i32>} : memref<16x768xf32, #tpu.memory_space<vmem>>, vector<1x16xf32>,
        %swap3A_362 = vector.shape_cast %swap3A_361 : vector<1x16xf32> to vector<16xf32>
        %swap3A_363 = vector.shape_cast %add3A_358 : vector<16xf32> to vector<1x16xf32>
        tpu.vector_store %arg16[%swap3A_359, %swap3A_360], %swap3A_363 {strides = array<i32>} : memref<16x768xf32, #tpu.memory_space<vmem>>, vector<1x16xf32>,
        %get3A_364 = arith.index_cast %scan3A_65 : i32 to index
        %get3A_365 = arith.constant 320 : index
        %get3A_366 = tpu.vector_load %arg16[%get3A_364, %get3A_365] {strides = array<i32>} : memref<16x768xf32, #tpu.memory_space<vmem>>, vector<1x16xf32>,
        %get3A_367 = vector.shape_cast %get3A_366 : vector<1x16xf32> to vector<16xf32>
        %add3A_368 = arith.addi %mul3A_56, %scan3A_65 : i32
        %get3A_369 = arith.index_cast %add3A_368 : i32 to index
        %get3A_370 = arith.constant 64 : index
        %get3A_371 = tpu.vector_load %arg14[%get3A_369, %get3A_370] {strides = array<i32>} : memref<128x256xf32, #tpu.memory_space<vmem>>, vector<1x16xf32>,
        %get3A_372 = vector.shape_cast %get3A_371 : vector<1x16xf32> to vector<16xf32>
        %add3A_373 = arith.addf %get3A_367, %get3A_372 : vector<16xf32>
        %swap3A_374 = arith.index_cast %scan3A_65 : i32 to index
        %swap3A_375 = arith.constant 320 : index
        %swap3A_376 = tpu.vector_load %arg16[%swap3A_374, %swap3A_375] {strides = array<i32>} : memref<16x768xf32, #tpu.memory_space<vmem>>, vector<1x16xf32>,
        %swap3A_377 = vector.shape_cast %swap3A_376 : vector<1x16xf32> to vector<16xf32>
        %swap3A_378 = vector.shape_cast %add3A_373 : vector<16xf32> to vector<1x16xf32>
        tpu.vector_store %arg16[%swap3A_374, %swap3A_375], %swap3A_378 {strides = array<i32>} : memref<16x768xf32, #tpu.memory_space<vmem>>, vector<1x16xf32>,
        %get3A_379 = arith.index_cast %scan3A_65 : i32 to index
        %get3A_380 = arith.constant 336 : index
        %get3A_381 = tpu.vector_load %arg16[%get3A_379, %get3A_380] {strides = array<i32>} : memref<16x768xf32, #tpu.memory_space<vmem>>, vector<1x16xf32>,
        %get3A_382 = vector.shape_cast %get3A_381 : vector<1x16xf32> to vector<16xf32>
        %add3A_383 = arith.addi %mul3A_56, %scan3A_65 : i32
        %get3A_384 = arith.index_cast %add3A_383 : i32 to index
        %get3A_385 = arith.constant 80 : index
        %get3A_386 = tpu.vector_load %arg14[%get3A_384, %get3A_385] {strides = array<i32>} : memref<128x256xf32, #tpu.memory_space<vmem>>, vector<1x16xf32>,
        %get3A_387 = vector.shape_cast %get3A_386 : vector<1x16xf32> to vector<16xf32>
        %add3A_388 = arith.addf %get3A_382, %get3A_387 : vector<16xf32>
        %swap3A_389 = arith.index_cast %scan3A_65 : i32 to index
        %swap3A_390 = arith.constant 336 : index
        %swap3A_391 = tpu.vector_load %arg16[%swap3A_389, %swap3A_390] {strides = array<i32>} : memref<16x768xf32, #tpu.memory_space<vmem>>, vector<1x16xf32>,
        %swap3A_392 = vector.shape_cast %swap3A_391 : vector<1x16xf32> to vector<16xf32>
        %swap3A_393 = vector.shape_cast %add3A_388 : vector<16xf32> to vector<1x16xf32>
        tpu.vector_store %arg16[%swap3A_389, %swap3A_390], %swap3A_393 {strides = array<i32>} : memref<16x768xf32, #tpu.memory_space<vmem>>, vector<1x16xf32>,
        %get3A_394 = arith.index_cast %scan3A_65 : i32 to index
        %get3A_395 = arith.constant 352 : index
        %get3A_396 = tpu.vector_load %arg16[%get3A_394, %get3A_395] {strides = array<i32>} : memref<16x768xf32, #tpu.memory_space<vmem>>, vector<1x16xf32>,
        %get3A_397 = vector.shape_cast %get3A_396 : vector<1x16xf32> to vector<16xf32>
        %add3A_398 = arith.addi %mul3A_56, %scan3A_65 : i32
        %get3A_399 = arith.index_cast %add3A_398 : i32 to index
        %get3A_400 = arith.constant 96 : index
        %get3A_401 = tpu.vector_load %arg14[%get3A_399, %get3A_400] {strides = array<i32>} : memref<128x256xf32, #tpu.memory_space<vmem>>, vector<1x16xf32>,
        %get3A_402 = vector.shape_cast %get3A_401 : vector<1x16xf32> to vector<16xf32>
        %add3A_403 = arith.addf %get3A_397, %get3A_402 : vector<16xf32>
        %swap3A_404 = arith.index_cast %scan3A_65 : i32 to index
        %swap3A_405 = arith.constant 352 : index
        %swap3A_406 = tpu.vector_load %arg16[%swap3A_404, %swap3A_405] {strides = array<i32>} : memref<16x768xf32, #tpu.memory_space<vmem>>, vector<1x16xf32>,
        %swap3A_407 = vector.shape_cast %swap3A_406 : vector<1x16xf32> to vector<16xf32>
        %swap3A_408 = vector.shape_cast %add3A_403 : vector<16xf32> to vector<1x16xf32>
        tpu.vector_store %arg16[%swap3A_404, %swap3A_405], %swap3A_408 {strides = array<i32>} : memref<16x768xf32, #tpu.memory_space<vmem>>, vector<1x16xf32>,
        %get3A_409 = arith.index_cast %scan3A_65 : i32 to index
        %get3A_410 = arith.constant 368 : index
        %get3A_411 = tpu.vector_load %arg16[%get3A_409, %get3A_410] {strides = array<i32>} : memref<16x768xf32, #tpu.memory_space<vmem>>, vector<1x16xf32>,
        %get3A_412 = vector.shape_cast %get3A_411 : vector<1x16xf32> to vector<16xf32>
        %add3A_413 = arith.addi %mul3A_56, %scan3A_65 : i32
        %get3A_414 = arith.index_cast %add3A_413 : i32 to index
        %get3A_415 = arith.constant 112 : index
        %get3A_416 = tpu.vector_load %arg14[%get3A_414, %get3A_415] {strides = array<i32>} : memref<128x256xf32, #tpu.memory_space<vmem>>, vector<1x16xf32>,
        %get3A_417 = vector.shape_cast %get3A_416 : vector<1x16xf32> to vector<16xf32>
        %add3A_418 = arith.addf %get3A_412, %get3A_417 : vector<16xf32>
        %swap3A_419 = arith.index_cast %scan3A_65 : i32 to index
        %swap3A_420 = arith.constant 368 : index
        %swap3A_421 = tpu.vector_load %arg16[%swap3A_419, %swap3A_420] {strides = array<i32>} : memref<16x768xf32, #tpu.memory_space<vmem>>, vector<1x16xf32>,
        %swap3A_422 = vector.shape_cast %swap3A_421 : vector<1x16xf32> to vector<16xf32>
        %swap3A_423 = vector.shape_cast %add3A_418 : vector<16xf32> to vector<1x16xf32>
        tpu.vector_store %arg16[%swap3A_419, %swap3A_420], %swap3A_423 {strides = array<i32>} : memref<16x768xf32, #tpu.memory_space<vmem>>, vector<1x16xf32>,
        %get3A_424 = arith.index_cast %scan3A_65 : i32 to index
        %get3A_425 = arith.constant 384 : index
        %get3A_426 = tpu.vector_load %arg16[%get3A_424, %get3A_425] {strides = array<i32>} : memref<16x768xf32, #tpu.memory_space<vmem>>, vector<1x16xf32>,
        %get3A_427 = vector.shape_cast %get3A_426 : vector<1x16xf32> to vector<16xf32>
        %add3A_428 = arith.addi %mul3A_56, %scan3A_65 : i32
        %get3A_429 = arith.index_cast %add3A_428 : i32 to index
        %get3A_430 = arith.constant 128 : index
        %get3A_431 = tpu.vector_load %arg14[%get3A_429, %get3A_430] {strides = array<i32>} : memref<128x256xf32, #tpu.memory_space<vmem>>, vector<1x16xf32>,
        %get3A_432 = vector.shape_cast %get3A_431 : vector<1x16xf32> to vector<16xf32>
        %add3A_433 = arith.addf %get3A_427, %get3A_432 : vector<16xf32>
        %swap3A_434 = arith.index_cast %scan3A_65 : i32 to index
        %swap3A_435 = arith.constant 384 : index
        %swap3A_436 = tpu.vector_load %arg16[%swap3A_434, %swap3A_435] {strides = array<i32>} : memref<16x768xf32, #tpu.memory_space<vmem>>, vector<1x16xf32>,
        %swap3A_437 = vector.shape_cast %swap3A_436 : vector<1x16xf32> to vector<16xf32>
        %swap3A_438 = vector.shape_cast %add3A_433 : vector<16xf32> to vector<1x16xf32>
        tpu.vector_store %arg16[%swap3A_434, %swap3A_435], %swap3A_438 {strides = array<i32>} : memref<16x768xf32, #tpu.memory_space<vmem>>, vector<1x16xf32>,
        %get3A_439 = arith.index_cast %scan3A_65 : i32 to index
        %get3A_440 = arith.constant 400 : index
        %get3A_441 = tpu.vector_load %arg16[%get3A_439, %get3A_440] {strides = array<i32>} : memref<16x768xf32, #tpu.memory_space<vmem>>, vector<1x16xf32>,
        %get3A_442 = vector.shape_cast %get3A_441 : vector<1x16xf32> to vector<16xf32>
        %add3A_443 = arith.addi %mul3A_56, %scan3A_65 : i32
        %get3A_444 = arith.index_cast %add3A_443 : i32 to index
        %get3A_445 = arith.constant 144 : index
        %get3A_446 = tpu.vector_load %arg14[%get3A_444, %get3A_445] {strides = array<i32>} : memref<128x256xf32, #tpu.memory_space<vmem>>, vector<1x16xf32>,
        %get3A_447 = vector.shape_cast %get3A_446 : vector<1x16xf32> to vector<16xf32>
        %add3A_448 = arith.addf %get3A_442, %get3A_447 : vector<16xf32>
        %swap3A_449 = arith.index_cast %scan3A_65 : i32 to index
        %swap3A_450 = arith.constant 400 : index
        %swap3A_451 = tpu.vector_load %arg16[%swap3A_449, %swap3A_450] {strides = array<i32>} : memref<16x768xf32, #tpu.memory_space<vmem>>, vector<1x16xf32>,
        %swap3A_452 = vector.shape_cast %swap3A_451 : vector<1x16xf32> to vector<16xf32>
        %swap3A_453 = vector.shape_cast %add3A_448 : vector<16xf32> to vector<1x16xf32>
        tpu.vector_store %arg16[%swap3A_449, %swap3A_450], %swap3A_453 {strides = array<i32>} : memref<16x768xf32, #tpu.memory_space<vmem>>, vector<1x16xf32>,
        %get3A_454 = arith.index_cast %scan3A_65 : i32 to index
        %get3A_455 = arith.constant 416 : index
        %get3A_456 = tpu.vector_load %arg16[%get3A_454, %get3A_455] {strides = array<i32>} : memref<16x768xf32, #tpu.memory_space<vmem>>, vector<1x16xf32>,
        %get3A_457 = vector.shape_cast %get3A_456 : vector<1x16xf32> to vector<16xf32>
        %add3A_458 = arith.addi %mul3A_56, %scan3A_65 : i32
        %get3A_459 = arith.index_cast %add3A_458 : i32 to index
        %get3A_460 = arith.constant 160 : index
        %get3A_461 = tpu.vector_load %arg14[%get3A_459, %get3A_460] {strides = array<i32>} : memref<128x256xf32, #tpu.memory_space<vmem>>, vector<1x16xf32>,
        %get3A_462 = vector.shape_cast %get3A_461 : vector<1x16xf32> to vector<16xf32>
        %add3A_463 = arith.addf %get3A_457, %get3A_462 : vector<16xf32>
        %swap3A_464 = arith.index_cast %scan3A_65 : i32 to index
        %swap3A_465 = arith.constant 416 : index
        %swap3A_466 = tpu.vector_load %arg16[%swap3A_464, %swap3A_465] {strides = array<i32>} : memref<16x768xf32, #tpu.memory_space<vmem>>, vector<1x16xf32>,
        %swap3A_467 = vector.shape_cast %swap3A_466 : vector<1x16xf32> to vector<16xf32>
        %swap3A_468 = vector.shape_cast %add3A_463 : vector<16xf32> to vector<1x16xf32>
        tpu.vector_store %arg16[%swap3A_464, %swap3A_465], %swap3A_468 {strides = array<i32>} : memref<16x768xf32, #tpu.memory_space<vmem>>, vector<1x16xf32>,
        %get3A_469 = arith.index_cast %scan3A_65 : i32 to index
        %get3A_470 = arith.constant 432 : index
        %get3A_471 = tpu.vector_load %arg16[%get3A_469, %get3A_470] {strides = array<i32>} : memref<16x768xf32, #tpu.memory_space<vmem>>, vector<1x16xf32>,
        %get3A_472 = vector.shape_cast %get3A_471 : vector<1x16xf32> to vector<16xf32>
        %add3A_473 = arith.addi %mul3A_56, %scan3A_65 : i32
        %get3A_474 = arith.index_cast %add3A_473 : i32 to index
        %get3A_475 = arith.constant 176 : index
        %get3A_476 = tpu.vector_load %arg14[%get3A_474, %get3A_475] {strides = array<i32>} : memref<128x256xf32, #tpu.memory_space<vmem>>, vector<1x16xf32>,
        %get3A_477 = vector.shape_cast %get3A_476 : vector<1x16xf32> to vector<16xf32>
        %add3A_478 = arith.addf %get3A_472, %get3A_477 : vector<16xf32>
        %swap3A_479 = arith.index_cast %scan3A_65 : i32 to index
        %swap3A_480 = arith.constant 432 : index
        %swap3A_481 = tpu.vector_load %arg16[%swap3A_479, %swap3A_480] {strides = array<i32>} : memref<16x768xf32, #tpu.memory_space<vmem>>, vector<1x16xf32>,
        %swap3A_482 = vector.shape_cast %swap3A_481 : vector<1x16xf32> to vector<16xf32>
        %swap3A_483 = vector.shape_cast %add3A_478 : vector<16xf32> to vector<1x16xf32>
        tpu.vector_store %arg16[%swap3A_479, %swap3A_480], %swap3A_483 {strides = array<i32>} : memref<16x768xf32, #tpu.memory_space<vmem>>, vector<1x16xf32>,
        %get3A_484 = arith.index_cast %scan3A_65 : i32 to index
        %get3A_485 = arith.constant 448 : index
        %get3A_486 = tpu.vector_load %arg16[%get3A_484, %get3A_485] {strides = array<i32>} : memref<16x768xf32, #tpu.memory_space<vmem>>, vector<1x16xf32>,
        %get3A_487 = vector.shape_cast %get3A_486 : vector<1x16xf32> to vector<16xf32>
        %add3A_488 = arith.addi %mul3A_56, %scan3A_65 : i32
        %get3A_489 = arith.index_cast %add3A_488 : i32 to index
        %get3A_490 = arith.constant 192 : index
        %get3A_491 = tpu.vector_load %arg14[%get3A_489, %get3A_490] {strides = array<i32>} : memref<128x256xf32, #tpu.memory_space<vmem>>, vector<1x16xf32>,
        %get3A_492 = vector.shape_cast %get3A_491 : vector<1x16xf32> to vector<16xf32>
        %add3A_493 = arith.addf %get3A_487, %get3A_492 : vector<16xf32>
        %swap3A_494 = arith.index_cast %scan3A_65 : i32 to index
        %swap3A_495 = arith.constant 448 : index
        %swap3A_496 = tpu.vector_load %arg16[%swap3A_494, %swap3A_495] {strides = array<i32>} : memref<16x768xf32, #tpu.memory_space<vmem>>, vector<1x16xf32>,
        %swap3A_497 = vector.shape_cast %swap3A_496 : vector<1x16xf32> to vector<16xf32>
        %swap3A_498 = vector.shape_cast %add3A_493 : vector<16xf32> to vector<1x16xf32>
        tpu.vector_store %arg16[%swap3A_494, %swap3A_495], %swap3A_498 {strides = array<i32>} : memref<16x768xf32, #tpu.memory_space<vmem>>, vector<1x16xf32>,
        %get3A_499 = arith.index_cast %scan3A_65 : i32 to index
        %get3A_500 = arith.constant 464 : index
        %get3A_501 = tpu.vector_load %arg16[%get3A_499, %get3A_500] {strides = array<i32>} : memref<16x768xf32, #tpu.memory_space<vmem>>, vector<1x16xf32>,
        %get3A_502 = vector.shape_cast %get3A_501 : vector<1x16xf32> to vector<16xf32>
        %add3A_503 = arith.addi %mul3A_56, %scan3A_65 : i32
        %get3A_504 = arith.index_cast %add3A_503 : i32 to index
        %get3A_505 = arith.constant 208 : index
        %get3A_506 = tpu.vector_load %arg14[%get3A_504, %get3A_505] {strides = array<i32>} : memref<128x256xf32, #tpu.memory_space<vmem>>, vector<1x16xf32>,
        %get3A_507 = vector.shape_cast %get3A_506 : vector<1x16xf32> to vector<16xf32>
        %add3A_508 = arith.addf %get3A_502, %get3A_507 : vector<16xf32>
        %swap3A_509 = arith.index_cast %scan3A_65 : i32 to index
        %swap3A_510 = arith.constant 464 : index
        %swap3A_511 = tpu.vector_load %arg16[%swap3A_509, %swap3A_510] {strides = array<i32>} : memref<16x768xf32, #tpu.memory_space<vmem>>, vector<1x16xf32>,
        %swap3A_512 = vector.shape_cast %swap3A_511 : vector<1x16xf32> to vector<16xf32>
        %swap3A_513 = vector.shape_cast %add3A_508 : vector<16xf32> to vector<1x16xf32>
        tpu.vector_store %arg16[%swap3A_509, %swap3A_510], %swap3A_513 {strides = array<i32>} : memref<16x768xf32, #tpu.memory_space<vmem>>, vector<1x16xf32>,
        %get3A_514 = arith.index_cast %scan3A_65 : i32 to index
        %get3A_515 = arith.constant 480 : index
        %get3A_516 = tpu.vector_load %arg16[%get3A_514, %get3A_515] {strides = array<i32>} : memref<16x768xf32, #tpu.memory_space<vmem>>, vector<1x16xf32>,
        %get3A_517 = vector.shape_cast %get3A_516 : vector<1x16xf32> to vector<16xf32>
        %add3A_518 = arith.addi %mul3A_56, %scan3A_65 : i32
        %get3A_519 = arith.index_cast %add3A_518 : i32 to index
        %get3A_520 = arith.constant 224 : index
        %get3A_521 = tpu.vector_load %arg14[%get3A_519, %get3A_520] {strides = array<i32>} : memref<128x256xf32, #tpu.memory_space<vmem>>, vector<1x16xf32>,
        %get3A_522 = vector.shape_cast %get3A_521 : vector<1x16xf32> to vector<16xf32>
        %add3A_523 = arith.addf %get3A_517, %get3A_522 : vector<16xf32>
        %swap3A_524 = arith.index_cast %scan3A_65 : i32 to index
        %swap3A_525 = arith.constant 480 : index
        %swap3A_526 = tpu.vector_load %arg16[%swap3A_524, %swap3A_525] {strides = array<i32>} : memref<16x768xf32, #tpu.memory_space<vmem>>, vector<1x16xf32>,
        %swap3A_527 = vector.shape_cast %swap3A_526 : vector<1x16xf32> to vector<16xf32>
        %swap3A_528 = vector.shape_cast %add3A_523 : vector<16xf32> to vector<1x16xf32>
        tpu.vector_store %arg16[%swap3A_524, %swap3A_525], %swap3A_528 {strides = array<i32>} : memref<16x768xf32, #tpu.memory_space<vmem>>, vector<1x16xf32>,
        %get3A_529 = arith.index_cast %scan3A_65 : i32 to index
        %get3A_530 = arith.constant 496 : index
        %get3A_531 = tpu.vector_load %arg16[%get3A_529, %get3A_530] {strides = array<i32>} : memref<16x768xf32, #tpu.memory_space<vmem>>, vector<1x16xf32>,
        %get3A_532 = vector.shape_cast %get3A_531 : vector<1x16xf32> to vector<16xf32>
        %add3A_533 = arith.addi %mul3A_56, %scan3A_65 : i32
        %get3A_534 = arith.index_cast %add3A_533 : i32 to index
        %get3A_535 = arith.constant 240 : index
        %get3A_536 = tpu.vector_load %arg14[%get3A_534, %get3A_535] {strides = array<i32>} : memref<128x256xf32, #tpu.memory_space<vmem>>, vector<1x16xf32>,
        %get3A_537 = vector.shape_cast %get3A_536 : vector<1x16xf32> to vector<16xf32>
        %add3A_538 = arith.addf %get3A_532, %get3A_537 : vector<16xf32>
        %swap3A_539 = arith.index_cast %scan3A_65 : i32 to index
        %swap3A_540 = arith.constant 496 : index
        %swap3A_541 = tpu.vector_load %arg16[%swap3A_539, %swap3A_540] {strides = array<i32>} : memref<16x768xf32, #tpu.memory_space<vmem>>, vector<1x16xf32>,
        %swap3A_542 = vector.shape_cast %swap3A_541 : vector<1x16xf32> to vector<16xf32>
        %swap3A_543 = vector.shape_cast %add3A_538 : vector<16xf32> to vector<1x16xf32>
        tpu.vector_store %arg16[%swap3A_539, %swap3A_540], %swap3A_543 {strides = array<i32>} : memref<16x768xf32, #tpu.memory_space<vmem>>, vector<1x16xf32>,
        %get3A_544 = arith.index_cast %scan3A_65 : i32 to index
        %get3A_545 = arith.constant 512 : index
        %get3A_546 = tpu.vector_load %arg16[%get3A_544, %get3A_545] {strides = array<i32>} : memref<16x768xf32, #tpu.memory_space<vmem>>, vector<1x16xf32>,
        %get3A_547 = vector.shape_cast %get3A_546 : vector<1x16xf32> to vector<16xf32>
        %add3A_548 = arith.addi %mul3A_56, %scan3A_65 : i32
        %get3A_549 = arith.index_cast %add3A_548 : i32 to index
        %get3A_550 = arith.constant 0 : index
        %get3A_551 = tpu.vector_load %arg15[%get3A_549, %get3A_550] {strides = array<i32>} : memref<128x256xf32, #tpu.memory_space<vmem>>, vector<1x16xf32>,
        %get3A_552 = vector.shape_cast %get3A_551 : vector<1x16xf32> to vector<16xf32>
        %add3A_553 = arith.addf %get3A_547, %get3A_552 : vector<16xf32>
        %swap3A_554 = arith.index_cast %scan3A_65 : i32 to index
        %swap3A_555 = arith.constant 512 : index
        %swap3A_556 = tpu.vector_load %arg16[%swap3A_554, %swap3A_555] {strides = array<i32>} : memref<16x768xf32, #tpu.memory_space<vmem>>, vector<1x16xf32>,
        %swap3A_557 = vector.shape_cast %swap3A_556 : vector<1x16xf32> to vector<16xf32>
        %swap3A_558 = vector.shape_cast %add3A_553 : vector<16xf32> to vector<1x16xf32>
        tpu.vector_store %arg16[%swap3A_554, %swap3A_555], %swap3A_558 {strides = array<i32>} : memref<16x768xf32, #tpu.memory_space<vmem>>, vector<1x16xf32>,
        %get3A_559 = arith.index_cast %scan3A_65 : i32 to index
        %get3A_560 = arith.constant 528 : index
        %get3A_561 = tpu.vector_load %arg16[%get3A_559, %get3A_560] {strides = array<i32>} : memref<16x768xf32, #tpu.memory_space<vmem>>, vector<1x16xf32>,
        %get3A_562 = vector.shape_cast %get3A_561 : vector<1x16xf32> to vector<16xf32>
        %add3A_563 = arith.addi %mul3A_56, %scan3A_65 : i32
        %get3A_564 = arith.index_cast %add3A_563 : i32 to index
        %get3A_565 = arith.constant 16 : index
        %get3A_566 = tpu.vector_load %arg15[%get3A_564, %get3A_565] {strides = array<i32>} : memref<128x256xf32, #tpu.memory_space<vmem>>, vector<1x16xf32>,
        %get3A_567 = vector.shape_cast %get3A_566 : vector<1x16xf32> to vector<16xf32>
        %add3A_568 = arith.addf %get3A_562, %get3A_567 : vector<16xf32>
        %swap3A_569 = arith.index_cast %scan3A_65 : i32 to index
        %swap3A_570 = arith.constant 528 : index
        %swap3A_571 = tpu.vector_load %arg16[%swap3A_569, %swap3A_570] {strides = array<i32>} : memref<16x768xf32, #tpu.memory_space<vmem>>, vector<1x16xf32>,
        %swap3A_572 = vector.shape_cast %swap3A_571 : vector<1x16xf32> to vector<16xf32>
        %swap3A_573 = vector.shape_cast %add3A_568 : vector<16xf32> to vector<1x16xf32>
        tpu.vector_store %arg16[%swap3A_569, %swap3A_570], %swap3A_573 {strides = array<i32>} : memref<16x768xf32, #tpu.memory_space<vmem>>, vector<1x16xf32>,
        %get3A_574 = arith.index_cast %scan3A_65 : i32 to index
        %get3A_575 = arith.constant 544 : index
        %get3A_576 = tpu.vector_load %arg16[%get3A_574, %get3A_575] {strides = array<i32>} : memref<16x768xf32, #tpu.memory_space<vmem>>, vector<1x16xf32>,
        %get3A_577 = vector.shape_cast %get3A_576 : vector<1x16xf32> to vector<16xf32>
        %add3A_578 = arith.addi %mul3A_56, %scan3A_65 : i32
        %get3A_579 = arith.index_cast %add3A_578 : i32 to index
        %get3A_580 = arith.constant 32 : index
        %get3A_581 = tpu.vector_load %arg15[%get3A_579, %get3A_580] {strides = array<i32>} : memref<128x256xf32, #tpu.memory_space<vmem>>, vector<1x16xf32>,
        %get3A_582 = vector.shape_cast %get3A_581 : vector<1x16xf32> to vector<16xf32>
        %add3A_583 = arith.addf %get3A_577, %get3A_582 : vector<16xf32>
        %swap3A_584 = arith.index_cast %scan3A_65 : i32 to index
        %swap3A_585 = arith.constant 544 : index
        %swap3A_586 = tpu.vector_load %arg16[%swap3A_584, %swap3A_585] {strides = array<i32>} : memref<16x768xf32, #tpu.memory_space<vmem>>, vector<1x16xf32>,
        %swap3A_587 = vector.shape_cast %swap3A_586 : vector<1x16xf32> to vector<16xf32>
        %swap3A_588 = vector.shape_cast %add3A_583 : vector<16xf32> to vector<1x16xf32>
        tpu.vector_store %arg16[%swap3A_584, %swap3A_585], %swap3A_588 {strides = array<i32>} : memref<16x768xf32, #tpu.memory_space<vmem>>, vector<1x16xf32>,
        %get3A_589 = arith.index_cast %scan3A_65 : i32 to index
        %get3A_590 = arith.constant 560 : index
        %get3A_591 = tpu.vector_load %arg16[%get3A_589, %get3A_590] {strides = array<i32>} : memref<16x768xf32, #tpu.memory_space<vmem>>, vector<1x16xf32>,
        %get3A_592 = vector.shape_cast %get3A_591 : vector<1x16xf32> to vector<16xf32>
        %add3A_593 = arith.addi %mul3A_56, %scan3A_65 : i32
        %get3A_594 = arith.index_cast %add3A_593 : i32 to index
        %get3A_595 = arith.constant 48 : index
        %get3A_596 = tpu.vector_load %arg15[%get3A_594, %get3A_595] {strides = array<i32>} : memref<128x256xf32, #tpu.memory_space<vmem>>, vector<1x16xf32>,
        %get3A_597 = vector.shape_cast %get3A_596 : vector<1x16xf32> to vector<16xf32>
        %add3A_598 = arith.addf %get3A_592, %get3A_597 : vector<16xf32>
        %swap3A_599 = arith.index_cast %scan3A_65 : i32 to index
        %swap3A_600 = arith.constant 560 : index
        %swap3A_601 = tpu.vector_load %arg16[%swap3A_599, %swap3A_600] {strides = array<i32>} : memref<16x768xf32, #tpu.memory_space<vmem>>, vector<1x16xf32>,
        %swap3A_602 = vector.shape_cast %swap3A_601 : vector<1x16xf32> to vector<16xf32>
        %swap3A_603 = vector.shape_cast %add3A_598 : vector<16xf32> to vector<1x16xf32>
        tpu.vector_store %arg16[%swap3A_599, %swap3A_600], %swap3A_603 {strides = array<i32>} : memref<16x768xf32, #tpu.memory_space<vmem>>, vector<1x16xf32>,
        %get3A_604 = arith.index_cast %scan3A_65 : i32 to index
        %get3A_605 = arith.constant 576 : index
        %get3A_606 = tpu.vector_load %arg16[%get3A_604, %get3A_605] {strides = array<i32>} : memref<16x768xf32, #tpu.memory_space<vmem>>, vector<1x16xf32>,
        %get3A_607 = vector.shape_cast %get3A_606 : vector<1x16xf32> to vector<16xf32>
        %add3A_608 = arith.addi %mul3A_56, %scan3A_65 : i32
        %get3A_609 = arith.index_cast %add3A_608 : i32 to index
        %get3A_610 = arith.constant 64 : index
        %get3A_611 = tpu.vector_load %arg15[%get3A_609, %get3A_610] {strides = array<i32>} : memref<128x256xf32, #tpu.memory_space<vmem>>, vector<1x16xf32>,
        %get3A_612 = vector.shape_cast %get3A_611 : vector<1x16xf32> to vector<16xf32>
        %add3A_613 = arith.addf %get3A_607, %get3A_612 : vector<16xf32>
        %swap3A_614 = arith.index_cast %scan3A_65 : i32 to index
        %swap3A_615 = arith.constant 576 : index
        %swap3A_616 = tpu.vector_load %arg16[%swap3A_614, %swap3A_615] {strides = array<i32>} : memref<16x768xf32, #tpu.memory_space<vmem>>, vector<1x16xf32>,
        %swap3A_617 = vector.shape_cast %swap3A_616 : vector<1x16xf32> to vector<16xf32>
        %swap3A_618 = vector.shape_cast %add3A_613 : vector<16xf32> to vector<1x16xf32>
        tpu.vector_store %arg16[%swap3A_614, %swap3A_615], %swap3A_618 {strides = array<i32>} : memref<16x768xf32, #tpu.memory_space<vmem>>, vector<1x16xf32>,
        %get3A_619 = arith.index_cast %scan3A_65 : i32 to index
        %get3A_620 = arith.constant 592 : index
        %get3A_621 = tpu.vector_load %arg16[%get3A_619, %get3A_620] {strides = array<i32>} : memref<16x768xf32, #tpu.memory_space<vmem>>, vector<1x16xf32>,
        %get3A_622 = vector.shape_cast %get3A_621 : vector<1x16xf32> to vector<16xf32>
        %add3A_623 = arith.addi %mul3A_56, %scan3A_65 : i32
        %get3A_624 = arith.index_cast %add3A_623 : i32 to index
        %get3A_625 = arith.constant 80 : index
        %get3A_626 = tpu.vector_load %arg15[%get3A_624, %get3A_625] {strides = array<i32>} : memref<128x256xf32, #tpu.memory_space<vmem>>, vector<1x16xf32>,
        %get3A_627 = vector.shape_cast %get3A_626 : vector<1x16xf32> to vector<16xf32>
        %add3A_628 = arith.addf %get3A_622, %get3A_627 : vector<16xf32>
        %swap3A_629 = arith.index_cast %scan3A_65 : i32 to index
        %swap3A_630 = arith.constant 592 : index
        %swap3A_631 = tpu.vector_load %arg16[%swap3A_629, %swap3A_630] {strides = array<i32>} : memref<16x768xf32, #tpu.memory_space<vmem>>, vector<1x16xf32>,
        %swap3A_632 = vector.shape_cast %swap3A_631 : vector<1x16xf32> to vector<16xf32>
        %swap3A_633 = vector.shape_cast %add3A_628 : vector<16xf32> to vector<1x16xf32>
        tpu.vector_store %arg16[%swap3A_629, %swap3A_630], %swap3A_633 {strides = array<i32>} : memref<16x768xf32, #tpu.memory_space<vmem>>, vector<1x16xf32>,
        %get3A_634 = arith.index_cast %scan3A_65 : i32 to index
        %get3A_635 = arith.constant 608 : index
        %get3A_636 = tpu.vector_load %arg16[%get3A_634, %get3A_635] {strides = array<i32>} : memref<16x768xf32, #tpu.memory_space<vmem>>, vector<1x16xf32>,
        %get3A_637 = vector.shape_cast %get3A_636 : vector<1x16xf32> to vector<16xf32>
        %add3A_638 = arith.addi %mul3A_56, %scan3A_65 : i32
        %get3A_639 = arith.index_cast %add3A_638 : i32 to index
        %get3A_640 = arith.constant 96 : index
        %get3A_641 = tpu.vector_load %arg15[%get3A_639, %get3A_640] {strides = array<i32>} : memref<128x256xf32, #tpu.memory_space<vmem>>, vector<1x16xf32>,
        %get3A_642 = vector.shape_cast %get3A_641 : vector<1x16xf32> to vector<16xf32>
        %add3A_643 = arith.addf %get3A_637, %get3A_642 : vector<16xf32>
        %swap3A_644 = arith.index_cast %scan3A_65 : i32 to index
        %swap3A_645 = arith.constant 608 : index
        %swap3A_646 = tpu.vector_load %arg16[%swap3A_644, %swap3A_645] {strides = array<i32>} : memref<16x768xf32, #tpu.memory_space<vmem>>, vector<1x16xf32>,
        %swap3A_647 = vector.shape_cast %swap3A_646 : vector<1x16xf32> to vector<16xf32>
        %swap3A_648 = vector.shape_cast %add3A_643 : vector<16xf32> to vector<1x16xf32>
        tpu.vector_store %arg16[%swap3A_644, %swap3A_645], %swap3A_648 {strides = array<i32>} : memref<16x768xf32, #tpu.memory_space<vmem>>, vector<1x16xf32>,
        %get3A_649 = arith.index_cast %scan3A_65 : i32 to index
        %get3A_650 = arith.constant 624 : index
        %get3A_651 = tpu.vector_load %arg16[%get3A_649, %get3A_650] {strides = array<i32>} : memref<16x768xf32, #tpu.memory_space<vmem>>, vector<1x16xf32>,
        %get3A_652 = vector.shape_cast %get3A_651 : vector<1x16xf32> to vector<16xf32>
        %add3A_653 = arith.addi %mul3A_56, %scan3A_65 : i32
        %get3A_654 = arith.index_cast %add3A_653 : i32 to index
        %get3A_655 = arith.constant 112 : index
        %get3A_656 = tpu.vector_load %arg15[%get3A_654, %get3A_655] {strides = array<i32>} : memref<128x256xf32, #tpu.memory_space<vmem>>, vector<1x16xf32>,
        %get3A_657 = vector.shape_cast %get3A_656 : vector<1x16xf32> to vector<16xf32>
        %add3A_658 = arith.addf %get3A_652, %get3A_657 : vector<16xf32>
        %swap3A_659 = arith.index_cast %scan3A_65 : i32 to index
        %swap3A_660 = arith.constant 624 : index
        %swap3A_661 = tpu.vector_load %arg16[%swap3A_659, %swap3A_660] {strides = array<i32>} : memref<16x768xf32, #tpu.memory_space<vmem>>, vector<1x16xf32>,
        %swap3A_662 = vector.shape_cast %swap3A_661 : vector<1x16xf32> to vector<16xf32>
        %swap3A_663 = vector.shape_cast %add3A_658 : vector<16xf32> to vector<1x16xf32>
        tpu.vector_store %arg16[%swap3A_659, %swap3A_660], %swap3A_663 {strides = array<i32>} : memref<16x768xf32, #tpu.memory_space<vmem>>, vector<1x16xf32>,
        %get3A_664 = arith.index_cast %scan3A_65 : i32 to index
        %get3A_665 = arith.constant 640 : index
        %get3A_666 = tpu.vector_load %arg16[%get3A_664, %get3A_665] {strides = array<i32>} : memref<16x768xf32, #tpu.memory_space<vmem>>, vector<1x16xf32>,
        %get3A_667 = vector.shape_cast %get3A_666 : vector<1x16xf32> to vector<16xf32>
        %add3A_668 = arith.addi %mul3A_56, %scan3A_65 : i32
        %get3A_669 = arith.index_cast %add3A_668 : i32 to index
        %get3A_670 = arith.constant 128 : index
        %get3A_671 = tpu.vector_load %arg15[%get3A_669, %get3A_670] {strides = array<i32>} : memref<128x256xf32, #tpu.memory_space<vmem>>, vector<1x16xf32>,
        %get3A_672 = vector.shape_cast %get3A_671 : vector<1x16xf32> to vector<16xf32>
        %add3A_673 = arith.addf %get3A_667, %get3A_672 : vector<16xf32>
        %swap3A_674 = arith.index_cast %scan3A_65 : i32 to index
        %swap3A_675 = arith.constant 640 : index
        %swap3A_676 = tpu.vector_load %arg16[%swap3A_674, %swap3A_675] {strides = array<i32>} : memref<16x768xf32, #tpu.memory_space<vmem>>, vector<1x16xf32>,
        %swap3A_677 = vector.shape_cast %swap3A_676 : vector<1x16xf32> to vector<16xf32>
        %swap3A_678 = vector.shape_cast %add3A_673 : vector<16xf32> to vector<1x16xf32>
        tpu.vector_store %arg16[%swap3A_674, %swap3A_675], %swap3A_678 {strides = array<i32>} : memref<16x768xf32, #tpu.memory_space<vmem>>, vector<1x16xf32>,
        %get3A_679 = arith.index_cast %scan3A_65 : i32 to index
        %get3A_680 = arith.constant 656 : index
        %get3A_681 = tpu.vector_load %arg16[%get3A_679, %get3A_680] {strides = array<i32>} : memref<16x768xf32, #tpu.memory_space<vmem>>, vector<1x16xf32>,
        %get3A_682 = vector.shape_cast %get3A_681 : vector<1x16xf32> to vector<16xf32>
        %add3A_683 = arith.addi %mul3A_56, %scan3A_65 : i32
        %get3A_684 = arith.index_cast %add3A_683 : i32 to index
        %get3A_685 = arith.constant 144 : index
        %get3A_686 = tpu.vector_load %arg15[%get3A_684, %get3A_685] {strides = array<i32>} : memref<128x256xf32, #tpu.memory_space<vmem>>, vector<1x16xf32>,
        %get3A_687 = vector.shape_cast %get3A_686 : vector<1x16xf32> to vector<16xf32>
        %add3A_688 = arith.addf %get3A_682, %get3A_687 : vector<16xf32>
        %swap3A_689 = arith.index_cast %scan3A_65 : i32 to index
        %swap3A_690 = arith.constant 656 : index
        %swap3A_691 = tpu.vector_load %arg16[%swap3A_689, %swap3A_690] {strides = array<i32>} : memref<16x768xf32, #tpu.memory_space<vmem>>, vector<1x16xf32>,
        %swap3A_692 = vector.shape_cast %swap3A_691 : vector<1x16xf32> to vector<16xf32>
        %swap3A_693 = vector.shape_cast %add3A_688 : vector<16xf32> to vector<1x16xf32>
        tpu.vector_store %arg16[%swap3A_689, %swap3A_690], %swap3A_693 {strides = array<i32>} : memref<16x768xf32, #tpu.memory_space<vmem>>, vector<1x16xf32>,
        %get3A_694 = arith.index_cast %scan3A_65 : i32 to index
        %get3A_695 = arith.constant 672 : index
        %get3A_696 = tpu.vector_load %arg16[%get3A_694, %get3A_695] {strides = array<i32>} : memref<16x768xf32, #tpu.memory_space<vmem>>, vector<1x16xf32>,
        %get3A_697 = vector.shape_cast %get3A_696 : vector<1x16xf32> to vector<16xf32>
        %add3A_698 = arith.addi %mul3A_56, %scan3A_65 : i32
        %get3A_699 = arith.index_cast %add3A_698 : i32 to index
        %get3A_700 = arith.constant 160 : index
        %get3A_701 = tpu.vector_load %arg15[%get3A_699, %get3A_700] {strides = array<i32>} : memref<128x256xf32, #tpu.memory_space<vmem>>, vector<1x16xf32>,
        %get3A_702 = vector.shape_cast %get3A_701 : vector<1x16xf32> to vector<16xf32>
        %add3A_703 = arith.addf %get3A_697, %get3A_702 : vector<16xf32>
        %swap3A_704 = arith.index_cast %scan3A_65 : i32 to index
        %swap3A_705 = arith.constant 672 : index
        %swap3A_706 = tpu.vector_load %arg16[%swap3A_704, %swap3A_705] {strides = array<i32>} : memref<16x768xf32, #tpu.memory_space<vmem>>, vector<1x16xf32>,
        %swap3A_707 = vector.shape_cast %swap3A_706 : vector<1x16xf32> to vector<16xf32>
        %swap3A_708 = vector.shape_cast %add3A_703 : vector<16xf32> to vector<1x16xf32>
        tpu.vector_store %arg16[%swap3A_704, %swap3A_705], %swap3A_708 {strides = array<i32>} : memref<16x768xf32, #tpu.memory_space<vmem>>, vector<1x16xf32>,
        %get3A_709 = arith.index_cast %scan3A_65 : i32 to index
        %get3A_710 = arith.constant 688 : index
        %get3A_711 = tpu.vector_load %arg16[%get3A_709, %get3A_710] {strides = array<i32>} : memref<16x768xf32, #tpu.memory_space<vmem>>, vector<1x16xf32>,
        %get3A_712 = vector.shape_cast %get3A_711 : vector<1x16xf32> to vector<16xf32>
        %add3A_713 = arith.addi %mul3A_56, %scan3A_65 : i32
        %get3A_714 = arith.index_cast %add3A_713 : i32 to index
        %get3A_715 = arith.constant 176 : index
        %get3A_716 = tpu.vector_load %arg15[%get3A_714, %get3A_715] {strides = array<i32>} : memref<128x256xf32, #tpu.memory_space<vmem>>, vector<1x16xf32>,
        %get3A_717 = vector.shape_cast %get3A_716 : vector<1x16xf32> to vector<16xf32>
        %add3A_718 = arith.addf %get3A_712, %get3A_717 : vector<16xf32>
        %swap3A_719 = arith.index_cast %scan3A_65 : i32 to index
        %swap3A_720 = arith.constant 688 : index
        %swap3A_721 = tpu.vector_load %arg16[%swap3A_719, %swap3A_720] {strides = array<i32>} : memref<16x768xf32, #tpu.memory_space<vmem>>, vector<1x16xf32>,
        %swap3A_722 = vector.shape_cast %swap3A_721 : vector<1x16xf32> to vector<16xf32>
        %swap3A_723 = vector.shape_cast %add3A_718 : vector<16xf32> to vector<1x16xf32>
        tpu.vector_store %arg16[%swap3A_719, %swap3A_720], %swap3A_723 {strides = array<i32>} : memref<16x768xf32, #tpu.memory_space<vmem>>, vector<1x16xf32>,
        %get3A_724 = arith.index_cast %scan3A_65 : i32 to index
        %get3A_725 = arith.constant 704 : index
        %get3A_726 = tpu.vector_load %arg16[%get3A_724, %get3A_725] {strides = array<i32>} : memref<16x768xf32, #tpu.memory_space<vmem>>, vector<1x16xf32>,
        %get3A_727 = vector.shape_cast %get3A_726 : vector<1x16xf32> to vector<16xf32>
        %add3A_728 = arith.addi %mul3A_56, %scan3A_65 : i32
        %get3A_729 = arith.index_cast %add3A_728 : i32 to index
        %get3A_730 = arith.constant 192 : index
        %get3A_731 = tpu.vector_load %arg15[%get3A_729, %get3A_730] {strides = array<i32>} : memref<128x256xf32, #tpu.memory_space<vmem>>, vector<1x16xf32>,
        %get3A_732 = vector.shape_cast %get3A_731 : vector<1x16xf32> to vector<16xf32>
        %add3A_733 = arith.addf %get3A_727, %get3A_732 : vector<16xf32>
        %swap3A_734 = arith.index_cast %scan3A_65 : i32 to index
        %swap3A_735 = arith.constant 704 : index
        %swap3A_736 = tpu.vector_load %arg16[%swap3A_734, %swap3A_735] {strides = array<i32>} : memref<16x768xf32, #tpu.memory_space<vmem>>, vector<1x16xf32>,
        %swap3A_737 = vector.shape_cast %swap3A_736 : vector<1x16xf32> to vector<16xf32>
        %swap3A_738 = vector.shape_cast %add3A_733 : vector<16xf32> to vector<1x16xf32>
        tpu.vector_store %arg16[%swap3A_734, %swap3A_735], %swap3A_738 {strides = array<i32>} : memref<16x768xf32, #tpu.memory_space<vmem>>, vector<1x16xf32>,
        %get3A_739 = arith.index_cast %scan3A_65 : i32 to index
        %get3A_740 = arith.constant 720 : index
        %get3A_741 = tpu.vector_load %arg16[%get3A_739, %get3A_740] {strides = array<i32>} : memref<16x768xf32, #tpu.memory_space<vmem>>, vector<1x16xf32>,
        %get3A_742 = vector.shape_cast %get3A_741 : vector<1x16xf32> to vector<16xf32>
        %add3A_743 = arith.addi %mul3A_56, %scan3A_65 : i32
        %get3A_744 = arith.index_cast %add3A_743 : i32 to index
        %get3A_745 = arith.constant 208 : index
        %get3A_746 = tpu.vector_load %arg15[%get3A_744, %get3A_745] {strides = array<i32>} : memref<128x256xf32, #tpu.memory_space<vmem>>, vector<1x16xf32>,
        %get3A_747 = vector.shape_cast %get3A_746 : vector<1x16xf32> to vector<16xf32>
        %add3A_748 = arith.addf %get3A_742, %get3A_747 : vector<16xf32>
        %swap3A_749 = arith.index_cast %scan3A_65 : i32 to index
        %swap3A_750 = arith.constant 720 : index
        %swap3A_751 = tpu.vector_load %arg16[%swap3A_749, %swap3A_750] {strides = array<i32>} : memref<16x768xf32, #tpu.memory_space<vmem>>, vector<1x16xf32>,
        %swap3A_752 = vector.shape_cast %swap3A_751 : vector<1x16xf32> to vector<16xf32>
        %swap3A_753 = vector.shape_cast %add3A_748 : vector<16xf32> to vector<1x16xf32>
        tpu.vector_store %arg16[%swap3A_749, %swap3A_750], %swap3A_753 {strides = array<i32>} : memref<16x768xf32, #tpu.memory_space<vmem>>, vector<1x16xf32>,
        %get3A_754 = arith.index_cast %scan3A_65 : i32 to index
        %get3A_755 = arith.constant 736 : index
        %get3A_756 = tpu.vector_load %arg16[%get3A_754, %get3A_755] {strides = array<i32>} : memref<16x768xf32, #tpu.memory_space<vmem>>, vector<1x16xf32>,
        %get3A_757 = vector.shape_cast %get3A_756 : vector<1x16xf32> to vector<16xf32>
        %add3A_758 = arith.addi %mul3A_56, %scan3A_65 : i32
        %get3A_759 = arith.index_cast %add3A_758 : i32 to index
        %get3A_760 = arith.constant 224 : index
        %get3A_761 = tpu.vector_load %arg15[%get3A_759, %get3A_760] {strides = array<i32>} : memref<128x256xf32, #tpu.memory_space<vmem>>, vector<1x16xf32>,
        %get3A_762 = vector.shape_cast %get3A_761 : vector<1x16xf32> to vector<16xf32>
        %add3A_763 = arith.addf %get3A_757, %get3A_762 : vector<16xf32>
        %swap3A_764 = arith.index_cast %scan3A_65 : i32 to index
        %swap3A_765 = arith.constant 736 : index
        %swap3A_766 = tpu.vector_load %arg16[%swap3A_764, %swap3A_765] {strides = array<i32>} : memref<16x768xf32, #tpu.memory_space<vmem>>, vector<1x16xf32>,
        %swap3A_767 = vector.shape_cast %swap3A_766 : vector<1x16xf32> to vector<16xf32>
        %swap3A_768 = vector.shape_cast %add3A_763 : vector<16xf32> to vector<1x16xf32>
        tpu.vector_store %arg16[%swap3A_764, %swap3A_765], %swap3A_768 {strides = array<i32>} : memref<16x768xf32, #tpu.memory_space<vmem>>, vector<1x16xf32>,
        %get3A_769 = arith.index_cast %scan3A_65 : i32 to index
        %get3A_770 = arith.constant 752 : index
        %get3A_771 = tpu.vector_load %arg16[%get3A_769, %get3A_770] {strides = array<i32>} : memref<16x768xf32, #tpu.memory_space<vmem>>, vector<1x16xf32>,
        %get3A_772 = vector.shape_cast %get3A_771 : vector<1x16xf32> to vector<16xf32>
        %add3A_773 = arith.addi %mul3A_56, %scan3A_65 : i32
        %get3A_774 = arith.index_cast %add3A_773 : i32 to index
        %get3A_775 = arith.constant 240 : index
        %get3A_776 = tpu.vector_load %arg15[%get3A_774, %get3A_775] {strides = array<i32>} : memref<128x256xf32, #tpu.memory_space<vmem>>, vector<1x16xf32>,
        %get3A_777 = vector.shape_cast %get3A_776 : vector<1x16xf32> to vector<16xf32>
        %add3A_778 = arith.addf %get3A_772, %get3A_777 : vector<16xf32>
        %swap3A_779 = arith.index_cast %scan3A_65 : i32 to index
        %swap3A_780 = arith.constant 752 : index
        %swap3A_781 = tpu.vector_load %arg16[%swap3A_779, %swap3A_780] {strides = array<i32>} : memref<16x768xf32, #tpu.memory_space<vmem>>, vector<1x16xf32>,
        %swap3A_782 = vector.shape_cast %swap3A_781 : vector<1x16xf32> to vector<16xf32>
        %swap3A_783 = vector.shape_cast %add3A_778 : vector<16xf32> to vector<1x16xf32>
        tpu.vector_store %arg16[%swap3A_779, %swap3A_780], %swap3A_783 {strides = array<i32>} : memref<16x768xf32, #tpu.memory_space<vmem>>, vector<1x16xf32>,
      }
      %scan3A_63 = arith.constant 16 : i32
      %run_scoped3A_64 = arith.constant 1 : i32
      "tpu.region"() ({
        %run_scoped3A_65 = tpu.sem_alloc : memref<!tpu.dma_semaphore, #tpu.memory_space<semaphore_mem>>
        %dma_start3A_66 = arith.constant 0 : i32
        %dma_start3A_67 = tpu.memref_slice %arg9[%run_scoped3A_64, %add3A_57, %dma_start3A_66] : memref<4x4096x768xf32, #tpu.memory_space<hbm>> -> memref<1x16x768xf32, #tpu.memory_space<hbm>>
        %dma_start3A_68 = tpu.memref_squeeze %dma_start3A_67 : memref<1x16x768xf32, #tpu.memory_space<hbm>> -> memref<16x768xf32, #tpu.memory_space<hbm>>
        %dma_start3A_69 = arith.constant 0 : i32
        %dma_start3A_70 = tpu.memref_slice %arg9[%run_scoped3A_64, %add3A_57, %dma_start3A_69] : memref<4x4096x768xf32, #tpu.memory_space<hbm>> -> memref<1x16x768xf32, #tpu.memory_space<hbm>>
        %dma_start3A_71 = tpu.memref_squeeze %dma_start3A_70 : memref<1x16x768xf32, #tpu.memory_space<hbm>> -> memref<16x768xf32, #tpu.memory_space<hbm>>
        tpu.enqueue_dma source(%arg16 : memref<16x768xf32, #tpu.memory_space<vmem>>) target(%dma_start3A_71 : memref<16x768xf32, #tpu.memory_space<hbm>>) target_semaphore(%run_scoped3A_65 : memref<!tpu.dma_semaphore, #tpu.memory_space<semaphore_mem>>)
        %dma_wait3A_72 = arith.constant 0 : i32
        %dma_wait3A_73 = tpu.memref_slice %arg9[%run_scoped3A_64, %add3A_57, %dma_wait3A_72] : memref<4x4096x768xf32, #tpu.memory_space<hbm>> -> memref<1x16x768xf32, #tpu.memory_space<hbm>>
        %dma_wait3A_74 = tpu.memref_squeeze %dma_wait3A_73 : memref<1x16x768xf32, #tpu.memory_space<hbm>> -> memref<16x768xf32, #tpu.memory_space<hbm>>
        %dma_wait3A_75 = arith.constant 0 : i32
        %dma_wait3A_76 = tpu.memref_slice %arg9[%run_scoped3A_64, %add3A_57, %dma_wait3A_75] : memref<4x4096x768xf32, #tpu.memory_space<hbm>> -> memref<1x16x768xf32, #tpu.memory_space<hbm>>
        %dma_wait3A_77 = tpu.memref_squeeze %dma_wait3A_76 : memref<1x16x768xf32, #tpu.memory_space<hbm>> -> memref<16x768xf32, #tpu.memory_space<hbm>>
        tpu.wait_dma2 semaphore(%run_scoped3A_65 : memref<!tpu.dma_semaphore, #tpu.memory_space<semaphore_mem>>) src(%arg16 : memref<16x768xf32, #tpu.memory_space<vmem>>) dst(%dma_wait3A_77 : memref<16x768xf32, #tpu.memory_space<hbm>>)
        tpu.yield
      }) : () -> ()
    }
    %scan3A_41 = arith.constant 8 : i32
    %scan3A_42 = arith.constant 0 : i32
    %scan3A_43 = arith.constant 0 : i32
    %scan3A_44 = arith.constant 8 : i32
    %scan3A_45 = arith.addi %scan3A_43, %scan3A_44 : i32
    %scan3A_46 = arith.constant 1 : i32
    scf.for %scan3A_54 = %scan3A_43 to %scan3A_45 step %scan3A_46  : i32 {
      %mul3A_55 = arith.constant 16 : i32
      %mul3A_56 = arith.muli %scan3A_54, %mul3A_55 : i32
      %add3A_57 = arith.addi %mul3A_2, %mul3A_56 : i32
      %run_scoped3A = arith.constant 2 : i32
      "tpu.region"() ({
        %run_scoped3A_65 = tpu.sem_alloc : memref<!tpu.dma_semaphore, #tpu.memory_space<semaphore_mem>>
        %dma_start3A_66 = arith.constant 0 : i32
        %dma_start3A_67 = tpu.memref_slice %arg2[%run_scoped3A, %add3A_57, %dma_start3A_66] : memref<4x4096x768xf32, #tpu.memory_space<hbm>> -> memref<1x16x768xf32, #tpu.memory_space<hbm>>
        %dma_start3A_68 = tpu.memref_squeeze %dma_start3A_67 : memref<1x16x768xf32, #tpu.memory_space<hbm>> -> memref<16x768xf32, #tpu.memory_space<hbm>>
        %dma_start3A_69 = arith.constant 0 : i32
        %dma_start3A_70 = tpu.memref_slice %arg2[%run_scoped3A, %add3A_57, %dma_start3A_69] : memref<4x4096x768xf32, #tpu.memory_space<hbm>> -> memref<1x16x768xf32, #tpu.memory_space<hbm>>
        %dma_start3A_71 = tpu.memref_squeeze %dma_start3A_70 : memref<1x16x768xf32, #tpu.memory_space<hbm>> -> memref<16x768xf32, #tpu.memory_space<hbm>>
        tpu.enqueue_dma source(%dma_start3A_71 : memref<16x768xf32, #tpu.memory_space<hbm>>) target(%arg16 : memref<16x768xf32, #tpu.memory_space<vmem>>) target_semaphore(%run_scoped3A_65 : memref<!tpu.dma_semaphore, #tpu.memory_space<semaphore_mem>>)
        %dma_wait3A_72 = arith.constant 0 : i32
        %dma_wait3A_73 = tpu.memref_slice %arg2[%run_scoped3A, %add3A_57, %dma_wait3A_72] : memref<4x4096x768xf32, #tpu.memory_space<hbm>> -> memref<1x16x768xf32, #tpu.memory_space<hbm>>
        %dma_wait3A_74 = tpu.memref_squeeze %dma_wait3A_73 : memref<1x16x768xf32, #tpu.memory_space<hbm>> -> memref<16x768xf32, #tpu.memory_space<hbm>>
        %dma_wait3A_75 = arith.constant 0 : i32
        %dma_wait3A_76 = tpu.memref_slice %arg2[%run_scoped3A, %add3A_57, %dma_wait3A_75] : memref<4x4096x768xf32, #tpu.memory_space<hbm>> -> memref<1x16x768xf32, #tpu.memory_space<hbm>>
        %dma_wait3A_77 = tpu.memref_squeeze %dma_wait3A_76 : memref<1x16x768xf32, #tpu.memory_space<hbm>> -> memref<16x768xf32, #tpu.memory_space<hbm>>
        tpu.wait_dma2 semaphore(%run_scoped3A_65 : memref<!tpu.dma_semaphore, #tpu.memory_space<semaphore_mem>>) src(%dma_wait3A_77 : memref<16x768xf32, #tpu.memory_space<hbm>>) dst(%arg16 : memref<16x768xf32, #tpu.memory_space<vmem>>)
        tpu.yield
      }) : () -> ()
      %scan3A_58 = arith.constant 0 : i32
      %scan3A_59 = arith.constant 0 : i32
      %scan3A_60 = arith.constant 16 : i32
      %scan3A_61 = arith.addi %scan3A_59, %scan3A_60 : i32
      %scan3A_62 = arith.constant 1 : i32
      scf.for %scan3A_65 = %scan3A_59 to %scan3A_61 step %scan3A_62  : i32 {
        %get3A = arith.index_cast %scan3A_65 : i32 to index
        %get3A_66 = arith.constant 0 : index
        %get3A_67 = tpu.vector_load %arg16[%get3A, %get3A_66] {strides = array<i32>} : memref<16x768xf32, #tpu.memory_space<vmem>>, vector<1x16xf32>,
        %get3A_68 = vector.shape_cast %get3A_67 : vector<1x16xf32> to vector<16xf32>
        %add3A_69 = arith.addi %mul3A_56, %scan3A_65 : i32
        %get3A_70 = arith.index_cast %add3A_69 : i32 to index
        %get3A_71 = arith.constant 0 : index
        %get3A_72 = tpu.vector_load %arg13[%get3A_70, %get3A_71] {strides = array<i32>} : memref<128x256xf32, #tpu.memory_space<vmem>>, vector<1x16xf32>,
        %get3A_73 = vector.shape_cast %get3A_72 : vector<1x16xf32> to vector<16xf32>
        %add3A_74 = arith.addf %get3A_68, %get3A_73 : vector<16xf32>
        %swap3A = arith.index_cast %scan3A_65 : i32 to index
        %swap3A_75 = arith.constant 0 : index
        %swap3A_76 = tpu.vector_load %arg16[%swap3A, %swap3A_75] {strides = array<i32>} : memref<16x768xf32, #tpu.memory_space<vmem>>, vector<1x16xf32>,
        %swap3A_77 = vector.shape_cast %swap3A_76 : vector<1x16xf32> to vector<16xf32>
        %swap3A_78 = vector.shape_cast %add3A_74 : vector<16xf32> to vector<1x16xf32>
        tpu.vector_store %arg16[%swap3A, %swap3A_75], %swap3A_78 {strides = array<i32>} : memref<16x768xf32, #tpu.memory_space<vmem>>, vector<1x16xf32>,
        %get3A_79 = arith.index_cast %scan3A_65 : i32 to index
        %get3A_80 = arith.constant 16 : index
        %get3A_81 = tpu.vector_load %arg16[%get3A_79, %get3A_80] {strides = array<i32>} : memref<16x768xf32, #tpu.memory_space<vmem>>, vector<1x16xf32>,
        %get3A_82 = vector.shape_cast %get3A_81 : vector<1x16xf32> to vector<16xf32>
        %add3A_83 = arith.addi %mul3A_56, %scan3A_65 : i32
        %get3A_84 = arith.index_cast %add3A_83 : i32 to index
        %get3A_85 = arith.constant 16 : index
        %get3A_86 = tpu.vector_load %arg13[%get3A_84, %get3A_85] {strides = array<i32>} : memref<128x256xf32, #tpu.memory_space<vmem>>, vector<1x16xf32>,
        %get3A_87 = vector.shape_cast %get3A_86 : vector<1x16xf32> to vector<16xf32>
        %add3A_88 = arith.addf %get3A_82, %get3A_87 : vector<16xf32>
        %swap3A_89 = arith.index_cast %scan3A_65 : i32 to index
        %swap3A_90 = arith.constant 16 : index
        %swap3A_91 = tpu.vector_load %arg16[%swap3A_89, %swap3A_90] {strides = array<i32>} : memref<16x768xf32, #tpu.memory_space<vmem>>, vector<1x16xf32>,
        %swap3A_92 = vector.shape_cast %swap3A_91 : vector<1x16xf32> to vector<16xf32>
        %swap3A_93 = vector.shape_cast %add3A_88 : vector<16xf32> to vector<1x16xf32>
        tpu.vector_store %arg16[%swap3A_89, %swap3A_90], %swap3A_93 {strides = array<i32>} : memref<16x768xf32, #tpu.memory_space<vmem>>, vector<1x16xf32>,
        %get3A_94 = arith.index_cast %scan3A_65 : i32 to index
        %get3A_95 = arith.constant 32 : index
        %get3A_96 = tpu.vector_load %arg16[%get3A_94, %get3A_95] {strides = array<i32>} : memref<16x768xf32, #tpu.memory_space<vmem>>, vector<1x16xf32>,
        %get3A_97 = vector.shape_cast %get3A_96 : vector<1x16xf32> to vector<16xf32>
        %add3A_98 = arith.addi %mul3A_56, %scan3A_65 : i32
        %get3A_99 = arith.index_cast %add3A_98 : i32 to index
        %get3A_100 = arith.constant 32 : index
        %get3A_101 = tpu.vector_load %arg13[%get3A_99, %get3A_100] {strides = array<i32>} : memref<128x256xf32, #tpu.memory_space<vmem>>, vector<1x16xf32>,
        %get3A_102 = vector.shape_cast %get3A_101 : vector<1x16xf32> to vector<16xf32>
        %add3A_103 = arith.addf %get3A_97, %get3A_102 : vector<16xf32>
        %swap3A_104 = arith.index_cast %scan3A_65 : i32 to index
        %swap3A_105 = arith.constant 32 : index
        %swap3A_106 = tpu.vector_load %arg16[%swap3A_104, %swap3A_105] {strides = array<i32>} : memref<16x768xf32, #tpu.memory_space<vmem>>, vector<1x16xf32>,
        %swap3A_107 = vector.shape_cast %swap3A_106 : vector<1x16xf32> to vector<16xf32>
        %swap3A_108 = vector.shape_cast %add3A_103 : vector<16xf32> to vector<1x16xf32>
        tpu.vector_store %arg16[%swap3A_104, %swap3A_105], %swap3A_108 {strides = array<i32>} : memref<16x768xf32, #tpu.memory_space<vmem>>, vector<1x16xf32>,
        %get3A_109 = arith.index_cast %scan3A_65 : i32 to index
        %get3A_110 = arith.constant 48 : index
        %get3A_111 = tpu.vector_load %arg16[%get3A_109, %get3A_110] {strides = array<i32>} : memref<16x768xf32, #tpu.memory_space<vmem>>, vector<1x16xf32>,
        %get3A_112 = vector.shape_cast %get3A_111 : vector<1x16xf32> to vector<16xf32>
        %add3A_113 = arith.addi %mul3A_56, %scan3A_65 : i32
        %get3A_114 = arith.index_cast %add3A_113 : i32 to index
        %get3A_115 = arith.constant 48 : index
        %get3A_116 = tpu.vector_load %arg13[%get3A_114, %get3A_115] {strides = array<i32>} : memref<128x256xf32, #tpu.memory_space<vmem>>, vector<1x16xf32>,
        %get3A_117 = vector.shape_cast %get3A_116 : vector<1x16xf32> to vector<16xf32>
        %add3A_118 = arith.addf %get3A_112, %get3A_117 : vector<16xf32>
        %swap3A_119 = arith.index_cast %scan3A_65 : i32 to index
        %swap3A_120 = arith.constant 48 : index
        %swap3A_121 = tpu.vector_load %arg16[%swap3A_119, %swap3A_120] {strides = array<i32>} : memref<16x768xf32, #tpu.memory_space<vmem>>, vector<1x16xf32>,
        %swap3A_122 = vector.shape_cast %swap3A_121 : vector<1x16xf32> to vector<16xf32>
        %swap3A_123 = vector.shape_cast %add3A_118 : vector<16xf32> to vector<1x16xf32>
        tpu.vector_store %arg16[%swap3A_119, %swap3A_120], %swap3A_123 {strides = array<i32>} : memref<16x768xf32, #tpu.memory_space<vmem>>, vector<1x16xf32>,
        %get3A_124 = arith.index_cast %scan3A_65 : i32 to index
        %get3A_125 = arith.constant 64 : index
        %get3A_126 = tpu.vector_load %arg16[%get3A_124, %get3A_125] {strides = array<i32>} : memref<16x768xf32, #tpu.memory_space<vmem>>, vector<1x16xf32>,
        %get3A_127 = vector.shape_cast %get3A_126 : vector<1x16xf32> to vector<16xf32>
        %add3A_128 = arith.addi %mul3A_56, %scan3A_65 : i32
        %get3A_129 = arith.index_cast %add3A_128 : i32 to index
        %get3A_130 = arith.constant 64 : index
        %get3A_131 = tpu.vector_load %arg13[%get3A_129, %get3A_130] {strides = array<i32>} : memref<128x256xf32, #tpu.memory_space<vmem>>, vector<1x16xf32>,
        %get3A_132 = vector.shape_cast %get3A_131 : vector<1x16xf32> to vector<16xf32>
        %add3A_133 = arith.addf %get3A_127, %get3A_132 : vector<16xf32>
        %swap3A_134 = arith.index_cast %scan3A_65 : i32 to index
        %swap3A_135 = arith.constant 64 : index
        %swap3A_136 = tpu.vector_load %arg16[%swap3A_134, %swap3A_135] {strides = array<i32>} : memref<16x768xf32, #tpu.memory_space<vmem>>, vector<1x16xf32>,
        %swap3A_137 = vector.shape_cast %swap3A_136 : vector<1x16xf32> to vector<16xf32>
        %swap3A_138 = vector.shape_cast %add3A_133 : vector<16xf32> to vector<1x16xf32>
        tpu.vector_store %arg16[%swap3A_134, %swap3A_135], %swap3A_138 {strides = array<i32>} : memref<16x768xf32, #tpu.memory_space<vmem>>, vector<1x16xf32>,
        %get3A_139 = arith.index_cast %scan3A_65 : i32 to index
        %get3A_140 = arith.constant 80 : index
        %get3A_141 = tpu.vector_load %arg16[%get3A_139, %get3A_140] {strides = array<i32>} : memref<16x768xf32, #tpu.memory_space<vmem>>, vector<1x16xf32>,
        %get3A_142 = vector.shape_cast %get3A_141 : vector<1x16xf32> to vector<16xf32>
        %add3A_143 = arith.addi %mul3A_56, %scan3A_65 : i32
        %get3A_144 = arith.index_cast %add3A_143 : i32 to index
        %get3A_145 = arith.constant 80 : index
        %get3A_146 = tpu.vector_load %arg13[%get3A_144, %get3A_145] {strides = array<i32>} : memref<128x256xf32, #tpu.memory_space<vmem>>, vector<1x16xf32>,
        %get3A_147 = vector.shape_cast %get3A_146 : vector<1x16xf32> to vector<16xf32>
        %add3A_148 = arith.addf %get3A_142, %get3A_147 : vector<16xf32>
        %swap3A_149 = arith.index_cast %scan3A_65 : i32 to index
        %swap3A_150 = arith.constant 80 : index
        %swap3A_151 = tpu.vector_load %arg16[%swap3A_149, %swap3A_150] {strides = array<i32>} : memref<16x768xf32, #tpu.memory_space<vmem>>, vector<1x16xf32>,
        %swap3A_152 = vector.shape_cast %swap3A_151 : vector<1x16xf32> to vector<16xf32>
        %swap3A_153 = vector.shape_cast %add3A_148 : vector<16xf32> to vector<1x16xf32>
        tpu.vector_store %arg16[%swap3A_149, %swap3A_150], %swap3A_153 {strides = array<i32>} : memref<16x768xf32, #tpu.memory_space<vmem>>, vector<1x16xf32>,
        %get3A_154 = arith.index_cast %scan3A_65 : i32 to index
        %get3A_155 = arith.constant 96 : index
        %get3A_156 = tpu.vector_load %arg16[%get3A_154, %get3A_155] {strides = array<i32>} : memref<16x768xf32, #tpu.memory_space<vmem>>, vector<1x16xf32>,
        %get3A_157 = vector.shape_cast %get3A_156 : vector<1x16xf32> to vector<16xf32>
        %add3A_158 = arith.addi %mul3A_56, %scan3A_65 : i32
        %get3A_159 = arith.index_cast %add3A_158 : i32 to index
        %get3A_160 = arith.constant 96 : index
        %get3A_161 = tpu.vector_load %arg13[%get3A_159, %get3A_160] {strides = array<i32>} : memref<128x256xf32, #tpu.memory_space<vmem>>, vector<1x16xf32>,
        %get3A_162 = vector.shape_cast %get3A_161 : vector<1x16xf32> to vector<16xf32>
        %add3A_163 = arith.addf %get3A_157, %get3A_162 : vector<16xf32>
        %swap3A_164 = arith.index_cast %scan3A_65 : i32 to index
        %swap3A_165 = arith.constant 96 : index
        %swap3A_166 = tpu.vector_load %arg16[%swap3A_164, %swap3A_165] {strides = array<i32>} : memref<16x768xf32, #tpu.memory_space<vmem>>, vector<1x16xf32>,
        %swap3A_167 = vector.shape_cast %swap3A_166 : vector<1x16xf32> to vector<16xf32>
        %swap3A_168 = vector.shape_cast %add3A_163 : vector<16xf32> to vector<1x16xf32>
        tpu.vector_store %arg16[%swap3A_164, %swap3A_165], %swap3A_168 {strides = array<i32>} : memref<16x768xf32, #tpu.memory_space<vmem>>, vector<1x16xf32>,
        %get3A_169 = arith.index_cast %scan3A_65 : i32 to index
        %get3A_170 = arith.constant 112 : index
        %get3A_171 = tpu.vector_load %arg16[%get3A_169, %get3A_170] {strides = array<i32>} : memref<16x768xf32, #tpu.memory_space<vmem>>, vector<1x16xf32>,
        %get3A_172 = vector.shape_cast %get3A_171 : vector<1x16xf32> to vector<16xf32>
        %add3A_173 = arith.addi %mul3A_56, %scan3A_65 : i32
        %get3A_174 = arith.index_cast %add3A_173 : i32 to index
        %get3A_175 = arith.constant 112 : index
        %get3A_176 = tpu.vector_load %arg13[%get3A_174, %get3A_175] {strides = array<i32>} : memref<128x256xf32, #tpu.memory_space<vmem>>, vector<1x16xf32>,
        %get3A_177 = vector.shape_cast %get3A_176 : vector<1x16xf32> to vector<16xf32>
        %add3A_178 = arith.addf %get3A_172, %get3A_177 : vector<16xf32>
        %swap3A_179 = arith.index_cast %scan3A_65 : i32 to index
        %swap3A_180 = arith.constant 112 : index
        %swap3A_181 = tpu.vector_load %arg16[%swap3A_179, %swap3A_180] {strides = array<i32>} : memref<16x768xf32, #tpu.memory_space<vmem>>, vector<1x16xf32>,
        %swap3A_182 = vector.shape_cast %swap3A_181 : vector<1x16xf32> to vector<16xf32>
        %swap3A_183 = vector.shape_cast %add3A_178 : vector<16xf32> to vector<1x16xf32>
        tpu.vector_store %arg16[%swap3A_179, %swap3A_180], %swap3A_183 {strides = array<i32>} : memref<16x768xf32, #tpu.memory_space<vmem>>, vector<1x16xf32>,
        %get3A_184 = arith.index_cast %scan3A_65 : i32 to index
        %get3A_185 = arith.constant 128 : index
        %get3A_186 = tpu.vector_load %arg16[%get3A_184, %get3A_185] {strides = array<i32>} : memref<16x768xf32, #tpu.memory_space<vmem>>, vector<1x16xf32>,
        %get3A_187 = vector.shape_cast %get3A_186 : vector<1x16xf32> to vector<16xf32>
        %add3A_188 = arith.addi %mul3A_56, %scan3A_65 : i32
        %get3A_189 = arith.index_cast %add3A_188 : i32 to index
        %get3A_190 = arith.constant 128 : index
        %get3A_191 = tpu.vector_load %arg13[%get3A_189, %get3A_190] {strides = array<i32>} : memref<128x256xf32, #tpu.memory_space<vmem>>, vector<1x16xf32>,
        %get3A_192 = vector.shape_cast %get3A_191 : vector<1x16xf32> to vector<16xf32>
        %add3A_193 = arith.addf %get3A_187, %get3A_192 : vector<16xf32>
        %swap3A_194 = arith.index_cast %scan3A_65 : i32 to index
        %swap3A_195 = arith.constant 128 : index
        %swap3A_196 = tpu.vector_load %arg16[%swap3A_194, %swap3A_195] {strides = array<i32>} : memref<16x768xf32, #tpu.memory_space<vmem>>, vector<1x16xf32>,
        %swap3A_197 = vector.shape_cast %swap3A_196 : vector<1x16xf32> to vector<16xf32>
        %swap3A_198 = vector.shape_cast %add3A_193 : vector<16xf32> to vector<1x16xf32>
        tpu.vector_store %arg16[%swap3A_194, %swap3A_195], %swap3A_198 {strides = array<i32>} : memref<16x768xf32, #tpu.memory_space<vmem>>, vector<1x16xf32>,
        %get3A_199 = arith.index_cast %scan3A_65 : i32 to index
        %get3A_200 = arith.constant 144 : index
        %get3A_201 = tpu.vector_load %arg16[%get3A_199, %get3A_200] {strides = array<i32>} : memref<16x768xf32, #tpu.memory_space<vmem>>, vector<1x16xf32>,
        %get3A_202 = vector.shape_cast %get3A_201 : vector<1x16xf32> to vector<16xf32>
        %add3A_203 = arith.addi %mul3A_56, %scan3A_65 : i32
        %get3A_204 = arith.index_cast %add3A_203 : i32 to index
        %get3A_205 = arith.constant 144 : index
        %get3A_206 = tpu.vector_load %arg13[%get3A_204, %get3A_205] {strides = array<i32>} : memref<128x256xf32, #tpu.memory_space<vmem>>, vector<1x16xf32>,
        %get3A_207 = vector.shape_cast %get3A_206 : vector<1x16xf32> to vector<16xf32>
        %add3A_208 = arith.addf %get3A_202, %get3A_207 : vector<16xf32>
        %swap3A_209 = arith.index_cast %scan3A_65 : i32 to index
        %swap3A_210 = arith.constant 144 : index
        %swap3A_211 = tpu.vector_load %arg16[%swap3A_209, %swap3A_210] {strides = array<i32>} : memref<16x768xf32, #tpu.memory_space<vmem>>, vector<1x16xf32>,
        %swap3A_212 = vector.shape_cast %swap3A_211 : vector<1x16xf32> to vector<16xf32>
        %swap3A_213 = vector.shape_cast %add3A_208 : vector<16xf32> to vector<1x16xf32>
        tpu.vector_store %arg16[%swap3A_209, %swap3A_210], %swap3A_213 {strides = array<i32>} : memref<16x768xf32, #tpu.memory_space<vmem>>, vector<1x16xf32>,
        %get3A_214 = arith.index_cast %scan3A_65 : i32 to index
        %get3A_215 = arith.constant 160 : index
        %get3A_216 = tpu.vector_load %arg16[%get3A_214, %get3A_215] {strides = array<i32>} : memref<16x768xf32, #tpu.memory_space<vmem>>, vector<1x16xf32>,
        %get3A_217 = vector.shape_cast %get3A_216 : vector<1x16xf32> to vector<16xf32>
        %add3A_218 = arith.addi %mul3A_56, %scan3A_65 : i32
        %get3A_219 = arith.index_cast %add3A_218 : i32 to index
        %get3A_220 = arith.constant 160 : index
        %get3A_221 = tpu.vector_load %arg13[%get3A_219, %get3A_220] {strides = array<i32>} : memref<128x256xf32, #tpu.memory_space<vmem>>, vector<1x16xf32>,
        %get3A_222 = vector.shape_cast %get3A_221 : vector<1x16xf32> to vector<16xf32>
        %add3A_223 = arith.addf %get3A_217, %get3A_222 : vector<16xf32>
        %swap3A_224 = arith.index_cast %scan3A_65 : i32 to index
        %swap3A_225 = arith.constant 160 : index
        %swap3A_226 = tpu.vector_load %arg16[%swap3A_224, %swap3A_225] {strides = array<i32>} : memref<16x768xf32, #tpu.memory_space<vmem>>, vector<1x16xf32>,
        %swap3A_227 = vector.shape_cast %swap3A_226 : vector<1x16xf32> to vector<16xf32>
        %swap3A_228 = vector.shape_cast %add3A_223 : vector<16xf32> to vector<1x16xf32>
        tpu.vector_store %arg16[%swap3A_224, %swap3A_225], %swap3A_228 {strides = array<i32>} : memref<16x768xf32, #tpu.memory_space<vmem>>, vector<1x16xf32>,
        %get3A_229 = arith.index_cast %scan3A_65 : i32 to index
        %get3A_230 = arith.constant 176 : index
        %get3A_231 = tpu.vector_load %arg16[%get3A_229, %get3A_230] {strides = array<i32>} : memref<16x768xf32, #tpu.memory_space<vmem>>, vector<1x16xf32>,
        %get3A_232 = vector.shape_cast %get3A_231 : vector<1x16xf32> to vector<16xf32>
        %add3A_233 = arith.addi %mul3A_56, %scan3A_65 : i32
        %get3A_234 = arith.index_cast %add3A_233 : i32 to index
        %get3A_235 = arith.constant 176 : index
        %get3A_236 = tpu.vector_load %arg13[%get3A_234, %get3A_235] {strides = array<i32>} : memref<128x256xf32, #tpu.memory_space<vmem>>, vector<1x16xf32>,
        %get3A_237 = vector.shape_cast %get3A_236 : vector<1x16xf32> to vector<16xf32>
        %add3A_238 = arith.addf %get3A_232, %get3A_237 : vector<16xf32>
        %swap3A_239 = arith.index_cast %scan3A_65 : i32 to index
        %swap3A_240 = arith.constant 176 : index
        %swap3A_241 = tpu.vector_load %arg16[%swap3A_239, %swap3A_240] {strides = array<i32>} : memref<16x768xf32, #tpu.memory_space<vmem>>, vector<1x16xf32>,
        %swap3A_242 = vector.shape_cast %swap3A_241 : vector<1x16xf32> to vector<16xf32>
        %swap3A_243 = vector.shape_cast %add3A_238 : vector<16xf32> to vector<1x16xf32>
        tpu.vector_store %arg16[%swap3A_239, %swap3A_240], %swap3A_243 {strides = array<i32>} : memref<16x768xf32, #tpu.memory_space<vmem>>, vector<1x16xf32>,
        %get3A_244 = arith.index_cast %scan3A_65 : i32 to index
        %get3A_245 = arith.constant 192 : index
        %get3A_246 = tpu.vector_load %arg16[%get3A_244, %get3A_245] {strides = array<i32>} : memref<16x768xf32, #tpu.memory_space<vmem>>, vector<1x16xf32>,
        %get3A_247 = vector.shape_cast %get3A_246 : vector<1x16xf32> to vector<16xf32>
        %add3A_248 = arith.addi %mul3A_56, %scan3A_65 : i32
        %get3A_249 = arith.index_cast %add3A_248 : i32 to index
        %get3A_250 = arith.constant 192 : index
        %get3A_251 = tpu.vector_load %arg13[%get3A_249, %get3A_250] {strides = array<i32>} : memref<128x256xf32, #tpu.memory_space<vmem>>, vector<1x16xf32>,
        %get3A_252 = vector.shape_cast %get3A_251 : vector<1x16xf32> to vector<16xf32>
        %add3A_253 = arith.addf %get3A_247, %get3A_252 : vector<16xf32>
        %swap3A_254 = arith.index_cast %scan3A_65 : i32 to index
        %swap3A_255 = arith.constant 192 : index
        %swap3A_256 = tpu.vector_load %arg16[%swap3A_254, %swap3A_255] {strides = array<i32>} : memref<16x768xf32, #tpu.memory_space<vmem>>, vector<1x16xf32>,
        %swap3A_257 = vector.shape_cast %swap3A_256 : vector<1x16xf32> to vector<16xf32>
        %swap3A_258 = vector.shape_cast %add3A_253 : vector<16xf32> to vector<1x16xf32>
        tpu.vector_store %arg16[%swap3A_254, %swap3A_255], %swap3A_258 {strides = array<i32>} : memref<16x768xf32, #tpu.memory_space<vmem>>, vector<1x16xf32>,
        %get3A_259 = arith.index_cast %scan3A_65 : i32 to index
        %get3A_260 = arith.constant 208 : index
        %get3A_261 = tpu.vector_load %arg16[%get3A_259, %get3A_260] {strides = array<i32>} : memref<16x768xf32, #tpu.memory_space<vmem>>, vector<1x16xf32>,
        %get3A_262 = vector.shape_cast %get3A_261 : vector<1x16xf32> to vector<16xf32>
        %add3A_263 = arith.addi %mul3A_56, %scan3A_65 : i32
        %get3A_264 = arith.index_cast %add3A_263 : i32 to index
        %get3A_265 = arith.constant 208 : index
        %get3A_266 = tpu.vector_load %arg13[%get3A_264, %get3A_265] {strides = array<i32>} : memref<128x256xf32, #tpu.memory_space<vmem>>, vector<1x16xf32>,
        %get3A_267 = vector.shape_cast %get3A_266 : vector<1x16xf32> to vector<16xf32>
        %add3A_268 = arith.addf %get3A_262, %get3A_267 : vector<16xf32>
        %swap3A_269 = arith.index_cast %scan3A_65 : i32 to index
        %swap3A_270 = arith.constant 208 : index
        %swap3A_271 = tpu.vector_load %arg16[%swap3A_269, %swap3A_270] {strides = array<i32>} : memref<16x768xf32, #tpu.memory_space<vmem>>, vector<1x16xf32>,
        %swap3A_272 = vector.shape_cast %swap3A_271 : vector<1x16xf32> to vector<16xf32>
        %swap3A_273 = vector.shape_cast %add3A_268 : vector<16xf32> to vector<1x16xf32>
        tpu.vector_store %arg16[%swap3A_269, %swap3A_270], %swap3A_273 {strides = array<i32>} : memref<16x768xf32, #tpu.memory_space<vmem>>, vector<1x16xf32>,
        %get3A_274 = arith.index_cast %scan3A_65 : i32 to index
        %get3A_275 = arith.constant 224 : index
        %get3A_276 = tpu.vector_load %arg16[%get3A_274, %get3A_275] {strides = array<i32>} : memref<16x768xf32, #tpu.memory_space<vmem>>, vector<1x16xf32>,
        %get3A_277 = vector.shape_cast %get3A_276 : vector<1x16xf32> to vector<16xf32>
        %add3A_278 = arith.addi %mul3A_56, %scan3A_65 : i32
        %get3A_279 = arith.index_cast %add3A_278 : i32 to index
        %get3A_280 = arith.constant 224 : index
        %get3A_281 = tpu.vector_load %arg13[%get3A_279, %get3A_280] {strides = array<i32>} : memref<128x256xf32, #tpu.memory_space<vmem>>, vector<1x16xf32>,
        %get3A_282 = vector.shape_cast %get3A_281 : vector<1x16xf32> to vector<16xf32>
        %add3A_283 = arith.addf %get3A_277, %get3A_282 : vector<16xf32>
        %swap3A_284 = arith.index_cast %scan3A_65 : i32 to index
        %swap3A_285 = arith.constant 224 : index
        %swap3A_286 = tpu.vector_load %arg16[%swap3A_284, %swap3A_285] {strides = array<i32>} : memref<16x768xf32, #tpu.memory_space<vmem>>, vector<1x16xf32>,
        %swap3A_287 = vector.shape_cast %swap3A_286 : vector<1x16xf32> to vector<16xf32>
        %swap3A_288 = vector.shape_cast %add3A_283 : vector<16xf32> to vector<1x16xf32>
        tpu.vector_store %arg16[%swap3A_284, %swap3A_285], %swap3A_288 {strides = array<i32>} : memref<16x768xf32, #tpu.memory_space<vmem>>, vector<1x16xf32>,
        %get3A_289 = arith.index_cast %scan3A_65 : i32 to index
        %get3A_290 = arith.constant 240 : index
        %get3A_291 = tpu.vector_load %arg16[%get3A_289, %get3A_290] {strides = array<i32>} : memref<16x768xf32, #tpu.memory_space<vmem>>, vector<1x16xf32>,
        %get3A_292 = vector.shape_cast %get3A_291 : vector<1x16xf32> to vector<16xf32>
        %add3A_293 = arith.addi %mul3A_56, %scan3A_65 : i32
        %get3A_294 = arith.index_cast %add3A_293 : i32 to index
        %get3A_295 = arith.constant 240 : index
        %get3A_296 = tpu.vector_load %arg13[%get3A_294, %get3A_295] {strides = array<i32>} : memref<128x256xf32, #tpu.memory_space<vmem>>, vector<1x16xf32>,
        %get3A_297 = vector.shape_cast %get3A_296 : vector<1x16xf32> to vector<16xf32>
        %add3A_298 = arith.addf %get3A_292, %get3A_297 : vector<16xf32>
        %swap3A_299 = arith.index_cast %scan3A_65 : i32 to index
        %swap3A_300 = arith.constant 240 : index
        %swap3A_301 = tpu.vector_load %arg16[%swap3A_299, %swap3A_300] {strides = array<i32>} : memref<16x768xf32, #tpu.memory_space<vmem>>, vector<1x16xf32>,
        %swap3A_302 = vector.shape_cast %swap3A_301 : vector<1x16xf32> to vector<16xf32>
        %swap3A_303 = vector.shape_cast %add3A_298 : vector<16xf32> to vector<1x16xf32>
        tpu.vector_store %arg16[%swap3A_299, %swap3A_300], %swap3A_303 {strides = array<i32>} : memref<16x768xf32, #tpu.memory_space<vmem>>, vector<1x16xf32>,
        %get3A_304 = arith.index_cast %scan3A_65 : i32 to index
        %get3A_305 = arith.constant 256 : index
        %get3A_306 = tpu.vector_load %arg16[%get3A_304, %get3A_305] {strides = array<i32>} : memref<16x768xf32, #tpu.memory_space<vmem>>, vector<1x16xf32>,
        %get3A_307 = vector.shape_cast %get3A_306 : vector<1x16xf32> to vector<16xf32>
        %add3A_308 = arith.addi %mul3A_56, %scan3A_65 : i32
        %get3A_309 = arith.index_cast %add3A_308 : i32 to index
        %get3A_310 = arith.constant 0 : index
        %get3A_311 = tpu.vector_load %arg14[%get3A_309, %get3A_310] {strides = array<i32>} : memref<128x256xf32, #tpu.memory_space<vmem>>, vector<1x16xf32>,
        %get3A_312 = vector.shape_cast %get3A_311 : vector<1x16xf32> to vector<16xf32>
        %add3A_313 = arith.addf %get3A_307, %get3A_312 : vector<16xf32>
        %swap3A_314 = arith.index_cast %scan3A_65 : i32 to index
        %swap3A_315 = arith.constant 256 : index
        %swap3A_316 = tpu.vector_load %arg16[%swap3A_314, %swap3A_315] {strides = array<i32>} : memref<16x768xf32, #tpu.memory_space<vmem>>, vector<1x16xf32>,
        %swap3A_317 = vector.shape_cast %swap3A_316 : vector<1x16xf32> to vector<16xf32>
        %swap3A_318 = vector.shape_cast %add3A_313 : vector<16xf32> to vector<1x16xf32>
        tpu.vector_store %arg16[%swap3A_314, %swap3A_315], %swap3A_318 {strides = array<i32>} : memref<16x768xf32, #tpu.memory_space<vmem>>, vector<1x16xf32>,
        %get3A_319 = arith.index_cast %scan3A_65 : i32 to index
        %get3A_320 = arith.constant 272 : index
        %get3A_321 = tpu.vector_load %arg16[%get3A_319, %get3A_320] {strides = array<i32>} : memref<16x768xf32, #tpu.memory_space<vmem>>, vector<1x16xf32>,
        %get3A_322 = vector.shape_cast %get3A_321 : vector<1x16xf32> to vector<16xf32>
        %add3A_323 = arith.addi %mul3A_56, %scan3A_65 : i32
        %get3A_324 = arith.index_cast %add3A_323 : i32 to index
        %get3A_325 = arith.constant 16 : index
        %get3A_326 = tpu.vector_load %arg14[%get3A_324, %get3A_325] {strides = array<i32>} : memref<128x256xf32, #tpu.memory_space<vmem>>, vector<1x16xf32>,
        %get3A_327 = vector.shape_cast %get3A_326 : vector<1x16xf32> to vector<16xf32>
        %add3A_328 = arith.addf %get3A_322, %get3A_327 : vector<16xf32>
        %swap3A_329 = arith.index_cast %scan3A_65 : i32 to index
        %swap3A_330 = arith.constant 272 : index
        %swap3A_331 = tpu.vector_load %arg16[%swap3A_329, %swap3A_330] {strides = array<i32>} : memref<16x768xf32, #tpu.memory_space<vmem>>, vector<1x16xf32>,
        %swap3A_332 = vector.shape_cast %swap3A_331 : vector<1x16xf32> to vector<16xf32>
        %swap3A_333 = vector.shape_cast %add3A_328 : vector<16xf32> to vector<1x16xf32>
        tpu.vector_store %arg16[%swap3A_329, %swap3A_330], %swap3A_333 {strides = array<i32>} : memref<16x768xf32, #tpu.memory_space<vmem>>, vector<1x16xf32>,
        %get3A_334 = arith.index_cast %scan3A_65 : i32 to index
        %get3A_335 = arith.constant 288 : index
        %get3A_336 = tpu.vector_load %arg16[%get3A_334, %get3A_335] {strides = array<i32>} : memref<16x768xf32, #tpu.memory_space<vmem>>, vector<1x16xf32>,
        %get3A_337 = vector.shape_cast %get3A_336 : vector<1x16xf32> to vector<16xf32>
        %add3A_338 = arith.addi %mul3A_56, %scan3A_65 : i32
        %get3A_339 = arith.index_cast %add3A_338 : i32 to index
        %get3A_340 = arith.constant 32 : index
        %get3A_341 = tpu.vector_load %arg14[%get3A_339, %get3A_340] {strides = array<i32>} : memref<128x256xf32, #tpu.memory_space<vmem>>, vector<1x16xf32>,
        %get3A_342 = vector.shape_cast %get3A_341 : vector<1x16xf32> to vector<16xf32>
        %add3A_343 = arith.addf %get3A_337, %get3A_342 : vector<16xf32>
        %swap3A_344 = arith.index_cast %scan3A_65 : i32 to index
        %swap3A_345 = arith.constant 288 : index
        %swap3A_346 = tpu.vector_load %arg16[%swap3A_344, %swap3A_345] {strides = array<i32>} : memref<16x768xf32, #tpu.memory_space<vmem>>, vector<1x16xf32>,
        %swap3A_347 = vector.shape_cast %swap3A_346 : vector<1x16xf32> to vector<16xf32>
        %swap3A_348 = vector.shape_cast %add3A_343 : vector<16xf32> to vector<1x16xf32>
        tpu.vector_store %arg16[%swap3A_344, %swap3A_345], %swap3A_348 {strides = array<i32>} : memref<16x768xf32, #tpu.memory_space<vmem>>, vector<1x16xf32>,
        %get3A_349 = arith.index_cast %scan3A_65 : i32 to index
        %get3A_350 = arith.constant 304 : index
        %get3A_351 = tpu.vector_load %arg16[%get3A_349, %get3A_350] {strides = array<i32>} : memref<16x768xf32, #tpu.memory_space<vmem>>, vector<1x16xf32>,
        %get3A_352 = vector.shape_cast %get3A_351 : vector<1x16xf32> to vector<16xf32>
        %add3A_353 = arith.addi %mul3A_56, %scan3A_65 : i32
        %get3A_354 = arith.index_cast %add3A_353 : i32 to index
        %get3A_355 = arith.constant 48 : index
        %get3A_356 = tpu.vector_load %arg14[%get3A_354, %get3A_355] {strides = array<i32>} : memref<128x256xf32, #tpu.memory_space<vmem>>, vector<1x16xf32>,
        %get3A_357 = vector.shape_cast %get3A_356 : vector<1x16xf32> to vector<16xf32>
        %add3A_358 = arith.addf %get3A_352, %get3A_357 : vector<16xf32>
        %swap3A_359 = arith.index_cast %scan3A_65 : i32 to index
        %swap3A_360 = arith.constant 304 : index
        %swap3A_361 = tpu.vector_load %arg16[%swap3A_359, %swap3A_360] {strides = array<i32>} : memref<16x768xf32, #tpu.memory_space<vmem>>, vector<1x16xf32>,
        %swap3A_362 = vector.shape_cast %swap3A_361 : vector<1x16xf32> to vector<16xf32>
        %swap3A_363 = vector.shape_cast %add3A_358 : vector<16xf32> to vector<1x16xf32>
        tpu.vector_store %arg16[%swap3A_359, %swap3A_360], %swap3A_363 {strides = array<i32>} : memref<16x768xf32, #tpu.memory_space<vmem>>, vector<1x16xf32>,
        %get3A_364 = arith.index_cast %scan3A_65 : i32 to index
        %get3A_365 = arith.constant 320 : index
        %get3A_366 = tpu.vector_load %arg16[%get3A_364, %get3A_365] {strides = array<i32>} : memref<16x768xf32, #tpu.memory_space<vmem>>, vector<1x16xf32>,
        %get3A_367 = vector.shape_cast %get3A_366 : vector<1x16xf32> to vector<16xf32>
        %add3A_368 = arith.addi %mul3A_56, %scan3A_65 : i32
        %get3A_369 = arith.index_cast %add3A_368 : i32 to index
        %get3A_370 = arith.constant 64 : index
        %get3A_371 = tpu.vector_load %arg14[%get3A_369, %get3A_370] {strides = array<i32>} : memref<128x256xf32, #tpu.memory_space<vmem>>, vector<1x16xf32>,
        %get3A_372 = vector.shape_cast %get3A_371 : vector<1x16xf32> to vector<16xf32>
        %add3A_373 = arith.addf %get3A_367, %get3A_372 : vector<16xf32>
        %swap3A_374 = arith.index_cast %scan3A_65 : i32 to index
        %swap3A_375 = arith.constant 320 : index
        %swap3A_376 = tpu.vector_load %arg16[%swap3A_374, %swap3A_375] {strides = array<i32>} : memref<16x768xf32, #tpu.memory_space<vmem>>, vector<1x16xf32>,
        %swap3A_377 = vector.shape_cast %swap3A_376 : vector<1x16xf32> to vector<16xf32>
        %swap3A_378 = vector.shape_cast %add3A_373 : vector<16xf32> to vector<1x16xf32>
        tpu.vector_store %arg16[%swap3A_374, %swap3A_375], %swap3A_378 {strides = array<i32>} : memref<16x768xf32, #tpu.memory_space<vmem>>, vector<1x16xf32>,
        %get3A_379 = arith.index_cast %scan3A_65 : i32 to index
        %get3A_380 = arith.constant 336 : index
        %get3A_381 = tpu.vector_load %arg16[%get3A_379, %get3A_380] {strides = array<i32>} : memref<16x768xf32, #tpu.memory_space<vmem>>, vector<1x16xf32>,
        %get3A_382 = vector.shape_cast %get3A_381 : vector<1x16xf32> to vector<16xf32>
        %add3A_383 = arith.addi %mul3A_56, %scan3A_65 : i32
        %get3A_384 = arith.index_cast %add3A_383 : i32 to index
        %get3A_385 = arith.constant 80 : index
        %get3A_386 = tpu.vector_load %arg14[%get3A_384, %get3A_385] {strides = array<i32>} : memref<128x256xf32, #tpu.memory_space<vmem>>, vector<1x16xf32>,
        %get3A_387 = vector.shape_cast %get3A_386 : vector<1x16xf32> to vector<16xf32>
        %add3A_388 = arith.addf %get3A_382, %get3A_387 : vector<16xf32>
        %swap3A_389 = arith.index_cast %scan3A_65 : i32 to index
        %swap3A_390 = arith.constant 336 : index
        %swap3A_391 = tpu.vector_load %arg16[%swap3A_389, %swap3A_390] {strides = array<i32>} : memref<16x768xf32, #tpu.memory_space<vmem>>, vector<1x16xf32>,
        %swap3A_392 = vector.shape_cast %swap3A_391 : vector<1x16xf32> to vector<16xf32>
        %swap3A_393 = vector.shape_cast %add3A_388 : vector<16xf32> to vector<1x16xf32>
        tpu.vector_store %arg16[%swap3A_389, %swap3A_390], %swap3A_393 {strides = array<i32>} : memref<16x768xf32, #tpu.memory_space<vmem>>, vector<1x16xf32>,
        %get3A_394 = arith.index_cast %scan3A_65 : i32 to index
        %get3A_395 = arith.constant 352 : index
        %get3A_396 = tpu.vector_load %arg16[%get3A_394, %get3A_395] {strides = array<i32>} : memref<16x768xf32, #tpu.memory_space<vmem>>, vector<1x16xf32>,
        %get3A_397 = vector.shape_cast %get3A_396 : vector<1x16xf32> to vector<16xf32>
        %add3A_398 = arith.addi %mul3A_56, %scan3A_65 : i32
        %get3A_399 = arith.index_cast %add3A_398 : i32 to index
        %get3A_400 = arith.constant 96 : index
        %get3A_401 = tpu.vector_load %arg14[%get3A_399, %get3A_400] {strides = array<i32>} : memref<128x256xf32, #tpu.memory_space<vmem>>, vector<1x16xf32>,
        %get3A_402 = vector.shape_cast %get3A_401 : vector<1x16xf32> to vector<16xf32>
        %add3A_403 = arith.addf %get3A_397, %get3A_402 : vector<16xf32>
        %swap3A_404 = arith.index_cast %scan3A_65 : i32 to index
        %swap3A_405 = arith.constant 352 : index
        %swap3A_406 = tpu.vector_load %arg16[%swap3A_404, %swap3A_405] {strides = array<i32>} : memref<16x768xf32, #tpu.memory_space<vmem>>, vector<1x16xf32>,
        %swap3A_407 = vector.shape_cast %swap3A_406 : vector<1x16xf32> to vector<16xf32>
        %swap3A_408 = vector.shape_cast %add3A_403 : vector<16xf32> to vector<1x16xf32>
        tpu.vector_store %arg16[%swap3A_404, %swap3A_405], %swap3A_408 {strides = array<i32>} : memref<16x768xf32, #tpu.memory_space<vmem>>, vector<1x16xf32>,
        %get3A_409 = arith.index_cast %scan3A_65 : i32 to index
        %get3A_410 = arith.constant 368 : index
        %get3A_411 = tpu.vector_load %arg16[%get3A_409, %get3A_410] {strides = array<i32>} : memref<16x768xf32, #tpu.memory_space<vmem>>, vector<1x16xf32>,
        %get3A_412 = vector.shape_cast %get3A_411 : vector<1x16xf32> to vector<16xf32>
        %add3A_413 = arith.addi %mul3A_56, %scan3A_65 : i32
        %get3A_414 = arith.index_cast %add3A_413 : i32 to index
        %get3A_415 = arith.constant 112 : index
        %get3A_416 = tpu.vector_load %arg14[%get3A_414, %get3A_415] {strides = array<i32>} : memref<128x256xf32, #tpu.memory_space<vmem>>, vector<1x16xf32>,
        %get3A_417 = vector.shape_cast %get3A_416 : vector<1x16xf32> to vector<16xf32>
        %add3A_418 = arith.addf %get3A_412, %get3A_417 : vector<16xf32>
        %swap3A_419 = arith.index_cast %scan3A_65 : i32 to index
        %swap3A_420 = arith.constant 368 : index
        %swap3A_421 = tpu.vector_load %arg16[%swap3A_419, %swap3A_420] {strides = array<i32>} : memref<16x768xf32, #tpu.memory_space<vmem>>, vector<1x16xf32>,
        %swap3A_422 = vector.shape_cast %swap3A_421 : vector<1x16xf32> to vector<16xf32>
        %swap3A_423 = vector.shape_cast %add3A_418 : vector<16xf32> to vector<1x16xf32>
        tpu.vector_store %arg16[%swap3A_419, %swap3A_420], %swap3A_423 {strides = array<i32>} : memref<16x768xf32, #tpu.memory_space<vmem>>, vector<1x16xf32>,
        %get3A_424 = arith.index_cast %scan3A_65 : i32 to index
        %get3A_425 = arith.constant 384 : index
        %get3A_426 = tpu.vector_load %arg16[%get3A_424, %get3A_425] {strides = array<i32>} : memref<16x768xf32, #tpu.memory_space<vmem>>, vector<1x16xf32>,
        %get3A_427 = vector.shape_cast %get3A_426 : vector<1x16xf32> to vector<16xf32>
        %add3A_428 = arith.addi %mul3A_56, %scan3A_65 : i32
        %get3A_429 = arith.index_cast %add3A_428 : i32 to index
        %get3A_430 = arith.constant 128 : index
        %get3A_431 = tpu.vector_load %arg14[%get3A_429, %get3A_430] {strides = array<i32>} : memref<128x256xf32, #tpu.memory_space<vmem>>, vector<1x16xf32>,
        %get3A_432 = vector.shape_cast %get3A_431 : vector<1x16xf32> to vector<16xf32>
        %add3A_433 = arith.addf %get3A_427, %get3A_432 : vector<16xf32>
        %swap3A_434 = arith.index_cast %scan3A_65 : i32 to index
        %swap3A_435 = arith.constant 384 : index
        %swap3A_436 = tpu.vector_load %arg16[%swap3A_434, %swap3A_435] {strides = array<i32>} : memref<16x768xf32, #tpu.memory_space<vmem>>, vector<1x16xf32>,
        %swap3A_437 = vector.shape_cast %swap3A_436 : vector<1x16xf32> to vector<16xf32>
        %swap3A_438 = vector.shape_cast %add3A_433 : vector<16xf32> to vector<1x16xf32>
        tpu.vector_store %arg16[%swap3A_434, %swap3A_435], %swap3A_438 {strides = array<i32>} : memref<16x768xf32, #tpu.memory_space<vmem>>, vector<1x16xf32>,
        %get3A_439 = arith.index_cast %scan3A_65 : i32 to index
        %get3A_440 = arith.constant 400 : index
        %get3A_441 = tpu.vector_load %arg16[%get3A_439, %get3A_440] {strides = array<i32>} : memref<16x768xf32, #tpu.memory_space<vmem>>, vector<1x16xf32>,
        %get3A_442 = vector.shape_cast %get3A_441 : vector<1x16xf32> to vector<16xf32>
        %add3A_443 = arith.addi %mul3A_56, %scan3A_65 : i32
        %get3A_444 = arith.index_cast %add3A_443 : i32 to index
        %get3A_445 = arith.constant 144 : index
        %get3A_446 = tpu.vector_load %arg14[%get3A_444, %get3A_445] {strides = array<i32>} : memref<128x256xf32, #tpu.memory_space<vmem>>, vector<1x16xf32>,
        %get3A_447 = vector.shape_cast %get3A_446 : vector<1x16xf32> to vector<16xf32>
        %add3A_448 = arith.addf %get3A_442, %get3A_447 : vector<16xf32>
        %swap3A_449 = arith.index_cast %scan3A_65 : i32 to index
        %swap3A_450 = arith.constant 400 : index
        %swap3A_451 = tpu.vector_load %arg16[%swap3A_449, %swap3A_450] {strides = array<i32>} : memref<16x768xf32, #tpu.memory_space<vmem>>, vector<1x16xf32>,
        %swap3A_452 = vector.shape_cast %swap3A_451 : vector<1x16xf32> to vector<16xf32>
        %swap3A_453 = vector.shape_cast %add3A_448 : vector<16xf32> to vector<1x16xf32>
        tpu.vector_store %arg16[%swap3A_449, %swap3A_450], %swap3A_453 {strides = array<i32>} : memref<16x768xf32, #tpu.memory_space<vmem>>, vector<1x16xf32>,
        %get3A_454 = arith.index_cast %scan3A_65 : i32 to index
        %get3A_455 = arith.constant 416 : index
        %get3A_456 = tpu.vector_load %arg16[%get3A_454, %get3A_455] {strides = array<i32>} : memref<16x768xf32, #tpu.memory_space<vmem>>, vector<1x16xf32>,
        %get3A_457 = vector.shape_cast %get3A_456 : vector<1x16xf32> to vector<16xf32>
        %add3A_458 = arith.addi %mul3A_56, %scan3A_65 : i32
        %get3A_459 = arith.index_cast %add3A_458 : i32 to index
        %get3A_460 = arith.constant 160 : index
        %get3A_461 = tpu.vector_load %arg14[%get3A_459, %get3A_460] {strides = array<i32>} : memref<128x256xf32, #tpu.memory_space<vmem>>, vector<1x16xf32>,
        %get3A_462 = vector.shape_cast %get3A_461 : vector<1x16xf32> to vector<16xf32>
        %add3A_463 = arith.addf %get3A_457, %get3A_462 : vector<16xf32>
        %swap3A_464 = arith.index_cast %scan3A_65 : i32 to index
        %swap3A_465 = arith.constant 416 : index
        %swap3A_466 = tpu.vector_load %arg16[%swap3A_464, %swap3A_465] {strides = array<i32>} : memref<16x768xf32, #tpu.memory_space<vmem>>, vector<1x16xf32>,
        %swap3A_467 = vector.shape_cast %swap3A_466 : vector<1x16xf32> to vector<16xf32>
        %swap3A_468 = vector.shape_cast %add3A_463 : vector<16xf32> to vector<1x16xf32>
        tpu.vector_store %arg16[%swap3A_464, %swap3A_465], %swap3A_468 {strides = array<i32>} : memref<16x768xf32, #tpu.memory_space<vmem>>, vector<1x16xf32>,
        %get3A_469 = arith.index_cast %scan3A_65 : i32 to index
        %get3A_470 = arith.constant 432 : index
        %get3A_471 = tpu.vector_load %arg16[%get3A_469, %get3A_470] {strides = array<i32>} : memref<16x768xf32, #tpu.memory_space<vmem>>, vector<1x16xf32>,
        %get3A_472 = vector.shape_cast %get3A_471 : vector<1x16xf32> to vector<16xf32>
        %add3A_473 = arith.addi %mul3A_56, %scan3A_65 : i32
        %get3A_474 = arith.index_cast %add3A_473 : i32 to index
        %get3A_475 = arith.constant 176 : index
        %get3A_476 = tpu.vector_load %arg14[%get3A_474, %get3A_475] {strides = array<i32>} : memref<128x256xf32, #tpu.memory_space<vmem>>, vector<1x16xf32>,
        %get3A_477 = vector.shape_cast %get3A_476 : vector<1x16xf32> to vector<16xf32>
        %add3A_478 = arith.addf %get3A_472, %get3A_477 : vector<16xf32>
        %swap3A_479 = arith.index_cast %scan3A_65 : i32 to index
        %swap3A_480 = arith.constant 432 : index
        %swap3A_481 = tpu.vector_load %arg16[%swap3A_479, %swap3A_480] {strides = array<i32>} : memref<16x768xf32, #tpu.memory_space<vmem>>, vector<1x16xf32>,
        %swap3A_482 = vector.shape_cast %swap3A_481 : vector<1x16xf32> to vector<16xf32>
        %swap3A_483 = vector.shape_cast %add3A_478 : vector<16xf32> to vector<1x16xf32>
        tpu.vector_store %arg16[%swap3A_479, %swap3A_480], %swap3A_483 {strides = array<i32>} : memref<16x768xf32, #tpu.memory_space<vmem>>, vector<1x16xf32>,
        %get3A_484 = arith.index_cast %scan3A_65 : i32 to index
        %get3A_485 = arith.constant 448 : index
        %get3A_486 = tpu.vector_load %arg16[%get3A_484, %get3A_485] {strides = array<i32>} : memref<16x768xf32, #tpu.memory_space<vmem>>, vector<1x16xf32>,
        %get3A_487 = vector.shape_cast %get3A_486 : vector<1x16xf32> to vector<16xf32>
        %add3A_488 = arith.addi %mul3A_56, %scan3A_65 : i32
        %get3A_489 = arith.index_cast %add3A_488 : i32 to index
        %get3A_490 = arith.constant 192 : index
        %get3A_491 = tpu.vector_load %arg14[%get3A_489, %get3A_490] {strides = array<i32>} : memref<128x256xf32, #tpu.memory_space<vmem>>, vector<1x16xf32>,
        %get3A_492 = vector.shape_cast %get3A_491 : vector<1x16xf32> to vector<16xf32>
        %add3A_493 = arith.addf %get3A_487, %get3A_492 : vector<16xf32>
        %swap3A_494 = arith.index_cast %scan3A_65 : i32 to index
        %swap3A_495 = arith.constant 448 : index
        %swap3A_496 = tpu.vector_load %arg16[%swap3A_494, %swap3A_495] {strides = array<i32>} : memref<16x768xf32, #tpu.memory_space<vmem>>, vector<1x16xf32>,
        %swap3A_497 = vector.shape_cast %swap3A_496 : vector<1x16xf32> to vector<16xf32>
        %swap3A_498 = vector.shape_cast %add3A_493 : vector<16xf32> to vector<1x16xf32>
        tpu.vector_store %arg16[%swap3A_494, %swap3A_495], %swap3A_498 {strides = array<i32>} : memref<16x768xf32, #tpu.memory_space<vmem>>, vector<1x16xf32>,
        %get3A_499 = arith.index_cast %scan3A_65 : i32 to index
        %get3A_500 = arith.constant 464 : index
        %get3A_501 = tpu.vector_load %arg16[%get3A_499, %get3A_500] {strides = array<i32>} : memref<16x768xf32, #tpu.memory_space<vmem>>, vector<1x16xf32>,
        %get3A_502 = vector.shape_cast %get3A_501 : vector<1x16xf32> to vector<16xf32>
        %add3A_503 = arith.addi %mul3A_56, %scan3A_65 : i32
        %get3A_504 = arith.index_cast %add3A_503 : i32 to index
        %get3A_505 = arith.constant 208 : index
        %get3A_506 = tpu.vector_load %arg14[%get3A_504, %get3A_505] {strides = array<i32>} : memref<128x256xf32, #tpu.memory_space<vmem>>, vector<1x16xf32>,
        %get3A_507 = vector.shape_cast %get3A_506 : vector<1x16xf32> to vector<16xf32>
        %add3A_508 = arith.addf %get3A_502, %get3A_507 : vector<16xf32>
        %swap3A_509 = arith.index_cast %scan3A_65 : i32 to index
        %swap3A_510 = arith.constant 464 : index
        %swap3A_511 = tpu.vector_load %arg16[%swap3A_509, %swap3A_510] {strides = array<i32>} : memref<16x768xf32, #tpu.memory_space<vmem>>, vector<1x16xf32>,
        %swap3A_512 = vector.shape_cast %swap3A_511 : vector<1x16xf32> to vector<16xf32>
        %swap3A_513 = vector.shape_cast %add3A_508 : vector<16xf32> to vector<1x16xf32>
        tpu.vector_store %arg16[%swap3A_509, %swap3A_510], %swap3A_513 {strides = array<i32>} : memref<16x768xf32, #tpu.memory_space<vmem>>, vector<1x16xf32>,
        %get3A_514 = arith.index_cast %scan3A_65 : i32 to index
        %get3A_515 = arith.constant 480 : index
        %get3A_516 = tpu.vector_load %arg16[%get3A_514, %get3A_515] {strides = array<i32>} : memref<16x768xf32, #tpu.memory_space<vmem>>, vector<1x16xf32>,
        %get3A_517 = vector.shape_cast %get3A_516 : vector<1x16xf32> to vector<16xf32>
        %add3A_518 = arith.addi %mul3A_56, %scan3A_65 : i32
        %get3A_519 = arith.index_cast %add3A_518 : i32 to index
        %get3A_520 = arith.constant 224 : index
        %get3A_521 = tpu.vector_load %arg14[%get3A_519, %get3A_520] {strides = array<i32>} : memref<128x256xf32, #tpu.memory_space<vmem>>, vector<1x16xf32>,
        %get3A_522 = vector.shape_cast %get3A_521 : vector<1x16xf32> to vector<16xf32>
        %add3A_523 = arith.addf %get3A_517, %get3A_522 : vector<16xf32>
        %swap3A_524 = arith.index_cast %scan3A_65 : i32 to index
        %swap3A_525 = arith.constant 480 : index
        %swap3A_526 = tpu.vector_load %arg16[%swap3A_524, %swap3A_525] {strides = array<i32>} : memref<16x768xf32, #tpu.memory_space<vmem>>, vector<1x16xf32>,
        %swap3A_527 = vector.shape_cast %swap3A_526 : vector<1x16xf32> to vector<16xf32>
        %swap3A_528 = vector.shape_cast %add3A_523 : vector<16xf32> to vector<1x16xf32>
        tpu.vector_store %arg16[%swap3A_524, %swap3A_525], %swap3A_528 {strides = array<i32>} : memref<16x768xf32, #tpu.memory_space<vmem>>, vector<1x16xf32>,
        %get3A_529 = arith.index_cast %scan3A_65 : i32 to index
        %get3A_530 = arith.constant 496 : index
        %get3A_531 = tpu.vector_load %arg16[%get3A_529, %get3A_530] {strides = array<i32>} : memref<16x768xf32, #tpu.memory_space<vmem>>, vector<1x16xf32>,
        %get3A_532 = vector.shape_cast %get3A_531 : vector<1x16xf32> to vector<16xf32>
        %add3A_533 = arith.addi %mul3A_56, %scan3A_65 : i32
        %get3A_534 = arith.index_cast %add3A_533 : i32 to index
        %get3A_535 = arith.constant 240 : index
        %get3A_536 = tpu.vector_load %arg14[%get3A_534, %get3A_535] {strides = array<i32>} : memref<128x256xf32, #tpu.memory_space<vmem>>, vector<1x16xf32>,
        %get3A_537 = vector.shape_cast %get3A_536 : vector<1x16xf32> to vector<16xf32>
        %add3A_538 = arith.addf %get3A_532, %get3A_537 : vector<16xf32>
        %swap3A_539 = arith.index_cast %scan3A_65 : i32 to index
        %swap3A_540 = arith.constant 496 : index
        %swap3A_541 = tpu.vector_load %arg16[%swap3A_539, %swap3A_540] {strides = array<i32>} : memref<16x768xf32, #tpu.memory_space<vmem>>, vector<1x16xf32>,
        %swap3A_542 = vector.shape_cast %swap3A_541 : vector<1x16xf32> to vector<16xf32>
        %swap3A_543 = vector.shape_cast %add3A_538 : vector<16xf32> to vector<1x16xf32>
        tpu.vector_store %arg16[%swap3A_539, %swap3A_540], %swap3A_543 {strides = array<i32>} : memref<16x768xf32, #tpu.memory_space<vmem>>, vector<1x16xf32>,
        %get3A_544 = arith.index_cast %scan3A_65 : i32 to index
        %get3A_545 = arith.constant 512 : index
        %get3A_546 = tpu.vector_load %arg16[%get3A_544, %get3A_545] {strides = array<i32>} : memref<16x768xf32, #tpu.memory_space<vmem>>, vector<1x16xf32>,
        %get3A_547 = vector.shape_cast %get3A_546 : vector<1x16xf32> to vector<16xf32>
        %add3A_548 = arith.addi %mul3A_56, %scan3A_65 : i32
        %get3A_549 = arith.index_cast %add3A_548 : i32 to index
        %get3A_550 = arith.constant 0 : index
        %get3A_551 = tpu.vector_load %arg15[%get3A_549, %get3A_550] {strides = array<i32>} : memref<128x256xf32, #tpu.memory_space<vmem>>, vector<1x16xf32>,
        %get3A_552 = vector.shape_cast %get3A_551 : vector<1x16xf32> to vector<16xf32>
        %add3A_553 = arith.addf %get3A_547, %get3A_552 : vector<16xf32>
        %swap3A_554 = arith.index_cast %scan3A_65 : i32 to index
        %swap3A_555 = arith.constant 512 : index
        %swap3A_556 = tpu.vector_load %arg16[%swap3A_554, %swap3A_555] {strides = array<i32>} : memref<16x768xf32, #tpu.memory_space<vmem>>, vector<1x16xf32>,
        %swap3A_557 = vector.shape_cast %swap3A_556 : vector<1x16xf32> to vector<16xf32>
        %swap3A_558 = vector.shape_cast %add3A_553 : vector<16xf32> to vector<1x16xf32>
        tpu.vector_store %arg16[%swap3A_554, %swap3A_555], %swap3A_558 {strides = array<i32>} : memref<16x768xf32, #tpu.memory_space<vmem>>, vector<1x16xf32>,
        %get3A_559 = arith.index_cast %scan3A_65 : i32 to index
        %get3A_560 = arith.constant 528 : index
        %get3A_561 = tpu.vector_load %arg16[%get3A_559, %get3A_560] {strides = array<i32>} : memref<16x768xf32, #tpu.memory_space<vmem>>, vector<1x16xf32>,
        %get3A_562 = vector.shape_cast %get3A_561 : vector<1x16xf32> to vector<16xf32>
        %add3A_563 = arith.addi %mul3A_56, %scan3A_65 : i32
        %get3A_564 = arith.index_cast %add3A_563 : i32 to index
        %get3A_565 = arith.constant 16 : index
        %get3A_566 = tpu.vector_load %arg15[%get3A_564, %get3A_565] {strides = array<i32>} : memref<128x256xf32, #tpu.memory_space<vmem>>, vector<1x16xf32>,
        %get3A_567 = vector.shape_cast %get3A_566 : vector<1x16xf32> to vector<16xf32>
        %add3A_568 = arith.addf %get3A_562, %get3A_567 : vector<16xf32>
        %swap3A_569 = arith.index_cast %scan3A_65 : i32 to index
        %swap3A_570 = arith.constant 528 : index
        %swap3A_571 = tpu.vector_load %arg16[%swap3A_569, %swap3A_570] {strides = array<i32>} : memref<16x768xf32, #tpu.memory_space<vmem>>, vector<1x16xf32>,
        %swap3A_572 = vector.shape_cast %swap3A_571 : vector<1x16xf32> to vector<16xf32>
        %swap3A_573 = vector.shape_cast %add3A_568 : vector<16xf32> to vector<1x16xf32>
        tpu.vector_store %arg16[%swap3A_569, %swap3A_570], %swap3A_573 {strides = array<i32>} : memref<16x768xf32, #tpu.memory_space<vmem>>, vector<1x16xf32>,
        %get3A_574 = arith.index_cast %scan3A_65 : i32 to index
        %get3A_575 = arith.constant 544 : index
        %get3A_576 = tpu.vector_load %arg16[%get3A_574, %get3A_575] {strides = array<i32>} : memref<16x768xf32, #tpu.memory_space<vmem>>, vector<1x16xf32>,
        %get3A_577 = vector.shape_cast %get3A_576 : vector<1x16xf32> to vector<16xf32>
        %add3A_578 = arith.addi %mul3A_56, %scan3A_65 : i32
        %get3A_579 = arith.index_cast %add3A_578 : i32 to index
        %get3A_580 = arith.constant 32 : index
        %get3A_581 = tpu.vector_load %arg15[%get3A_579, %get3A_580] {strides = array<i32>} : memref<128x256xf32, #tpu.memory_space<vmem>>, vector<1x16xf32>,
        %get3A_582 = vector.shape_cast %get3A_581 : vector<1x16xf32> to vector<16xf32>
        %add3A_583 = arith.addf %get3A_577, %get3A_582 : vector<16xf32>
        %swap3A_584 = arith.index_cast %scan3A_65 : i32 to index
        %swap3A_585 = arith.constant 544 : index
        %swap3A_586 = tpu.vector_load %arg16[%swap3A_584, %swap3A_585] {strides = array<i32>} : memref<16x768xf32, #tpu.memory_space<vmem>>, vector<1x16xf32>,
        %swap3A_587 = vector.shape_cast %swap3A_586 : vector<1x16xf32> to vector<16xf32>
        %swap3A_588 = vector.shape_cast %add3A_583 : vector<16xf32> to vector<1x16xf32>
        tpu.vector_store %arg16[%swap3A_584, %swap3A_585], %swap3A_588 {strides = array<i32>} : memref<16x768xf32, #tpu.memory_space<vmem>>, vector<1x16xf32>,
        %get3A_589 = arith.index_cast %scan3A_65 : i32 to index
        %get3A_590 = arith.constant 560 : index
        %get3A_591 = tpu.vector_load %arg16[%get3A_589, %get3A_590] {strides = array<i32>} : memref<16x768xf32, #tpu.memory_space<vmem>>, vector<1x16xf32>,
        %get3A_592 = vector.shape_cast %get3A_591 : vector<1x16xf32> to vector<16xf32>
        %add3A_593 = arith.addi %mul3A_56, %scan3A_65 : i32
        %get3A_594 = arith.index_cast %add3A_593 : i32 to index
        %get3A_595 = arith.constant 48 : index
        %get3A_596 = tpu.vector_load %arg15[%get3A_594, %get3A_595] {strides = array<i32>} : memref<128x256xf32, #tpu.memory_space<vmem>>, vector<1x16xf32>,
        %get3A_597 = vector.shape_cast %get3A_596 : vector<1x16xf32> to vector<16xf32>
        %add3A_598 = arith.addf %get3A_592, %get3A_597 : vector<16xf32>
        %swap3A_599 = arith.index_cast %scan3A_65 : i32 to index
        %swap3A_600 = arith.constant 560 : index
        %swap3A_601 = tpu.vector_load %arg16[%swap3A_599, %swap3A_600] {strides = array<i32>} : memref<16x768xf32, #tpu.memory_space<vmem>>, vector<1x16xf32>,
        %swap3A_602 = vector.shape_cast %swap3A_601 : vector<1x16xf32> to vector<16xf32>
        %swap3A_603 = vector.shape_cast %add3A_598 : vector<16xf32> to vector<1x16xf32>
        tpu.vector_store %arg16[%swap3A_599, %swap3A_600], %swap3A_603 {strides = array<i32>} : memref<16x768xf32, #tpu.memory_space<vmem>>, vector<1x16xf32>,
        %get3A_604 = arith.index_cast %scan3A_65 : i32 to index
        %get3A_605 = arith.constant 576 : index
        %get3A_606 = tpu.vector_load %arg16[%get3A_604, %get3A_605] {strides = array<i32>} : memref<16x768xf32, #tpu.memory_space<vmem>>, vector<1x16xf32>,
        %get3A_607 = vector.shape_cast %get3A_606 : vector<1x16xf32> to vector<16xf32>
        %add3A_608 = arith.addi %mul3A_56, %scan3A_65 : i32
        %get3A_609 = arith.index_cast %add3A_608 : i32 to index
        %get3A_610 = arith.constant 64 : index
        %get3A_611 = tpu.vector_load %arg15[%get3A_609, %get3A_610] {strides = array<i32>} : memref<128x256xf32, #tpu.memory_space<vmem>>, vector<1x16xf32>,
        %get3A_612 = vector.shape_cast %get3A_611 : vector<1x16xf32> to vector<16xf32>
        %add3A_613 = arith.addf %get3A_607, %get3A_612 : vector<16xf32>
        %swap3A_614 = arith.index_cast %scan3A_65 : i32 to index
        %swap3A_615 = arith.constant 576 : index
        %swap3A_616 = tpu.vector_load %arg16[%swap3A_614, %swap3A_615] {strides = array<i32>} : memref<16x768xf32, #tpu.memory_space<vmem>>, vector<1x16xf32>,
        %swap3A_617 = vector.shape_cast %swap3A_616 : vector<1x16xf32> to vector<16xf32>
        %swap3A_618 = vector.shape_cast %add3A_613 : vector<16xf32> to vector<1x16xf32>
        tpu.vector_store %arg16[%swap3A_614, %swap3A_615], %swap3A_618 {strides = array<i32>} : memref<16x768xf32, #tpu.memory_space<vmem>>, vector<1x16xf32>,
        %get3A_619 = arith.index_cast %scan3A_65 : i32 to index
        %get3A_620 = arith.constant 592 : index
        %get3A_621 = tpu.vector_load %arg16[%get3A_619, %get3A_620] {strides = array<i32>} : memref<16x768xf32, #tpu.memory_space<vmem>>, vector<1x16xf32>,
        %get3A_622 = vector.shape_cast %get3A_621 : vector<1x16xf32> to vector<16xf32>
        %add3A_623 = arith.addi %mul3A_56, %scan3A_65 : i32
        %get3A_624 = arith.index_cast %add3A_623 : i32 to index
        %get3A_625 = arith.constant 80 : index
        %get3A_626 = tpu.vector_load %arg15[%get3A_624, %get3A_625] {strides = array<i32>} : memref<128x256xf32, #tpu.memory_space<vmem>>, vector<1x16xf32>,
        %get3A_627 = vector.shape_cast %get3A_626 : vector<1x16xf32> to vector<16xf32>
        %add3A_628 = arith.addf %get3A_622, %get3A_627 : vector<16xf32>
        %swap3A_629 = arith.index_cast %scan3A_65 : i32 to index
        %swap3A_630 = arith.constant 592 : index
        %swap3A_631 = tpu.vector_load %arg16[%swap3A_629, %swap3A_630] {strides = array<i32>} : memref<16x768xf32, #tpu.memory_space<vmem>>, vector<1x16xf32>,
        %swap3A_632 = vector.shape_cast %swap3A_631 : vector<1x16xf32> to vector<16xf32>
        %swap3A_633 = vector.shape_cast %add3A_628 : vector<16xf32> to vector<1x16xf32>
        tpu.vector_store %arg16[%swap3A_629, %swap3A_630], %swap3A_633 {strides = array<i32>} : memref<16x768xf32, #tpu.memory_space<vmem>>, vector<1x16xf32>,
        %get3A_634 = arith.index_cast %scan3A_65 : i32 to index
        %get3A_635 = arith.constant 608 : index
        %get3A_636 = tpu.vector_load %arg16[%get3A_634, %get3A_635] {strides = array<i32>} : memref<16x768xf32, #tpu.memory_space<vmem>>, vector<1x16xf32>,
        %get3A_637 = vector.shape_cast %get3A_636 : vector<1x16xf32> to vector<16xf32>
        %add3A_638 = arith.addi %mul3A_56, %scan3A_65 : i32
        %get3A_639 = arith.index_cast %add3A_638 : i32 to index
        %get3A_640 = arith.constant 96 : index
        %get3A_641 = tpu.vector_load %arg15[%get3A_639, %get3A_640] {strides = array<i32>} : memref<128x256xf32, #tpu.memory_space<vmem>>, vector<1x16xf32>,
        %get3A_642 = vector.shape_cast %get3A_641 : vector<1x16xf32> to vector<16xf32>
        %add3A_643 = arith.addf %get3A_637, %get3A_642 : vector<16xf32>
        %swap3A_644 = arith.index_cast %scan3A_65 : i32 to index
        %swap3A_645 = arith.constant 608 : index
        %swap3A_646 = tpu.vector_load %arg16[%swap3A_644, %swap3A_645] {strides = array<i32>} : memref<16x768xf32, #tpu.memory_space<vmem>>, vector<1x16xf32>,
        %swap3A_647 = vector.shape_cast %swap3A_646 : vector<1x16xf32> to vector<16xf32>
        %swap3A_648 = vector.shape_cast %add3A_643 : vector<16xf32> to vector<1x16xf32>
        tpu.vector_store %arg16[%swap3A_644, %swap3A_645], %swap3A_648 {strides = array<i32>} : memref<16x768xf32, #tpu.memory_space<vmem>>, vector<1x16xf32>,
        %get3A_649 = arith.index_cast %scan3A_65 : i32 to index
        %get3A_650 = arith.constant 624 : index
        %get3A_651 = tpu.vector_load %arg16[%get3A_649, %get3A_650] {strides = array<i32>} : memref<16x768xf32, #tpu.memory_space<vmem>>, vector<1x16xf32>,
        %get3A_652 = vector.shape_cast %get3A_651 : vector<1x16xf32> to vector<16xf32>
        %add3A_653 = arith.addi %mul3A_56, %scan3A_65 : i32
        %get3A_654 = arith.index_cast %add3A_653 : i32 to index
        %get3A_655 = arith.constant 112 : index
        %get3A_656 = tpu.vector_load %arg15[%get3A_654, %get3A_655] {strides = array<i32>} : memref<128x256xf32, #tpu.memory_space<vmem>>, vector<1x16xf32>,
        %get3A_657 = vector.shape_cast %get3A_656 : vector<1x16xf32> to vector<16xf32>
        %add3A_658 = arith.addf %get3A_652, %get3A_657 : vector<16xf32>
        %swap3A_659 = arith.index_cast %scan3A_65 : i32 to index
        %swap3A_660 = arith.constant 624 : index
        %swap3A_661 = tpu.vector_load %arg16[%swap3A_659, %swap3A_660] {strides = array<i32>} : memref<16x768xf32, #tpu.memory_space<vmem>>, vector<1x16xf32>,
        %swap3A_662 = vector.shape_cast %swap3A_661 : vector<1x16xf32> to vector<16xf32>
        %swap3A_663 = vector.shape_cast %add3A_658 : vector<16xf32> to vector<1x16xf32>
        tpu.vector_store %arg16[%swap3A_659, %swap3A_660], %swap3A_663 {strides = array<i32>} : memref<16x768xf32, #tpu.memory_space<vmem>>, vector<1x16xf32>,
        %get3A_664 = arith.index_cast %scan3A_65 : i32 to index
        %get3A_665 = arith.constant 640 : index
        %get3A_666 = tpu.vector_load %arg16[%get3A_664, %get3A_665] {strides = array<i32>} : memref<16x768xf32, #tpu.memory_space<vmem>>, vector<1x16xf32>,
        %get3A_667 = vector.shape_cast %get3A_666 : vector<1x16xf32> to vector<16xf32>
        %add3A_668 = arith.addi %mul3A_56, %scan3A_65 : i32
        %get3A_669 = arith.index_cast %add3A_668 : i32 to index
        %get3A_670 = arith.constant 128 : index
        %get3A_671 = tpu.vector_load %arg15[%get3A_669, %get3A_670] {strides = array<i32>} : memref<128x256xf32, #tpu.memory_space<vmem>>, vector<1x16xf32>,
        %get3A_672 = vector.shape_cast %get3A_671 : vector<1x16xf32> to vector<16xf32>
        %add3A_673 = arith.addf %get3A_667, %get3A_672 : vector<16xf32>
        %swap3A_674 = arith.index_cast %scan3A_65 : i32 to index
        %swap3A_675 = arith.constant 640 : index
        %swap3A_676 = tpu.vector_load %arg16[%swap3A_674, %swap3A_675] {strides = array<i32>} : memref<16x768xf32, #tpu.memory_space<vmem>>, vector<1x16xf32>,
        %swap3A_677 = vector.shape_cast %swap3A_676 : vector<1x16xf32> to vector<16xf32>
        %swap3A_678 = vector.shape_cast %add3A_673 : vector<16xf32> to vector<1x16xf32>
        tpu.vector_store %arg16[%swap3A_674, %swap3A_675], %swap3A_678 {strides = array<i32>} : memref<16x768xf32, #tpu.memory_space<vmem>>, vector<1x16xf32>,
        %get3A_679 = arith.index_cast %scan3A_65 : i32 to index
        %get3A_680 = arith.constant 656 : index
        %get3A_681 = tpu.vector_load %arg16[%get3A_679, %get3A_680] {strides = array<i32>} : memref<16x768xf32, #tpu.memory_space<vmem>>, vector<1x16xf32>,
        %get3A_682 = vector.shape_cast %get3A_681 : vector<1x16xf32> to vector<16xf32>
        %add3A_683 = arith.addi %mul3A_56, %scan3A_65 : i32
        %get3A_684 = arith.index_cast %add3A_683 : i32 to index
        %get3A_685 = arith.constant 144 : index
        %get3A_686 = tpu.vector_load %arg15[%get3A_684, %get3A_685] {strides = array<i32>} : memref<128x256xf32, #tpu.memory_space<vmem>>, vector<1x16xf32>,
        %get3A_687 = vector.shape_cast %get3A_686 : vector<1x16xf32> to vector<16xf32>
        %add3A_688 = arith.addf %get3A_682, %get3A_687 : vector<16xf32>
        %swap3A_689 = arith.index_cast %scan3A_65 : i32 to index
        %swap3A_690 = arith.constant 656 : index
        %swap3A_691 = tpu.vector_load %arg16[%swap3A_689, %swap3A_690] {strides = array<i32>} : memref<16x768xf32, #tpu.memory_space<vmem>>, vector<1x16xf32>,
        %swap3A_692 = vector.shape_cast %swap3A_691 : vector<1x16xf32> to vector<16xf32>
        %swap3A_693 = vector.shape_cast %add3A_688 : vector<16xf32> to vector<1x16xf32>
        tpu.vector_store %arg16[%swap3A_689, %swap3A_690], %swap3A_693 {strides = array<i32>} : memref<16x768xf32, #tpu.memory_space<vmem>>, vector<1x16xf32>,
        %get3A_694 = arith.index_cast %scan3A_65 : i32 to index
        %get3A_695 = arith.constant 672 : index
        %get3A_696 = tpu.vector_load %arg16[%get3A_694, %get3A_695] {strides = array<i32>} : memref<16x768xf32, #tpu.memory_space<vmem>>, vector<1x16xf32>,
        %get3A_697 = vector.shape_cast %get3A_696 : vector<1x16xf32> to vector<16xf32>
        %add3A_698 = arith.addi %mul3A_56, %scan3A_65 : i32
        %get3A_699 = arith.index_cast %add3A_698 : i32 to index
        %get3A_700 = arith.constant 160 : index
        %get3A_701 = tpu.vector_load %arg15[%get3A_699, %get3A_700] {strides = array<i32>} : memref<128x256xf32, #tpu.memory_space<vmem>>, vector<1x16xf32>,
        %get3A_702 = vector.shape_cast %get3A_701 : vector<1x16xf32> to vector<16xf32>
        %add3A_703 = arith.addf %get3A_697, %get3A_702 : vector<16xf32>
        %swap3A_704 = arith.index_cast %scan3A_65 : i32 to index
        %swap3A_705 = arith.constant 672 : index
        %swap3A_706 = tpu.vector_load %arg16[%swap3A_704, %swap3A_705] {strides = array<i32>} : memref<16x768xf32, #tpu.memory_space<vmem>>, vector<1x16xf32>,
        %swap3A_707 = vector.shape_cast %swap3A_706 : vector<1x16xf32> to vector<16xf32>
        %swap3A_708 = vector.shape_cast %add3A_703 : vector<16xf32> to vector<1x16xf32>
        tpu.vector_store %arg16[%swap3A_704, %swap3A_705], %swap3A_708 {strides = array<i32>} : memref<16x768xf32, #tpu.memory_space<vmem>>, vector<1x16xf32>,
        %get3A_709 = arith.index_cast %scan3A_65 : i32 to index
        %get3A_710 = arith.constant 688 : index
        %get3A_711 = tpu.vector_load %arg16[%get3A_709, %get3A_710] {strides = array<i32>} : memref<16x768xf32, #tpu.memory_space<vmem>>, vector<1x16xf32>,
        %get3A_712 = vector.shape_cast %get3A_711 : vector<1x16xf32> to vector<16xf32>
        %add3A_713 = arith.addi %mul3A_56, %scan3A_65 : i32
        %get3A_714 = arith.index_cast %add3A_713 : i32 to index
        %get3A_715 = arith.constant 176 : index
        %get3A_716 = tpu.vector_load %arg15[%get3A_714, %get3A_715] {strides = array<i32>} : memref<128x256xf32, #tpu.memory_space<vmem>>, vector<1x16xf32>,
        %get3A_717 = vector.shape_cast %get3A_716 : vector<1x16xf32> to vector<16xf32>
        %add3A_718 = arith.addf %get3A_712, %get3A_717 : vector<16xf32>
        %swap3A_719 = arith.index_cast %scan3A_65 : i32 to index
        %swap3A_720 = arith.constant 688 : index
        %swap3A_721 = tpu.vector_load %arg16[%swap3A_719, %swap3A_720] {strides = array<i32>} : memref<16x768xf32, #tpu.memory_space<vmem>>, vector<1x16xf32>,
        %swap3A_722 = vector.shape_cast %swap3A_721 : vector<1x16xf32> to vector<16xf32>
        %swap3A_723 = vector.shape_cast %add3A_718 : vector<16xf32> to vector<1x16xf32>
        tpu.vector_store %arg16[%swap3A_719, %swap3A_720], %swap3A_723 {strides = array<i32>} : memref<16x768xf32, #tpu.memory_space<vmem>>, vector<1x16xf32>,
        %get3A_724 = arith.index_cast %scan3A_65 : i32 to index
        %get3A_725 = arith.constant 704 : index
        %get3A_726 = tpu.vector_load %arg16[%get3A_724, %get3A_725] {strides = array<i32>} : memref<16x768xf32, #tpu.memory_space<vmem>>, vector<1x16xf32>,
        %get3A_727 = vector.shape_cast %get3A_726 : vector<1x16xf32> to vector<16xf32>
        %add3A_728 = arith.addi %mul3A_56, %scan3A_65 : i32
        %get3A_729 = arith.index_cast %add3A_728 : i32 to index
        %get3A_730 = arith.constant 192 : index
        %get3A_731 = tpu.vector_load %arg15[%get3A_729, %get3A_730] {strides = array<i32>} : memref<128x256xf32, #tpu.memory_space<vmem>>, vector<1x16xf32>,
        %get3A_732 = vector.shape_cast %get3A_731 : vector<1x16xf32> to vector<16xf32>
        %add3A_733 = arith.addf %get3A_727, %get3A_732 : vector<16xf32>
        %swap3A_734 = arith.index_cast %scan3A_65 : i32 to index
        %swap3A_735 = arith.constant 704 : index
        %swap3A_736 = tpu.vector_load %arg16[%swap3A_734, %swap3A_735] {strides = array<i32>} : memref<16x768xf32, #tpu.memory_space<vmem>>, vector<1x16xf32>,
        %swap3A_737 = vector.shape_cast %swap3A_736 : vector<1x16xf32> to vector<16xf32>
        %swap3A_738 = vector.shape_cast %add3A_733 : vector<16xf32> to vector<1x16xf32>
        tpu.vector_store %arg16[%swap3A_734, %swap3A_735], %swap3A_738 {strides = array<i32>} : memref<16x768xf32, #tpu.memory_space<vmem>>, vector<1x16xf32>,
        %get3A_739 = arith.index_cast %scan3A_65 : i32 to index
        %get3A_740 = arith.constant 720 : index
        %get3A_741 = tpu.vector_load %arg16[%get3A_739, %get3A_740] {strides = array<i32>} : memref<16x768xf32, #tpu.memory_space<vmem>>, vector<1x16xf32>,
        %get3A_742 = vector.shape_cast %get3A_741 : vector<1x16xf32> to vector<16xf32>
        %add3A_743 = arith.addi %mul3A_56, %scan3A_65 : i32
        %get3A_744 = arith.index_cast %add3A_743 : i32 to index
        %get3A_745 = arith.constant 208 : index
        %get3A_746 = tpu.vector_load %arg15[%get3A_744, %get3A_745] {strides = array<i32>} : memref<128x256xf32, #tpu.memory_space<vmem>>, vector<1x16xf32>,
        %get3A_747 = vector.shape_cast %get3A_746 : vector<1x16xf32> to vector<16xf32>
        %add3A_748 = arith.addf %get3A_742, %get3A_747 : vector<16xf32>
        %swap3A_749 = arith.index_cast %scan3A_65 : i32 to index
        %swap3A_750 = arith.constant 720 : index
        %swap3A_751 = tpu.vector_load %arg16[%swap3A_749, %swap3A_750] {strides = array<i32>} : memref<16x768xf32, #tpu.memory_space<vmem>>, vector<1x16xf32>,
        %swap3A_752 = vector.shape_cast %swap3A_751 : vector<1x16xf32> to vector<16xf32>
        %swap3A_753 = vector.shape_cast %add3A_748 : vector<16xf32> to vector<1x16xf32>
        tpu.vector_store %arg16[%swap3A_749, %swap3A_750], %swap3A_753 {strides = array<i32>} : memref<16x768xf32, #tpu.memory_space<vmem>>, vector<1x16xf32>,
        %get3A_754 = arith.index_cast %scan3A_65 : i32 to index
        %get3A_755 = arith.constant 736 : index
        %get3A_756 = tpu.vector_load %arg16[%get3A_754, %get3A_755] {strides = array<i32>} : memref<16x768xf32, #tpu.memory_space<vmem>>, vector<1x16xf32>,
        %get3A_757 = vector.shape_cast %get3A_756 : vector<1x16xf32> to vector<16xf32>
        %add3A_758 = arith.addi %mul3A_56, %scan3A_65 : i32
        %get3A_759 = arith.index_cast %add3A_758 : i32 to index
        %get3A_760 = arith.constant 224 : index
        %get3A_761 = tpu.vector_load %arg15[%get3A_759, %get3A_760] {strides = array<i32>} : memref<128x256xf32, #tpu.memory_space<vmem>>, vector<1x16xf32>,
        %get3A_762 = vector.shape_cast %get3A_761 : vector<1x16xf32> to vector<16xf32>
        %add3A_763 = arith.addf %get3A_757, %get3A_762 : vector<16xf32>
        %swap3A_764 = arith.index_cast %scan3A_65 : i32 to index
        %swap3A_765 = arith.constant 736 : index
        %swap3A_766 = tpu.vector_load %arg16[%swap3A_764, %swap3A_765] {strides = array<i32>} : memref<16x768xf32, #tpu.memory_space<vmem>>, vector<1x16xf32>,
        %swap3A_767 = vector.shape_cast %swap3A_766 : vector<1x16xf32> to vector<16xf32>
        %swap3A_768 = vector.shape_cast %add3A_763 : vector<16xf32> to vector<1x16xf32>
        tpu.vector_store %arg16[%swap3A_764, %swap3A_765], %swap3A_768 {strides = array<i32>} : memref<16x768xf32, #tpu.memory_space<vmem>>, vector<1x16xf32>,
        %get3A_769 = arith.index_cast %scan3A_65 : i32 to index
        %get3A_770 = arith.constant 752 : index
        %get3A_771 = tpu.vector_load %arg16[%get3A_769, %get3A_770] {strides = array<i32>} : memref<16x768xf32, #tpu.memory_space<vmem>>, vector<1x16xf32>,
        %get3A_772 = vector.shape_cast %get3A_771 : vector<1x16xf32> to vector<16xf32>
        %add3A_773 = arith.addi %mul3A_56, %scan3A_65 : i32
        %get3A_774 = arith.index_cast %add3A_773 : i32 to index
        %get3A_775 = arith.constant 240 : index
        %get3A_776 = tpu.vector_load %arg15[%get3A_774, %get3A_775] {strides = array<i32>} : memref<128x256xf32, #tpu.memory_space<vmem>>, vector<1x16xf32>,
        %get3A_777 = vector.shape_cast %get3A_776 : vector<1x16xf32> to vector<16xf32>
        %add3A_778 = arith.addf %get3A_772, %get3A_777 : vector<16xf32>
        %swap3A_779 = arith.index_cast %scan3A_65 : i32 to index
        %swap3A_780 = arith.constant 752 : index
        %swap3A_781 = tpu.vector_load %arg16[%swap3A_779, %swap3A_780] {strides = array<i32>} : memref<16x768xf32, #tpu.memory_space<vmem>>, vector<1x16xf32>,
        %swap3A_782 = vector.shape_cast %swap3A_781 : vector<1x16xf32> to vector<16xf32>
        %swap3A_783 = vector.shape_cast %add3A_778 : vector<16xf32> to vector<1x16xf32>
        tpu.vector_store %arg16[%swap3A_779, %swap3A_780], %swap3A_783 {strides = array<i32>} : memref<16x768xf32, #tpu.memory_space<vmem>>, vector<1x16xf32>,
      }
      %scan3A_63 = arith.constant 16 : i32
      %run_scoped3A_64 = arith.constant 2 : i32
      "tpu.region"() ({
        %run_scoped3A_65 = tpu.sem_alloc : memref<!tpu.dma_semaphore, #tpu.memory_space<semaphore_mem>>
        %dma_start3A_66 = arith.constant 0 : i32
        %dma_start3A_67 = tpu.memref_slice %arg9[%run_scoped3A_64, %add3A_57, %dma_start3A_66] : memref<4x4096x768xf32, #tpu.memory_space<hbm>> -> memref<1x16x768xf32, #tpu.memory_space<hbm>>
        %dma_start3A_68 = tpu.memref_squeeze %dma_start3A_67 : memref<1x16x768xf32, #tpu.memory_space<hbm>> -> memref<16x768xf32, #tpu.memory_space<hbm>>
        %dma_start3A_69 = arith.constant 0 : i32
        %dma_start3A_70 = tpu.memref_slice %arg9[%run_scoped3A_64, %add3A_57, %dma_start3A_69] : memref<4x4096x768xf32, #tpu.memory_space<hbm>> -> memref<1x16x768xf32, #tpu.memory_space<hbm>>
        %dma_start3A_71 = tpu.memref_squeeze %dma_start3A_70 : memref<1x16x768xf32, #tpu.memory_space<hbm>> -> memref<16x768xf32, #tpu.memory_space<hbm>>
        tpu.enqueue_dma source(%arg16 : memref<16x768xf32, #tpu.memory_space<vmem>>) target(%dma_start3A_71 : memref<16x768xf32, #tpu.memory_space<hbm>>) target_semaphore(%run_scoped3A_65 : memref<!tpu.dma_semaphore, #tpu.memory_space<semaphore_mem>>)
        %dma_wait3A_72 = arith.constant 0 : i32
        %dma_wait3A_73 = tpu.memref_slice %arg9[%run_scoped3A_64, %add3A_57, %dma_wait3A_72] : memref<4x4096x768xf32, #tpu.memory_space<hbm>> -> memref<1x16x768xf32, #tpu.memory_space<hbm>>
        %dma_wait3A_74 = tpu.memref_squeeze %dma_wait3A_73 : memref<1x16x768xf32, #tpu.memory_space<hbm>> -> memref<16x768xf32, #tpu.memory_space<hbm>>
        %dma_wait3A_75 = arith.constant 0 : i32
        %dma_wait3A_76 = tpu.memref_slice %arg9[%run_scoped3A_64, %add3A_57, %dma_wait3A_75] : memref<4x4096x768xf32, #tpu.memory_space<hbm>> -> memref<1x16x768xf32, #tpu.memory_space<hbm>>
        %dma_wait3A_77 = tpu.memref_squeeze %dma_wait3A_76 : memref<1x16x768xf32, #tpu.memory_space<hbm>> -> memref<16x768xf32, #tpu.memory_space<hbm>>
        tpu.wait_dma2 semaphore(%run_scoped3A_65 : memref<!tpu.dma_semaphore, #tpu.memory_space<semaphore_mem>>) src(%arg16 : memref<16x768xf32, #tpu.memory_space<vmem>>) dst(%dma_wait3A_77 : memref<16x768xf32, #tpu.memory_space<hbm>>)
        tpu.yield
      }) : () -> ()
    }
    %scan3A_47 = arith.constant 8 : i32
    %scan3A_48 = arith.constant 0 : i32
    %scan3A_49 = arith.constant 0 : i32
    %scan3A_50 = arith.constant 8 : i32
    %scan3A_51 = arith.addi %scan3A_49, %scan3A_50 : i32
    %scan3A_52 = arith.constant 1 : i32
    scf.for %scan3A_54 = %scan3A_49 to %scan3A_51 step %scan3A_52  : i32 {
      %mul3A_55 = arith.constant 16 : i32
      %mul3A_56 = arith.muli %scan3A_54, %mul3A_55 : i32
      %add3A_57 = arith.addi %mul3A_2, %mul3A_56 : i32
      %run_scoped3A = arith.constant 3 : i32
      "tpu.region"() ({
        %run_scoped3A_65 = tpu.sem_alloc : memref<!tpu.dma_semaphore, #tpu.memory_space<semaphore_mem>>
        %dma_start3A_66 = arith.constant 0 : i32
        %dma_start3A_67 = tpu.memref_slice %arg2[%run_scoped3A, %add3A_57, %dma_start3A_66] : memref<4x4096x768xf32, #tpu.memory_space<hbm>> -> memref<1x16x768xf32, #tpu.memory_space<hbm>>
        %dma_start3A_68 = tpu.memref_squeeze %dma_start3A_67 : memref<1x16x768xf32, #tpu.memory_space<hbm>> -> memref<16x768xf32, #tpu.memory_space<hbm>>
        %dma_start3A_69 = arith.constant 0 : i32
        %dma_start3A_70 = tpu.memref_slice %arg2[%run_scoped3A, %add3A_57, %dma_start3A_69] : memref<4x4096x768xf32, #tpu.memory_space<hbm>> -> memref<1x16x768xf32, #tpu.memory_space<hbm>>
        %dma_start3A_71 = tpu.memref_squeeze %dma_start3A_70 : memref<1x16x768xf32, #tpu.memory_space<hbm>> -> memref<16x768xf32, #tpu.memory_space<hbm>>
        tpu.enqueue_dma source(%dma_start3A_71 : memref<16x768xf32, #tpu.memory_space<hbm>>) target(%arg16 : memref<16x768xf32, #tpu.memory_space<vmem>>) target_semaphore(%run_scoped3A_65 : memref<!tpu.dma_semaphore, #tpu.memory_space<semaphore_mem>>)
        %dma_wait3A_72 = arith.constant 0 : i32
        %dma_wait3A_73 = tpu.memref_slice %arg2[%run_scoped3A, %add3A_57, %dma_wait3A_72] : memref<4x4096x768xf32, #tpu.memory_space<hbm>> -> memref<1x16x768xf32, #tpu.memory_space<hbm>>
        %dma_wait3A_74 = tpu.memref_squeeze %dma_wait3A_73 : memref<1x16x768xf32, #tpu.memory_space<hbm>> -> memref<16x768xf32, #tpu.memory_space<hbm>>
        %dma_wait3A_75 = arith.constant 0 : i32
        %dma_wait3A_76 = tpu.memref_slice %arg2[%run_scoped3A, %add3A_57, %dma_wait3A_75] : memref<4x4096x768xf32, #tpu.memory_space<hbm>> -> memref<1x16x768xf32, #tpu.memory_space<hbm>>
        %dma_wait3A_77 = tpu.memref_squeeze %dma_wait3A_76 : memref<1x16x768xf32, #tpu.memory_space<hbm>> -> memref<16x768xf32, #tpu.memory_space<hbm>>
        tpu.wait_dma2 semaphore(%run_scoped3A_65 : memref<!tpu.dma_semaphore, #tpu.memory_space<semaphore_mem>>) src(%dma_wait3A_77 : memref<16x768xf32, #tpu.memory_space<hbm>>) dst(%arg16 : memref<16x768xf32, #tpu.memory_space<vmem>>)
        tpu.yield
      }) : () -> ()
      %scan3A_58 = arith.constant 0 : i32
      %scan3A_59 = arith.constant 0 : i32
      %scan3A_60 = arith.constant 16 : i32
      %scan3A_61 = arith.addi %scan3A_59, %scan3A_60 : i32
      %scan3A_62 = arith.constant 1 : i32
      scf.for %scan3A_65 = %scan3A_59 to %scan3A_61 step %scan3A_62  : i32 {
        %get3A = arith.index_cast %scan3A_65 : i32 to index
        %get3A_66 = arith.constant 0 : index
        %get3A_67 = tpu.vector_load %arg16[%get3A, %get3A_66] {strides = array<i32>} : memref<16x768xf32, #tpu.memory_space<vmem>>, vector<1x16xf32>,
        %get3A_68 = vector.shape_cast %get3A_67 : vector<1x16xf32> to vector<16xf32>
        %add3A_69 = arith.addi %mul3A_56, %scan3A_65 : i32
        %get3A_70 = arith.index_cast %add3A_69 : i32 to index
        %get3A_71 = arith.constant 0 : index
        %get3A_72 = tpu.vector_load %arg13[%get3A_70, %get3A_71] {strides = array<i32>} : memref<128x256xf32, #tpu.memory_space<vmem>>, vector<1x16xf32>,
        %get3A_73 = vector.shape_cast %get3A_72 : vector<1x16xf32> to vector<16xf32>
        %add3A_74 = arith.addf %get3A_68, %get3A_73 : vector<16xf32>
        %swap3A = arith.index_cast %scan3A_65 : i32 to index
        %swap3A_75 = arith.constant 0 : index
        %swap3A_76 = tpu.vector_load %arg16[%swap3A, %swap3A_75] {strides = array<i32>} : memref<16x768xf32, #tpu.memory_space<vmem>>, vector<1x16xf32>,
        %swap3A_77 = vector.shape_cast %swap3A_76 : vector<1x16xf32> to vector<16xf32>
        %swap3A_78 = vector.shape_cast %add3A_74 : vector<16xf32> to vector<1x16xf32>
        tpu.vector_store %arg16[%swap3A, %swap3A_75], %swap3A_78 {strides = array<i32>} : memref<16x768xf32, #tpu.memory_space<vmem>>, vector<1x16xf32>,
        %get3A_79 = arith.index_cast %scan3A_65 : i32 to index
        %get3A_80 = arith.constant 16 : index
        %get3A_81 = tpu.vector_load %arg16[%get3A_79, %get3A_80] {strides = array<i32>} : memref<16x768xf32, #tpu.memory_space<vmem>>, vector<1x16xf32>,
        %get3A_82 = vector.shape_cast %get3A_81 : vector<1x16xf32> to vector<16xf32>
        %add3A_83 = arith.addi %mul3A_56, %scan3A_65 : i32
        %get3A_84 = arith.index_cast %add3A_83 : i32 to index
        %get3A_85 = arith.constant 16 : index
        %get3A_86 = tpu.vector_load %arg13[%get3A_84, %get3A_85] {strides = array<i32>} : memref<128x256xf32, #tpu.memory_space<vmem>>, vector<1x16xf32>,
        %get3A_87 = vector.shape_cast %get3A_86 : vector<1x16xf32> to vector<16xf32>
        %add3A_88 = arith.addf %get3A_82, %get3A_87 : vector<16xf32>
        %swap3A_89 = arith.index_cast %scan3A_65 : i32 to index
        %swap3A_90 = arith.constant 16 : index
        %swap3A_91 = tpu.vector_load %arg16[%swap3A_89, %swap3A_90] {strides = array<i32>} : memref<16x768xf32, #tpu.memory_space<vmem>>, vector<1x16xf32>,
        %swap3A_92 = vector.shape_cast %swap3A_91 : vector<1x16xf32> to vector<16xf32>
        %swap3A_93 = vector.shape_cast %add3A_88 : vector<16xf32> to vector<1x16xf32>
        tpu.vector_store %arg16[%swap3A_89, %swap3A_90], %swap3A_93 {strides = array<i32>} : memref<16x768xf32, #tpu.memory_space<vmem>>, vector<1x16xf32>,
        %get3A_94 = arith.index_cast %scan3A_65 : i32 to index
        %get3A_95 = arith.constant 32 : index
        %get3A_96 = tpu.vector_load %arg16[%get3A_94, %get3A_95] {strides = array<i32>} : memref<16x768xf32, #tpu.memory_space<vmem>>, vector<1x16xf32>,
        %get3A_97 = vector.shape_cast %get3A_96 : vector<1x16xf32> to vector<16xf32>
        %add3A_98 = arith.addi %mul3A_56, %scan3A_65 : i32
        %get3A_99 = arith.index_cast %add3A_98 : i32 to index
        %get3A_100 = arith.constant 32 : index
        %get3A_101 = tpu.vector_load %arg13[%get3A_99, %get3A_100] {strides = array<i32>} : memref<128x256xf32, #tpu.memory_space<vmem>>, vector<1x16xf32>,
        %get3A_102 = vector.shape_cast %get3A_101 : vector<1x16xf32> to vector<16xf32>
        %add3A_103 = arith.addf %get3A_97, %get3A_102 : vector<16xf32>
        %swap3A_104 = arith.index_cast %scan3A_65 : i32 to index
        %swap3A_105 = arith.constant 32 : index
        %swap3A_106 = tpu.vector_load %arg16[%swap3A_104, %swap3A_105] {strides = array<i32>} : memref<16x768xf32, #tpu.memory_space<vmem>>, vector<1x16xf32>,
        %swap3A_107 = vector.shape_cast %swap3A_106 : vector<1x16xf32> to vector<16xf32>
        %swap3A_108 = vector.shape_cast %add3A_103 : vector<16xf32> to vector<1x16xf32>
        tpu.vector_store %arg16[%swap3A_104, %swap3A_105], %swap3A_108 {strides = array<i32>} : memref<16x768xf32, #tpu.memory_space<vmem>>, vector<1x16xf32>,
        %get3A_109 = arith.index_cast %scan3A_65 : i32 to index
        %get3A_110 = arith.constant 48 : index
        %get3A_111 = tpu.vector_load %arg16[%get3A_109, %get3A_110] {strides = array<i32>} : memref<16x768xf32, #tpu.memory_space<vmem>>, vector<1x16xf32>,
        %get3A_112 = vector.shape_cast %get3A_111 : vector<1x16xf32> to vector<16xf32>
        %add3A_113 = arith.addi %mul3A_56, %scan3A_65 : i32
        %get3A_114 = arith.index_cast %add3A_113 : i32 to index
        %get3A_115 = arith.constant 48 : index
        %get3A_116 = tpu.vector_load %arg13[%get3A_114, %get3A_115] {strides = array<i32>} : memref<128x256xf32, #tpu.memory_space<vmem>>, vector<1x16xf32>,
        %get3A_117 = vector.shape_cast %get3A_116 : vector<1x16xf32> to vector<16xf32>
        %add3A_118 = arith.addf %get3A_112, %get3A_117 : vector<16xf32>
        %swap3A_119 = arith.index_cast %scan3A_65 : i32 to index
        %swap3A_120 = arith.constant 48 : index
        %swap3A_121 = tpu.vector_load %arg16[%swap3A_119, %swap3A_120] {strides = array<i32>} : memref<16x768xf32, #tpu.memory_space<vmem>>, vector<1x16xf32>,
        %swap3A_122 = vector.shape_cast %swap3A_121 : vector<1x16xf32> to vector<16xf32>
        %swap3A_123 = vector.shape_cast %add3A_118 : vector<16xf32> to vector<1x16xf32>
        tpu.vector_store %arg16[%swap3A_119, %swap3A_120], %swap3A_123 {strides = array<i32>} : memref<16x768xf32, #tpu.memory_space<vmem>>, vector<1x16xf32>,
        %get3A_124 = arith.index_cast %scan3A_65 : i32 to index
        %get3A_125 = arith.constant 64 : index
        %get3A_126 = tpu.vector_load %arg16[%get3A_124, %get3A_125] {strides = array<i32>} : memref<16x768xf32, #tpu.memory_space<vmem>>, vector<1x16xf32>,
        %get3A_127 = vector.shape_cast %get3A_126 : vector<1x16xf32> to vector<16xf32>
        %add3A_128 = arith.addi %mul3A_56, %scan3A_65 : i32
        %get3A_129 = arith.index_cast %add3A_128 : i32 to index
        %get3A_130 = arith.constant 64 : index
        %get3A_131 = tpu.vector_load %arg13[%get3A_129, %get3A_130] {strides = array<i32>} : memref<128x256xf32, #tpu.memory_space<vmem>>, vector<1x16xf32>,
        %get3A_132 = vector.shape_cast %get3A_131 : vector<1x16xf32> to vector<16xf32>
        %add3A_133 = arith.addf %get3A_127, %get3A_132 : vector<16xf32>
        %swap3A_134 = arith.index_cast %scan3A_65 : i32 to index
        %swap3A_135 = arith.constant 64 : index
        %swap3A_136 = tpu.vector_load %arg16[%swap3A_134, %swap3A_135] {strides = array<i32>} : memref<16x768xf32, #tpu.memory_space<vmem>>, vector<1x16xf32>,
        %swap3A_137 = vector.shape_cast %swap3A_136 : vector<1x16xf32> to vector<16xf32>
        %swap3A_138 = vector.shape_cast %add3A_133 : vector<16xf32> to vector<1x16xf32>
        tpu.vector_store %arg16[%swap3A_134, %swap3A_135], %swap3A_138 {strides = array<i32>} : memref<16x768xf32, #tpu.memory_space<vmem>>, vector<1x16xf32>,
        %get3A_139 = arith.index_cast %scan3A_65 : i32 to index
        %get3A_140 = arith.constant 80 : index
        %get3A_141 = tpu.vector_load %arg16[%get3A_139, %get3A_140] {strides = array<i32>} : memref<16x768xf32, #tpu.memory_space<vmem>>, vector<1x16xf32>,
        %get3A_142 = vector.shape_cast %get3A_141 : vector<1x16xf32> to vector<16xf32>
        %add3A_143 = arith.addi %mul3A_56, %scan3A_65 : i32
        %get3A_144 = arith.index_cast %add3A_143 : i32 to index
        %get3A_145 = arith.constant 80 : index
        %get3A_146 = tpu.vector_load %arg13[%get3A_144, %get3A_145] {strides = array<i32>} : memref<128x256xf32, #tpu.memory_space<vmem>>, vector<1x16xf32>,
        %get3A_147 = vector.shape_cast %get3A_146 : vector<1x16xf32> to vector<16xf32>
        %add3A_148 = arith.addf %get3A_142, %get3A_147 : vector<16xf32>
        %swap3A_149 = arith.index_cast %scan3A_65 : i32 to index
        %swap3A_150 = arith.constant 80 : index
        %swap3A_151 = tpu.vector_load %arg16[%swap3A_149, %swap3A_150] {strides = array<i32>} : memref<16x768xf32, #tpu.memory_space<vmem>>, vector<1x16xf32>,
        %swap3A_152 = vector.shape_cast %swap3A_151 : vector<1x16xf32> to vector<16xf32>
        %swap3A_153 = vector.shape_cast %add3A_148 : vector<16xf32> to vector<1x16xf32>
        tpu.vector_store %arg16[%swap3A_149, %swap3A_150], %swap3A_153 {strides = array<i32>} : memref<16x768xf32, #tpu.memory_space<vmem>>, vector<1x16xf32>,
        %get3A_154 = arith.index_cast %scan3A_65 : i32 to index
        %get3A_155 = arith.constant 96 : index
        %get3A_156 = tpu.vector_load %arg16[%get3A_154, %get3A_155] {strides = array<i32>} : memref<16x768xf32, #tpu.memory_space<vmem>>, vector<1x16xf32>,
        %get3A_157 = vector.shape_cast %get3A_156 : vector<1x16xf32> to vector<16xf32>
        %add3A_158 = arith.addi %mul3A_56, %scan3A_65 : i32
        %get3A_159 = arith.index_cast %add3A_158 : i32 to index
        %get3A_160 = arith.constant 96 : index
        %get3A_161 = tpu.vector_load %arg13[%get3A_159, %get3A_160] {strides = array<i32>} : memref<128x256xf32, #tpu.memory_space<vmem>>, vector<1x16xf32>,
        %get3A_162 = vector.shape_cast %get3A_161 : vector<1x16xf32> to vector<16xf32>
        %add3A_163 = arith.addf %get3A_157, %get3A_162 : vector<16xf32>
        %swap3A_164 = arith.index_cast %scan3A_65 : i32 to index
        %swap3A_165 = arith.constant 96 : index
        %swap3A_166 = tpu.vector_load %arg16[%swap3A_164, %swap3A_165] {strides = array<i32>} : memref<16x768xf32, #tpu.memory_space<vmem>>, vector<1x16xf32>,
        %swap3A_167 = vector.shape_cast %swap3A_166 : vector<1x16xf32> to vector<16xf32>
        %swap3A_168 = vector.shape_cast %add3A_163 : vector<16xf32> to vector<1x16xf32>
        tpu.vector_store %arg16[%swap3A_164, %swap3A_165], %swap3A_168 {strides = array<i32>} : memref<16x768xf32, #tpu.memory_space<vmem>>, vector<1x16xf32>,
        %get3A_169 = arith.index_cast %scan3A_65 : i32 to index
        %get3A_170 = arith.constant 112 : index
        %get3A_171 = tpu.vector_load %arg16[%get3A_169, %get3A_170] {strides = array<i32>} : memref<16x768xf32, #tpu.memory_space<vmem>>, vector<1x16xf32>,
        %get3A_172 = vector.shape_cast %get3A_171 : vector<1x16xf32> to vector<16xf32>
        %add3A_173 = arith.addi %mul3A_56, %scan3A_65 : i32
        %get3A_174 = arith.index_cast %add3A_173 : i32 to index
        %get3A_175 = arith.constant 112 : index
        %get3A_176 = tpu.vector_load %arg13[%get3A_174, %get3A_175] {strides = array<i32>} : memref<128x256xf32, #tpu.memory_space<vmem>>, vector<1x16xf32>,
        %get3A_177 = vector.shape_cast %get3A_176 : vector<1x16xf32> to vector<16xf32>
        %add3A_178 = arith.addf %get3A_172, %get3A_177 : vector<16xf32>
        %swap3A_179 = arith.index_cast %scan3A_65 : i32 to index
        %swap3A_180 = arith.constant 112 : index
        %swap3A_181 = tpu.vector_load %arg16[%swap3A_179, %swap3A_180] {strides = array<i32>} : memref<16x768xf32, #tpu.memory_space<vmem>>, vector<1x16xf32>,
        %swap3A_182 = vector.shape_cast %swap3A_181 : vector<1x16xf32> to vector<16xf32>
        %swap3A_183 = vector.shape_cast %add3A_178 : vector<16xf32> to vector<1x16xf32>
        tpu.vector_store %arg16[%swap3A_179, %swap3A_180], %swap3A_183 {strides = array<i32>} : memref<16x768xf32, #tpu.memory_space<vmem>>, vector<1x16xf32>,
        %get3A_184 = arith.index_cast %scan3A_65 : i32 to index
        %get3A_185 = arith.constant 128 : index
        %get3A_186 = tpu.vector_load %arg16[%get3A_184, %get3A_185] {strides = array<i32>} : memref<16x768xf32, #tpu.memory_space<vmem>>, vector<1x16xf32>,
        %get3A_187 = vector.shape_cast %get3A_186 : vector<1x16xf32> to vector<16xf32>
        %add3A_188 = arith.addi %mul3A_56, %scan3A_65 : i32
        %get3A_189 = arith.index_cast %add3A_188 : i32 to index
        %get3A_190 = arith.constant 128 : index
        %get3A_191 = tpu.vector_load %arg13[%get3A_189, %get3A_190] {strides = array<i32>} : memref<128x256xf32, #tpu.memory_space<vmem>>, vector<1x16xf32>,
        %get3A_192 = vector.shape_cast %get3A_191 : vector<1x16xf32> to vector<16xf32>
        %add3A_193 = arith.addf %get3A_187, %get3A_192 : vector<16xf32>
        %swap3A_194 = arith.index_cast %scan3A_65 : i32 to index
        %swap3A_195 = arith.constant 128 : index
        %swap3A_196 = tpu.vector_load %arg16[%swap3A_194, %swap3A_195] {strides = array<i32>} : memref<16x768xf32, #tpu.memory_space<vmem>>, vector<1x16xf32>,
        %swap3A_197 = vector.shape_cast %swap3A_196 : vector<1x16xf32> to vector<16xf32>
        %swap3A_198 = vector.shape_cast %add3A_193 : vector<16xf32> to vector<1x16xf32>
        tpu.vector_store %arg16[%swap3A_194, %swap3A_195], %swap3A_198 {strides = array<i32>} : memref<16x768xf32, #tpu.memory_space<vmem>>, vector<1x16xf32>,
        %get3A_199 = arith.index_cast %scan3A_65 : i32 to index
        %get3A_200 = arith.constant 144 : index
        %get3A_201 = tpu.vector_load %arg16[%get3A_199, %get3A_200] {strides = array<i32>} : memref<16x768xf32, #tpu.memory_space<vmem>>, vector<1x16xf32>,
        %get3A_202 = vector.shape_cast %get3A_201 : vector<1x16xf32> to vector<16xf32>
        %add3A_203 = arith.addi %mul3A_56, %scan3A_65 : i32
        %get3A_204 = arith.index_cast %add3A_203 : i32 to index
        %get3A_205 = arith.constant 144 : index
        %get3A_206 = tpu.vector_load %arg13[%get3A_204, %get3A_205] {strides = array<i32>} : memref<128x256xf32, #tpu.memory_space<vmem>>, vector<1x16xf32>,
        %get3A_207 = vector.shape_cast %get3A_206 : vector<1x16xf32> to vector<16xf32>
        %add3A_208 = arith.addf %get3A_202, %get3A_207 : vector<16xf32>
        %swap3A_209 = arith.index_cast %scan3A_65 : i32 to index
        %swap3A_210 = arith.constant 144 : index
        %swap3A_211 = tpu.vector_load %arg16[%swap3A_209, %swap3A_210] {strides = array<i32>} : memref<16x768xf32, #tpu.memory_space<vmem>>, vector<1x16xf32>,
        %swap3A_212 = vector.shape_cast %swap3A_211 : vector<1x16xf32> to vector<16xf32>
        %swap3A_213 = vector.shape_cast %add3A_208 : vector<16xf32> to vector<1x16xf32>
        tpu.vector_store %arg16[%swap3A_209, %swap3A_210], %swap3A_213 {strides = array<i32>} : memref<16x768xf32, #tpu.memory_space<vmem>>, vector<1x16xf32>,
        %get3A_214 = arith.index_cast %scan3A_65 : i32 to index
        %get3A_215 = arith.constant 160 : index
        %get3A_216 = tpu.vector_load %arg16[%get3A_214, %get3A_215] {strides = array<i32>} : memref<16x768xf32, #tpu.memory_space<vmem>>, vector<1x16xf32>,
        %get3A_217 = vector.shape_cast %get3A_216 : vector<1x16xf32> to vector<16xf32>
        %add3A_218 = arith.addi %mul3A_56, %scan3A_65 : i32
        %get3A_219 = arith.index_cast %add3A_218 : i32 to index
        %get3A_220 = arith.constant 160 : index
        %get3A_221 = tpu.vector_load %arg13[%get3A_219, %get3A_220] {strides = array<i32>} : memref<128x256xf32, #tpu.memory_space<vmem>>, vector<1x16xf32>,
        %get3A_222 = vector.shape_cast %get3A_221 : vector<1x16xf32> to vector<16xf32>
        %add3A_223 = arith.addf %get3A_217, %get3A_222 : vector<16xf32>
        %swap3A_224 = arith.index_cast %scan3A_65 : i32 to index
        %swap3A_225 = arith.constant 160 : index
        %swap3A_226 = tpu.vector_load %arg16[%swap3A_224, %swap3A_225] {strides = array<i32>} : memref<16x768xf32, #tpu.memory_space<vmem>>, vector<1x16xf32>,
        %swap3A_227 = vector.shape_cast %swap3A_226 : vector<1x16xf32> to vector<16xf32>
        %swap3A_228 = vector.shape_cast %add3A_223 : vector<16xf32> to vector<1x16xf32>
        tpu.vector_store %arg16[%swap3A_224, %swap3A_225], %swap3A_228 {strides = array<i32>} : memref<16x768xf32, #tpu.memory_space<vmem>>, vector<1x16xf32>,
        %get3A_229 = arith.index_cast %scan3A_65 : i32 to index
        %get3A_230 = arith.constant 176 : index
        %get3A_231 = tpu.vector_load %arg16[%get3A_229, %get3A_230] {strides = array<i32>} : memref<16x768xf32, #tpu.memory_space<vmem>>, vector<1x16xf32>,
        %get3A_232 = vector.shape_cast %get3A_231 : vector<1x16xf32> to vector<16xf32>
        %add3A_233 = arith.addi %mul3A_56, %scan3A_65 : i32
        %get3A_234 = arith.index_cast %add3A_233 : i32 to index
        %get3A_235 = arith.constant 176 : index
        %get3A_236 = tpu.vector_load %arg13[%get3A_234, %get3A_235] {strides = array<i32>} : memref<128x256xf32, #tpu.memory_space<vmem>>, vector<1x16xf32>,
        %get3A_237 = vector.shape_cast %get3A_236 : vector<1x16xf32> to vector<16xf32>
        %add3A_238 = arith.addf %get3A_232, %get3A_237 : vector<16xf32>
        %swap3A_239 = arith.index_cast %scan3A_65 : i32 to index
        %swap3A_240 = arith.constant 176 : index
        %swap3A_241 = tpu.vector_load %arg16[%swap3A_239, %swap3A_240] {strides = array<i32>} : memref<16x768xf32, #tpu.memory_space<vmem>>, vector<1x16xf32>,
        %swap3A_242 = vector.shape_cast %swap3A_241 : vector<1x16xf32> to vector<16xf32>
        %swap3A_243 = vector.shape_cast %add3A_238 : vector<16xf32> to vector<1x16xf32>
        tpu.vector_store %arg16[%swap3A_239, %swap3A_240], %swap3A_243 {strides = array<i32>} : memref<16x768xf32, #tpu.memory_space<vmem>>, vector<1x16xf32>,
        %get3A_244 = arith.index_cast %scan3A_65 : i32 to index
        %get3A_245 = arith.constant 192 : index
        %get3A_246 = tpu.vector_load %arg16[%get3A_244, %get3A_245] {strides = array<i32>} : memref<16x768xf32, #tpu.memory_space<vmem>>, vector<1x16xf32>,
        %get3A_247 = vector.shape_cast %get3A_246 : vector<1x16xf32> to vector<16xf32>
        %add3A_248 = arith.addi %mul3A_56, %scan3A_65 : i32
        %get3A_249 = arith.index_cast %add3A_248 : i32 to index
        %get3A_250 = arith.constant 192 : index
        %get3A_251 = tpu.vector_load %arg13[%get3A_249, %get3A_250] {strides = array<i32>} : memref<128x256xf32, #tpu.memory_space<vmem>>, vector<1x16xf32>,
        %get3A_252 = vector.shape_cast %get3A_251 : vector<1x16xf32> to vector<16xf32>
        %add3A_253 = arith.addf %get3A_247, %get3A_252 : vector<16xf32>
        %swap3A_254 = arith.index_cast %scan3A_65 : i32 to index
        %swap3A_255 = arith.constant 192 : index
        %swap3A_256 = tpu.vector_load %arg16[%swap3A_254, %swap3A_255] {strides = array<i32>} : memref<16x768xf32, #tpu.memory_space<vmem>>, vector<1x16xf32>,
        %swap3A_257 = vector.shape_cast %swap3A_256 : vector<1x16xf32> to vector<16xf32>
        %swap3A_258 = vector.shape_cast %add3A_253 : vector<16xf32> to vector<1x16xf32>
        tpu.vector_store %arg16[%swap3A_254, %swap3A_255], %swap3A_258 {strides = array<i32>} : memref<16x768xf32, #tpu.memory_space<vmem>>, vector<1x16xf32>,
        %get3A_259 = arith.index_cast %scan3A_65 : i32 to index
        %get3A_260 = arith.constant 208 : index
        %get3A_261 = tpu.vector_load %arg16[%get3A_259, %get3A_260] {strides = array<i32>} : memref<16x768xf32, #tpu.memory_space<vmem>>, vector<1x16xf32>,
        %get3A_262 = vector.shape_cast %get3A_261 : vector<1x16xf32> to vector<16xf32>
        %add3A_263 = arith.addi %mul3A_56, %scan3A_65 : i32
        %get3A_264 = arith.index_cast %add3A_263 : i32 to index
        %get3A_265 = arith.constant 208 : index
        %get3A_266 = tpu.vector_load %arg13[%get3A_264, %get3A_265] {strides = array<i32>} : memref<128x256xf32, #tpu.memory_space<vmem>>, vector<1x16xf32>,
        %get3A_267 = vector.shape_cast %get3A_266 : vector<1x16xf32> to vector<16xf32>
        %add3A_268 = arith.addf %get3A_262, %get3A_267 : vector<16xf32>
        %swap3A_269 = arith.index_cast %scan3A_65 : i32 to index
        %swap3A_270 = arith.constant 208 : index
        %swap3A_271 = tpu.vector_load %arg16[%swap3A_269, %swap3A_270] {strides = array<i32>} : memref<16x768xf32, #tpu.memory_space<vmem>>, vector<1x16xf32>,
        %swap3A_272 = vector.shape_cast %swap3A_271 : vector<1x16xf32> to vector<16xf32>
        %swap3A_273 = vector.shape_cast %add3A_268 : vector<16xf32> to vector<1x16xf32>
        tpu.vector_store %arg16[%swap3A_269, %swap3A_270], %swap3A_273 {strides = array<i32>} : memref<16x768xf32, #tpu.memory_space<vmem>>, vector<1x16xf32>,
        %get3A_274 = arith.index_cast %scan3A_65 : i32 to index
        %get3A_275 = arith.constant 224 : index
        %get3A_276 = tpu.vector_load %arg16[%get3A_274, %get3A_275] {strides = array<i32>} : memref<16x768xf32, #tpu.memory_space<vmem>>, vector<1x16xf32>,
        %get3A_277 = vector.shape_cast %get3A_276 : vector<1x16xf32> to vector<16xf32>
        %add3A_278 = arith.addi %mul3A_56, %scan3A_65 : i32
        %get3A_279 = arith.index_cast %add3A_278 : i32 to index
        %get3A_280 = arith.constant 224 : index
        %get3A_281 = tpu.vector_load %arg13[%get3A_279, %get3A_280] {strides = array<i32>} : memref<128x256xf32, #tpu.memory_space<vmem>>, vector<1x16xf32>,
        %get3A_282 = vector.shape_cast %get3A_281 : vector<1x16xf32> to vector<16xf32>
        %add3A_283 = arith.addf %get3A_277, %get3A_282 : vector<16xf32>
        %swap3A_284 = arith.index_cast %scan3A_65 : i32 to index
        %swap3A_285 = arith.constant 224 : index
        %swap3A_286 = tpu.vector_load %arg16[%swap3A_284, %swap3A_285] {strides = array<i32>} : memref<16x768xf32, #tpu.memory_space<vmem>>, vector<1x16xf32>,
        %swap3A_287 = vector.shape_cast %swap3A_286 : vector<1x16xf32> to vector<16xf32>
        %swap3A_288 = vector.shape_cast %add3A_283 : vector<16xf32> to vector<1x16xf32>
        tpu.vector_store %arg16[%swap3A_284, %swap3A_285], %swap3A_288 {strides = array<i32>} : memref<16x768xf32, #tpu.memory_space<vmem>>, vector<1x16xf32>,
        %get3A_289 = arith.index_cast %scan3A_65 : i32 to index
        %get3A_290 = arith.constant 240 : index
        %get3A_291 = tpu.vector_load %arg16[%get3A_289, %get3A_290] {strides = array<i32>} : memref<16x768xf32, #tpu.memory_space<vmem>>, vector<1x16xf32>,
        %get3A_292 = vector.shape_cast %get3A_291 : vector<1x16xf32> to vector<16xf32>
        %add3A_293 = arith.addi %mul3A_56, %scan3A_65 : i32
        %get3A_294 = arith.index_cast %add3A_293 : i32 to index
        %get3A_295 = arith.constant 240 : index
        %get3A_296 = tpu.vector_load %arg13[%get3A_294, %get3A_295] {strides = array<i32>} : memref<128x256xf32, #tpu.memory_space<vmem>>, vector<1x16xf32>,
        %get3A_297 = vector.shape_cast %get3A_296 : vector<1x16xf32> to vector<16xf32>
        %add3A_298 = arith.addf %get3A_292, %get3A_297 : vector<16xf32>
        %swap3A_299 = arith.index_cast %scan3A_65 : i32 to index
        %swap3A_300 = arith.constant 240 : index
        %swap3A_301 = tpu.vector_load %arg16[%swap3A_299, %swap3A_300] {strides = array<i32>} : memref<16x768xf32, #tpu.memory_space<vmem>>, vector<1x16xf32>,
        %swap3A_302 = vector.shape_cast %swap3A_301 : vector<1x16xf32> to vector<16xf32>
        %swap3A_303 = vector.shape_cast %add3A_298 : vector<16xf32> to vector<1x16xf32>
        tpu.vector_store %arg16[%swap3A_299, %swap3A_300], %swap3A_303 {strides = array<i32>} : memref<16x768xf32, #tpu.memory_space<vmem>>, vector<1x16xf32>,
        %get3A_304 = arith.index_cast %scan3A_65 : i32 to index
        %get3A_305 = arith.constant 256 : index
        %get3A_306 = tpu.vector_load %arg16[%get3A_304, %get3A_305] {strides = array<i32>} : memref<16x768xf32, #tpu.memory_space<vmem>>, vector<1x16xf32>,
        %get3A_307 = vector.shape_cast %get3A_306 : vector<1x16xf32> to vector<16xf32>
        %add3A_308 = arith.addi %mul3A_56, %scan3A_65 : i32
        %get3A_309 = arith.index_cast %add3A_308 : i32 to index
        %get3A_310 = arith.constant 0 : index
        %get3A_311 = tpu.vector_load %arg14[%get3A_309, %get3A_310] {strides = array<i32>} : memref<128x256xf32, #tpu.memory_space<vmem>>, vector<1x16xf32>,
        %get3A_312 = vector.shape_cast %get3A_311 : vector<1x16xf32> to vector<16xf32>
        %add3A_313 = arith.addf %get3A_307, %get3A_312 : vector<16xf32>
        %swap3A_314 = arith.index_cast %scan3A_65 : i32 to index
        %swap3A_315 = arith.constant 256 : index
        %swap3A_316 = tpu.vector_load %arg16[%swap3A_314, %swap3A_315] {strides = array<i32>} : memref<16x768xf32, #tpu.memory_space<vmem>>, vector<1x16xf32>,
        %swap3A_317 = vector.shape_cast %swap3A_316 : vector<1x16xf32> to vector<16xf32>
        %swap3A_318 = vector.shape_cast %add3A_313 : vector<16xf32> to vector<1x16xf32>
        tpu.vector_store %arg16[%swap3A_314, %swap3A_315], %swap3A_318 {strides = array<i32>} : memref<16x768xf32, #tpu.memory_space<vmem>>, vector<1x16xf32>,
        %get3A_319 = arith.index_cast %scan3A_65 : i32 to index
        %get3A_320 = arith.constant 272 : index
        %get3A_321 = tpu.vector_load %arg16[%get3A_319, %get3A_320] {strides = array<i32>} : memref<16x768xf32, #tpu.memory_space<vmem>>, vector<1x16xf32>,
        %get3A_322 = vector.shape_cast %get3A_321 : vector<1x16xf32> to vector<16xf32>
        %add3A_323 = arith.addi %mul3A_56, %scan3A_65 : i32
        %get3A_324 = arith.index_cast %add3A_323 : i32 to index
        %get3A_325 = arith.constant 16 : index
        %get3A_326 = tpu.vector_load %arg14[%get3A_324, %get3A_325] {strides = array<i32>} : memref<128x256xf32, #tpu.memory_space<vmem>>, vector<1x16xf32>,
        %get3A_327 = vector.shape_cast %get3A_326 : vector<1x16xf32> to vector<16xf32>
        %add3A_328 = arith.addf %get3A_322, %get3A_327 : vector<16xf32>
        %swap3A_329 = arith.index_cast %scan3A_65 : i32 to index
        %swap3A_330 = arith.constant 272 : index
        %swap3A_331 = tpu.vector_load %arg16[%swap3A_329, %swap3A_330] {strides = array<i32>} : memref<16x768xf32, #tpu.memory_space<vmem>>, vector<1x16xf32>,
        %swap3A_332 = vector.shape_cast %swap3A_331 : vector<1x16xf32> to vector<16xf32>
        %swap3A_333 = vector.shape_cast %add3A_328 : vector<16xf32> to vector<1x16xf32>
        tpu.vector_store %arg16[%swap3A_329, %swap3A_330], %swap3A_333 {strides = array<i32>} : memref<16x768xf32, #tpu.memory_space<vmem>>, vector<1x16xf32>,
        %get3A_334 = arith.index_cast %scan3A_65 : i32 to index
        %get3A_335 = arith.constant 288 : index
        %get3A_336 = tpu.vector_load %arg16[%get3A_334, %get3A_335] {strides = array<i32>} : memref<16x768xf32, #tpu.memory_space<vmem>>, vector<1x16xf32>,
        %get3A_337 = vector.shape_cast %get3A_336 : vector<1x16xf32> to vector<16xf32>
        %add3A_338 = arith.addi %mul3A_56, %scan3A_65 : i32
        %get3A_339 = arith.index_cast %add3A_338 : i32 to index
        %get3A_340 = arith.constant 32 : index
        %get3A_341 = tpu.vector_load %arg14[%get3A_339, %get3A_340] {strides = array<i32>} : memref<128x256xf32, #tpu.memory_space<vmem>>, vector<1x16xf32>,
        %get3A_342 = vector.shape_cast %get3A_341 : vector<1x16xf32> to vector<16xf32>
        %add3A_343 = arith.addf %get3A_337, %get3A_342 : vector<16xf32>
        %swap3A_344 = arith.index_cast %scan3A_65 : i32 to index
        %swap3A_345 = arith.constant 288 : index
        %swap3A_346 = tpu.vector_load %arg16[%swap3A_344, %swap3A_345] {strides = array<i32>} : memref<16x768xf32, #tpu.memory_space<vmem>>, vector<1x16xf32>,
        %swap3A_347 = vector.shape_cast %swap3A_346 : vector<1x16xf32> to vector<16xf32>
        %swap3A_348 = vector.shape_cast %add3A_343 : vector<16xf32> to vector<1x16xf32>
        tpu.vector_store %arg16[%swap3A_344, %swap3A_345], %swap3A_348 {strides = array<i32>} : memref<16x768xf32, #tpu.memory_space<vmem>>, vector<1x16xf32>,
        %get3A_349 = arith.index_cast %scan3A_65 : i32 to index
        %get3A_350 = arith.constant 304 : index
        %get3A_351 = tpu.vector_load %arg16[%get3A_349, %get3A_350] {strides = array<i32>} : memref<16x768xf32, #tpu.memory_space<vmem>>, vector<1x16xf32>,
        %get3A_352 = vector.shape_cast %get3A_351 : vector<1x16xf32> to vector<16xf32>
        %add3A_353 = arith.addi %mul3A_56, %scan3A_65 : i32
        %get3A_354 = arith.index_cast %add3A_353 : i32 to index
        %get3A_355 = arith.constant 48 : index
        %get3A_356 = tpu.vector_load %arg14[%get3A_354, %get3A_355] {strides = array<i32>} : memref<128x256xf32, #tpu.memory_space<vmem>>, vector<1x16xf32>,
        %get3A_357 = vector.shape_cast %get3A_356 : vector<1x16xf32> to vector<16xf32>
        %add3A_358 = arith.addf %get3A_352, %get3A_357 : vector<16xf32>
        %swap3A_359 = arith.index_cast %scan3A_65 : i32 to index
        %swap3A_360 = arith.constant 304 : index
        %swap3A_361 = tpu.vector_load %arg16[%swap3A_359, %swap3A_360] {strides = array<i32>} : memref<16x768xf32, #tpu.memory_space<vmem>>, vector<1x16xf32>,
        %swap3A_362 = vector.shape_cast %swap3A_361 : vector<1x16xf32> to vector<16xf32>
        %swap3A_363 = vector.shape_cast %add3A_358 : vector<16xf32> to vector<1x16xf32>
        tpu.vector_store %arg16[%swap3A_359, %swap3A_360], %swap3A_363 {strides = array<i32>} : memref<16x768xf32, #tpu.memory_space<vmem>>, vector<1x16xf32>,
        %get3A_364 = arith.index_cast %scan3A_65 : i32 to index
        %get3A_365 = arith.constant 320 : index
        %get3A_366 = tpu.vector_load %arg16[%get3A_364, %get3A_365] {strides = array<i32>} : memref<16x768xf32, #tpu.memory_space<vmem>>, vector<1x16xf32>,
        %get3A_367 = vector.shape_cast %get3A_366 : vector<1x16xf32> to vector<16xf32>
        %add3A_368 = arith.addi %mul3A_56, %scan3A_65 : i32
        %get3A_369 = arith.index_cast %add3A_368 : i32 to index
        %get3A_370 = arith.constant 64 : index
        %get3A_371 = tpu.vector_load %arg14[%get3A_369, %get3A_370] {strides = array<i32>} : memref<128x256xf32, #tpu.memory_space<vmem>>, vector<1x16xf32>,
        %get3A_372 = vector.shape_cast %get3A_371 : vector<1x16xf32> to vector<16xf32>
        %add3A_373 = arith.addf %get3A_367, %get3A_372 : vector<16xf32>
        %swap3A_374 = arith.index_cast %scan3A_65 : i32 to index
        %swap3A_375 = arith.constant 320 : index
        %swap3A_376 = tpu.vector_load %arg16[%swap3A_374, %swap3A_375] {strides = array<i32>} : memref<16x768xf32, #tpu.memory_space<vmem>>, vector<1x16xf32>,
        %swap3A_377 = vector.shape_cast %swap3A_376 : vector<1x16xf32> to vector<16xf32>
        %swap3A_378 = vector.shape_cast %add3A_373 : vector<16xf32> to vector<1x16xf32>
        tpu.vector_store %arg16[%swap3A_374, %swap3A_375], %swap3A_378 {strides = array<i32>} : memref<16x768xf32, #tpu.memory_space<vmem>>, vector<1x16xf32>,
        %get3A_379 = arith.index_cast %scan3A_65 : i32 to index
        %get3A_380 = arith.constant 336 : index
        %get3A_381 = tpu.vector_load %arg16[%get3A_379, %get3A_380] {strides = array<i32>} : memref<16x768xf32, #tpu.memory_space<vmem>>, vector<1x16xf32>,
        %get3A_382 = vector.shape_cast %get3A_381 : vector<1x16xf32> to vector<16xf32>
        %add3A_383 = arith.addi %mul3A_56, %scan3A_65 : i32
        %get3A_384 = arith.index_cast %add3A_383 : i32 to index
        %get3A_385 = arith.constant 80 : index
        %get3A_386 = tpu.vector_load %arg14[%get3A_384, %get3A_385] {strides = array<i32>} : memref<128x256xf32, #tpu.memory_space<vmem>>, vector<1x16xf32>,
        %get3A_387 = vector.shape_cast %get3A_386 : vector<1x16xf32> to vector<16xf32>
        %add3A_388 = arith.addf %get3A_382, %get3A_387 : vector<16xf32>
        %swap3A_389 = arith.index_cast %scan3A_65 : i32 to index
        %swap3A_390 = arith.constant 336 : index
        %swap3A_391 = tpu.vector_load %arg16[%swap3A_389, %swap3A_390] {strides = array<i32>} : memref<16x768xf32, #tpu.memory_space<vmem>>, vector<1x16xf32>,
        %swap3A_392 = vector.shape_cast %swap3A_391 : vector<1x16xf32> to vector<16xf32>
        %swap3A_393 = vector.shape_cast %add3A_388 : vector<16xf32> to vector<1x16xf32>
        tpu.vector_store %arg16[%swap3A_389, %swap3A_390], %swap3A_393 {strides = array<i32>} : memref<16x768xf32, #tpu.memory_space<vmem>>, vector<1x16xf32>,
        %get3A_394 = arith.index_cast %scan3A_65 : i32 to index
        %get3A_395 = arith.constant 352 : index
        %get3A_396 = tpu.vector_load %arg16[%get3A_394, %get3A_395] {strides = array<i32>} : memref<16x768xf32, #tpu.memory_space<vmem>>, vector<1x16xf32>,
        %get3A_397 = vector.shape_cast %get3A_396 : vector<1x16xf32> to vector<16xf32>
        %add3A_398 = arith.addi %mul3A_56, %scan3A_65 : i32
        %get3A_399 = arith.index_cast %add3A_398 : i32 to index
        %get3A_400 = arith.constant 96 : index
        %get3A_401 = tpu.vector_load %arg14[%get3A_399, %get3A_400] {strides = array<i32>} : memref<128x256xf32, #tpu.memory_space<vmem>>, vector<1x16xf32>,
        %get3A_402 = vector.shape_cast %get3A_401 : vector<1x16xf32> to vector<16xf32>
        %add3A_403 = arith.addf %get3A_397, %get3A_402 : vector<16xf32>
        %swap3A_404 = arith.index_cast %scan3A_65 : i32 to index
        %swap3A_405 = arith.constant 352 : index
        %swap3A_406 = tpu.vector_load %arg16[%swap3A_404, %swap3A_405] {strides = array<i32>} : memref<16x768xf32, #tpu.memory_space<vmem>>, vector<1x16xf32>,
        %swap3A_407 = vector.shape_cast %swap3A_406 : vector<1x16xf32> to vector<16xf32>
        %swap3A_408 = vector.shape_cast %add3A_403 : vector<16xf32> to vector<1x16xf32>
        tpu.vector_store %arg16[%swap3A_404, %swap3A_405], %swap3A_408 {strides = array<i32>} : memref<16x768xf32, #tpu.memory_space<vmem>>, vector<1x16xf32>,
        %get3A_409 = arith.index_cast %scan3A_65 : i32 to index
        %get3A_410 = arith.constant 368 : index
        %get3A_411 = tpu.vector_load %arg16[%get3A_409, %get3A_410] {strides = array<i32>} : memref<16x768xf32, #tpu.memory_space<vmem>>, vector<1x16xf32>,
        %get3A_412 = vector.shape_cast %get3A_411 : vector<1x16xf32> to vector<16xf32>
        %add3A_413 = arith.addi %mul3A_56, %scan3A_65 : i32
        %get3A_414 = arith.index_cast %add3A_413 : i32 to index
        %get3A_415 = arith.constant 112 : index
        %get3A_416 = tpu.vector_load %arg14[%get3A_414, %get3A_415] {strides = array<i32>} : memref<128x256xf32, #tpu.memory_space<vmem>>, vector<1x16xf32>,
        %get3A_417 = vector.shape_cast %get3A_416 : vector<1x16xf32> to vector<16xf32>
        %add3A_418 = arith.addf %get3A_412, %get3A_417 : vector<16xf32>
        %swap3A_419 = arith.index_cast %scan3A_65 : i32 to index
        %swap3A_420 = arith.constant 368 : index
        %swap3A_421 = tpu.vector_load %arg16[%swap3A_419, %swap3A_420] {strides = array<i32>} : memref<16x768xf32, #tpu.memory_space<vmem>>, vector<1x16xf32>,
        %swap3A_422 = vector.shape_cast %swap3A_421 : vector<1x16xf32> to vector<16xf32>
        %swap3A_423 = vector.shape_cast %add3A_418 : vector<16xf32> to vector<1x16xf32>
        tpu.vector_store %arg16[%swap3A_419, %swap3A_420], %swap3A_423 {strides = array<i32>} : memref<16x768xf32, #tpu.memory_space<vmem>>, vector<1x16xf32>,
        %get3A_424 = arith.index_cast %scan3A_65 : i32 to index
        %get3A_425 = arith.constant 384 : index
        %get3A_426 = tpu.vector_load %arg16[%get3A_424, %get3A_425] {strides = array<i32>} : memref<16x768xf32, #tpu.memory_space<vmem>>, vector<1x16xf32>,
        %get3A_427 = vector.shape_cast %get3A_426 : vector<1x16xf32> to vector<16xf32>
        %add3A_428 = arith.addi %mul3A_56, %scan3A_65 : i32
        %get3A_429 = arith.index_cast %add3A_428 : i32 to index
        %get3A_430 = arith.constant 128 : index
        %get3A_431 = tpu.vector_load %arg14[%get3A_429, %get3A_430] {strides = array<i32>} : memref<128x256xf32, #tpu.memory_space<vmem>>, vector<1x16xf32>,
        %get3A_432 = vector.shape_cast %get3A_431 : vector<1x16xf32> to vector<16xf32>
        %add3A_433 = arith.addf %get3A_427, %get3A_432 : vector<16xf32>
        %swap3A_434 = arith.index_cast %scan3A_65 : i32 to index
        %swap3A_435 = arith.constant 384 : index
        %swap3A_436 = tpu.vector_load %arg16[%swap3A_434, %swap3A_435] {strides = array<i32>} : memref<16x768xf32, #tpu.memory_space<vmem>>, vector<1x16xf32>,
        %swap3A_437 = vector.shape_cast %swap3A_436 : vector<1x16xf32> to vector<16xf32>
        %swap3A_438 = vector.shape_cast %add3A_433 : vector<16xf32> to vector<1x16xf32>
        tpu.vector_store %arg16[%swap3A_434, %swap3A_435], %swap3A_438 {strides = array<i32>} : memref<16x768xf32, #tpu.memory_space<vmem>>, vector<1x16xf32>,
        %get3A_439 = arith.index_cast %scan3A_65 : i32 to index
        %get3A_440 = arith.constant 400 : index
        %get3A_441 = tpu.vector_load %arg16[%get3A_439, %get3A_440] {strides = array<i32>} : memref<16x768xf32, #tpu.memory_space<vmem>>, vector<1x16xf32>,
        %get3A_442 = vector.shape_cast %get3A_441 : vector<1x16xf32> to vector<16xf32>
        %add3A_443 = arith.addi %mul3A_56, %scan3A_65 : i32
        %get3A_444 = arith.index_cast %add3A_443 : i32 to index
        %get3A_445 = arith.constant 144 : index
        %get3A_446 = tpu.vector_load %arg14[%get3A_444, %get3A_445] {strides = array<i32>} : memref<128x256xf32, #tpu.memory_space<vmem>>, vector<1x16xf32>,
        %get3A_447 = vector.shape_cast %get3A_446 : vector<1x16xf32> to vector<16xf32>
        %add3A_448 = arith.addf %get3A_442, %get3A_447 : vector<16xf32>
        %swap3A_449 = arith.index_cast %scan3A_65 : i32 to index
        %swap3A_450 = arith.constant 400 : index
        %swap3A_451 = tpu.vector_load %arg16[%swap3A_449, %swap3A_450] {strides = array<i32>} : memref<16x768xf32, #tpu.memory_space<vmem>>, vector<1x16xf32>,
        %swap3A_452 = vector.shape_cast %swap3A_451 : vector<1x16xf32> to vector<16xf32>
        %swap3A_453 = vector.shape_cast %add3A_448 : vector<16xf32> to vector<1x16xf32>
        tpu.vector_store %arg16[%swap3A_449, %swap3A_450], %swap3A_453 {strides = array<i32>} : memref<16x768xf32, #tpu.memory_space<vmem>>, vector<1x16xf32>,
        %get3A_454 = arith.index_cast %scan3A_65 : i32 to index
        %get3A_455 = arith.constant 416 : index
        %get3A_456 = tpu.vector_load %arg16[%get3A_454, %get3A_455] {strides = array<i32>} : memref<16x768xf32, #tpu.memory_space<vmem>>, vector<1x16xf32>,
        %get3A_457 = vector.shape_cast %get3A_456 : vector<1x16xf32> to vector<16xf32>
        %add3A_458 = arith.addi %mul3A_56, %scan3A_65 : i32
        %get3A_459 = arith.index_cast %add3A_458 : i32 to index
        %get3A_460 = arith.constant 160 : index
        %get3A_461 = tpu.vector_load %arg14[%get3A_459, %get3A_460] {strides = array<i32>} : memref<128x256xf32, #tpu.memory_space<vmem>>, vector<1x16xf32>,
        %get3A_462 = vector.shape_cast %get3A_461 : vector<1x16xf32> to vector<16xf32>
        %add3A_463 = arith.addf %get3A_457, %get3A_462 : vector<16xf32>
        %swap3A_464 = arith.index_cast %scan3A_65 : i32 to index
        %swap3A_465 = arith.constant 416 : index
        %swap3A_466 = tpu.vector_load %arg16[%swap3A_464, %swap3A_465] {strides = array<i32>} : memref<16x768xf32, #tpu.memory_space<vmem>>, vector<1x16xf32>,
        %swap3A_467 = vector.shape_cast %swap3A_466 : vector<1x16xf32> to vector<16xf32>
        %swap3A_468 = vector.shape_cast %add3A_463 : vector<16xf32> to vector<1x16xf32>
        tpu.vector_store %arg16[%swap3A_464, %swap3A_465], %swap3A_468 {strides = array<i32>} : memref<16x768xf32, #tpu.memory_space<vmem>>, vector<1x16xf32>,
        %get3A_469 = arith.index_cast %scan3A_65 : i32 to index
        %get3A_470 = arith.constant 432 : index
        %get3A_471 = tpu.vector_load %arg16[%get3A_469, %get3A_470] {strides = array<i32>} : memref<16x768xf32, #tpu.memory_space<vmem>>, vector<1x16xf32>,
        %get3A_472 = vector.shape_cast %get3A_471 : vector<1x16xf32> to vector<16xf32>
        %add3A_473 = arith.addi %mul3A_56, %scan3A_65 : i32
        %get3A_474 = arith.index_cast %add3A_473 : i32 to index
        %get3A_475 = arith.constant 176 : index
        %get3A_476 = tpu.vector_load %arg14[%get3A_474, %get3A_475] {strides = array<i32>} : memref<128x256xf32, #tpu.memory_space<vmem>>, vector<1x16xf32>,
        %get3A_477 = vector.shape_cast %get3A_476 : vector<1x16xf32> to vector<16xf32>
        %add3A_478 = arith.addf %get3A_472, %get3A_477 : vector<16xf32>
        %swap3A_479 = arith.index_cast %scan3A_65 : i32 to index
        %swap3A_480 = arith.constant 432 : index
        %swap3A_481 = tpu.vector_load %arg16[%swap3A_479, %swap3A_480] {strides = array<i32>} : memref<16x768xf32, #tpu.memory_space<vmem>>, vector<1x16xf32>,
        %swap3A_482 = vector.shape_cast %swap3A_481 : vector<1x16xf32> to vector<16xf32>
        %swap3A_483 = vector.shape_cast %add3A_478 : vector<16xf32> to vector<1x16xf32>
        tpu.vector_store %arg16[%swap3A_479, %swap3A_480], %swap3A_483 {strides = array<i32>} : memref<16x768xf32, #tpu.memory_space<vmem>>, vector<1x16xf32>,
        %get3A_484 = arith.index_cast %scan3A_65 : i32 to index
        %get3A_485 = arith.constant 448 : index
        %get3A_486 = tpu.vector_load %arg16[%get3A_484, %get3A_485] {strides = array<i32>} : memref<16x768xf32, #tpu.memory_space<vmem>>, vector<1x16xf32>,
        %get3A_487 = vector.shape_cast %get3A_486 : vector<1x16xf32> to vector<16xf32>
        %add3A_488 = arith.addi %mul3A_56, %scan3A_65 : i32
        %get3A_489 = arith.index_cast %add3A_488 : i32 to index
        %get3A_490 = arith.constant 192 : index
        %get3A_491 = tpu.vector_load %arg14[%get3A_489, %get3A_490] {strides = array<i32>} : memref<128x256xf32, #tpu.memory_space<vmem>>, vector<1x16xf32>,
        %get3A_492 = vector.shape_cast %get3A_491 : vector<1x16xf32> to vector<16xf32>
        %add3A_493 = arith.addf %get3A_487, %get3A_492 : vector<16xf32>
        %swap3A_494 = arith.index_cast %scan3A_65 : i32 to index
        %swap3A_495 = arith.constant 448 : index
        %swap3A_496 = tpu.vector_load %arg16[%swap3A_494, %swap3A_495] {strides = array<i32>} : memref<16x768xf32, #tpu.memory_space<vmem>>, vector<1x16xf32>,
        %swap3A_497 = vector.shape_cast %swap3A_496 : vector<1x16xf32> to vector<16xf32>
        %swap3A_498 = vector.shape_cast %add3A_493 : vector<16xf32> to vector<1x16xf32>
        tpu.vector_store %arg16[%swap3A_494, %swap3A_495], %swap3A_498 {strides = array<i32>} : memref<16x768xf32, #tpu.memory_space<vmem>>, vector<1x16xf32>,
        %get3A_499 = arith.index_cast %scan3A_65 : i32 to index
        %get3A_500 = arith.constant 464 : index
        %get3A_501 = tpu.vector_load %arg16[%get3A_499, %get3A_500] {strides = array<i32>} : memref<16x768xf32, #tpu.memory_space<vmem>>, vector<1x16xf32>,
        %get3A_502 = vector.shape_cast %get3A_501 : vector<1x16xf32> to vector<16xf32>
        %add3A_503 = arith.addi %mul3A_56, %scan3A_65 : i32
        %get3A_504 = arith.index_cast %add3A_503 : i32 to index
        %get3A_505 = arith.constant 208 : index
        %get3A_506 = tpu.vector_load %arg14[%get3A_504, %get3A_505] {strides = array<i32>} : memref<128x256xf32, #tpu.memory_space<vmem>>, vector<1x16xf32>,
        %get3A_507 = vector.shape_cast %get3A_506 : vector<1x16xf32> to vector<16xf32>
        %add3A_508 = arith.addf %get3A_502, %get3A_507 : vector<16xf32>
        %swap3A_509 = arith.index_cast %scan3A_65 : i32 to index
        %swap3A_510 = arith.constant 464 : index
        %swap3A_511 = tpu.vector_load %arg16[%swap3A_509, %swap3A_510] {strides = array<i32>} : memref<16x768xf32, #tpu.memory_space<vmem>>, vector<1x16xf32>,
        %swap3A_512 = vector.shape_cast %swap3A_511 : vector<1x16xf32> to vector<16xf32>
        %swap3A_513 = vector.shape_cast %add3A_508 : vector<16xf32> to vector<1x16xf32>
        tpu.vector_store %arg16[%swap3A_509, %swap3A_510], %swap3A_513 {strides = array<i32>} : memref<16x768xf32, #tpu.memory_space<vmem>>, vector<1x16xf32>,
        %get3A_514 = arith.index_cast %scan3A_65 : i32 to index
        %get3A_515 = arith.constant 480 : index
        %get3A_516 = tpu.vector_load %arg16[%get3A_514, %get3A_515] {strides = array<i32>} : memref<16x768xf32, #tpu.memory_space<vmem>>, vector<1x16xf32>,
        %get3A_517 = vector.shape_cast %get3A_516 : vector<1x16xf32> to vector<16xf32>
        %add3A_518 = arith.addi %mul3A_56, %scan3A_65 : i32
        %get3A_519 = arith.index_cast %add3A_518 : i32 to index
        %get3A_520 = arith.constant 224 : index
        %get3A_521 = tpu.vector_load %arg14[%get3A_519, %get3A_520] {strides = array<i32>} : memref<128x256xf32, #tpu.memory_space<vmem>>, vector<1x16xf32>,
        %get3A_522 = vector.shape_cast %get3A_521 : vector<1x16xf32> to vector<16xf32>
        %add3A_523 = arith.addf %get3A_517, %get3A_522 : vector<16xf32>
        %swap3A_524 = arith.index_cast %scan3A_65 : i32 to index
        %swap3A_525 = arith.constant 480 : index
        %swap3A_526 = tpu.vector_load %arg16[%swap3A_524, %swap3A_525] {strides = array<i32>} : memref<16x768xf32, #tpu.memory_space<vmem>>, vector<1x16xf32>,
        %swap3A_527 = vector.shape_cast %swap3A_526 : vector<1x16xf32> to vector<16xf32>
        %swap3A_528 = vector.shape_cast %add3A_523 : vector<16xf32> to vector<1x16xf32>
        tpu.vector_store %arg16[%swap3A_524, %swap3A_525], %swap3A_528 {strides = array<i32>} : memref<16x768xf32, #tpu.memory_space<vmem>>, vector<1x16xf32>,
        %get3A_529 = arith.index_cast %scan3A_65 : i32 to index
        %get3A_530 = arith.constant 496 : index
        %get3A_531 = tpu.vector_load %arg16[%get3A_529, %get3A_530] {strides = array<i32>} : memref<16x768xf32, #tpu.memory_space<vmem>>, vector<1x16xf32>,
        %get3A_532 = vector.shape_cast %get3A_531 : vector<1x16xf32> to vector<16xf32>
        %add3A_533 = arith.addi %mul3A_56, %scan3A_65 : i32
        %get3A_534 = arith.index_cast %add3A_533 : i32 to index
        %get3A_535 = arith.constant 240 : index
        %get3A_536 = tpu.vector_load %arg14[%get3A_534, %get3A_535] {strides = array<i32>} : memref<128x256xf32, #tpu.memory_space<vmem>>, vector<1x16xf32>,
        %get3A_537 = vector.shape_cast %get3A_536 : vector<1x16xf32> to vector<16xf32>
        %add3A_538 = arith.addf %get3A_532, %get3A_537 : vector<16xf32>
        %swap3A_539 = arith.index_cast %scan3A_65 : i32 to index
        %swap3A_540 = arith.constant 496 : index
        %swap3A_541 = tpu.vector_load %arg16[%swap3A_539, %swap3A_540] {strides = array<i32>} : memref<16x768xf32, #tpu.memory_space<vmem>>, vector<1x16xf32>,
        %swap3A_542 = vector.shape_cast %swap3A_541 : vector<1x16xf32> to vector<16xf32>
        %swap3A_543 = vector.shape_cast %add3A_538 : vector<16xf32> to vector<1x16xf32>
        tpu.vector_store %arg16[%swap3A_539, %swap3A_540], %swap3A_543 {strides = array<i32>} : memref<16x768xf32, #tpu.memory_space<vmem>>, vector<1x16xf32>,
        %get3A_544 = arith.index_cast %scan3A_65 : i32 to index
        %get3A_545 = arith.constant 512 : index
        %get3A_546 = tpu.vector_load %arg16[%get3A_544, %get3A_545] {strides = array<i32>} : memref<16x768xf32, #tpu.memory_space<vmem>>, vector<1x16xf32>,
        %get3A_547 = vector.shape_cast %get3A_546 : vector<1x16xf32> to vector<16xf32>
        %add3A_548 = arith.addi %mul3A_56, %scan3A_65 : i32
        %get3A_549 = arith.index_cast %add3A_548 : i32 to index
        %get3A_550 = arith.constant 0 : index
        %get3A_551 = tpu.vector_load %arg15[%get3A_549, %get3A_550] {strides = array<i32>} : memref<128x256xf32, #tpu.memory_space<vmem>>, vector<1x16xf32>,
        %get3A_552 = vector.shape_cast %get3A_551 : vector<1x16xf32> to vector<16xf32>
        %add3A_553 = arith.addf %get3A_547, %get3A_552 : vector<16xf32>
        %swap3A_554 = arith.index_cast %scan3A_65 : i32 to index
        %swap3A_555 = arith.constant 512 : index
        %swap3A_556 = tpu.vector_load %arg16[%swap3A_554, %swap3A_555] {strides = array<i32>} : memref<16x768xf32, #tpu.memory_space<vmem>>, vector<1x16xf32>,
        %swap3A_557 = vector.shape_cast %swap3A_556 : vector<1x16xf32> to vector<16xf32>
        %swap3A_558 = vector.shape_cast %add3A_553 : vector<16xf32> to vector<1x16xf32>
        tpu.vector_store %arg16[%swap3A_554, %swap3A_555], %swap3A_558 {strides = array<i32>} : memref<16x768xf32, #tpu.memory_space<vmem>>, vector<1x16xf32>,
        %get3A_559 = arith.index_cast %scan3A_65 : i32 to index
        %get3A_560 = arith.constant 528 : index
        %get3A_561 = tpu.vector_load %arg16[%get3A_559, %get3A_560] {strides = array<i32>} : memref<16x768xf32, #tpu.memory_space<vmem>>, vector<1x16xf32>,
        %get3A_562 = vector.shape_cast %get3A_561 : vector<1x16xf32> to vector<16xf32>
        %add3A_563 = arith.addi %mul3A_56, %scan3A_65 : i32
        %get3A_564 = arith.index_cast %add3A_563 : i32 to index
        %get3A_565 = arith.constant 16 : index
        %get3A_566 = tpu.vector_load %arg15[%get3A_564, %get3A_565] {strides = array<i32>} : memref<128x256xf32, #tpu.memory_space<vmem>>, vector<1x16xf32>,
        %get3A_567 = vector.shape_cast %get3A_566 : vector<1x16xf32> to vector<16xf32>
        %add3A_568 = arith.addf %get3A_562, %get3A_567 : vector<16xf32>
        %swap3A_569 = arith.index_cast %scan3A_65 : i32 to index
        %swap3A_570 = arith.constant 528 : index
        %swap3A_571 = tpu.vector_load %arg16[%swap3A_569, %swap3A_570] {strides = array<i32>} : memref<16x768xf32, #tpu.memory_space<vmem>>, vector<1x16xf32>,
        %swap3A_572 = vector.shape_cast %swap3A_571 : vector<1x16xf32> to vector<16xf32>
        %swap3A_573 = vector.shape_cast %add3A_568 : vector<16xf32> to vector<1x16xf32>
        tpu.vector_store %arg16[%swap3A_569, %swap3A_570], %swap3A_573 {strides = array<i32>} : memref<16x768xf32, #tpu.memory_space<vmem>>, vector<1x16xf32>,
        %get3A_574 = arith.index_cast %scan3A_65 : i32 to index
        %get3A_575 = arith.constant 544 : index
        %get3A_576 = tpu.vector_load %arg16[%get3A_574, %get3A_575] {strides = array<i32>} : memref<16x768xf32, #tpu.memory_space<vmem>>, vector<1x16xf32>,
        %get3A_577 = vector.shape_cast %get3A_576 : vector<1x16xf32> to vector<16xf32>
        %add3A_578 = arith.addi %mul3A_56, %scan3A_65 : i32
        %get3A_579 = arith.index_cast %add3A_578 : i32 to index
        %get3A_580 = arith.constant 32 : index
        %get3A_581 = tpu.vector_load %arg15[%get3A_579, %get3A_580] {strides = array<i32>} : memref<128x256xf32, #tpu.memory_space<vmem>>, vector<1x16xf32>,
        %get3A_582 = vector.shape_cast %get3A_581 : vector<1x16xf32> to vector<16xf32>
        %add3A_583 = arith.addf %get3A_577, %get3A_582 : vector<16xf32>
        %swap3A_584 = arith.index_cast %scan3A_65 : i32 to index
        %swap3A_585 = arith.constant 544 : index
        %swap3A_586 = tpu.vector_load %arg16[%swap3A_584, %swap3A_585] {strides = array<i32>} : memref<16x768xf32, #tpu.memory_space<vmem>>, vector<1x16xf32>,
        %swap3A_587 = vector.shape_cast %swap3A_586 : vector<1x16xf32> to vector<16xf32>
        %swap3A_588 = vector.shape_cast %add3A_583 : vector<16xf32> to vector<1x16xf32>
        tpu.vector_store %arg16[%swap3A_584, %swap3A_585], %swap3A_588 {strides = array<i32>} : memref<16x768xf32, #tpu.memory_space<vmem>>, vector<1x16xf32>,
        %get3A_589 = arith.index_cast %scan3A_65 : i32 to index
        %get3A_590 = arith.constant 560 : index
        %get3A_591 = tpu.vector_load %arg16[%get3A_589, %get3A_590] {strides = array<i32>} : memref<16x768xf32, #tpu.memory_space<vmem>>, vector<1x16xf32>,
        %get3A_592 = vector.shape_cast %get3A_591 : vector<1x16xf32> to vector<16xf32>
        %add3A_593 = arith.addi %mul3A_56, %scan3A_65 : i32
        %get3A_594 = arith.index_cast %add3A_593 : i32 to index
        %get3A_595 = arith.constant 48 : index
        %get3A_596 = tpu.vector_load %arg15[%get3A_594, %get3A_595] {strides = array<i32>} : memref<128x256xf32, #tpu.memory_space<vmem>>, vector<1x16xf32>,
        %get3A_597 = vector.shape_cast %get3A_596 : vector<1x16xf32> to vector<16xf32>
        %add3A_598 = arith.addf %get3A_592, %get3A_597 : vector<16xf32>
        %swap3A_599 = arith.index_cast %scan3A_65 : i32 to index
        %swap3A_600 = arith.constant 560 : index
        %swap3A_601 = tpu.vector_load %arg16[%swap3A_599, %swap3A_600] {strides = array<i32>} : memref<16x768xf32, #tpu.memory_space<vmem>>, vector<1x16xf32>,
        %swap3A_602 = vector.shape_cast %swap3A_601 : vector<1x16xf32> to vector<16xf32>
        %swap3A_603 = vector.shape_cast %add3A_598 : vector<16xf32> to vector<1x16xf32>
        tpu.vector_store %arg16[%swap3A_599, %swap3A_600], %swap3A_603 {strides = array<i32>} : memref<16x768xf32, #tpu.memory_space<vmem>>, vector<1x16xf32>,
        %get3A_604 = arith.index_cast %scan3A_65 : i32 to index
        %get3A_605 = arith.constant 576 : index
        %get3A_606 = tpu.vector_load %arg16[%get3A_604, %get3A_605] {strides = array<i32>} : memref<16x768xf32, #tpu.memory_space<vmem>>, vector<1x16xf32>,
        %get3A_607 = vector.shape_cast %get3A_606 : vector<1x16xf32> to vector<16xf32>
        %add3A_608 = arith.addi %mul3A_56, %scan3A_65 : i32
        %get3A_609 = arith.index_cast %add3A_608 : i32 to index
        %get3A_610 = arith.constant 64 : index
        %get3A_611 = tpu.vector_load %arg15[%get3A_609, %get3A_610] {strides = array<i32>} : memref<128x256xf32, #tpu.memory_space<vmem>>, vector<1x16xf32>,
        %get3A_612 = vector.shape_cast %get3A_611 : vector<1x16xf32> to vector<16xf32>
        %add3A_613 = arith.addf %get3A_607, %get3A_612 : vector<16xf32>
        %swap3A_614 = arith.index_cast %scan3A_65 : i32 to index
        %swap3A_615 = arith.constant 576 : index
        %swap3A_616 = tpu.vector_load %arg16[%swap3A_614, %swap3A_615] {strides = array<i32>} : memref<16x768xf32, #tpu.memory_space<vmem>>, vector<1x16xf32>,
        %swap3A_617 = vector.shape_cast %swap3A_616 : vector<1x16xf32> to vector<16xf32>
        %swap3A_618 = vector.shape_cast %add3A_613 : vector<16xf32> to vector<1x16xf32>
        tpu.vector_store %arg16[%swap3A_614, %swap3A_615], %swap3A_618 {strides = array<i32>} : memref<16x768xf32, #tpu.memory_space<vmem>>, vector<1x16xf32>,
        %get3A_619 = arith.index_cast %scan3A_65 : i32 to index
        %get3A_620 = arith.constant 592 : index
        %get3A_621 = tpu.vector_load %arg16[%get3A_619, %get3A_620] {strides = array<i32>} : memref<16x768xf32, #tpu.memory_space<vmem>>, vector<1x16xf32>,
        %get3A_622 = vector.shape_cast %get3A_621 : vector<1x16xf32> to vector<16xf32>
        %add3A_623 = arith.addi %mul3A_56, %scan3A_65 : i32
        %get3A_624 = arith.index_cast %add3A_623 : i32 to index
        %get3A_625 = arith.constant 80 : index
        %get3A_626 = tpu.vector_load %arg15[%get3A_624, %get3A_625] {strides = array<i32>} : memref<128x256xf32, #tpu.memory_space<vmem>>, vector<1x16xf32>,
        %get3A_627 = vector.shape_cast %get3A_626 : vector<1x16xf32> to vector<16xf32>
        %add3A_628 = arith.addf %get3A_622, %get3A_627 : vector<16xf32>
        %swap3A_629 = arith.index_cast %scan3A_65 : i32 to index
        %swap3A_630 = arith.constant 592 : index
        %swap3A_631 = tpu.vector_load %arg16[%swap3A_629, %swap3A_630] {strides = array<i32>} : memref<16x768xf32, #tpu.memory_space<vmem>>, vector<1x16xf32>,
        %swap3A_632 = vector.shape_cast %swap3A_631 : vector<1x16xf32> to vector<16xf32>
        %swap3A_633 = vector.shape_cast %add3A_628 : vector<16xf32> to vector<1x16xf32>
        tpu.vector_store %arg16[%swap3A_629, %swap3A_630], %swap3A_633 {strides = array<i32>} : memref<16x768xf32, #tpu.memory_space<vmem>>, vector<1x16xf32>,
        %get3A_634 = arith.index_cast %scan3A_65 : i32 to index
        %get3A_635 = arith.constant 608 : index
        %get3A_636 = tpu.vector_load %arg16[%get3A_634, %get3A_635] {strides = array<i32>} : memref<16x768xf32, #tpu.memory_space<vmem>>, vector<1x16xf32>,
        %get3A_637 = vector.shape_cast %get3A_636 : vector<1x16xf32> to vector<16xf32>
        %add3A_638 = arith.addi %mul3A_56, %scan3A_65 : i32
        %get3A_639 = arith.index_cast %add3A_638 : i32 to index
        %get3A_640 = arith.constant 96 : index
        %get3A_641 = tpu.vector_load %arg15[%get3A_639, %get3A_640] {strides = array<i32>} : memref<128x256xf32, #tpu.memory_space<vmem>>, vector<1x16xf32>,
        %get3A_642 = vector.shape_cast %get3A_641 : vector<1x16xf32> to vector<16xf32>
        %add3A_643 = arith.addf %get3A_637, %get3A_642 : vector<16xf32>
        %swap3A_644 = arith.index_cast %scan3A_65 : i32 to index
        %swap3A_645 = arith.constant 608 : index
        %swap3A_646 = tpu.vector_load %arg16[%swap3A_644, %swap3A_645] {strides = array<i32>} : memref<16x768xf32, #tpu.memory_space<vmem>>, vector<1x16xf32>,
        %swap3A_647 = vector.shape_cast %swap3A_646 : vector<1x16xf32> to vector<16xf32>
        %swap3A_648 = vector.shape_cast %add3A_643 : vector<16xf32> to vector<1x16xf32>
        tpu.vector_store %arg16[%swap3A_644, %swap3A_645], %swap3A_648 {strides = array<i32>} : memref<16x768xf32, #tpu.memory_space<vmem>>, vector<1x16xf32>,
        %get3A_649 = arith.index_cast %scan3A_65 : i32 to index
        %get3A_650 = arith.constant 624 : index
        %get3A_651 = tpu.vector_load %arg16[%get3A_649, %get3A_650] {strides = array<i32>} : memref<16x768xf32, #tpu.memory_space<vmem>>, vector<1x16xf32>,
        %get3A_652 = vector.shape_cast %get3A_651 : vector<1x16xf32> to vector<16xf32>
        %add3A_653 = arith.addi %mul3A_56, %scan3A_65 : i32
        %get3A_654 = arith.index_cast %add3A_653 : i32 to index
        %get3A_655 = arith.constant 112 : index
        %get3A_656 = tpu.vector_load %arg15[%get3A_654, %get3A_655] {strides = array<i32>} : memref<128x256xf32, #tpu.memory_space<vmem>>, vector<1x16xf32>,
        %get3A_657 = vector.shape_cast %get3A_656 : vector<1x16xf32> to vector<16xf32>
        %add3A_658 = arith.addf %get3A_652, %get3A_657 : vector<16xf32>
        %swap3A_659 = arith.index_cast %scan3A_65 : i32 to index
        %swap3A_660 = arith.constant 624 : index
        %swap3A_661 = tpu.vector_load %arg16[%swap3A_659, %swap3A_660] {strides = array<i32>} : memref<16x768xf32, #tpu.memory_space<vmem>>, vector<1x16xf32>,
        %swap3A_662 = vector.shape_cast %swap3A_661 : vector<1x16xf32> to vector<16xf32>
        %swap3A_663 = vector.shape_cast %add3A_658 : vector<16xf32> to vector<1x16xf32>
        tpu.vector_store %arg16[%swap3A_659, %swap3A_660], %swap3A_663 {strides = array<i32>} : memref<16x768xf32, #tpu.memory_space<vmem>>, vector<1x16xf32>,
        %get3A_664 = arith.index_cast %scan3A_65 : i32 to index
        %get3A_665 = arith.constant 640 : index
        %get3A_666 = tpu.vector_load %arg16[%get3A_664, %get3A_665] {strides = array<i32>} : memref<16x768xf32, #tpu.memory_space<vmem>>, vector<1x16xf32>,
        %get3A_667 = vector.shape_cast %get3A_666 : vector<1x16xf32> to vector<16xf32>
        %add3A_668 = arith.addi %mul3A_56, %scan3A_65 : i32
        %get3A_669 = arith.index_cast %add3A_668 : i32 to index
        %get3A_670 = arith.constant 128 : index
        %get3A_671 = tpu.vector_load %arg15[%get3A_669, %get3A_670] {strides = array<i32>} : memref<128x256xf32, #tpu.memory_space<vmem>>, vector<1x16xf32>,
        %get3A_672 = vector.shape_cast %get3A_671 : vector<1x16xf32> to vector<16xf32>
        %add3A_673 = arith.addf %get3A_667, %get3A_672 : vector<16xf32>
        %swap3A_674 = arith.index_cast %scan3A_65 : i32 to index
        %swap3A_675 = arith.constant 640 : index
        %swap3A_676 = tpu.vector_load %arg16[%swap3A_674, %swap3A_675] {strides = array<i32>} : memref<16x768xf32, #tpu.memory_space<vmem>>, vector<1x16xf32>,
        %swap3A_677 = vector.shape_cast %swap3A_676 : vector<1x16xf32> to vector<16xf32>
        %swap3A_678 = vector.shape_cast %add3A_673 : vector<16xf32> to vector<1x16xf32>
        tpu.vector_store %arg16[%swap3A_674, %swap3A_675], %swap3A_678 {strides = array<i32>} : memref<16x768xf32, #tpu.memory_space<vmem>>, vector<1x16xf32>,
        %get3A_679 = arith.index_cast %scan3A_65 : i32 to index
        %get3A_680 = arith.constant 656 : index
        %get3A_681 = tpu.vector_load %arg16[%get3A_679, %get3A_680] {strides = array<i32>} : memref<16x768xf32, #tpu.memory_space<vmem>>, vector<1x16xf32>,
        %get3A_682 = vector.shape_cast %get3A_681 : vector<1x16xf32> to vector<16xf32>
        %add3A_683 = arith.addi %mul3A_56, %scan3A_65 : i32
        %get3A_684 = arith.index_cast %add3A_683 : i32 to index
        %get3A_685 = arith.constant 144 : index
        %get3A_686 = tpu.vector_load %arg15[%get3A_684, %get3A_685] {strides = array<i32>} : memref<128x256xf32, #tpu.memory_space<vmem>>, vector<1x16xf32>,
        %get3A_687 = vector.shape_cast %get3A_686 : vector<1x16xf32> to vector<16xf32>
        %add3A_688 = arith.addf %get3A_682, %get3A_687 : vector<16xf32>
        %swap3A_689 = arith.index_cast %scan3A_65 : i32 to index
        %swap3A_690 = arith.constant 656 : index
        %swap3A_691 = tpu.vector_load %arg16[%swap3A_689, %swap3A_690] {strides = array<i32>} : memref<16x768xf32, #tpu.memory_space<vmem>>, vector<1x16xf32>,
        %swap3A_692 = vector.shape_cast %swap3A_691 : vector<1x16xf32> to vector<16xf32>
        %swap3A_693 = vector.shape_cast %add3A_688 : vector<16xf32> to vector<1x16xf32>
        tpu.vector_store %arg16[%swap3A_689, %swap3A_690], %swap3A_693 {strides = array<i32>} : memref<16x768xf32, #tpu.memory_space<vmem>>, vector<1x16xf32>,
        %get3A_694 = arith.index_cast %scan3A_65 : i32 to index
        %get3A_695 = arith.constant 672 : index
        %get3A_696 = tpu.vector_load %arg16[%get3A_694, %get3A_695] {strides = array<i32>} : memref<16x768xf32, #tpu.memory_space<vmem>>, vector<1x16xf32>,
        %get3A_697 = vector.shape_cast %get3A_696 : vector<1x16xf32> to vector<16xf32>
        %add3A_698 = arith.addi %mul3A_56, %scan3A_65 : i32
        %get3A_699 = arith.index_cast %add3A_698 : i32 to index
        %get3A_700 = arith.constant 160 : index
        %get3A_701 = tpu.vector_load %arg15[%get3A_699, %get3A_700] {strides = array<i32>} : memref<128x256xf32, #tpu.memory_space<vmem>>, vector<1x16xf32>,
        %get3A_702 = vector.shape_cast %get3A_701 : vector<1x16xf32> to vector<16xf32>
        %add3A_703 = arith.addf %get3A_697, %get3A_702 : vector<16xf32>
        %swap3A_704 = arith.index_cast %scan3A_65 : i32 to index
        %swap3A_705 = arith.constant 672 : index
        %swap3A_706 = tpu.vector_load %arg16[%swap3A_704, %swap3A_705] {strides = array<i32>} : memref<16x768xf32, #tpu.memory_space<vmem>>, vector<1x16xf32>,
        %swap3A_707 = vector.shape_cast %swap3A_706 : vector<1x16xf32> to vector<16xf32>
        %swap3A_708 = vector.shape_cast %add3A_703 : vector<16xf32> to vector<1x16xf32>
        tpu.vector_store %arg16[%swap3A_704, %swap3A_705], %swap3A_708 {strides = array<i32>} : memref<16x768xf32, #tpu.memory_space<vmem>>, vector<1x16xf32>,
        %get3A_709 = arith.index_cast %scan3A_65 : i32 to index
        %get3A_710 = arith.constant 688 : index
        %get3A_711 = tpu.vector_load %arg16[%get3A_709, %get3A_710] {strides = array<i32>} : memref<16x768xf32, #tpu.memory_space<vmem>>, vector<1x16xf32>,
        %get3A_712 = vector.shape_cast %get3A_711 : vector<1x16xf32> to vector<16xf32>
        %add3A_713 = arith.addi %mul3A_56, %scan3A_65 : i32
        %get3A_714 = arith.index_cast %add3A_713 : i32 to index
        %get3A_715 = arith.constant 176 : index
        %get3A_716 = tpu.vector_load %arg15[%get3A_714, %get3A_715] {strides = array<i32>} : memref<128x256xf32, #tpu.memory_space<vmem>>, vector<1x16xf32>,
        %get3A_717 = vector.shape_cast %get3A_716 : vector<1x16xf32> to vector<16xf32>
        %add3A_718 = arith.addf %get3A_712, %get3A_717 : vector<16xf32>
        %swap3A_719 = arith.index_cast %scan3A_65 : i32 to index
        %swap3A_720 = arith.constant 688 : index
        %swap3A_721 = tpu.vector_load %arg16[%swap3A_719, %swap3A_720] {strides = array<i32>} : memref<16x768xf32, #tpu.memory_space<vmem>>, vector<1x16xf32>,
        %swap3A_722 = vector.shape_cast %swap3A_721 : vector<1x16xf32> to vector<16xf32>
        %swap3A_723 = vector.shape_cast %add3A_718 : vector<16xf32> to vector<1x16xf32>
        tpu.vector_store %arg16[%swap3A_719, %swap3A_720], %swap3A_723 {strides = array<i32>} : memref<16x768xf32, #tpu.memory_space<vmem>>, vector<1x16xf32>,
        %get3A_724 = arith.index_cast %scan3A_65 : i32 to index
        %get3A_725 = arith.constant 704 : index
        %get3A_726 = tpu.vector_load %arg16[%get3A_724, %get3A_725] {strides = array<i32>} : memref<16x768xf32, #tpu.memory_space<vmem>>, vector<1x16xf32>,
        %get3A_727 = vector.shape_cast %get3A_726 : vector<1x16xf32> to vector<16xf32>
        %add3A_728 = arith.addi %mul3A_56, %scan3A_65 : i32
        %get3A_729 = arith.index_cast %add3A_728 : i32 to index
        %get3A_730 = arith.constant 192 : index
        %get3A_731 = tpu.vector_load %arg15[%get3A_729, %get3A_730] {strides = array<i32>} : memref<128x256xf32, #tpu.memory_space<vmem>>, vector<1x16xf32>,
        %get3A_732 = vector.shape_cast %get3A_731 : vector<1x16xf32> to vector<16xf32>
        %add3A_733 = arith.addf %get3A_727, %get3A_732 : vector<16xf32>
        %swap3A_734 = arith.index_cast %scan3A_65 : i32 to index
        %swap3A_735 = arith.constant 704 : index
        %swap3A_736 = tpu.vector_load %arg16[%swap3A_734, %swap3A_735] {strides = array<i32>} : memref<16x768xf32, #tpu.memory_space<vmem>>, vector<1x16xf32>,
        %swap3A_737 = vector.shape_cast %swap3A_736 : vector<1x16xf32> to vector<16xf32>
        %swap3A_738 = vector.shape_cast %add3A_733 : vector<16xf32> to vector<1x16xf32>
        tpu.vector_store %arg16[%swap3A_734, %swap3A_735], %swap3A_738 {strides = array<i32>} : memref<16x768xf32, #tpu.memory_space<vmem>>, vector<1x16xf32>,
        %get3A_739 = arith.index_cast %scan3A_65 : i32 to index
        %get3A_740 = arith.constant 720 : index
        %get3A_741 = tpu.vector_load %arg16[%get3A_739, %get3A_740] {strides = array<i32>} : memref<16x768xf32, #tpu.memory_space<vmem>>, vector<1x16xf32>,
        %get3A_742 = vector.shape_cast %get3A_741 : vector<1x16xf32> to vector<16xf32>
        %add3A_743 = arith.addi %mul3A_56, %scan3A_65 : i32
        %get3A_744 = arith.index_cast %add3A_743 : i32 to index
        %get3A_745 = arith.constant 208 : index
        %get3A_746 = tpu.vector_load %arg15[%get3A_744, %get3A_745] {strides = array<i32>} : memref<128x256xf32, #tpu.memory_space<vmem>>, vector<1x16xf32>,
        %get3A_747 = vector.shape_cast %get3A_746 : vector<1x16xf32> to vector<16xf32>
        %add3A_748 = arith.addf %get3A_742, %get3A_747 : vector<16xf32>
        %swap3A_749 = arith.index_cast %scan3A_65 : i32 to index
        %swap3A_750 = arith.constant 720 : index
        %swap3A_751 = tpu.vector_load %arg16[%swap3A_749, %swap3A_750] {strides = array<i32>} : memref<16x768xf32, #tpu.memory_space<vmem>>, vector<1x16xf32>,
        %swap3A_752 = vector.shape_cast %swap3A_751 : vector<1x16xf32> to vector<16xf32>
        %swap3A_753 = vector.shape_cast %add3A_748 : vector<16xf32> to vector<1x16xf32>
        tpu.vector_store %arg16[%swap3A_749, %swap3A_750], %swap3A_753 {strides = array<i32>} : memref<16x768xf32, #tpu.memory_space<vmem>>, vector<1x16xf32>,
        %get3A_754 = arith.index_cast %scan3A_65 : i32 to index
        %get3A_755 = arith.constant 736 : index
        %get3A_756 = tpu.vector_load %arg16[%get3A_754, %get3A_755] {strides = array<i32>} : memref<16x768xf32, #tpu.memory_space<vmem>>, vector<1x16xf32>,
        %get3A_757 = vector.shape_cast %get3A_756 : vector<1x16xf32> to vector<16xf32>
        %add3A_758 = arith.addi %mul3A_56, %scan3A_65 : i32
        %get3A_759 = arith.index_cast %add3A_758 : i32 to index
        %get3A_760 = arith.constant 224 : index
        %get3A_761 = tpu.vector_load %arg15[%get3A_759, %get3A_760] {strides = array<i32>} : memref<128x256xf32, #tpu.memory_space<vmem>>, vector<1x16xf32>,
        %get3A_762 = vector.shape_cast %get3A_761 : vector<1x16xf32> to vector<16xf32>
        %add3A_763 = arith.addf %get3A_757, %get3A_762 : vector<16xf32>
        %swap3A_764 = arith.index_cast %scan3A_65 : i32 to index
        %swap3A_765 = arith.constant 736 : index
        %swap3A_766 = tpu.vector_load %arg16[%swap3A_764, %swap3A_765] {strides = array<i32>} : memref<16x768xf32, #tpu.memory_space<vmem>>, vector<1x16xf32>,
        %swap3A_767 = vector.shape_cast %swap3A_766 : vector<1x16xf32> to vector<16xf32>
        %swap3A_768 = vector.shape_cast %add3A_763 : vector<16xf32> to vector<1x16xf32>
        tpu.vector_store %arg16[%swap3A_764, %swap3A_765], %swap3A_768 {strides = array<i32>} : memref<16x768xf32, #tpu.memory_space<vmem>>, vector<1x16xf32>,
        %get3A_769 = arith.index_cast %scan3A_65 : i32 to index
        %get3A_770 = arith.constant 752 : index
        %get3A_771 = tpu.vector_load %arg16[%get3A_769, %get3A_770] {strides = array<i32>} : memref<16x768xf32, #tpu.memory_space<vmem>>, vector<1x16xf32>,
        %get3A_772 = vector.shape_cast %get3A_771 : vector<1x16xf32> to vector<16xf32>
        %add3A_773 = arith.addi %mul3A_56, %scan3A_65 : i32
        %get3A_774 = arith.index_cast %add3A_773 : i32 to index
        %get3A_775 = arith.constant 240 : index
        %get3A_776 = tpu.vector_load %arg15[%get3A_774, %get3A_775] {strides = array<i32>} : memref<128x256xf32, #tpu.memory_space<vmem>>, vector<1x16xf32>,
        %get3A_777 = vector.shape_cast %get3A_776 : vector<1x16xf32> to vector<16xf32>
        %add3A_778 = arith.addf %get3A_772, %get3A_777 : vector<16xf32>
        %swap3A_779 = arith.index_cast %scan3A_65 : i32 to index
        %swap3A_780 = arith.constant 752 : index
        %swap3A_781 = tpu.vector_load %arg16[%swap3A_779, %swap3A_780] {strides = array<i32>} : memref<16x768xf32, #tpu.memory_space<vmem>>, vector<1x16xf32>,
        %swap3A_782 = vector.shape_cast %swap3A_781 : vector<1x16xf32> to vector<16xf32>
        %swap3A_783 = vector.shape_cast %add3A_778 : vector<16xf32> to vector<1x16xf32>
        tpu.vector_store %arg16[%swap3A_779, %swap3A_780], %swap3A_783 {strides = array<i32>} : memref<16x768xf32, #tpu.memory_space<vmem>>, vector<1x16xf32>,
      }
      %scan3A_63 = arith.constant 16 : i32
      %run_scoped3A_64 = arith.constant 3 : i32
      "tpu.region"() ({
        %run_scoped3A_65 = tpu.sem_alloc : memref<!tpu.dma_semaphore, #tpu.memory_space<semaphore_mem>>
        %dma_start3A_66 = arith.constant 0 : i32
        %dma_start3A_67 = tpu.memref_slice %arg9[%run_scoped3A_64, %add3A_57, %dma_start3A_66] : memref<4x4096x768xf32, #tpu.memory_space<hbm>> -> memref<1x16x768xf32, #tpu.memory_space<hbm>>
        %dma_start3A_68 = tpu.memref_squeeze %dma_start3A_67 : memref<1x16x768xf32, #tpu.memory_space<hbm>> -> memref<16x768xf32, #tpu.memory_space<hbm>>
        %dma_start3A_69 = arith.constant 0 : i32
        %dma_start3A_70 = tpu.memref_slice %arg9[%run_scoped3A_64, %add3A_57, %dma_start3A_69] : memref<4x4096x768xf32, #tpu.memory_space<hbm>> -> memref<1x16x768xf32, #tpu.memory_space<hbm>>
        %dma_start3A_71 = tpu.memref_squeeze %dma_start3A_70 : memref<1x16x768xf32, #tpu.memory_space<hbm>> -> memref<16x768xf32, #tpu.memory_space<hbm>>
        tpu.enqueue_dma source(%arg16 : memref<16x768xf32, #tpu.memory_space<vmem>>) target(%dma_start3A_71 : memref<16x768xf32, #tpu.memory_space<hbm>>) target_semaphore(%run_scoped3A_65 : memref<!tpu.dma_semaphore, #tpu.memory_space<semaphore_mem>>)
        %dma_wait3A_72 = arith.constant 0 : i32
        %dma_wait3A_73 = tpu.memref_slice %arg9[%run_scoped3A_64, %add3A_57, %dma_wait3A_72] : memref<4x4096x768xf32, #tpu.memory_space<hbm>> -> memref<1x16x768xf32, #tpu.memory_space<hbm>>
        %dma_wait3A_74 = tpu.memref_squeeze %dma_wait3A_73 : memref<1x16x768xf32, #tpu.memory_space<hbm>> -> memref<16x768xf32, #tpu.memory_space<hbm>>
        %dma_wait3A_75 = arith.constant 0 : i32
        %dma_wait3A_76 = tpu.memref_slice %arg9[%run_scoped3A_64, %add3A_57, %dma_wait3A_75] : memref<4x4096x768xf32, #tpu.memory_space<hbm>> -> memref<1x16x768xf32, #tpu.memory_space<hbm>>
        %dma_wait3A_77 = tpu.memref_squeeze %dma_wait3A_76 : memref<1x16x768xf32, #tpu.memory_space<hbm>> -> memref<16x768xf32, #tpu.memory_space<hbm>>
        tpu.wait_dma2 semaphore(%run_scoped3A_65 : memref<!tpu.dma_semaphore, #tpu.memory_space<semaphore_mem>>) src(%arg16 : memref<16x768xf32, #tpu.memory_space<vmem>>) dst(%dma_wait3A_77 : memref<16x768xf32, #tpu.memory_space<hbm>>)
        tpu.yield
      }) : () -> ()
    }
    %scan3A_53 = arith.constant 8 : i32
    return
  }
}

</mosaic_0001>

<sc_bundles>
// kernel: kernel.3.cloned.1.call-start
scs
__scs_entry_jumppad:
0x0: {  	(pc) =	sbr.rel $0x88, $3  }
0x1: {  	(tag) =	ssettag $0x0;
	lr =	simm.s32 $0x1  }
0x2: {  	[smem:$0x3F9A] =	sst lr;
	_ =	strace $0xD0000000  }
0x3: {  	_ = 	snop  }
0x4: {  	_ = 	snop  }
0x5: {  	_ = 	snop  }
0x6: {  	_ = 	snop  }
0x7: {  	_ = 	snop  }
__scs_overlays_trampoline_lowered:
0x8: {  	[smem:$0x3FA9] =	sst s0  }
0x9: {  	[smem:$0x3FAA] =	sst s1  }
0xa: {  	[smem:$0x3FAB] =	sst s2  }
0xb: {  	[smem:$0x3FAC] =	sst s3  }
0xc: {  	[smem:$0x3FAD] =	sst s4  }
0xd: {  	[smem:$0x3FAE] =	sst s5  }
0xe: {  	[smem:$0x3FAF] =	sst s6  }
0xf: {  	[smem:$0x3FB0] =	sst s7  }
0x10: {  	[smem:$0x3FB1] =	sst s8  }
0x11: {  	[smem:$0x3FB2] =	sst s9;
	s0 =	simm.s32 @!p0 $0x0  }
0x12: {  	s1 =	sld [smem:$0x3F98];
	s0 =	simm.s32 @p0 $0x1  }
0x13: {  	[smem:$0x3FB3] =	sst s0;
	s0 =	simm.s32 @!p1 $0x0  }
0x14: {  	s2 =	sld [smem:$0x3F97];
	s0 =	simm.s32 @p1 $0x1  }
0x15: {  	[smem:$0x3FB4] =	sst s0;
	s0 =	simm.s32 @!p2 $0x0  }
0x16: {  	s3 =	sld [smem:$0x3FDB];
	s0 =	simm.s32 @p2 $0x1  }
0x17: {  	s4 =	simm.s32 $0x1BF5;
	[smem:$0x3FB6] =	sst s0  }
0x18: {  	s0 =	sld [smem:$0x3F99];
	_ =	swait.ge [sflag:s4], $0x0  }
0x19: {  	s7 =	sld [smem:$0x3F9A]  }
0x1a: {  	s8 =	sadd.s32 $0xFFFFE003, lr  }
0x1b: {  	s9 =	sadd.s32 $0xFFFFFEF7, lr;
	s5 =	simm.s32 $0xFFFFFFFF;
	p2 =	slt.u32 s8, $0xFFFFF086  }
0x1c: {  	p1 =	slt.u32 s9, $0xF7A;
	s5 =	simm.s32 @!p2 $0x0  }
0x1d: {  	s5 =	simm.s32 @p1 $0x1;
	p0 =	seq.s32 s7, s2  }
0x1e: {  	s7 =	smul.u32 @!p0 $0xF7A, s2;
	p2 =	seq.s32 @!p0 s5, $0x0  }
0x1f: {  	s9 =	smul.u32 $0xF7A, s1;
	s8 =	simm.s32 @!p0 $0x1BF5;
	p2 =	por !p2, p0  }
0x20: {  	[sflag:s8] =	ssyncset.s32 @!p0 $0xFFFFF086;
	s6 =	sadd.s32 @!p0 s3, s7;
	s7 =	simm.s32 @!p0 $0x108  }
0x21: {  	s3 =	sadd.s32 s3, s9;
	s6 =	sadd.s32 @!p0 $0x88, s6;
	s7 =	simm.s32 @p2 $0x1082  }
0x22: {  	[simem:s7], [sflag:s8] =	dma.local @!p0 [hbm:s6], $0xF7A  }
0x23: {  	s9 =	sor.u32 $0xD0000000, s2;
	s6 =	simm.s32 $0x108;
	_ =	swait.ge @!p0 [sflag:s8], $0x0  }
0x24: {  	s3 =	sadd.s32 $0x88, s3;
	s6 =	simm.s32 @!p1 $0x1082;
	[sflag:s4] =	ssyncset.s32 $0xFFFFF086  }
0x25: {  	[simem:s6], [sflag:s4] =	dma.local [hbm:s3], $0xF7A  }
0x26: {  	[smem:$0x3F9A] =	sst s1;
	(tag) =	ssettag s2;
	_ =	strace s9  }
0x27: {  	s1 =	sld [smem:$0x3FAA]  }
0x28: {  	s2 =	sld [smem:$0x3FAB]  }
0x29: {  	s4 =	sld [smem:$0x3FAD]  }
0x2a: {  	p0 =	seq.s32 s5, $0x0;
	s5 =	sld [smem:$0x3FAE]  }
0x2b: {  	s6 =	sld [smem:$0x3FAF]  }
0x2c: {  	s7 =	sld [smem:$0x3FB0]  }
0x2d: {  	s3 =	simm.s32 $0x108;
	s8 =	sld [smem:$0x3FB1]  }
0x2e: {  	s3 =	simm.s32 @!p0 $0x1082;
	s9 =	sld [smem:$0x3FB2]  }
0x2f: {  	lr =	sadd.s32 s0, s3;
	s0 =	sld [smem:$0x3FA9]  }
0x30: {  	s3 =	sld [smem:$0x3FAC]  }
0x31: {  	[smem:$0x3FB5] =	sst s10  }
0x32: {  	s10 =	sld [smem:$0x3FB3];
	_ =	sdelay $0x3  }
0x33: {  	p0 =	seq.s32 s10, $0x1;
	s10 =	sld [smem:$0x3FB5];
	_ =	sdelay $0x3  }
0x34: {  	[smem:$0x3FB5] =	sst s10  }
0x35: {  	s10 =	sld [smem:$0x3FB4];
	_ =	sdelay $0x3  }
0x36: {  	p1 =	seq.s32 s10, $0x1;
	s10 =	sld [smem:$0x3FB5];
	_ =	sdelay $0x3  }
0x37: {  	[smem:$0x3FB5] =	sst s10  }
0x38: {  	s10 =	sld [smem:$0x3FB6]  }
0x39: {  	_ = 	snop;
	(pc) =	sbr.ind lr, $3  }
0x3a: {  	_ = 	snop  }
0x3b: {  	_ = 	snop  }
0x3c: {  	p2 =	seq.s32 s10, $0x1;
	s10 =	sld [smem:$0x3FB5]  }
0x3d: {  	_ =	shalt  }
0x3e: {  	_ =	shalt  }
0x3f: {  	_ =	shalt  }
0x40: {  	_ =	shalt  }
0x41: {  	_ =	shalt  }
0x42: {  	_ =	shalt  }
0x43: {  	_ =	shalt  }
0x44: {  	_ =	shalt  }
0x45: {  	_ =	shalt  }
0x46: {  	_ =	shalt  }
0x47: {  	_ =	shalt  }
0x48: {  	_ =	shalt  }
0x49: {  	_ =	shalt  }
0x4a: {  	_ =	shalt  }
0x4b: {  	_ =	shalt  }
0x4c: {  	_ =	shalt  }
0x4d: {  	_ =	shalt  }
0x4e: {  	_ =	shalt  }
0x4f: {  	_ =	shalt  }
0x50: {  	_ =	shalt  }
0x51: {  	_ =	shalt  }
0x52: {  	_ =	shalt  }
0x53: {  	_ =	shalt  }
0x54: {  	_ =	shalt  }
0x55: {  	_ =	shalt  }
0x56: {  	_ =	shalt  }
0x57: {  	_ =	shalt  }
0x58: {  	_ =	shalt  }
0x59: {  	_ =	shalt  }
0x5a: {  	_ =	shalt  }
0x5b: {  	_ =	shalt  }
0x5c: {  	_ =	shalt  }
0x5d: {  	_ =	shalt  }
0x5e: {  	_ =	shalt  }
0x5f: {  	_ =	shalt  }
0x60: {  	_ =	shalt  }
0x61: {  	_ =	shalt  }
0x62: {  	_ =	shalt  }
0x63: {  	_ =	shalt  }
0x64: {  	_ =	shalt  }
0x65: {  	_ =	shalt  }
0x66: {  	_ =	shalt  }
0x67: {  	_ =	shalt  }
0x68: {  	_ =	shalt  }
0x69: {  	_ =	shalt  }
0x6a: {  	_ =	shalt  }
0x6b: {  	_ =	shalt  }
0x6c: {  	_ =	shalt  }
0x6d: {  	_ =	shalt  }
0x6e: {  	_ =	shalt  }
0x6f: {  	_ =	shalt  }
0x70: {  	_ =	shalt  }
0x71: {  	_ =	shalt  }
0x72: {  	_ =	shalt  }
0x73: {  	_ =	shalt  }
0x74: {  	_ =	shalt  }
0x75: {  	_ =	shalt  }
0x76: {  	_ =	shalt  }
0x77: {  	_ =	shalt  }
0x78: {  	_ =	shalt  }
0x79: {  	_ =	shalt  }
0x7a: {  	_ =	shalt  }
0x7b: {  	_ =	shalt  }
0x7c: {  	_ =	shalt  }
0x7d: {  	_ =	shalt  }
0x7e: {  	_ =	shalt  }
0x7f: {  	_ =	shalt  }
0x80: {  	_ =	shalt  }
0x81: {  	_ =	shalt  }
0x82: {  	_ =	shalt  }
0x83: {  	_ =	shalt  }
0x84: {  	_ =	shalt  }
0x85: {  	_ =	shalt  }
0x86: {  	_ =	shalt  }
0x87: {  	_ =	shalt  }
.Lfunc_end0:
.L_simem_size_0:
called_computation_lowered:
.L_overlay_start_0:
0x88: {  	s2 =	sld [smem:$0x3FD9]  }
0x89: {  	s3 =	sld [smem:$0x3FFE];
	_ =	sdelay $0x1  }
0x8a: {  	s1 =	srdreg.scid  }
0x8b: {  	s0 =	sand.u32 $0x1, s1  }
0x8c: {  	s18 =	sshll.u32 s0, $0xA;
	s2 =	sadd.s32 s3, s2  }
0x8d: {  	s2 =	sadd.s32 s2, s18  }
0x8e: {  	[smem:$0x3FC1] =	sst s2  }
0x8f: {  	_ = 	snop  }
0x90: {  	s2 =	sld [smem:$0x3FC9]  }
0x91: {  	s19 =	sld [smem:$0x3FC8]  }
0x92: {  	s4 =	sld [smem:$0x3FC7]  }
0x93: {  	s5 =	sld [smem:$0x3FC6]  }
0x94: {  	s6 =	sld [smem:$0x3FC5]  }
0x95: {  	s7 =	sld [smem:$0x3FC4]  }
0x96: {  	s8 =	sld [smem:$0x3FC3]  }
0x97: {  	s9 =	sld [smem:$0x3FD0];
	(tm) =	ssettm $0x1  }
0x98: {  	s10 =	sld [smem:$0x3FFB];
	_ =	sdelay $0x3  }
0x99: {  	_ =	strace s10  }
0x9a: {  	s10 =	sld [smem:$0x3FFC];
	_ =	sdelay $0x3  }
0x9b: {  	_ =	strace s10  }
0x9c: {  	s10 =	sld [smem:$0x3FFD];
	_ =	sdelay $0x3  }
0x9d: {  	_ =	strace s10  }
0x9e: {  	_ =	strace $0x8FFFFFFF  }
0x9f: {  	s20 =	sld [smem:$0x3FDB];
	_ =	sdelay $0x1  }
0xa0: {  	s11 =	simm.s32 $_scs_section_size  }
0xa1: {  	s12 =	simm.s32 $_size__tile_overlayer_lowered;
	s13 =	simm.s32 $_tile_overlayer_lowered  }
0xa2: {  	s23 =	simm.s32 $0x1BFF;
	s22 =	sshll.u32 s13, $0x1;
	s10 =	sadd.s32 s11, s20  }
0xa3: {  	s14 =	simm.s32 $0x0;
	s21 =	sshll.u32 s12, $0x1;
	s12 =	sadd.s32 s22, s10  }
0xa4: {  	[timem:s14], [sflag:s23] =	dma.local [hbm:s12], s21  }
0xa5: {  	_ =	swait.ge [sflag:s23], s21  }
0xa6: {  	s11 =	ssub.s32 $0x0, s21;
	[sflag:s23] =	ssyncset.done $0x0  }
0xa7: {  	[sflag:s23] =	ssyncadd.s32 s11;
	_ =	sdelay $0x1  }
0xa8: {  	s24 =	simm.s32 $0x1B8B  }
0xa9: {  	_ =	swait.ge [sflag:s24], $0x1  }
0xaa: {  	[sflag:s24] =	ssyncset.done $0x0  }
0xab: {  	s25 =	simm.s32 $0x1B8E;
	[sflag:s24] =	ssyncadd.s32 $0xFFFFFFFF  }
0xac: {  	s26 =	simm.s32 $execute0_lowered;
	[smem:$0x3FD2] =	sst s25  }
0xad: {  	s11 =	sshll.u32 s26, $0x1;
	_ =	strace $0x80000046;
	[dreg:$0x1] =	wrdreg $0xFFFFFFFF  }
0xae: {  	s28 =	simm.s32 $_size_execute0_lowered;
	s10 =	sadd.s32 s10, s11;
	[dreg:$0x0] =	wrdreg $0x0  }
0xaf: {  	s11 =	sshll.u32 s28, $0x1;
	[dreg:$0x2] =	wrdreg s10  }
0xb0: {  	[dreg:$0x3] =	wrdreg s11  }
0xb1: {  	[dreg:$0x4] =	wrdreg $0xC0  }
0xb2: {  	_ =	task [dreg:s14], $0x5FFFF  }
0xb3: {  	[dreg:$0x1] =	wrdreg $0xFFFFFFFF  }
0xb4: {  	[dreg:$0x0] =	wrdreg $0x60  }
0xb5: {  	[dreg:$0x2] =	wrdreg s2  }
0xb6: {  	[dreg:$0x3] =	wrdreg s19  }
0xb7: {  	[dreg:$0x4] =	wrdreg s4  }
0xb8: {  	[dreg:$0x5] =	wrdreg s5  }
0xb9: {  	[dreg:$0x6] =	wrdreg s6  }
0xba: {  	[dreg:$0x7] =	wrdreg s7  }
0xbb: {  	[dreg:$0x8] =	wrdreg s8  }
0xbc: {  	[dreg:$0x9] =	wrdreg s9  }
0xbd: {  	[dreg:$0xa] =	wrdreg $0x9  }
0xbe: {  	_ =	task.clear_ibuf [dreg:s14], $0xBFFFF;
	_ =	strace $0x90000046  }
0xbf: {  	s29 =	simm.s32 $0x9;
	_ =	strace $0x80000048  }
0xc0: {  	_ =	swait.ge [sflag:s29], $0x1  }
0xc1: {  	[sflag:s29] =	ssyncadd.s32 $0xFFFFFFFF  }
0xc2: {  	_ =	strace $0x90000048  }
0xc3: {  	_ =	sfence  }
0xc4: {  	s30 =	sld [smem:$0x0];
	_ =	sdelay $0x2  }
0xc5: {  	s31 =	sshll.u32 s1, $0xD;
	s1 =	sshrl.u32 s1, $0x2  }
0xc6: {  	s3 =	sand.u32 $0x4000, s31;
	s1 =	sadd.s32 s1, s30  }
0xc7: {  	s0 =	sor.u32 s3, s0;
	s1 =	sshll.u32 s1, $0x11  }
0xc8: {  	s0 =	sor.u32 s1, s0  }
0xc9: {  	s0 =	sadd.s32 $0x8F2B, s0  }
0xca: {  	[sflag:s0] =	ssyncadd.remote.s32 $0x1  }
0xcb: {  	_ =	sfence.sel $0xFFFF  }
0xcc: {  	[dreg:$0x0] =	wrdreg $0xFFFFFFFF;
	(pc) =	sbr.abs _section_cstart, $3  }
0xcd: {  	[dreg:$0x1] =	wrdreg $0xFFFFFFFF  }
0xce: {  	_ =	task.clear_ibuf [dreg:s14], $0x2FFFF;
	_ =	strace $0x9FFFFFFF  }
0xcf: {  	(tm) =	ssettm $0x7FFFFFFF  }
tec
execute0_lowered:
.L_overlay_start_1:
0x0: {  	(tag) =	ssettag $0x1  }
0x1: {  	s0 =	rddreg [dreg:$0x0]  }
0x2: {  	s1 =	rddreg [dreg:$0x1]  }
0x3: {  	s4 =	rddreg [dreg:$0x2]  }
0x4: {  	s11 =	rddreg [dreg:$0x3]  }
0x5: {  	s2 =	rddreg [dreg:$0x4]  }
0x6: {  	s3 =	rddreg [dreg:$0x5]  }
0x7: {  	s5 =	rddreg [dreg:$0x6]  }
0x8: {  	s6 =	rddreg [dreg:$0x7]  }
0x9: {  	s7 =	srdreg.scid;
	s9 =	stileid.u32;
	s15 =	simm.s32 $0x1  }
0xa: {  	s21 =	simm.s32 $0x15980;
	s22 =	simm.s32 $0x16180;
	s23 =	simm.s32 $0x16980  }
0xb: {  	s24 =	simm.s32 $0x17180;
	s25 =	simm.s32 $0x17980;
	s26 =	simm.s32 $0x2  }
0xc: {  	s28 =	simm.s32 $0x18180;
	s29 =	simm.s32 $0x3;
	s8 =	sand.u32 $0x1, s7  }
0xd: {  	s30 =	simm.s32 $0x0;
	s9 =	sshll.u32 s9, $0x8;
	s10 =	sshll.u32 s8, $0x7  }
0xe: {  	s7 =	simm.s32 $0x0;
	s12 =	ssub.s32 $0x2, s8;
	s8 =	sor.u32 s10, s9  }
0xf: {  	v2 =	vlaneseq.u32;
	[smem:$0x7FF] =	sst s7;
	s31 =	sshrl.u32 s12, $0x1;
	s13 =	sshrl.u32 s8, $0x3  }
0x10: {  	vm0 =	vmmov $0xffff;
	v1 =	vshrl.u32 v2, $0x3;
	_ =	strace $0x80000047;
	s12 =	ssub.s32 s12, s31;
	s9 =	sadd.s32 s1, s13  }
0x11: {  	v0 =	vand.u32 $0x7, v2;
	v2 =	vor.u32 $0x8, v2;
	v1 =	vmul.u32 $0x8, v1;
	s10 =	sadd.s32 s4, s13;
	s11 =	sadd.s32 s11, s13;
	s12 =	smax.u32 s12, $0x1  }
.LBB2_1:
0x12: {  	[tilespmem:s7], [sflag:$0x1] =	stream.linear.gather [hbm4b:s9+s7], $0x80, $0x38;
	[tilespmem:$0x1B180] =	vst v63  }
0x13: {  	s1 =	simm.s32 $0x80  }
0x14: {  	[tilespmem:s1], [sflag:$0x1] =	stream.linear.gather [hbm4b:s10+s7], $0x80, $0x38;
	[tilespmem:$0x1B180] =	vst v63  }
0x15: {  	s13 =	simm.s32 $0x100  }
0x16: {  	[tilespmem:s13], [sflag:$0x1] =	stream.linear.gather [hbm4b:s11+s7], $0x80, $0x38;
	[tilespmem:$0x1B180] =	vst v63  }
0x17: {  	_ =	swait.ge [sflag:s15], $0x80  }
0x18: {  	[sflag:s15] =	ssyncset.done $0x0  }
0x19: {  	[sflag:s15] =	ssyncadd.s32 $0xFFFFFF80  }
0x1a: {  	_ =	swait.ge [sflag:s15], $0x80  }
0x1b: {  	[sflag:s15] =	ssyncset.done $0x0  }
0x1c: {  	[sflag:s15] =	ssyncadd.s32 $0xFFFFFF80  }
0x1d: {  	_ =	swait.ge [sflag:s15], $0x80  }
0x1e: {  	[sflag:s15] =	ssyncset.done $0x0  }
0x1f: {  	[sflag:s15] =	ssyncadd.s32 $0xFFFFFF80  }
0x20: {  	v3 =	vld [tilespmem:$0x0];
	_ =	sdelay $0x4  }
0x21: {  	v4 =	vshll.u32 v3, $0x1  }
0x22: {  	v3 =	vand.u32 $0x7, v3;
	v4 =	vand.u32 $0xFFFFFFF0, v4  }
0x23: {  	v3 =	vor.u32 v3, v4  }
0x24: {  	v4 =	vperm.xlane v3, v0;
	_ =	sdelay $0x1  }
0x25: {  	v3 =	vperm.xlane v3, v2;
	v4 =	vadd.s32 v1, v4;
	_ =	sdelay $0x1  }
0x26: {  	v3 =	vadd.s32 v1, v3;
	_ =	sdelay $0x1  }
0x27: {  	s14 =	simm.s32 $0x180  }
0x28: {  	[tilespmem:s14], [sflag:$0x2] =	stream.indirect_vreg.gather [hbm4b:s2+s7], $0x80, v4, vm0, $0xb8;
	[tilespmem:$0x1B180] =	vst v63  }
0x29: {  	s16 =	simm.s32 $0x980  }
0x2a: {  	[tilespmem:s16], [sflag:$0x2] =	stream.indirect_vreg.gather [hbm4b:s2+s7], $0x80, v3, vm0, $0xb8;
	[tilespmem:$0x1B180] =	vst v63  }
0x2b: {  	v3 =	vld [tilespmem:$0x10];
	_ =	sdelay $0x4  }
0x2c: {  	v41 =	vshll.u32 v3, $0x1  }
0x2d: {  	v3 =	vand.u32 $0x7, v3;
	v4 =	vand.u32 $0xFFFFFFF0, v41  }
0x2e: {  	v3 =	vor.u32 v3, v4  }
0x2f: {  	v4 =	vperm.xlane v3, v0;
	_ =	sdelay $0x1  }
0x30: {  	v3 =	vperm.xlane v3, v2;
	v4 =	vadd.s32 v1, v4;
	_ =	sdelay $0x1  }
0x31: {  	v3 =	vadd.s32 v1, v3;
	_ =	sdelay $0x1  }
0x32: {  	s17 =	simm.s32 $0x1180  }
0x33: {  	[tilespmem:s17], [sflag:$0x2] =	stream.indirect_vreg.gather [hbm4b:s2+s7], $0x80, v4, vm0, $0xb8;
	[tilespmem:$0x1B180] =	vst v63  }
0x34: {  	s18 =	simm.s32 $0x1980  }
0x35: {  	[tilespmem:s18], [sflag:$0x2] =	stream.indirect_vreg.gather [hbm4b:s2+s7], $0x80, v3, vm0, $0xb8;
	[tilespmem:$0x1B180] =	vst v63  }
0x36: {  	v3 =	vld [tilespmem:$0x20];
	_ =	sdelay $0x4  }
0x37: {  	v42 =	vshll.u32 v3, $0x1  }
0x38: {  	v3 =	vand.u32 $0x7, v3;
	v4 =	vand.u32 $0xFFFFFFF0, v42  }
0x39: {  	v3 =	vor.u32 v3, v4  }
0x3a: {  	v4 =	vperm.xlane v3, v0;
	_ =	sdelay $0x1  }
0x3b: {  	v3 =	vperm.xlane v3, v2;
	v4 =	vadd.s32 v1, v4;
	_ =	sdelay $0x1  }
0x3c: {  	v3 =	vadd.s32 v1, v3;
	_ =	sdelay $0x1  }
0x3d: {  	s19 =	simm.s32 $0x2180  }
0x3e: {  	[tilespmem:s19], [sflag:$0x2] =	stream.indirect_vreg.gather [hbm4b:s2+s7], $0x80, v4, vm0, $0xb8;
	[tilespmem:$0x1B180] =	vst v63  }
0x3f: {  	s20 =	simm.s32 $0x2980  }
0x40: {  	[tilespmem:s20], [sflag:$0x2] =	stream.indirect_vreg.gather [hbm4b:s2+s7], $0x80, v3, vm0, $0xb8;
	[tilespmem:$0x1B180] =	vst v63  }
0x41: {  	v3 =	vld [tilespmem:$0x30];
	_ =	sdelay $0x4  }
0x42: {  	v43 =	vshll.u32 v3, $0x1  }
0x43: {  	v3 =	vand.u32 $0x7, v3;
	v4 =	vand.u32 $0xFFFFFFF0, v43  }
0x44: {  	v3 =	vor.u32 v3, v4  }
0x45: {  	v4 =	vperm.xlane v3, v0;
	_ =	sdelay $0x1  }
0x46: {  	v3 =	vperm.xlane v3, v2;
	v4 =	vadd.s32 v1, v4;
	_ =	sdelay $0x1  }
0x47: {  	v3 =	vadd.s32 v1, v3;
	_ =	sdelay $0x1  }
0x48: {  	s31 =	simm.s32 $0x3180  }
0x49: {  	[tilespmem:s31], [sflag:$0x2] =	stream.indirect_vreg.gather [hbm4b:s2+s7], $0x80, v4, vm0, $0xb8;
	[tilespmem:$0x1B180] =	vst v63  }
0x4a: {  	s4 =	simm.s32 $0x3980  }
0x4b: {  	[tilespmem:s4], [sflag:$0x2] =	stream.indirect_vreg.gather [hbm4b:s2+s7], $0x80, v3, vm0, $0xb8;
	[tilespmem:$0x1B180] =	vst v63  }
0x4c: {  	v3 =	vld [tilespmem:$0x40];
	_ =	sdelay $0x4  }
0x4d: {  	v44 =	vshll.u32 v3, $0x1  }
0x4e: {  	v3 =	vand.u32 $0x7, v3;
	v4 =	vand.u32 $0xFFFFFFF0, v44  }
0x4f: {  	v3 =	vor.u32 v3, v4  }
0x50: {  	v4 =	vperm.xlane v3, v0;
	_ =	sdelay $0x1  }
0x51: {  	v3 =	vperm.xlane v3, v2;
	v4 =	vadd.s32 v1, v4;
	_ =	sdelay $0x1  }
0x52: {  	v3 =	vadd.s32 v1, v3;
	_ =	sdelay $0x1  }
0x53: {  	s13 =	simm.s32 $0x4180  }
0x54: {  	[tilespmem:s13], [sflag:$0x2] =	stream.indirect_vreg.gather [hbm4b:s2+s7], $0x80, v4, vm0, $0xb8;
	[tilespmem:$0x1B180] =	vst v63  }
0x55: {  	s14 =	simm.s32 $0x4980  }
0x56: {  	[tilespmem:s14], [sflag:$0x2] =	stream.indirect_vreg.gather [hbm4b:s2+s7], $0x80, v3, vm0, $0xb8;
	[tilespmem:$0x1B180] =	vst v63  }
0x57: {  	v3 =	vld [tilespmem:$0x50];
	_ =	sdelay $0x4  }
0x58: {  	v45 =	vshll.u32 v3, $0x1  }
0x59: {  	v3 =	vand.u32 $0x7, v3;
	v4 =	vand.u32 $0xFFFFFFF0, v45  }
0x5a: {  	v3 =	vor.u32 v3, v4  }
0x5b: {  	v4 =	vperm.xlane v3, v0;
	_ =	sdelay $0x1  }
0x5c: {  	v3 =	vperm.xlane v3, v2;
	v4 =	vadd.s32 v1, v4;
	_ =	sdelay $0x1  }
0x5d: {  	v3 =	vadd.s32 v1, v3;
	_ =	sdelay $0x1  }
0x5e: {  	s16 =	simm.s32 $0x5180  }
0x5f: {  	[tilespmem:s16], [sflag:$0x2] =	stream.indirect_vreg.gather [hbm4b:s2+s7], $0x80, v4, vm0, $0xb8;
	[tilespmem:$0x1B180] =	vst v63  }
0x60: {  	s17 =	simm.s32 $0x5980  }
0x61: {  	[tilespmem:s17], [sflag:$0x2] =	stream.indirect_vreg.gather [hbm4b:s2+s7], $0x80, v3, vm0, $0xb8;
	[tilespmem:$0x1B180] =	vst v63  }
0x62: {  	v3 =	vld [tilespmem:$0x60];
	_ =	sdelay $0x4  }
0x63: {  	v46 =	vshll.u32 v3, $0x1  }
0x64: {  	v3 =	vand.u32 $0x7, v3;
	v4 =	vand.u32 $0xFFFFFFF0, v46  }
0x65: {  	v3 =	vor.u32 v3, v4  }
0x66: {  	v4 =	vperm.xlane v3, v0;
	_ =	sdelay $0x1  }
0x67: {  	v3 =	vperm.xlane v3, v2;
	v4 =	vadd.s32 v1, v4;
	_ =	sdelay $0x1  }
0x68: {  	v3 =	vadd.s32 v1, v3;
	_ =	sdelay $0x1  }
0x69: {  	s18 =	simm.s32 $0x6180  }
0x6a: {  	[tilespmem:s18], [sflag:$0x2] =	stream.indirect_vreg.gather [hbm4b:s2+s7], $0x80, v4, vm0, $0xb8;
	[tilespmem:$0x1B180] =	vst v63  }
0x6b: {  	s19 =	simm.s32 $0x6980  }
0x6c: {  	[tilespmem:s19], [sflag:$0x2] =	stream.indirect_vreg.gather [hbm4b:s2+s7], $0x80, v3, vm0, $0xb8;
	[tilespmem:$0x1B180] =	vst v63  }
0x6d: {  	v3 =	vld [tilespmem:$0x70];
	_ =	sdelay $0x4  }
0x6e: {  	v47 =	vshll.u32 v3, $0x1  }
0x6f: {  	v3 =	vand.u32 $0x7, v3;
	v4 =	vand.u32 $0xFFFFFFF0, v47  }
0x70: {  	v3 =	vor.u32 v3, v4  }
0x71: {  	v4 =	vperm.xlane v3, v0;
	_ =	sdelay $0x1  }
0x72: {  	v3 =	vperm.xlane v3, v2;
	v4 =	vadd.s32 v1, v4;
	_ =	sdelay $0x1  }
0x73: {  	v3 =	vadd.s32 v1, v3;
	_ =	sdelay $0x1  }
0x74: {  	s20 =	simm.s32 $0x7180  }
0x75: {  	[tilespmem:s20], [sflag:$0x2] =	stream.indirect_vreg.gather [hbm4b:s2+s7], $0x80, v4, vm0, $0xb8;
	[tilespmem:$0x1B180] =	vst v63  }
0x76: {  	s31 =	simm.s32 $0x7980  }
0x77: {  	[tilespmem:s31], [sflag:$0x2] =	stream.indirect_vreg.gather [hbm4b:s2+s7], $0x80, v3, vm0, $0xb8;
	[tilespmem:$0x1B180] =	vst v63  }
0x78: {  	v3 =	vld [tilespmem:$0x80];
	_ =	sdelay $0x4  }
0x79: {  	v48 =	vshll.u32 v3, $0x1  }
0x7a: {  	v3 =	vand.u32 $0x7, v3;
	v4 =	vand.u32 $0xFFFFFFF0, v48  }
0x7b: {  	v3 =	vor.u32 v3, v4  }
0x7c: {  	v4 =	vperm.xlane v3, v0;
	_ =	sdelay $0x1  }
0x7d: {  	v3 =	vperm.xlane v3, v2;
	v4 =	vadd.s32 v1, v4;
	_ =	sdelay $0x1  }
0x7e: {  	v3 =	vadd.s32 v1, v3;
	_ =	sdelay $0x1  }
0x7f: {  	s4 =	simm.s32 $0x8180  }
0x80: {  	[tilespmem:s4], [sflag:$0x2] =	stream.indirect_vreg.gather [hbm4b:s3+s7], $0x80, v4, vm0, $0xb8;
	[tilespmem:$0x1B180] =	vst v63  }
0x81: {  	s13 =	simm.s32 $0x8980  }
0x82: {  	[tilespmem:s13], [sflag:$0x2] =	stream.indirect_vreg.gather [hbm4b:s3+s7], $0x80, v3, vm0, $0xb8;
	[tilespmem:$0x1B180] =	vst v63  }
0x83: {  	v3 =	vld [tilespmem:$0x90];
	_ =	sdelay $0x4  }
0x84: {  	v49 =	vshll.u32 v3, $0x1  }
0x85: {  	v3 =	vand.u32 $0x7, v3;
	v4 =	vand.u32 $0xFFFFFFF0, v49  }
0x86: {  	v3 =	vor.u32 v3, v4  }
0x87: {  	v4 =	vperm.xlane v3, v0;
	_ =	sdelay $0x1  }
0x88: {  	v3 =	vperm.xlane v3, v2;
	v4 =	vadd.s32 v1, v4;
	_ =	sdelay $0x1  }
0x89: {  	v3 =	vadd.s32 v1, v3;
	_ =	sdelay $0x1  }
0x8a: {  	s14 =	simm.s32 $0x9180  }
0x8b: {  	[tilespmem:s14], [sflag:$0x2] =	stream.indirect_vreg.gather [hbm4b:s3+s7], $0x80, v4, vm0, $0xb8;
	[tilespmem:$0x1B180] =	vst v63  }
0x8c: {  	s16 =	simm.s32 $0x9980  }
0x8d: {  	[tilespmem:s16], [sflag:$0x2] =	stream.indirect_vreg.gather [hbm4b:s3+s7], $0x80, v3, vm0, $0xb8;
	[tilespmem:$0x1B180] =	vst v63  }
0x8e: {  	v3 =	vld [tilespmem:$0xA0];
	_ =	sdelay $0x4  }
0x8f: {  	v50 =	vshll.u32 v3, $0x1  }
0x90: {  	v3 =	vand.u32 $0x7, v3;
	v4 =	vand.u32 $0xFFFFFFF0, v50  }
0x91: {  	v3 =	vor.u32 v3, v4  }
0x92: {  	v4 =	vperm.xlane v3, v0;
	_ =	sdelay $0x1  }
0x93: {  	v3 =	vperm.xlane v3, v2;
	v4 =	vadd.s32 v1, v4;
	_ =	sdelay $0x1  }
0x94: {  	v3 =	vadd.s32 v1, v3;
	_ =	sdelay $0x1  }
0x95: {  	s17 =	simm.s32 $0xA180  }
0x96: {  	[tilespmem:s17], [sflag:$0x2] =	stream.indirect_vreg.gather [hbm4b:s3+s7], $0x80, v4, vm0, $0xb8;
	[tilespmem:$0x1B180] =	vst v63  }
0x97: {  	s18 =	simm.s32 $0xA980  }
0x98: {  	[tilespmem:s18], [sflag:$0x2] =	stream.indirect_vreg.gather [hbm4b:s3+s7], $0x80, v3, vm0, $0xb8;
	[tilespmem:$0x1B180] =	vst v63  }
0x99: {  	v3 =	vld [tilespmem:$0xB0];
	_ =	sdelay $0x4  }
0x9a: {  	v51 =	vshll.u32 v3, $0x1  }
0x9b: {  	v3 =	vand.u32 $0x7, v3;
	v4 =	vand.u32 $0xFFFFFFF0, v51  }
0x9c: {  	v3 =	vor.u32 v3, v4  }
0x9d: {  	v4 =	vperm.xlane v3, v0;
	_ =	sdelay $0x1  }
0x9e: {  	v3 =	vperm.xlane v3, v2;
	v4 =	vadd.s32 v1, v4;
	_ =	sdelay $0x1  }
0x9f: {  	v3 =	vadd.s32 v1, v3;
	_ =	sdelay $0x1  }
0xa0: {  	s19 =	simm.s32 $0xB180  }
0xa1: {  	[tilespmem:s19], [sflag:$0x2] =	stream.indirect_vreg.gather [hbm4b:s3+s7], $0x80, v4, vm0, $0xb8;
	[tilespmem:$0x1B180] =	vst v63  }
0xa2: {  	s20 =	simm.s32 $0xB980  }
0xa3: {  	[tilespmem:s20], [sflag:$0x2] =	stream.indirect_vreg.gather [hbm4b:s3+s7], $0x80, v3, vm0, $0xb8;
	[tilespmem:$0x1B180] =	vst v63  }
0xa4: {  	v3 =	vld [tilespmem:$0xC0];
	_ =	sdelay $0x4  }
0xa5: {  	v52 =	vshll.u32 v3, $0x1  }
0xa6: {  	v3 =	vand.u32 $0x7, v3;
	v4 =	vand.u32 $0xFFFFFFF0, v52  }
0xa7: {  	v3 =	vor.u32 v3, v4  }
0xa8: {  	v4 =	vperm.xlane v3, v0;
	_ =	sdelay $0x1  }
0xa9: {  	v3 =	vperm.xlane v3, v2;
	v4 =	vadd.s32 v1, v4;
	_ =	sdelay $0x1  }
0xaa: {  	v3 =	vadd.s32 v1, v3;
	_ =	sdelay $0x1  }
0xab: {  	s31 =	simm.s32 $0xC180  }
0xac: {  	[tilespmem:s31], [sflag:$0x2] =	stream.indirect_vreg.gather [hbm4b:s3+s7], $0x80, v4, vm0, $0xb8;
	[tilespmem:$0x1B180] =	vst v63  }
0xad: {  	s4 =	simm.s32 $0xC980  }
0xae: {  	[tilespmem:s4], [sflag:$0x2] =	stream.indirect_vreg.gather [hbm4b:s3+s7], $0x80, v3, vm0, $0xb8;
	[tilespmem:$0x1B180] =	vst v63  }
0xaf: {  	v3 =	vld [tilespmem:$0xD0];
	_ =	sdelay $0x4  }
0xb0: {  	v53 =	vshll.u32 v3, $0x1  }
0xb1: {  	v3 =	vand.u32 $0x7, v3;
	v4 =	vand.u32 $0xFFFFFFF0, v53  }
0xb2: {  	v3 =	vor.u32 v3, v4  }
0xb3: {  	v4 =	vperm.xlane v3, v0;
	_ =	sdelay $0x1  }
0xb4: {  	v3 =	vperm.xlane v3, v2;
	v4 =	vadd.s32 v1, v4;
	_ =	sdelay $0x1  }
0xb5: {  	v3 =	vadd.s32 v1, v3;
	_ =	sdelay $0x1  }
0xb6: {  	s13 =	simm.s32 $0xD180  }
0xb7: {  	[tilespmem:s13], [sflag:$0x2] =	stream.indirect_vreg.gather [hbm4b:s3+s7], $0x80, v4, vm0, $0xb8;
	[tilespmem:$0x1B180] =	vst v63  }
0xb8: {  	s14 =	simm.s32 $0xD980  }
0xb9: {  	[tilespmem:s14], [sflag:$0x2] =	stream.indirect_vreg.gather [hbm4b:s3+s7], $0x80, v3, vm0, $0xb8;
	[tilespmem:$0x1B180] =	vst v63  }
0xba: {  	v3 =	vld [tilespmem:$0xE0];
	_ =	sdelay $0x4  }
0xbb: {  	v54 =	vshll.u32 v3, $0x1  }
0xbc: {  	v3 =	vand.u32 $0x7, v3;
	v4 =	vand.u32 $0xFFFFFFF0, v54  }
0xbd: {  	v3 =	vor.u32 v3, v4  }
0xbe: {  	v4 =	vperm.xlane v3, v0;
	_ =	sdelay $0x1  }
0xbf: {  	v3 =	vperm.xlane v3, v2;
	v4 =	vadd.s32 v1, v4;
	_ =	sdelay $0x1  }
0xc0: {  	v3 =	vadd.s32 v1, v3;
	_ =	sdelay $0x1  }
0xc1: {  	s16 =	simm.s32 $0xE180  }
0xc2: {  	[tilespmem:s16], [sflag:$0x2] =	stream.indirect_vreg.gather [hbm4b:s3+s7], $0x80, v4, vm0, $0xb8;
	[tilespmem:$0x1B180] =	vst v63  }
0xc3: {  	s17 =	simm.s32 $0xE980  }
0xc4: {  	[tilespmem:s17], [sflag:$0x2] =	stream.indirect_vreg.gather [hbm4b:s3+s7], $0x80, v3, vm0, $0xb8;
	[tilespmem:$0x1B180] =	vst v63  }
0xc5: {  	v3 =	vld [tilespmem:$0xF0];
	_ =	sdelay $0x4  }
0xc6: {  	v55 =	vshll.u32 v3, $0x1  }
0xc7: {  	v3 =	vand.u32 $0x7, v3;
	v4 =	vand.u32 $0xFFFFFFF0, v55  }
0xc8: {  	v3 =	vor.u32 v3, v4  }
0xc9: {  	v4 =	vperm.xlane v3, v0;
	_ =	sdelay $0x1  }
0xca: {  	v3 =	vperm.xlane v3, v2;
	v4 =	vadd.s32 v1, v4;
	_ =	sdelay $0x1  }
0xcb: {  	v3 =	vadd.s32 v1, v3;
	_ =	sdelay $0x1  }
0xcc: {  	s18 =	simm.s32 $0xF180  }
0xcd: {  	[tilespmem:s18], [sflag:$0x2] =	stream.indirect_vreg.gather [hbm4b:s3+s7], $0x80, v4, vm0, $0xb8;
	[tilespmem:$0x1B180] =	vst v63  }
0xce: {  	s19 =	simm.s32 $0xF980  }
0xcf: {  	[tilespmem:s19], [sflag:$0x2] =	stream.indirect_vreg.gather [hbm4b:s3+s7], $0x80, v3, vm0, $0xb8;
	[tilespmem:$0x1B180] =	vst v63  }
0xd0: {  	v3 =	vld [tilespmem:$0x100];
	_ =	sdelay $0x4  }
0xd1: {  	v56 =	vshll.u32 v3, $0x1  }
0xd2: {  	v3 =	vand.u32 $0x7, v3;
	v4 =	vand.u32 $0xFFFFFFF0, v56  }
0xd3: {  	v3 =	vor.u32 v3, v4  }
0xd4: {  	v4 =	vperm.xlane v3, v0;
	_ =	sdelay $0x1  }
0xd5: {  	v3 =	vperm.xlane v3, v2;
	v4 =	vadd.s32 v1, v4;
	_ =	sdelay $0x1  }
0xd6: {  	v3 =	vadd.s32 v1, v3;
	_ =	sdelay $0x1  }
0xd7: {  	s20 =	simm.s32 $0x10180  }
0xd8: {  	[tilespmem:s20], [sflag:$0x2] =	stream.indirect_vreg.gather [hbm4b:s5+s7], $0x80, v4, vm0, $0xb8;
	[tilespmem:$0x1B180] =	vst v63  }
0xd9: {  	s31 =	simm.s32 $0x10980  }
0xda: {  	[tilespmem:s31], [sflag:$0x2] =	stream.indirect_vreg.gather [hbm4b:s5+s7], $0x80, v3, vm0, $0xb8;
	[tilespmem:$0x1B180] =	vst v63  }
0xdb: {  	v3 =	vld [tilespmem:$0x110];
	_ =	sdelay $0x4  }
0xdc: {  	v57 =	vshll.u32 v3, $0x1  }
0xdd: {  	v3 =	vand.u32 $0x7, v3;
	v4 =	vand.u32 $0xFFFFFFF0, v57  }
0xde: {  	v3 =	vor.u32 v3, v4  }
0xdf: {  	v4 =	vperm.xlane v3, v0;
	_ =	sdelay $0x1  }
0xe0: {  	v3 =	vperm.xlane v3, v2;
	v4 =	vadd.s32 v1, v4;
	_ =	sdelay $0x1  }
0xe1: {  	v3 =	vadd.s32 v1, v3;
	_ =	sdelay $0x1  }
0xe2: {  	s4 =	simm.s32 $0x11180  }
0xe3: {  	[tilespmem:s4], [sflag:$0x2] =	stream.indirect_vreg.gather [hbm4b:s5+s7], $0x80, v4, vm0, $0xb8;
	[tilespmem:$0x1B180] =	vst v63  }
0xe4: {  	s13 =	simm.s32 $0x11980  }
0xe5: {  	[tilespmem:s13], [sflag:$0x2] =	stream.indirect_vreg.gather [hbm4b:s5+s7], $0x80, v3, vm0, $0xb8;
	[tilespmem:$0x1B180] =	vst v63  }
0xe6: {  	v3 =	vld [tilespmem:$0x120];
	_ =	sdelay $0x4  }
0xe7: {  	v58 =	vshll.u32 v3, $0x1  }
0xe8: {  	v3 =	vand.u32 $0x7, v3;
	v4 =	vand.u32 $0xFFFFFFF0, v58  }
0xe9: {  	v3 =	vor.u32 v3, v4  }
0xea: {  	v4 =	vperm.xlane v3, v0;
	_ =	sdelay $0x1  }
0xeb: {  	v3 =	vperm.xlane v3, v2;
	v4 =	vadd.s32 v1, v4;
	_ =	sdelay $0x1  }
0xec: {  	v3 =	vadd.s32 v1, v3;
	_ =	sdelay $0x1  }
0xed: {  	s14 =	simm.s32 $0x12180  }
0xee: {  	[tilespmem:s14], [sflag:$0x2] =	stream.indirect_vreg.gather [hbm4b:s5+s7], $0x80, v4, vm0, $0xb8;
	[tilespmem:$0x1B180] =	vst v63  }
0xef: {  	s16 =	simm.s32 $0x12980  }
0xf0: {  	[tilespmem:s16], [sflag:$0x2] =	stream.indirect_vreg.gather [hbm4b:s5+s7], $0x80, v3, vm0, $0xb8;
	[tilespmem:$0x1B180] =	vst v63  }
0xf1: {  	v3 =	vld [tilespmem:$0x130];
	_ =	sdelay $0x4  }
0xf2: {  	v59 =	vshll.u32 v3, $0x1  }
0xf3: {  	v3 =	vand.u32 $0x7, v3;
	v4 =	vand.u32 $0xFFFFFFF0, v59  }
0xf4: {  	v3 =	vor.u32 v3, v4  }
0xf5: {  	v4 =	vperm.xlane v3, v0;
	_ =	sdelay $0x1  }
0xf6: {  	v3 =	vperm.xlane v3, v2;
	v4 =	vadd.s32 v1, v4;
	_ =	sdelay $0x1  }
0xf7: {  	v3 =	vadd.s32 v1, v3;
	_ =	sdelay $0x1  }
0xf8: {  	s17 =	simm.s32 $0x13180  }
0xf9: {  	[tilespmem:s17], [sflag:$0x2] =	stream.indirect_vreg.gather [hbm4b:s5+s7], $0x80, v4, vm0, $0xb8;
	[tilespmem:$0x1B180] =	vst v63  }
0xfa: {  	s18 =	simm.s32 $0x13980  }
0xfb: {  	[tilespmem:s18], [sflag:$0x2] =	stream.indirect_vreg.gather [hbm4b:s5+s7], $0x80, v3, vm0, $0xb8;
	[tilespmem:$0x1B180] =	vst v63  }
0xfc: {  	v3 =	vld [tilespmem:$0x140];
	_ =	sdelay $0x4  }
0xfd: {  	v60 =	vshll.u32 v3, $0x1  }
0xfe: {  	v3 =	vand.u32 $0x7, v3;
	v4 =	vand.u32 $0xFFFFFFF0, v60  }
0xff: {  	v3 =	vor.u32 v3, v4  }
0x100: {  	v4 =	vperm.xlane v3, v0;
	_ =	sdelay $0x1  }
0x101: {  	v3 =	vperm.xlane v3, v2;
	v4 =	vadd.s32 v1, v4;
	_ =	sdelay $0x1  }
0x102: {  	v3 =	vadd.s32 v1, v3;
	_ =	sdelay $0x1  }
0x103: {  	s19 =	simm.s32 $0x14180  }
0x104: {  	[tilespmem:s19], [sflag:$0x2] =	stream.indirect_vreg.gather [hbm4b:s5+s7], $0x80, v4, vm0, $0xb8;
	[tilespmem:$0x1B180] =	vst v63  }
0x105: {  	s20 =	simm.s32 $0x14980  }
0x106: {  	[tilespmem:s20], [sflag:$0x2] =	stream.indirect_vreg.gather [hbm4b:s5+s7], $0x80, v3, vm0, $0xb8;
	[tilespmem:$0x1B180] =	vst v63  }
0x107: {  	v3 =	vld [tilespmem:$0x150];
	_ =	sdelay $0x4  }
0x108: {  	v61 =	vshll.u32 v3, $0x1  }
0x109: {  	v3 =	vand.u32 $0x7, v3;
	v4 =	vand.u32 $0xFFFFFFF0, v61  }
0x10a: {  	v3 =	vor.u32 v3, v4  }
0x10b: {  	v4 =	vperm.xlane v3, v0;
	_ =	sdelay $0x1  }
0x10c: {  	v3 =	vperm.xlane v3, v2;
	v4 =	vadd.s32 v1, v4;
	_ =	sdelay $0x1  }
0x10d: {  	v3 =	vadd.s32 v1, v3;
	_ =	sdelay $0x1  }
0x10e: {  	s31 =	simm.s32 $0x15180  }
0x10f: {  	[tilespmem:s31], [sflag:$0x2] =	stream.indirect_vreg.gather [hbm4b:s5+s7], $0x80, v4, vm0, $0xb8;
	[tilespmem:$0x1B180] =	vst v63  }
0x110: {  	_ = 	snop  }
0x111: {  	[tilespmem:s21], [sflag:$0x2] =	stream.indirect_vreg.gather [hbm4b:s5+s7], $0x80, v3, vm0, $0xb8;
	[tilespmem:$0x1B180] =	vst v63  }
0x112: {  	v3 =	vld [tilespmem:$0x160];
	_ =	sdelay $0x4  }
0x113: {  	v62 =	vshll.u32 v3, $0x1  }
0x114: {  	v3 =	vand.u32 $0x7, v3;
	v4 =	vand.u32 $0xFFFFFFF0, v62  }
0x115: {  	v3 =	vor.u32 v3, v4  }
0x116: {  	v4 =	vperm.xlane v3, v0;
	_ =	sdelay $0x1  }
0x117: {  	v3 =	vperm.xlane v3, v2;
	v4 =	vadd.s32 v1, v4;
	_ =	sdelay $0x1  }
0x118: {  	v3 =	vadd.s32 v1, v3;
	_ =	sdelay $0x2  }
0x119: {  	[tilespmem:s22], [sflag:$0x2] =	stream.indirect_vreg.gather [hbm4b:s5+s7], $0x80, v4, vm0, $0xb8;
	[tilespmem:$0x1B180] =	vst v63  }
0x11a: {  	_ = 	snop  }
0x11b: {  	[tilespmem:s23], [sflag:$0x2] =	stream.indirect_vreg.gather [hbm4b:s5+s7], $0x80, v3, vm0, $0xb8;
	[tilespmem:$0x1B180] =	vst v63  }
0x11c: {  	v3 =	vld [tilespmem:$0x170];
	_ =	sdelay $0x4  }
0x11d: {  	v63 =	vshll.u32 v3, $0x1  }
0x11e: {  	v3 =	vand.u32 $0x7, v3;
	v4 =	vand.u32 $0xFFFFFFF0, v63  }
0x11f: {  	v3 =	vor.u32 v3, v4  }
0x120: {  	v4 =	vperm.xlane v3, v0;
	_ =	sdelay $0x1  }
0x121: {  	v3 =	vperm.xlane v3, v2;
	v4 =	vadd.s32 v1, v4;
	_ =	sdelay $0x1  }
0x122: {  	v3 =	vadd.s32 v1, v3;
	_ =	sdelay $0x2  }
0x123: {  	[tilespmem:s24], [sflag:$0x2] =	stream.indirect_vreg.gather [hbm4b:s5+s7], $0x80, v4, vm0, $0xb8;
	[tilespmem:$0x1B180] =	vst v63  }
0x124: {  	_ = 	snop  }
0x125: {  	[tilespmem:s25], [sflag:$0x2] =	stream.indirect_vreg.gather [hbm4b:s5+s7], $0x80, v3, vm0, $0xb8;
	[tilespmem:$0x1B180] =	vst v63  }
0x126: {  	_ =	swait.ge [sflag:s26], $0x8000  }
0x127: {  	[sflag:s26] =	ssyncset.done $0x0  }
0x128: {  	[sflag:s26] =	ssyncadd.s32 $0xFFFF8000  }
0x129: {  	_ =	swait.ge [sflag:s26], $0x8000  }
0x12a: {  	[sflag:s26] =	ssyncset.done $0x0  }
0x12b: {  	[sflag:s26] =	ssyncadd.s32 $0xFFFF8000  }
0x12c: {  	_ =	swait.ge [sflag:s26], $0x8000  }
0x12d: {  	[sflag:s26] =	ssyncset.done $0x0  }
0x12e: {  	s1 =	simm.s32 $0x0;
	s4 =	simm.s32 $0x0;
	[sflag:s26] =	ssyncadd.s32 $0xFFFF8000  }
.LBB2_2:
0x12f: {  	s13 =	sshll.u32 s4, $0x4  }
0x130: {  	s13 =	sor.u32 s8, s13  }
0x131: {  	s13 =	sshrl.u32 s13, $0x3  }
0x132: {  	s13 =	smul.u32 $0x300, s13;
	_ =	sdelay $0x1  }
0x133: {  	s31 =	simm.s32 $0x0;
	s14 =	sadd.s32 s0, s13  }
0x134: {  	[tilespmem:s28], [sflag:$0x3] =	stream.linear.gather [hbm4b:s14+s31], $0x3000, $0x38;
	[tilespmem:$0x1B180] =	vst v63  }
0x135: {  	_ =	swait.ge [sflag:s29], $0x3000  }
0x136: {  	[sflag:s29] =	ssyncset.done $0x0  }
0x137: {  	s16 =	simm.s32 $0x0;
	s14 =	smov.u32 s1;
	[sflag:s29] =	ssyncadd.s32 $0xFFFFD000  }
.LBB2_3:
0x138: {  	s17 =	sshrl.u32 s16, $0x3  }
0x139: {  	s17 =	smul.u32 $0x6000, s17;
	_ =	sdelay $0x1  }
0x13a: {  	s19 =	sand.u32 $0x380, s31;
	s17 =	sshra.s32 s17, $0x2  }
0x13b: {  	s20 =	sand.u32 $0x7800, s14;
	s18 =	sor.u32 s19, s17  }
0x13c: {  	s17 =	sor.u32 s19, s20;
	v3 =	vld [tilespmem:s18+$0x18180]  }
0x13d: {  	v4 =	vld [tilespmem:s17+$0x180];
	_ =	sdelay $0x4  }
0x13e: {  	v3 =	vadd.f32 v4, v3;
	_ =	sdelay $0x1  }
0x13f: {  	s20 =	sadd.s32 $0x18180, s18;
	[tilespmem:s18+$0x18180] =	vst v3  }
0x140: {  	v3 =	vld [tilespmem:s20+$0x10]  }
0x141: {  	v17 =	vld [tilespmem:s17+$0x190];
	_ =	sdelay $0x4  }
0x142: {  	v3 =	vadd.f32 v17, v3;
	_ =	sdelay $0x1  }
0x143: {  	[tilespmem:s20+$0x10] =	vst v3;
	v3 =	vld [tilespmem:s20+$0x20]  }
0x144: {  	v18 =	vld [tilespmem:s17+$0x1A0];
	_ =	sdelay $0x4  }
0x145: {  	v3 =	vadd.f32 v18, v3;
	_ =	sdelay $0x1  }
0x146: {  	[tilespmem:s20+$0x20] =	vst v3;
	v3 =	vld [tilespmem:s20+$0x30]  }
0x147: {  	v19 =	vld [tilespmem:s17+$0x1B0];
	_ =	sdelay $0x4  }
0x148: {  	v3 =	vadd.f32 v19, v3;
	_ =	sdelay $0x1  }
0x149: {  	[tilespmem:s20+$0x30] =	vst v3;
	v3 =	vld [tilespmem:s20+$0x40]  }
0x14a: {  	v20 =	vld [tilespmem:s17+$0x1C0];
	_ =	sdelay $0x4  }
0x14b: {  	v3 =	vadd.f32 v20, v3;
	_ =	sdelay $0x1  }
0x14c: {  	[tilespmem:s20+$0x40] =	vst v3;
	v3 =	vld [tilespmem:s20+$0x50]  }
0x14d: {  	v21 =	vld [tilespmem:s17+$0x1D0];
	_ =	sdelay $0x4  }
0x14e: {  	v3 =	vadd.f32 v21, v3;
	_ =	sdelay $0x1  }
0x14f: {  	[tilespmem:s20+$0x50] =	vst v3;
	v3 =	vld [tilespmem:s20+$0x60]  }
0x150: {  	v22 =	vld [tilespmem:s17+$0x1E0];
	_ =	sdelay $0x4  }
0x151: {  	v3 =	vadd.f32 v22, v3;
	_ =	sdelay $0x1  }
0x152: {  	[tilespmem:s20+$0x60] =	vst v3;
	v3 =	vld [tilespmem:s20+$0x70]  }
0x153: {  	v23 =	vld [tilespmem:s17+$0x1F0];
	_ =	sdelay $0x4  }
0x154: {  	v3 =	vadd.f32 v23, v3;
	_ =	sdelay $0x1  }
0x155: {  	[tilespmem:s20+$0x70] =	vst v3;
	v3 =	vld [tilespmem:s20+$0x400]  }
0x156: {  	v24 =	vld [tilespmem:s17+$0x580];
	_ =	sdelay $0x4  }
0x157: {  	v3 =	vadd.f32 v24, v3;
	_ =	sdelay $0x1  }
0x158: {  	[tilespmem:s20+$0x400] =	vst v3;
	v3 =	vld [tilespmem:s20+$0x410]  }
0x159: {  	v25 =	vld [tilespmem:s17+$0x590];
	_ =	sdelay $0x4  }
0x15a: {  	v3 =	vadd.f32 v25, v3;
	_ =	sdelay $0x1  }
0x15b: {  	[tilespmem:s20+$0x410] =	vst v3;
	v3 =	vld [tilespmem:s20+$0x420]  }
0x15c: {  	v26 =	vld [tilespmem:s17+$0x5A0];
	_ =	sdelay $0x4  }
0x15d: {  	v3 =	vadd.f32 v26, v3;
	_ =	sdelay $0x1  }
0x15e: {  	[tilespmem:s20+$0x420] =	vst v3;
	v3 =	vld [tilespmem:s20+$0x430]  }
0x15f: {  	v27 =	vld [tilespmem:s17+$0x5B0];
	_ =	sdelay $0x4  }
0x160: {  	v3 =	vadd.f32 v27, v3;
	_ =	sdelay $0x1  }
0x161: {  	[tilespmem:s20+$0x430] =	vst v3;
	v3 =	vld [tilespmem:s20+$0x440]  }
0x162: {  	v28 =	vld [tilespmem:s17+$0x5C0];
	_ =	sdelay $0x4  }
0x163: {  	v3 =	vadd.f32 v28, v3;
	_ =	sdelay $0x1  }
0x164: {  	[tilespmem:s20+$0x440] =	vst v3;
	v3 =	vld [tilespmem:s20+$0x450]  }
0x165: {  	v29 =	vld [tilespmem:s17+$0x5D0];
	_ =	sdelay $0x4  }
0x166: {  	v3 =	vadd.f32 v29, v3;
	_ =	sdelay $0x1  }
0x167: {  	[tilespmem:s20+$0x450] =	vst v3;
	v3 =	vld [tilespmem:s20+$0x460]  }
0x168: {  	v30 =	vld [tilespmem:s17+$0x5E0];
	_ =	sdelay $0x4  }
0x169: {  	v3 =	vadd.f32 v30, v3;
	_ =	sdelay $0x1  }
0x16a: {  	[tilespmem:s20+$0x460] =	vst v3;
	v3 =	vld [tilespmem:s20+$0x470]  }
0x16b: {  	v31 =	vld [tilespmem:s17+$0x5F0];
	_ =	sdelay $0x4  }
0x16c: {  	v3 =	vadd.f32 v31, v3;
	_ =	sdelay $0x1  }
0x16d: {  	[tilespmem:s20+$0x470] =	vst v3  }
0x16e: {  	v3 =	vld [tilespmem:s18+$0x18980]  }
0x16f: {  	v32 =	vld [tilespmem:s17+$0x8180];
	_ =	sdelay $0x4  }
0x170: {  	v3 =	vadd.f32 v32, v3;
	_ =	sdelay $0x1  }
0x171: {  	s20 =	sadd.s32 $0x18980, s18;
	[tilespmem:s18+$0x18980] =	vst v3  }
0x172: {  	v3 =	vld [tilespmem:s20+$0x10]  }
0x173: {  	v33 =	vld [tilespmem:s17+$0x8190];
	_ =	sdelay $0x4  }
0x174: {  	v3 =	vadd.f32 v33, v3;
	_ =	sdelay $0x1  }
0x175: {  	[tilespmem:s20+$0x10] =	vst v3;
	v3 =	vld [tilespmem:s20+$0x20]  }
0x176: {  	v34 =	vld [tilespmem:s17+$0x81A0];
	_ =	sdelay $0x4  }
0x177: {  	v3 =	vadd.f32 v34, v3;
	_ =	sdelay $0x1  }
0x178: {  	[tilespmem:s20+$0x20] =	vst v3;
	v3 =	vld [tilespmem:s20+$0x30]  }
0x179: {  	v35 =	vld [tilespmem:s17+$0x81B0];
	_ =	sdelay $0x4  }
0x17a: {  	v3 =	vadd.f32 v35, v3;
	_ =	sdelay $0x1  }
0x17b: {  	[tilespmem:s20+$0x30] =	vst v3;
	v3 =	vld [tilespmem:s20+$0x40]  }
0x17c: {  	v36 =	vld [tilespmem:s17+$0x81C0];
	_ =	sdelay $0x4  }
0x17d: {  	v3 =	vadd.f32 v36, v3;
	_ =	sdelay $0x1  }
0x17e: {  	[tilespmem:s20+$0x40] =	vst v3;
	v3 =	vld [tilespmem:s20+$0x50]  }
0x17f: {  	v37 =	vld [tilespmem:s17+$0x81D0];
	_ =	sdelay $0x4  }
0x180: {  	v3 =	vadd.f32 v37, v3;
	_ =	sdelay $0x1  }
0x181: {  	[tilespmem:s20+$0x50] =	vst v3;
	v3 =	vld [tilespmem:s20+$0x60]  }
0x182: {  	v38 =	vld [tilespmem:s17+$0x81E0];
	_ =	sdelay $0x4  }
0x183: {  	v3 =	vadd.f32 v38, v3;
	_ =	sdelay $0x1  }
0x184: {  	[tilespmem:s20+$0x60] =	vst v3;
	v3 =	vld [tilespmem:s20+$0x70]  }
0x185: {  	v39 =	vld [tilespmem:s17+$0x81F0];
	_ =	sdelay $0x4  }
0x186: {  	v3 =	vadd.f32 v39, v3;
	_ =	sdelay $0x1  }
0x187: {  	[tilespmem:s20+$0x70] =	vst v3  }
0x188: {  	v3 =	vld [tilespmem:s18+$0x18D80]  }
0x189: {  	v40 =	vld [tilespmem:s17+$0x8580];
	_ =	sdelay $0x4  }
0x18a: {  	v3 =	vadd.f32 v40, v3;
	_ =	sdelay $0x1  }
0x18b: {  	s20 =	sadd.s32 $0x18D80, s18;
	[tilespmem:s18+$0x18D80] =	vst v3  }
0x18c: {  	v3 =	vld [tilespmem:s20+$0x10]  }
0x18d: {  	v41 =	vld [tilespmem:s17+$0x8590];
	_ =	sdelay $0x4  }
0x18e: {  	v3 =	vadd.f32 v41, v3;
	_ =	sdelay $0x1  }
0x18f: {  	[tilespmem:s20+$0x10] =	vst v3;
	v3 =	vld [tilespmem:s20+$0x20]  }
0x190: {  	v42 =	vld [tilespmem:s17+$0x85A0];
	_ =	sdelay $0x4  }
0x191: {  	v3 =	vadd.f32 v42, v3;
	_ =	sdelay $0x1  }
0x192: {  	[tilespmem:s20+$0x20] =	vst v3;
	v3 =	vld [tilespmem:s20+$0x30]  }
0x193: {  	v43 =	vld [tilespmem:s17+$0x85B0];
	_ =	sdelay $0x4  }
0x194: {  	v3 =	vadd.f32 v43, v3;
	_ =	sdelay $0x1  }
0x195: {  	[tilespmem:s20+$0x30] =	vst v3;
	v3 =	vld [tilespmem:s20+$0x40]  }
0x196: {  	v44 =	vld [tilespmem:s17+$0x85C0];
	_ =	sdelay $0x4  }
0x197: {  	v3 =	vadd.f32 v44, v3;
	_ =	sdelay $0x1  }
0x198: {  	[tilespmem:s20+$0x40] =	vst v3;
	v3 =	vld [tilespmem:s20+$0x50]  }
0x199: {  	v45 =	vld [tilespmem:s17+$0x85D0];
	_ =	sdelay $0x4  }
0x19a: {  	v3 =	vadd.f32 v45, v3;
	_ =	sdelay $0x1  }
0x19b: {  	[tilespmem:s20+$0x50] =	vst v3;
	v3 =	vld [tilespmem:s20+$0x60]  }
0x19c: {  	v46 =	vld [tilespmem:s17+$0x85E0];
	_ =	sdelay $0x4  }
0x19d: {  	v3 =	vadd.f32 v46, v3;
	_ =	sdelay $0x1  }
0x19e: {  	[tilespmem:s20+$0x60] =	vst v3;
	v3 =	vld [tilespmem:s20+$0x70]  }
0x19f: {  	v47 =	vld [tilespmem:s17+$0x85F0];
	_ =	sdelay $0x4  }
0x1a0: {  	v3 =	vadd.f32 v47, v3;
	_ =	sdelay $0x1  }
0x1a1: {  	[tilespmem:s20+$0x70] =	vst v3  }
0x1a2: {  	v3 =	vld [tilespmem:s18+$0x19180]  }
0x1a3: {  	v48 =	vld [tilespmem:s17+$0x10180];
	_ =	sdelay $0x4  }
0x1a4: {  	v3 =	vadd.f32 v48, v3;
	_ =	sdelay $0x1  }
0x1a5: {  	s20 =	sadd.s32 $0x19180, s18;
	[tilespmem:s18+$0x19180] =	vst v3  }
0x1a6: {  	v3 =	vld [tilespmem:s20+$0x10]  }
0x1a7: {  	v49 =	vld [tilespmem:s17+$0x10190];
	_ =	sdelay $0x4  }
0x1a8: {  	v3 =	vadd.f32 v49, v3;
	_ =	sdelay $0x1  }
0x1a9: {  	[tilespmem:s20+$0x10] =	vst v3;
	v3 =	vld [tilespmem:s20+$0x20]  }
0x1aa: {  	v50 =	vld [tilespmem:s17+$0x101A0];
	_ =	sdelay $0x4  }
0x1ab: {  	v3 =	vadd.f32 v50, v3;
	_ =	sdelay $0x1  }
0x1ac: {  	[tilespmem:s20+$0x20] =	vst v3;
	v3 =	vld [tilespmem:s20+$0x30]  }
0x1ad: {  	v51 =	vld [tilespmem:s17+$0x101B0];
	_ =	sdelay $0x4  }
0x1ae: {  	v3 =	vadd.f32 v51, v3;
	_ =	sdelay $0x1  }
0x1af: {  	[tilespmem:s20+$0x30] =	vst v3;
	v3 =	vld [tilespmem:s20+$0x40]  }
0x1b0: {  	v52 =	vld [tilespmem:s17+$0x101C0];
	_ =	sdelay $0x4  }
0x1b1: {  	v3 =	vadd.f32 v52, v3;
	_ =	sdelay $0x1  }
0x1b2: {  	[tilespmem:s20+$0x40] =	vst v3;
	v3 =	vld [tilespmem:s20+$0x50]  }
0x1b3: {  	v53 =	vld [tilespmem:s17+$0x101D0];
	_ =	sdelay $0x4  }
0x1b4: {  	v3 =	vadd.f32 v53, v3;
	_ =	sdelay $0x1  }
0x1b5: {  	[tilespmem:s20+$0x50] =	vst v3;
	v3 =	vld [tilespmem:s20+$0x60]  }
0x1b6: {  	v54 =	vld [tilespmem:s17+$0x101E0];
	_ =	sdelay $0x4  }
0x1b7: {  	v3 =	vadd.f32 v54, v3;
	_ =	sdelay $0x1  }
0x1b8: {  	[tilespmem:s20+$0x60] =	vst v3;
	v3 =	vld [tilespmem:s20+$0x70]  }
0x1b9: {  	v55 =	vld [tilespmem:s17+$0x101F0];
	_ =	sdelay $0x4  }
0x1ba: {  	v3 =	vadd.f32 v55, v3;
	_ =	sdelay $0x1  }
0x1bb: {  	[tilespmem:s20+$0x70] =	vst v3  }
0x1bc: {  	v3 =	vld [tilespmem:s18+$0x19580]  }
0x1bd: {  	v56 =	vld [tilespmem:s17+$0x10580];
	_ =	sdelay $0x4  }
0x1be: {  	v3 =	vadd.f32 v56, v3;
	_ =	sdelay $0x1  }
0x1bf: {  	s20 =	sadd.s32 $0x19580, s18;
	[tilespmem:s18+$0x19580] =	vst v3  }
0x1c0: {  	v3 =	vld [tilespmem:s20+$0x10]  }
0x1c1: {  	v57 =	vld [tilespmem:s17+$0x10590];
	_ =	sdelay $0x4  }
0x1c2: {  	v3 =	vadd.f32 v57, v3;
	_ =	sdelay $0x1  }
0x1c3: {  	[tilespmem:s20+$0x10] =	vst v3;
	v3 =	vld [tilespmem:s20+$0x20]  }
0x1c4: {  	v58 =	vld [tilespmem:s17+$0x105A0];
	_ =	sdelay $0x4  }
0x1c5: {  	v3 =	vadd.f32 v58, v3;
	_ =	sdelay $0x1  }
0x1c6: {  	[tilespmem:s20+$0x20] =	vst v3;
	v3 =	vld [tilespmem:s20+$0x30]  }
0x1c7: {  	v59 =	vld [tilespmem:s17+$0x105B0];
	_ =	sdelay $0x4  }
0x1c8: {  	v3 =	vadd.f32 v59, v3;
	_ =	sdelay $0x1  }
0x1c9: {  	[tilespmem:s20+$0x30] =	vst v3;
	v3 =	vld [tilespmem:s20+$0x40]  }
0x1ca: {  	v60 =	vld [tilespmem:s17+$0x105C0];
	_ =	sdelay $0x4  }
0x1cb: {  	v3 =	vadd.f32 v60, v3;
	_ =	sdelay $0x1  }
0x1cc: {  	[tilespmem:s20+$0x40] =	vst v3;
	v3 =	vld [tilespmem:s20+$0x50]  }
0x1cd: {  	v61 =	vld [tilespmem:s17+$0x105D0];
	_ =	sdelay $0x4  }
0x1ce: {  	v3 =	vadd.f32 v61, v3;
	_ =	sdelay $0x1  }
0x1cf: {  	[tilespmem:s20+$0x50] =	vst v3;
	v3 =	vld [tilespmem:s20+$0x60]  }
0x1d0: {  	v62 =	vld [tilespmem:s17+$0x105E0];
	_ =	sdelay $0x4  }
0x1d1: {  	v3 =	vadd.f32 v62, v3;
	_ =	sdelay $0x1  }
0x1d2: {  	[tilespmem:s20+$0x60] =	vst v3;
	v3 =	vld [tilespmem:s20+$0x70]  }
0x1d3: {  	v63 =	vld [tilespmem:s17+$0x105F0];
	_ =	sdelay $0x1  }
0x1d4: {  	p0 =	sne.s32 s16, $0xF  }
.Ltmp0:
0x1d5: {  	_ = 	snop;
	(pc) =	sbr.rel @p0 .LBB2_3-.Ltmp0, $3  }
0x1d6: {  	_ = 	snop  }
0x1d7: {  	v3 =	vadd.f32 v63, v3;
	_ =	sdelay $0x1  }
0x1d8: {  	s31 =	sadd.s32 $0x80, s31;
	s14 =	sadd.s32 $0x100, s14;
	s16 =	sadd.s32 $0x1, s16;
	[tilespmem:s20+$0x70] =	vst v3  }
0x1d9: {  	s4 =	sadd.s32 $0x1, s4  }
0x1da: {  	p0 =	sne.s32 s4, $0x8  }
.Ltmp1:
0x1db: {  	s13 =	sadd.s32 s6, s13;
	s31 =	simm.s32 $0x0;
	(pc) =	sbr.rel @p0 .LBB2_2-.Ltmp1, $4  }
0x1dc: {  	[hbm4b:s13+s31] =	stream.linear.scatter [tilespmem:s28], [sflag:$0x3], $0x3000, $0x38;
	[tilespmem:$0x1B180] =	vst v63  }
0x1dd: {  	_ =	swait.ge [sflag:s29], $0x3000  }
0x1de: {  	[sflag:s29] =	ssyncset.done $0x0  }
0x1df: {  	s1 =	sadd.s32 $0x1000, s1;
	[sflag:s29] =	ssyncadd.s32 $0xFFFFD000  }
0x1e0: {  	s14 =	simm.s32 $0x0;
	s13 =	simm.s32 $0x0  }
.LBB2_6:
0x1e1: {  	s1 =	sshll.u32 s13, $0x4  }
0x1e2: {  	s1 =	sor.u32 s8, s1  }
0x1e3: {  	s1 =	sshrl.u32 s1, $0x3  }
0x1e4: {  	s1 =	smul.u32 $0x1800, s1;
	_ =	sdelay $0x1  }
0x1e5: {  	s1 =	sshrl.u32 s1, $0x3  }
0x1e6: {  	s1 =	sadd.s32 $0x60000, s1  }
0x1e7: {  	s4 =	sadd.s32 s0, s1  }
0x1e8: {  	[tilespmem:s28], [sflag:$0x3] =	stream.linear.gather [hbm4b:s4+s31], $0x3000, $0x38;
	[tilespmem:$0x1B180] =	vst v63  }
0x1e9: {  	_ =	swait.ge [sflag:s29], $0x3000  }
0x1ea: {  	s16 =	simm.s32 $0x0;
	[sflag:s29] =	ssyncset.done $0x0  }
0x1eb: {  	s17 =	simm.s32 $0x0;
	s4 =	smov.u32 s14;
	[sflag:s29] =	ssyncadd.s32 $0xFFFFD000  }
.LBB2_7:
0x1ec: {  	s18 =	sshrl.u32 s17, $0x3  }
0x1ed: {  	s18 =	smul.u32 $0x6000, s18;
	_ =	sdelay $0x1  }
0x1ee: {  	s20 =	sand.u32 $0x380, s16;
	s18 =	sshra.s32 s18, $0x2  }
0x1ef: {  	s19 =	sor.u32 s20, s18;
	s18 =	sand.u32 $0x7800, s4  }
0x1f0: {  	v3 =	vld [tilespmem:s19+$0x18180];
	s18 =	sor.u32 s20, s18  }
0x1f1: {  	v4 =	vld [tilespmem:s18+$0x180];
	_ =	sdelay $0x4  }
0x1f2: {  	v3 =	vadd.f32 v4, v3;
	_ =	sdelay $0x1  }
0x1f3: {  	s20 =	sadd.s32 $0x18180, s19;
	[tilespmem:s19+$0x18180] =	vst v3  }
0x1f4: {  	v3 =	vld [tilespmem:s20+$0x10]  }
0x1f5: {  	v17 =	vld [tilespmem:s18+$0x190];
	_ =	sdelay $0x4  }
0x1f6: {  	v3 =	vadd.f32 v17, v3;
	_ =	sdelay $0x1  }
0x1f7: {  	[tilespmem:s20+$0x10] =	vst v3;
	v3 =	vld [tilespmem:s20+$0x20]  }
0x1f8: {  	v18 =	vld [tilespmem:s18+$0x1A0];
	_ =	sdelay $0x4  }
0x1f9: {  	v3 =	vadd.f32 v18, v3;
	_ =	sdelay $0x1  }
0x1fa: {  	[tilespmem:s20+$0x20] =	vst v3;
	v3 =	vld [tilespmem:s20+$0x30]  }
0x1fb: {  	v19 =	vld [tilespmem:s18+$0x1B0];
	_ =	sdelay $0x4  }
0x1fc: {  	v3 =	vadd.f32 v19, v3;
	_ =	sdelay $0x1  }
0x1fd: {  	[tilespmem:s20+$0x30] =	vst v3;
	v3 =	vld [tilespmem:s20+$0x40]  }
0x1fe: {  	v20 =	vld [tilespmem:s18+$0x1C0];
	_ =	sdelay $0x4  }
0x1ff: {  	v3 =	vadd.f32 v20, v3;
	_ =	sdelay $0x1  }
0x200: {  	[tilespmem:s20+$0x40] =	vst v3;
	v3 =	vld [tilespmem:s20+$0x50]  }
0x201: {  	v21 =	vld [tilespmem:s18+$0x1D0];
	_ =	sdelay $0x4  }
0x202: {  	v3 =	vadd.f32 v21, v3;
	_ =	sdelay $0x1  }
0x203: {  	[tilespmem:s20+$0x50] =	vst v3;
	v3 =	vld [tilespmem:s20+$0x60]  }
0x204: {  	v22 =	vld [tilespmem:s18+$0x1E0];
	_ =	sdelay $0x4  }
0x205: {  	v3 =	vadd.f32 v22, v3;
	_ =	sdelay $0x1  }
0x206: {  	[tilespmem:s20+$0x60] =	vst v3;
	v3 =	vld [tilespmem:s20+$0x70]  }
0x207: {  	v23 =	vld [tilespmem:s18+$0x1F0];
	_ =	sdelay $0x4  }
0x208: {  	v3 =	vadd.f32 v23, v3;
	_ =	sdelay $0x1  }
0x209: {  	[tilespmem:s20+$0x70] =	vst v3;
	v3 =	vld [tilespmem:s20+$0x400]  }
0x20a: {  	v24 =	vld [tilespmem:s18+$0x580];
	_ =	sdelay $0x4  }
0x20b: {  	v3 =	vadd.f32 v24, v3;
	_ =	sdelay $0x1  }
0x20c: {  	[tilespmem:s20+$0x400] =	vst v3;
	v3 =	vld [tilespmem:s20+$0x410]  }
0x20d: {  	v25 =	vld [tilespmem:s18+$0x590];
	_ =	sdelay $0x4  }
0x20e: {  	v3 =	vadd.f32 v25, v3;
	_ =	sdelay $0x1  }
0x20f: {  	[tilespmem:s20+$0x410] =	vst v3;
	v3 =	vld [tilespmem:s20+$0x420]  }
0x210: {  	v26 =	vld [tilespmem:s18+$0x5A0];
	_ =	sdelay $0x4  }
0x211: {  	v3 =	vadd.f32 v26, v3;
	_ =	sdelay $0x1  }
0x212: {  	[tilespmem:s20+$0x420] =	vst v3;
	v3 =	vld [tilespmem:s20+$0x430]  }
0x213: {  	v27 =	vld [tilespmem:s18+$0x5B0];
	_ =	sdelay $0x4  }
0x214: {  	v3 =	vadd.f32 v27, v3;
	_ =	sdelay $0x1  }
0x215: {  	[tilespmem:s20+$0x430] =	vst v3;
	v3 =	vld [tilespmem:s20+$0x440]  }
0x216: {  	v28 =	vld [tilespmem:s18+$0x5C0];
	_ =	sdelay $0x4  }
0x217: {  	v3 =	vadd.f32 v28, v3;
	_ =	sdelay $0x1  }
0x218: {  	[tilespmem:s20+$0x440] =	vst v3;
	v3 =	vld [tilespmem:s20+$0x450]  }
0x219: {  	v29 =	vld [tilespmem:s18+$0x5D0];
	_ =	sdelay $0x4  }
0x21a: {  	v3 =	vadd.f32 v29, v3;
	_ =	sdelay $0x1  }
0x21b: {  	[tilespmem:s20+$0x450] =	vst v3;
	v3 =	vld [tilespmem:s20+$0x460]  }
0x21c: {  	v30 =	vld [tilespmem:s18+$0x5E0];
	_ =	sdelay $0x4  }
0x21d: {  	v3 =	vadd.f32 v30, v3;
	_ =	sdelay $0x1  }
0x21e: {  	[tilespmem:s20+$0x460] =	vst v3;
	v3 =	vld [tilespmem:s20+$0x470]  }
0x21f: {  	v31 =	vld [tilespmem:s18+$0x5F0];
	_ =	sdelay $0x4  }
0x220: {  	v3 =	vadd.f32 v31, v3;
	_ =	sdelay $0x1  }
0x221: {  	[tilespmem:s20+$0x470] =	vst v3  }
0x222: {  	v3 =	vld [tilespmem:s19+$0x18980]  }
0x223: {  	v32 =	vld [tilespmem:s18+$0x8180];
	_ =	sdelay $0x4  }
0x224: {  	v3 =	vadd.f32 v32, v3;
	_ =	sdelay $0x1  }
0x225: {  	s20 =	sadd.s32 $0x18980, s19;
	[tilespmem:s19+$0x18980] =	vst v3  }
0x226: {  	v3 =	vld [tilespmem:s20+$0x10]  }
0x227: {  	v33 =	vld [tilespmem:s18+$0x8190];
	_ =	sdelay $0x4  }
0x228: {  	v3 =	vadd.f32 v33, v3;
	_ =	sdelay $0x1  }
0x229: {  	[tilespmem:s20+$0x10] =	vst v3;
	v3 =	vld [tilespmem:s20+$0x20]  }
0x22a: {  	v34 =	vld [tilespmem:s18+$0x81A0];
	_ =	sdelay $0x4  }
0x22b: {  	v3 =	vadd.f32 v34, v3;
	_ =	sdelay $0x1  }
0x22c: {  	[tilespmem:s20+$0x20] =	vst v3;
	v3 =	vld [tilespmem:s20+$0x30]  }
0x22d: {  	v35 =	vld [tilespmem:s18+$0x81B0];
	_ =	sdelay $0x4  }
0x22e: {  	v3 =	vadd.f32 v35, v3;
	_ =	sdelay $0x1  }
0x22f: {  	[tilespmem:s20+$0x30] =	vst v3;
	v3 =	vld [tilespmem:s20+$0x40]  }
0x230: {  	v36 =	vld [tilespmem:s18+$0x81C0];
	_ =	sdelay $0x4  }
0x231: {  	v3 =	vadd.f32 v36, v3;
	_ =	sdelay $0x1  }
0x232: {  	[tilespmem:s20+$0x40] =	vst v3;
	v3 =	vld [tilespmem:s20+$0x50]  }
0x233: {  	v37 =	vld [tilespmem:s18+$0x81D0];
	_ =	sdelay $0x4  }
0x234: {  	v3 =	vadd.f32 v37, v3;
	_ =	sdelay $0x1  }
0x235: {  	[tilespmem:s20+$0x50] =	vst v3;
	v3 =	vld [tilespmem:s20+$0x60]  }
0x236: {  	v38 =	vld [tilespmem:s18+$0x81E0];
	_ =	sdelay $0x4  }
0x237: {  	v3 =	vadd.f32 v38, v3;
	_ =	sdelay $0x1  }
0x238: {  	[tilespmem:s20+$0x60] =	vst v3;
	v3 =	vld [tilespmem:s20+$0x70]  }
0x239: {  	v39 =	vld [tilespmem:s18+$0x81F0];
	_ =	sdelay $0x4  }
0x23a: {  	v3 =	vadd.f32 v39, v3;
	_ =	sdelay $0x1  }
0x23b: {  	[tilespmem:s20+$0x70] =	vst v3  }
0x23c: {  	v3 =	vld [tilespmem:s19+$0x18D80]  }
0x23d: {  	v40 =	vld [tilespmem:s18+$0x8580];
	_ =	sdelay $0x4  }
0x23e: {  	v3 =	vadd.f32 v40, v3;
	_ =	sdelay $0x1  }
0x23f: {  	s20 =	sadd.s32 $0x18D80, s19;
	[tilespmem:s19+$0x18D80] =	vst v3  }
0x240: {  	v3 =	vld [tilespmem:s20+$0x10]  }
0x241: {  	v41 =	vld [tilespmem:s18+$0x8590];
	_ =	sdelay $0x4  }
0x242: {  	v3 =	vadd.f32 v41, v3;
	_ =	sdelay $0x1  }
0x243: {  	[tilespmem:s20+$0x10] =	vst v3;
	v3 =	vld [tilespmem:s20+$0x20]  }
0x244: {  	v42 =	vld [tilespmem:s18+$0x85A0];
	_ =	sdelay $0x4  }
0x245: {  	v3 =	vadd.f32 v42, v3;
	_ =	sdelay $0x1  }
0x246: {  	[tilespmem:s20+$0x20] =	vst v3;
	v3 =	vld [tilespmem:s20+$0x30]  }
0x247: {  	v43 =	vld [tilespmem:s18+$0x85B0];
	_ =	sdelay $0x4  }
0x248: {  	v3 =	vadd.f32 v43, v3;
	_ =	sdelay $0x1  }
0x249: {  	[tilespmem:s20+$0x30] =	vst v3;
	v3 =	vld [tilespmem:s20+$0x40]  }
0x24a: {  	v44 =	vld [tilespmem:s18+$0x85C0];
	_ =	sdelay $0x4  }
0x24b: {  	v3 =	vadd.f32 v44, v3;
	_ =	sdelay $0x1  }
0x24c: {  	[tilespmem:s20+$0x40] =	vst v3;
	v3 =	vld [tilespmem:s20+$0x50]  }
0x24d: {  	v45 =	vld [tilespmem:s18+$0x85D0];
	_ =	sdelay $0x4  }
0x24e: {  	v3 =	vadd.f32 v45, v3;
	_ =	sdelay $0x1  }
0x24f: {  	[tilespmem:s20+$0x50] =	vst v3;
	v3 =	vld [tilespmem:s20+$0x60]  }
0x250: {  	v46 =	vld [tilespmem:s18+$0x85E0];
	_ =	sdelay $0x4  }
0x251: {  	v3 =	vadd.f32 v46, v3;
	_ =	sdelay $0x1  }
0x252: {  	[tilespmem:s20+$0x60] =	vst v3;
	v3 =	vld [tilespmem:s20+$0x70]  }
0x253: {  	v47 =	vld [tilespmem:s18+$0x85F0];
	_ =	sdelay $0x4  }
0x254: {  	v3 =	vadd.f32 v47, v3;
	_ =	sdelay $0x1  }
0x255: {  	[tilespmem:s20+$0x70] =	vst v3  }
0x256: {  	v3 =	vld [tilespmem:s19+$0x19180]  }
0x257: {  	v48 =	vld [tilespmem:s18+$0x10180];
	_ =	sdelay $0x4  }
0x258: {  	v3 =	vadd.f32 v48, v3;
	_ =	sdelay $0x1  }
0x259: {  	s20 =	sadd.s32 $0x19180, s19;
	[tilespmem:s19+$0x19180] =	vst v3  }
0x25a: {  	v3 =	vld [tilespmem:s20+$0x10]  }
0x25b: {  	v49 =	vld [tilespmem:s18+$0x10190];
	_ =	sdelay $0x4  }
0x25c: {  	v3 =	vadd.f32 v49, v3;
	_ =	sdelay $0x1  }
0x25d: {  	[tilespmem:s20+$0x10] =	vst v3;
	v3 =	vld [tilespmem:s20+$0x20]  }
0x25e: {  	v50 =	vld [tilespmem:s18+$0x101A0];
	_ =	sdelay $0x4  }
0x25f: {  	v3 =	vadd.f32 v50, v3;
	_ =	sdelay $0x1  }
0x260: {  	[tilespmem:s20+$0x20] =	vst v3;
	v3 =	vld [tilespmem:s20+$0x30]  }
0x261: {  	v51 =	vld [tilespmem:s18+$0x101B0];
	_ =	sdelay $0x4  }
0x262: {  	v3 =	vadd.f32 v51, v3;
	_ =	sdelay $0x1  }
0x263: {  	[tilespmem:s20+$0x30] =	vst v3;
	v3 =	vld [tilespmem:s20+$0x40]  }
0x264: {  	v52 =	vld [tilespmem:s18+$0x101C0];
	_ =	sdelay $0x4  }
0x265: {  	v3 =	vadd.f32 v52, v3;
	_ =	sdelay $0x1  }
0x266: {  	[tilespmem:s20+$0x40] =	vst v3;
	v3 =	vld [tilespmem:s20+$0x50]  }
0x267: {  	v53 =	vld [tilespmem:s18+$0x101D0];
	_ =	sdelay $0x4  }
0x268: {  	v3 =	vadd.f32 v53, v3;
	_ =	sdelay $0x1  }
0x269: {  	[tilespmem:s20+$0x50] =	vst v3;
	v3 =	vld [tilespmem:s20+$0x60]  }
0x26a: {  	v54 =	vld [tilespmem:s18+$0x101E0];
	_ =	sdelay $0x4  }
0x26b: {  	v3 =	vadd.f32 v54, v3;
	_ =	sdelay $0x1  }
0x26c: {  	[tilespmem:s20+$0x60] =	vst v3;
	v3 =	vld [tilespmem:s20+$0x70]  }
0x26d: {  	v55 =	vld [tilespmem:s18+$0x101F0];
	_ =	sdelay $0x4  }
0x26e: {  	v3 =	vadd.f32 v55, v3;
	_ =	sdelay $0x1  }
0x26f: {  	[tilespmem:s20+$0x70] =	vst v3  }
0x270: {  	v3 =	vld [tilespmem:s19+$0x19580]  }
0x271: {  	v56 =	vld [tilespmem:s18+$0x10580];
	_ =	sdelay $0x4  }
0x272: {  	v3 =	vadd.f32 v56, v3;
	_ =	sdelay $0x1  }
0x273: {  	s20 =	sadd.s32 $0x19580, s19;
	[tilespmem:s19+$0x19580] =	vst v3  }
0x274: {  	v3 =	vld [tilespmem:s20+$0x10]  }
0x275: {  	v57 =	vld [tilespmem:s18+$0x10590];
	_ =	sdelay $0x4  }
0x276: {  	v3 =	vadd.f32 v57, v3;
	_ =	sdelay $0x1  }
0x277: {  	[tilespmem:s20+$0x10] =	vst v3;
	v3 =	vld [tilespmem:s20+$0x20]  }
0x278: {  	v58 =	vld [tilespmem:s18+$0x105A0];
	_ =	sdelay $0x4  }
0x279: {  	v3 =	vadd.f32 v58, v3;
	_ =	sdelay $0x1  }
0x27a: {  	[tilespmem:s20+$0x20] =	vst v3;
	v3 =	vld [tilespmem:s20+$0x30]  }
0x27b: {  	v59 =	vld [tilespmem:s18+$0x105B0];
	_ =	sdelay $0x4  }
0x27c: {  	v3 =	vadd.f32 v59, v3;
	_ =	sdelay $0x1  }
0x27d: {  	[tilespmem:s20+$0x30] =	vst v3;
	v3 =	vld [tilespmem:s20+$0x40]  }
0x27e: {  	v60 =	vld [tilespmem:s18+$0x105C0];
	_ =	sdelay $0x4  }
0x27f: {  	v3 =	vadd.f32 v60, v3;
	_ =	sdelay $0x1  }
0x280: {  	[tilespmem:s20+$0x40] =	vst v3;
	v3 =	vld [tilespmem:s20+$0x50]  }
0x281: {  	v61 =	vld [tilespmem:s18+$0x105D0];
	_ =	sdelay $0x4  }
0x282: {  	v3 =	vadd.f32 v61, v3;
	_ =	sdelay $0x1  }
0x283: {  	[tilespmem:s20+$0x50] =	vst v3;
	v3 =	vld [tilespmem:s20+$0x60]  }
0x284: {  	v62 =	vld [tilespmem:s18+$0x105E0];
	_ =	sdelay $0x4  }
0x285: {  	v3 =	vadd.f32 v62, v3;
	_ =	sdelay $0x1  }
0x286: {  	[tilespmem:s20+$0x60] =	vst v3;
	v3 =	vld [tilespmem:s20+$0x70]  }
0x287: {  	v63 =	vld [tilespmem:s18+$0x105F0];
	_ =	sdelay $0x1  }
0x288: {  	p0 =	sne.s32 s17, $0xF  }
.Ltmp2:
0x289: {  	_ = 	snop;
	(pc) =	sbr.rel @p0 .LBB2_7-.Ltmp2, $3  }
0x28a: {  	_ = 	snop  }
0x28b: {  	v3 =	vadd.f32 v63, v3;
	_ =	sdelay $0x1  }
0x28c: {  	s16 =	sadd.s32 $0x80, s16;
	s17 =	sadd.s32 $0x1, s17;
	s4 =	sadd.s32 $0x100, s4;
	[tilespmem:s20+$0x70] =	vst v3  }
0x28d: {  	s13 =	sadd.s32 $0x1, s13  }
0x28e: {  	p0 =	sne.s32 s13, $0x8  }
.Ltmp3:
0x28f: {  	s4 =	sadd.s32 s6, s1;
	s1 =	simm.s32 $0x0;
	(pc) =	sbr.rel @p0 .LBB2_6-.Ltmp3, $4  }
0x290: {  	[hbm4b:s4+s1] =	stream.linear.scatter [tilespmem:s28], [sflag:$0x3], $0x3000, $0x38;
	[tilespmem:$0x1B180] =	vst v63  }
0x291: {  	_ =	swait.ge [sflag:s29], $0x3000  }
0x292: {  	[sflag:s29] =	ssyncset.done $0x0  }
0x293: {  	s14 =	sadd.s32 $0x1000, s14;
	[sflag:s29] =	ssyncadd.s32 $0xFFFFD000  }
0x294: {  	s4 =	simm.s32 $0x0;
	s13 =	simm.s32 $0x0  }
.LBB2_10:
0x295: {  	s14 =	sshll.u32 s13, $0x4  }
0x296: {  	s14 =	sor.u32 s8, s14  }
0x297: {  	s14 =	sshrl.u32 s14, $0x3  }
0x298: {  	s14 =	smul.u32 $0x1800, s14;
	_ =	sdelay $0x1  }
0x299: {  	s14 =	sshrl.u32 s14, $0x3  }
0x29a: {  	s31 =	sadd.s32 $0xC0000, s14  }
0x29b: {  	s14 =	sadd.s32 s0, s31  }
0x29c: {  	[tilespmem:s28], [sflag:$0x3] =	stream.linear.gather [hbm4b:s14+s1], $0x3000, $0x38;
	[tilespmem:$0x1B180] =	vst v63  }
0x29d: {  	_ =	swait.ge [sflag:s29], $0x3000  }
0x29e: {  	s16 =	simm.s32 $0x0;
	[sflag:s29] =	ssyncset.done $0x0  }
0x29f: {  	s17 =	simm.s32 $0x0;
	s14 =	smov.u32 s4;
	[sflag:s29] =	ssyncadd.s32 $0xFFFFD000  }
.LBB2_11:
0x2a0: {  	s18 =	sshrl.u32 s17, $0x3  }
0x2a1: {  	s18 =	smul.u32 $0x6000, s18;
	_ =	sdelay $0x1  }
0x2a2: {  	s20 =	sand.u32 $0x380, s16;
	s18 =	sshra.s32 s18, $0x2  }
0x2a3: {  	s19 =	sor.u32 s20, s18;
	s18 =	sand.u32 $0x7800, s14  }
0x2a4: {  	v3 =	vld [tilespmem:s19+$0x18180];
	s18 =	sor.u32 s20, s18  }
0x2a5: {  	v4 =	vld [tilespmem:s18+$0x180];
	_ =	sdelay $0x4  }
0x2a6: {  	v3 =	vadd.f32 v4, v3;
	_ =	sdelay $0x1  }
0x2a7: {  	s20 =	sadd.s32 $0x18180, s19;
	[tilespmem:s19+$0x18180] =	vst v3  }
0x2a8: {  	v3 =	vld [tilespmem:s20+$0x10]  }
0x2a9: {  	v17 =	vld [tilespmem:s18+$0x190];
	_ =	sdelay $0x4  }
0x2aa: {  	v3 =	vadd.f32 v17, v3;
	_ =	sdelay $0x1  }
0x2ab: {  	[tilespmem:s20+$0x10] =	vst v3;
	v3 =	vld [tilespmem:s20+$0x20]  }
0x2ac: {  	v18 =	vld [tilespmem:s18+$0x1A0];
	_ =	sdelay $0x4  }
0x2ad: {  	v3 =	vadd.f32 v18, v3;
	_ =	sdelay $0x1  }
0x2ae: {  	[tilespmem:s20+$0x20] =	vst v3;
	v3 =	vld [tilespmem:s20+$0x30]  }
0x2af: {  	v19 =	vld [tilespmem:s18+$0x1B0];
	_ =	sdelay $0x4  }
0x2b0: {  	v3 =	vadd.f32 v19, v3;
	_ =	sdelay $0x1  }
0x2b1: {  	[tilespmem:s20+$0x30] =	vst v3;
	v3 =	vld [tilespmem:s20+$0x40]  }
0x2b2: {  	v20 =	vld [tilespmem:s18+$0x1C0];
	_ =	sdelay $0x4  }
0x2b3: {  	v3 =	vadd.f32 v20, v3;
	_ =	sdelay $0x1  }
0x2b4: {  	[tilespmem:s20+$0x40] =	vst v3;
	v3 =	vld [tilespmem:s20+$0x50]  }
0x2b5: {  	v21 =	vld [tilespmem:s18+$0x1D0];
	_ =	sdelay $0x4  }
0x2b6: {  	v3 =	vadd.f32 v21, v3;
	_ =	sdelay $0x1  }
0x2b7: {  	[tilespmem:s20+$0x50] =	vst v3;
	v3 =	vld [tilespmem:s20+$0x60]  }
0x2b8: {  	v22 =	vld [tilespmem:s18+$0x1E0];
	_ =	sdelay $0x4  }
0x2b9: {  	v3 =	vadd.f32 v22, v3;
	_ =	sdelay $0x1  }
0x2ba: {  	[tilespmem:s20+$0x60] =	vst v3;
	v3 =	vld [tilespmem:s20+$0x70]  }
0x2bb: {  	v23 =	vld [tilespmem:s18+$0x1F0];
	_ =	sdelay $0x4  }
0x2bc: {  	v3 =	vadd.f32 v23, v3;
	_ =	sdelay $0x1  }
0x2bd: {  	[tilespmem:s20+$0x70] =	vst v3;
	v3 =	vld [tilespmem:s20+$0x400]  }
0x2be: {  	v24 =	vld [tilespmem:s18+$0x580];
	_ =	sdelay $0x4  }
0x2bf: {  	v3 =	vadd.f32 v24, v3;
	_ =	sdelay $0x1  }
0x2c0: {  	[tilespmem:s20+$0x400] =	vst v3;
	v3 =	vld [tilespmem:s20+$0x410]  }
0x2c1: {  	v25 =	vld [tilespmem:s18+$0x590];
	_ =	sdelay $0x4  }
0x2c2: {  	v3 =	vadd.f32 v25, v3;
	_ =	sdelay $0x1  }
0x2c3: {  	[tilespmem:s20+$0x410] =	vst v3;
	v3 =	vld [tilespmem:s20+$0x420]  }
0x2c4: {  	v26 =	vld [tilespmem:s18+$0x5A0];
	_ =	sdelay $0x4  }
0x2c5: {  	v3 =	vadd.f32 v26, v3;
	_ =	sdelay $0x1  }
0x2c6: {  	[tilespmem:s20+$0x420] =	vst v3;
	v3 =	vld [tilespmem:s20+$0x430]  }
0x2c7: {  	v27 =	vld [tilespmem:s18+$0x5B0];
	_ =	sdelay $0x4  }
0x2c8: {  	v3 =	vadd.f32 v27, v3;
	_ =	sdelay $0x1  }
0x2c9: {  	[tilespmem:s20+$0x430] =	vst v3;
	v3 =	vld [tilespmem:s20+$0x440]  }
0x2ca: {  	v28 =	vld [tilespmem:s18+$0x5C0];
	_ =	sdelay $0x4  }
0x2cb: {  	v3 =	vadd.f32 v28, v3;
	_ =	sdelay $0x1  }
0x2cc: {  	[tilespmem:s20+$0x440] =	vst v3;
	v3 =	vld [tilespmem:s20+$0x450]  }
0x2cd: {  	v29 =	vld [tilespmem:s18+$0x5D0];
	_ =	sdelay $0x4  }
0x2ce: {  	v3 =	vadd.f32 v29, v3;
	_ =	sdelay $0x1  }
0x2cf: {  	[tilespmem:s20+$0x450] =	vst v3;
	v3 =	vld [tilespmem:s20+$0x460]  }
0x2d0: {  	v30 =	vld [tilespmem:s18+$0x5E0];
	_ =	sdelay $0x4  }
0x2d1: {  	v3 =	vadd.f32 v30, v3;
	_ =	sdelay $0x1  }
0x2d2: {  	[tilespmem:s20+$0x460] =	vst v3;
	v3 =	vld [tilespmem:s20+$0x470]  }
0x2d3: {  	v31 =	vld [tilespmem:s18+$0x5F0];
	_ =	sdelay $0x4  }
0x2d4: {  	v3 =	vadd.f32 v31, v3;
	_ =	sdelay $0x1  }
0x2d5: {  	[tilespmem:s20+$0x470] =	vst v3  }
0x2d6: {  	v3 =	vld [tilespmem:s19+$0x18980]  }
0x2d7: {  	v32 =	vld [tilespmem:s18+$0x8180];
	_ =	sdelay $0x4  }
0x2d8: {  	v3 =	vadd.f32 v32, v3;
	_ =	sdelay $0x1  }
0x2d9: {  	s20 =	sadd.s32 $0x18980, s19;
	[tilespmem:s19+$0x18980] =	vst v3  }
0x2da: {  	v3 =	vld [tilespmem:s20+$0x10]  }
0x2db: {  	v33 =	vld [tilespmem:s18+$0x8190];
	_ =	sdelay $0x4  }
0x2dc: {  	v3 =	vadd.f32 v33, v3;
	_ =	sdelay $0x1  }
0x2dd: {  	[tilespmem:s20+$0x10] =	vst v3;
	v3 =	vld [tilespmem:s20+$0x20]  }
0x2de: {  	v34 =	vld [tilespmem:s18+$0x81A0];
	_ =	sdelay $0x4  }
0x2df: {  	v3 =	vadd.f32 v34, v3;
	_ =	sdelay $0x1  }
0x2e0: {  	[tilespmem:s20+$0x20] =	vst v3;
	v3 =	vld [tilespmem:s20+$0x30]  }
0x2e1: {  	v35 =	vld [tilespmem:s18+$0x81B0];
	_ =	sdelay $0x4  }
0x2e2: {  	v3 =	vadd.f32 v35, v3;
	_ =	sdelay $0x1  }
0x2e3: {  	[tilespmem:s20+$0x30] =	vst v3;
	v3 =	vld [tilespmem:s20+$0x40]  }
0x2e4: {  	v36 =	vld [tilespmem:s18+$0x81C0];
	_ =	sdelay $0x4  }
0x2e5: {  	v3 =	vadd.f32 v36, v3;
	_ =	sdelay $0x1  }
0x2e6: {  	[tilespmem:s20+$0x40] =	vst v3;
	v3 =	vld [tilespmem:s20+$0x50]  }
0x2e7: {  	v37 =	vld [tilespmem:s18+$0x81D0];
	_ =	sdelay $0x4  }
0x2e8: {  	v3 =	vadd.f32 v37, v3;
	_ =	sdelay $0x1  }
0x2e9: {  	[tilespmem:s20+$0x50] =	vst v3;
	v3 =	vld [tilespmem:s20+$0x60]  }
0x2ea: {  	v38 =	vld [tilespmem:s18+$0x81E0];
	_ =	sdelay $0x4  }
0x2eb: {  	v3 =	vadd.f32 v38, v3;
	_ =	sdelay $0x1  }
0x2ec: {  	[tilespmem:s20+$0x60] =	vst v3;
	v3 =	vld [tilespmem:s20+$0x70]  }
0x2ed: {  	v39 =	vld [tilespmem:s18+$0x81F0];
	_ =	sdelay $0x4  }
0x2ee: {  	v3 =	vadd.f32 v39, v3;
	_ =	sdelay $0x1  }
0x2ef: {  	[tilespmem:s20+$0x70] =	vst v3  }
0x2f0: {  	v3 =	vld [tilespmem:s19+$0x18D80]  }
0x2f1: {  	v40 =	vld [tilespmem:s18+$0x8580];
	_ =	sdelay $0x4  }
0x2f2: {  	v3 =	vadd.f32 v40, v3;
	_ =	sdelay $0x1  }
0x2f3: {  	s20 =	sadd.s32 $0x18D80, s19;
	[tilespmem:s19+$0x18D80] =	vst v3  }
0x2f4: {  	v3 =	vld [tilespmem:s20+$0x10]  }
0x2f5: {  	v41 =	vld [tilespmem:s18+$0x8590];
	_ =	sdelay $0x4  }
0x2f6: {  	v3 =	vadd.f32 v41, v3;
	_ =	sdelay $0x1  }
0x2f7: {  	[tilespmem:s20+$0x10] =	vst v3;
	v3 =	vld [tilespmem:s20+$0x20]  }
0x2f8: {  	v42 =	vld [tilespmem:s18+$0x85A0];
	_ =	sdelay $0x4  }
0x2f9: {  	v3 =	vadd.f32 v42, v3;
	_ =	sdelay $0x1  }
0x2fa: {  	[tilespmem:s20+$0x20] =	vst v3;
	v3 =	vld [tilespmem:s20+$0x30]  }
0x2fb: {  	v43 =	vld [tilespmem:s18+$0x85B0];
	_ =	sdelay $0x4  }
0x2fc: {  	v3 =	vadd.f32 v43, v3;
	_ =	sdelay $0x1  }
0x2fd: {  	[tilespmem:s20+$0x30] =	vst v3;
	v3 =	vld [tilespmem:s20+$0x40]  }
0x2fe: {  	v44 =	vld [tilespmem:s18+$0x85C0];
	_ =	sdelay $0x4  }
0x2ff: {  	v3 =	vadd.f32 v44, v3;
	_ =	sdelay $0x1  }
0x300: {  	[tilespmem:s20+$0x40] =	vst v3;
	v3 =	vld [tilespmem:s20+$0x50]  }
0x301: {  	v45 =	vld [tilespmem:s18+$0x85D0];
	_ =	sdelay $0x4  }
0x302: {  	v3 =	vadd.f32 v45, v3;
	_ =	sdelay $0x1  }
0x303: {  	[tilespmem:s20+$0x50] =	vst v3;
	v3 =	vld [tilespmem:s20+$0x60]  }
0x304: {  	v46 =	vld [tilespmem:s18+$0x85E0];
	_ =	sdelay $0x4  }
0x305: {  	v3 =	vadd.f32 v46, v3;
	_ =	sdelay $0x1  }
0x306: {  	[tilespmem:s20+$0x60] =	vst v3;
	v3 =	vld [tilespmem:s20+$0x70]  }
0x307: {  	v47 =	vld [tilespmem:s18+$0x85F0];
	_ =	sdelay $0x4  }
0x308: {  	v3 =	vadd.f32 v47, v3;
	_ =	sdelay $0x1  }
0x309: {  	[tilespmem:s20+$0x70] =	vst v3  }
0x30a: {  	v3 =	vld [tilespmem:s19+$0x19180]  }
0x30b: {  	v48 =	vld [tilespmem:s18+$0x10180];
	_ =	sdelay $0x4  }
0x30c: {  	v3 =	vadd.f32 v48, v3;
	_ =	sdelay $0x1  }
0x30d: {  	s20 =	sadd.s32 $0x19180, s19;
	[tilespmem:s19+$0x19180] =	vst v3  }
0x30e: {  	v3 =	vld [tilespmem:s20+$0x10]  }
0x30f: {  	v49 =	vld [tilespmem:s18+$0x10190];
	_ =	sdelay $0x4  }
0x310: {  	v3 =	vadd.f32 v49, v3;
	_ =	sdelay $0x1  }
0x311: {  	[tilespmem:s20+$0x10] =	vst v3;
	v3 =	vld [tilespmem:s20+$0x20]  }
0x312: {  	v50 =	vld [tilespmem:s18+$0x101A0];
	_ =	sdelay $0x4  }
0x313: {  	v3 =	vadd.f32 v50, v3;
	_ =	sdelay $0x1  }
0x314: {  	[tilespmem:s20+$0x20] =	vst v3;
	v3 =	vld [tilespmem:s20+$0x30]  }
0x315: {  	v51 =	vld [tilespmem:s18+$0x101B0];
	_ =	sdelay $0x4  }
0x316: {  	v3 =	vadd.f32 v51, v3;
	_ =	sdelay $0x1  }
0x317: {  	[tilespmem:s20+$0x30] =	vst v3;
	v3 =	vld [tilespmem:s20+$0x40]  }
0x318: {  	v52 =	vld [tilespmem:s18+$0x101C0];
	_ =	sdelay $0x4  }
0x319: {  	v3 =	vadd.f32 v52, v3;
	_ =	sdelay $0x1  }
0x31a: {  	[tilespmem:s20+$0x40] =	vst v3;
	v3 =	vld [tilespmem:s20+$0x50]  }
0x31b: {  	v53 =	vld [tilespmem:s18+$0x101D0];
	_ =	sdelay $0x4  }
0x31c: {  	v3 =	vadd.f32 v53, v3;
	_ =	sdelay $0x1  }
0x31d: {  	[tilespmem:s20+$0x50] =	vst v3;
	v3 =	vld [tilespmem:s20+$0x60]  }
0x31e: {  	v54 =	vld [tilespmem:s18+$0x101E0];
	_ =	sdelay $0x4  }
0x31f: {  	v3 =	vadd.f32 v54, v3;
	_ =	sdelay $0x1  }
0x320: {  	[tilespmem:s20+$0x60] =	vst v3;
	v3 =	vld [tilespmem:s20+$0x70]  }
0x321: {  	v55 =	vld [tilespmem:s18+$0x101F0];
	_ =	sdelay $0x4  }
0x322: {  	v3 =	vadd.f32 v55, v3;
	_ =	sdelay $0x1  }
0x323: {  	[tilespmem:s20+$0x70] =	vst v3  }
0x324: {  	v3 =	vld [tilespmem:s19+$0x19580]  }
0x325: {  	v56 =	vld [tilespmem:s18+$0x10580];
	_ =	sdelay $0x4  }
0x326: {  	v3 =	vadd.f32 v56, v3;
	_ =	sdelay $0x1  }
0x327: {  	s20 =	sadd.s32 $0x19580, s19;
	[tilespmem:s19+$0x19580] =	vst v3  }
0x328: {  	v3 =	vld [tilespmem:s20+$0x10]  }
0x329: {  	v57 =	vld [tilespmem:s18+$0x10590];
	_ =	sdelay $0x4  }
0x32a: {  	v3 =	vadd.f32 v57, v3;
	_ =	sdelay $0x1  }
0x32b: {  	[tilespmem:s20+$0x10] =	vst v3;
	v3 =	vld [tilespmem:s20+$0x20]  }
0x32c: {  	v58 =	vld [tilespmem:s18+$0x105A0];
	_ =	sdelay $0x4  }
0x32d: {  	v3 =	vadd.f32 v58, v3;
	_ =	sdelay $0x1  }
0x32e: {  	[tilespmem:s20+$0x20] =	vst v3;
	v3 =	vld [tilespmem:s20+$0x30]  }
0x32f: {  	v59 =	vld [tilespmem:s18+$0x105B0];
	_ =	sdelay $0x4  }
0x330: {  	v3 =	vadd.f32 v59, v3;
	_ =	sdelay $0x1  }
0x331: {  	[tilespmem:s20+$0x30] =	vst v3;
	v3 =	vld [tilespmem:s20+$0x40]  }
0x332: {  	v60 =	vld [tilespmem:s18+$0x105C0];
	_ =	sdelay $0x4  }
0x333: {  	v3 =	vadd.f32 v60, v3;
	_ =	sdelay $0x1  }
0x334: {  	[tilespmem:s20+$0x40] =	vst v3;
	v3 =	vld [tilespmem:s20+$0x50]  }
0x335: {  	v61 =	vld [tilespmem:s18+$0x105D0];
	_ =	sdelay $0x4  }
0x336: {  	v3 =	vadd.f32 v61, v3;
	_ =	sdelay $0x1  }
0x337: {  	[tilespmem:s20+$0x50] =	vst v3;
	v3 =	vld [tilespmem:s20+$0x60]  }
0x338: {  	v62 =	vld [tilespmem:s18+$0x105E0];
	_ =	sdelay $0x4  }
0x339: {  	v3 =	vadd.f32 v62, v3;
	_ =	sdelay $0x1  }
0x33a: {  	[tilespmem:s20+$0x60] =	vst v3;
	v3 =	vld [tilespmem:s20+$0x70]  }
0x33b: {  	v63 =	vld [tilespmem:s18+$0x105F0];
	_ =	sdelay $0x1  }
0x33c: {  	p0 =	sne.s32 s17, $0xF  }
.Ltmp4:
0x33d: {  	_ = 	snop;
	(pc) =	sbr.rel @p0 .LBB2_11-.Ltmp4, $3  }
0x33e: {  	_ = 	snop  }
0x33f: {  	v3 =	vadd.f32 v63, v3;
	_ =	sdelay $0x1  }
0x340: {  	s16 =	sadd.s32 $0x80, s16;
	s17 =	sadd.s32 $0x1, s17;
	s14 =	sadd.s32 $0x100, s14;
	[tilespmem:s20+$0x70] =	vst v3  }
0x341: {  	s13 =	sadd.s32 $0x1, s13  }
0x342: {  	p0 =	sne.s32 s13, $0x8  }
.Ltmp5:
0x343: {  	s14 =	sadd.s32 s6, s31;
	s31 =	simm.s32 $0x0;
	(pc) =	sbr.rel @p0 .LBB2_10-.Ltmp5, $4  }
0x344: {  	[hbm4b:s14+s31] =	stream.linear.scatter [tilespmem:s28], [sflag:$0x3], $0x3000, $0x38;
	[tilespmem:$0x1B180] =	vst v63  }
0x345: {  	_ =	swait.ge [sflag:s29], $0x3000  }
0x346: {  	[sflag:s29] =	ssyncset.done $0x0  }
0x347: {  	s4 =	sadd.s32 $0x1000, s4;
	[sflag:s29] =	ssyncadd.s32 $0xFFFFD000  }
0x348: {  	s1 =	simm.s32 $0x0;
	s4 =	simm.s32 $0x0  }
.LBB2_14:
0x349: {  	s13 =	sshll.u32 s4, $0x4  }
0x34a: {  	s13 =	sor.u32 s8, s13  }
0x34b: {  	s13 =	sshrl.u32 s13, $0x3  }
0x34c: {  	s13 =	smul.u32 $0x1800, s13;
	_ =	sdelay $0x1  }
0x34d: {  	s13 =	sshrl.u32 s13, $0x3  }
0x34e: {  	s13 =	sadd.s32 $0x120000, s13  }
0x34f: {  	s14 =	sadd.s32 s0, s13  }
0x350: {  	[tilespmem:s28], [sflag:$0x3] =	stream.linear.gather [hbm4b:s14+s31], $0x3000, $0x38;
	[tilespmem:$0x1B180] =	vst v63  }
0x351: {  	_ =	swait.ge [sflag:s29], $0x3000  }
0x352: {  	s16 =	simm.s32 $0x0;
	[sflag:s29] =	ssyncset.done $0x0  }
0x353: {  	s17 =	simm.s32 $0x0;
	s14 =	smov.u32 s1;
	[sflag:s29] =	ssyncadd.s32 $0xFFFFD000  }
.LBB2_15:
0x354: {  	s18 =	sshrl.u32 s17, $0x3  }
0x355: {  	s18 =	smul.u32 $0x6000, s18;
	_ =	sdelay $0x1  }
0x356: {  	s20 =	sand.u32 $0x380, s16;
	s18 =	sshra.s32 s18, $0x2  }
0x357: {  	s19 =	sor.u32 s20, s18;
	s18 =	sand.u32 $0x7800, s14  }
0x358: {  	v3 =	vld [tilespmem:s19+$0x18180];
	s18 =	sor.u32 s20, s18  }
0x359: {  	v4 =	vld [tilespmem:s18+$0x180];
	_ =	sdelay $0x4  }
0x35a: {  	v3 =	vadd.f32 v4, v3;
	_ =	sdelay $0x1  }
0x35b: {  	s20 =	sadd.s32 $0x18180, s19;
	[tilespmem:s19+$0x18180] =	vst v3  }
0x35c: {  	v3 =	vld [tilespmem:s20+$0x10]  }
0x35d: {  	v17 =	vld [tilespmem:s18+$0x190];
	_ =	sdelay $0x4  }
0x35e: {  	v3 =	vadd.f32 v17, v3;
	_ =	sdelay $0x1  }
0x35f: {  	[tilespmem:s20+$0x10] =	vst v3;
	v3 =	vld [tilespmem:s20+$0x20]  }
0x360: {  	v18 =	vld [tilespmem:s18+$0x1A0];
	_ =	sdelay $0x4  }
0x361: {  	v3 =	vadd.f32 v18, v3;
	_ =	sdelay $0x1  }
0x362: {  	[tilespmem:s20+$0x20] =	vst v3;
	v3 =	vld [tilespmem:s20+$0x30]  }
0x363: {  	v19 =	vld [tilespmem:s18+$0x1B0];
	_ =	sdelay $0x4  }
0x364: {  	v3 =	vadd.f32 v19, v3;
	_ =	sdelay $0x1  }
0x365: {  	[tilespmem:s20+$0x30] =	vst v3;
	v3 =	vld [tilespmem:s20+$0x40]  }
0x366: {  	v20 =	vld [tilespmem:s18+$0x1C0];
	_ =	sdelay $0x4  }
0x367: {  	v3 =	vadd.f32 v20, v3;
	_ =	sdelay $0x1  }
0x368: {  	[tilespmem:s20+$0x40] =	vst v3;
	v3 =	vld [tilespmem:s20+$0x50]  }
0x369: {  	v21 =	vld [tilespmem:s18+$0x1D0];
	_ =	sdelay $0x4  }
0x36a: {  	v3 =	vadd.f32 v21, v3;
	_ =	sdelay $0x1  }
0x36b: {  	[tilespmem:s20+$0x50] =	vst v3;
	v3 =	vld [tilespmem:s20+$0x60]  }
0x36c: {  	v22 =	vld [tilespmem:s18+$0x1E0];
	_ =	sdelay $0x4  }
0x36d: {  	v3 =	vadd.f32 v22, v3;
	_ =	sdelay $0x1  }
0x36e: {  	[tilespmem:s20+$0x60] =	vst v3;
	v3 =	vld [tilespmem:s20+$0x70]  }
0x36f: {  	v23 =	vld [tilespmem:s18+$0x1F0];
	_ =	sdelay $0x4  }
0x370: {  	v3 =	vadd.f32 v23, v3;
	_ =	sdelay $0x1  }
0x371: {  	[tilespmem:s20+$0x70] =	vst v3;
	v3 =	vld [tilespmem:s20+$0x400]  }
0x372: {  	v24 =	vld [tilespmem:s18+$0x580];
	_ =	sdelay $0x4  }
0x373: {  	v3 =	vadd.f32 v24, v3;
	_ =	sdelay $0x1  }
0x374: {  	[tilespmem:s20+$0x400] =	vst v3;
	v3 =	vld [tilespmem:s20+$0x410]  }
0x375: {  	v25 =	vld [tilespmem:s18+$0x590];
	_ =	sdelay $0x4  }
0x376: {  	v3 =	vadd.f32 v25, v3;
	_ =	sdelay $0x1  }
0x377: {  	[tilespmem:s20+$0x410] =	vst v3;
	v3 =	vld [tilespmem:s20+$0x420]  }
0x378: {  	v26 =	vld [tilespmem:s18+$0x5A0];
	_ =	sdelay $0x4  }
0x379: {  	v3 =	vadd.f32 v26, v3;
	_ =	sdelay $0x1  }
0x37a: {  	[tilespmem:s20+$0x420] =	vst v3;
	v3 =	vld [tilespmem:s20+$0x430]  }
0x37b: {  	v27 =	vld [tilespmem:s18+$0x5B0];
	_ =	sdelay $0x4  }
0x37c: {  	v3 =	vadd.f32 v27, v3;
	_ =	sdelay $0x1  }
0x37d: {  	[tilespmem:s20+$0x430] =	vst v3;
	v3 =	vld [tilespmem:s20+$0x440]  }
0x37e: {  	v28 =	vld [tilespmem:s18+$0x5C0];
	_ =	sdelay $0x4  }
0x37f: {  	v3 =	vadd.f32 v28, v3;
	_ =	sdelay $0x1  }
0x380: {  	[tilespmem:s20+$0x440] =	vst v3;
	v3 =	vld [tilespmem:s20+$0x450]  }
0x381: {  	v29 =	vld [tilespmem:s18+$0x5D0];
	_ =	sdelay $0x4  }
0x382: {  	v3 =	vadd.f32 v29, v3;
	_ =	sdelay $0x1  }
0x383: {  	[tilespmem:s20+$0x450] =	vst v3;
	v3 =	vld [tilespmem:s20+$0x460]  }
0x384: {  	v30 =	vld [tilespmem:s18+$0x5E0];
	_ =	sdelay $0x4  }
0x385: {  	v3 =	vadd.f32 v30, v3;
	_ =	sdelay $0x1  }
0x386: {  	[tilespmem:s20+$0x460] =	vst v3;
	v3 =	vld [tilespmem:s20+$0x470]  }
0x387: {  	v31 =	vld [tilespmem:s18+$0x5F0];
	_ =	sdelay $0x4  }
0x388: {  	v3 =	vadd.f32 v31, v3;
	_ =	sdelay $0x1  }
0x389: {  	[tilespmem:s20+$0x470] =	vst v3  }
0x38a: {  	v3 =	vld [tilespmem:s19+$0x18980]  }
0x38b: {  	v32 =	vld [tilespmem:s18+$0x8180];
	_ =	sdelay $0x4  }
0x38c: {  	v3 =	vadd.f32 v32, v3;
	_ =	sdelay $0x1  }
0x38d: {  	s20 =	sadd.s32 $0x18980, s19;
	[tilespmem:s19+$0x18980] =	vst v3  }
0x38e: {  	v3 =	vld [tilespmem:s20+$0x10]  }
0x38f: {  	v33 =	vld [tilespmem:s18+$0x8190];
	_ =	sdelay $0x4  }
0x390: {  	v3 =	vadd.f32 v33, v3;
	_ =	sdelay $0x1  }
0x391: {  	[tilespmem:s20+$0x10] =	vst v3;
	v3 =	vld [tilespmem:s20+$0x20]  }
0x392: {  	v34 =	vld [tilespmem:s18+$0x81A0];
	_ =	sdelay $0x4  }
0x393: {  	v3 =	vadd.f32 v34, v3;
	_ =	sdelay $0x1  }
0x394: {  	[tilespmem:s20+$0x20] =	vst v3;
	v3 =	vld [tilespmem:s20+$0x30]  }
0x395: {  	v35 =	vld [tilespmem:s18+$0x81B0];
	_ =	sdelay $0x4  }
0x396: {  	v3 =	vadd.f32 v35, v3;
	_ =	sdelay $0x1  }
0x397: {  	[tilespmem:s20+$0x30] =	vst v3;
	v3 =	vld [tilespmem:s20+$0x40]  }
0x398: {  	v36 =	vld [tilespmem:s18+$0x81C0];
	_ =	sdelay $0x4  }
0x399: {  	v3 =	vadd.f32 v36, v3;
	_ =	sdelay $0x1  }
0x39a: {  	[tilespmem:s20+$0x40] =	vst v3;
	v3 =	vld [tilespmem:s20+$0x50]  }
0x39b: {  	v37 =	vld [tilespmem:s18+$0x81D0];
	_ =	sdelay $0x4  }
0x39c: {  	v3 =	vadd.f32 v37, v3;
	_ =	sdelay $0x1  }
0x39d: {  	[tilespmem:s20+$0x50] =	vst v3;
	v3 =	vld [tilespmem:s20+$0x60]  }
0x39e: {  	v38 =	vld [tilespmem:s18+$0x81E0];
	_ =	sdelay $0x4  }
0x39f: {  	v3 =	vadd.f32 v38, v3;
	_ =	sdelay $0x1  }
0x3a0: {  	[tilespmem:s20+$0x60] =	vst v3;
	v3 =	vld [tilespmem:s20+$0x70]  }
0x3a1: {  	v39 =	vld [tilespmem:s18+$0x81F0];
	_ =	sdelay $0x4  }
0x3a2: {  	v3 =	vadd.f32 v39, v3;
	_ =	sdelay $0x1  }
0x3a3: {  	[tilespmem:s20+$0x70] =	vst v3  }
0x3a4: {  	v3 =	vld [tilespmem:s19+$0x18D80]  }
0x3a5: {  	v40 =	vld [tilespmem:s18+$0x8580];
	_ =	sdelay $0x4  }
0x3a6: {  	v3 =	vadd.f32 v40, v3;
	_ =	sdelay $0x1  }
0x3a7: {  	s20 =	sadd.s32 $0x18D80, s19;
	[tilespmem:s19+$0x18D80] =	vst v3  }
0x3a8: {  	v3 =	vld [tilespmem:s20+$0x10]  }
0x3a9: {  	v41 =	vld [tilespmem:s18+$0x8590];
	_ =	sdelay $0x4  }
0x3aa: {  	v3 =	vadd.f32 v41, v3;
	_ =	sdelay $0x1  }
0x3ab: {  	[tilespmem:s20+$0x10] =	vst v3;
	v3 =	vld [tilespmem:s20+$0x20]  }
0x3ac: {  	v42 =	vld [tilespmem:s18+$0x85A0];
	_ =	sdelay $0x4  }
0x3ad: {  	v3 =	vadd.f32 v42, v3;
	_ =	sdelay $0x1  }
0x3ae: {  	[tilespmem:s20+$0x20] =	vst v3;
	v3 =	vld [tilespmem:s20+$0x30]  }
0x3af: {  	v43 =	vld [tilespmem:s18+$0x85B0];
	_ =	sdelay $0x4  }
0x3b0: {  	v3 =	vadd.f32 v43, v3;
	_ =	sdelay $0x1  }
0x3b1: {  	[tilespmem:s20+$0x30] =	vst v3;
	v3 =	vld [tilespmem:s20+$0x40]  }
0x3b2: {  	v44 =	vld [tilespmem:s18+$0x85C0];
	_ =	sdelay $0x4  }
0x3b3: {  	v3 =	vadd.f32 v44, v3;
	_ =	sdelay $0x1  }
0x3b4: {  	[tilespmem:s20+$0x40] =	vst v3;
	v3 =	vld [tilespmem:s20+$0x50]  }
0x3b5: {  	v45 =	vld [tilespmem:s18+$0x85D0];
	_ =	sdelay $0x4  }
0x3b6: {  	v3 =	vadd.f32 v45, v3;
	_ =	sdelay $0x1  }
0x3b7: {  	[tilespmem:s20+$0x50] =	vst v3;
	v3 =	vld [tilespmem:s20+$0x60]  }
0x3b8: {  	v46 =	vld [tilespmem:s18+$0x85E0];
	_ =	sdelay $0x4  }
0x3b9: {  	v3 =	vadd.f32 v46, v3;
	_ =	sdelay $0x1  }
0x3ba: {  	[tilespmem:s20+$0x60] =	vst v3;
	v3 =	vld [tilespmem:s20+$0x70]  }
0x3bb: {  	v47 =	vld [tilespmem:s18+$0x85F0];
	_ =	sdelay $0x4  }
0x3bc: {  	v3 =	vadd.f32 v47, v3;
	_ =	sdelay $0x1  }
0x3bd: {  	[tilespmem:s20+$0x70] =	vst v3  }
0x3be: {  	v3 =	vld [tilespmem:s19+$0x19180]  }
0x3bf: {  	v48 =	vld [tilespmem:s18+$0x10180];
	_ =	sdelay $0x4  }
0x3c0: {  	v3 =	vadd.f32 v48, v3;
	_ =	sdelay $0x1  }
0x3c1: {  	s20 =	sadd.s32 $0x19180, s19;
	[tilespmem:s19+$0x19180] =	vst v3  }
0x3c2: {  	v3 =	vld [tilespmem:s20+$0x10]  }
0x3c3: {  	v49 =	vld [tilespmem:s18+$0x10190];
	_ =	sdelay $0x4  }
0x3c4: {  	v3 =	vadd.f32 v49, v3;
	_ =	sdelay $0x1  }
0x3c5: {  	[tilespmem:s20+$0x10] =	vst v3;
	v3 =	vld [tilespmem:s20+$0x20]  }
0x3c6: {  	v50 =	vld [tilespmem:s18+$0x101A0];
	_ =	sdelay $0x4  }
0x3c7: {  	v3 =	vadd.f32 v50, v3;
	_ =	sdelay $0x1  }
0x3c8: {  	[tilespmem:s20+$0x20] =	vst v3;
	v3 =	vld [tilespmem:s20+$0x30]  }
0x3c9: {  	v51 =	vld [tilespmem:s18+$0x101B0];
	_ =	sdelay $0x4  }
0x3ca: {  	v3 =	vadd.f32 v51, v3;
	_ =	sdelay $0x1  }
0x3cb: {  	[tilespmem:s20+$0x30] =	vst v3;
	v3 =	vld [tilespmem:s20+$0x40]  }
0x3cc: {  	v52 =	vld [tilespmem:s18+$0x101C0];
	_ =	sdelay $0x4  }
0x3cd: {  	v3 =	vadd.f32 v52, v3;
	_ =	sdelay $0x1  }
0x3ce: {  	[tilespmem:s20+$0x40] =	vst v3;
	v3 =	vld [tilespmem:s20+$0x50]  }
0x3cf: {  	v53 =	vld [tilespmem:s18+$0x101D0];
	_ =	sdelay $0x4  }
0x3d0: {  	v3 =	vadd.f32 v53, v3;
	_ =	sdelay $0x1  }
0x3d1: {  	[tilespmem:s20+$0x50] =	vst v3;
	v3 =	vld [tilespmem:s20+$0x60]  }
0x3d2: {  	v54 =	vld [tilespmem:s18+$0x101E0];
	_ =	sdelay $0x4  }
0x3d3: {  	v3 =	vadd.f32 v54, v3;
	_ =	sdelay $0x1  }
0x3d4: {  	[tilespmem:s20+$0x60] =	vst v3;
	v3 =	vld [tilespmem:s20+$0x70]  }
0x3d5: {  	v55 =	vld [tilespmem:s18+$0x101F0];
	_ =	sdelay $0x4  }
0x3d6: {  	v3 =	vadd.f32 v55, v3;
	_ =	sdelay $0x1  }
0x3d7: {  	[tilespmem:s20+$0x70] =	vst v3  }
0x3d8: {  	v3 =	vld [tilespmem:s19+$0x19580]  }
0x3d9: {  	v56 =	vld [tilespmem:s18+$0x10580];
	_ =	sdelay $0x4  }
0x3da: {  	v3 =	vadd.f32 v56, v3;
	_ =	sdelay $0x1  }
0x3db: {  	s20 =	sadd.s32 $0x19580, s19;
	[tilespmem:s19+$0x19580] =	vst v3  }
0x3dc: {  	v3 =	vld [tilespmem:s20+$0x10]  }
0x3dd: {  	v57 =	vld [tilespmem:s18+$0x10590];
	_ =	sdelay $0x4  }
0x3de: {  	v3 =	vadd.f32 v57, v3;
	_ =	sdelay $0x1  }
0x3df: {  	[tilespmem:s20+$0x10] =	vst v3;
	v3 =	vld [tilespmem:s20+$0x20]  }
0x3e0: {  	v58 =	vld [tilespmem:s18+$0x105A0];
	_ =	sdelay $0x4  }
0x3e1: {  	v3 =	vadd.f32 v58, v3;
	_ =	sdelay $0x1  }
0x3e2: {  	[tilespmem:s20+$0x20] =	vst v3;
	v3 =	vld [tilespmem:s20+$0x30]  }
0x3e3: {  	v59 =	vld [tilespmem:s18+$0x105B0];
	_ =	sdelay $0x4  }
0x3e4: {  	v3 =	vadd.f32 v59, v3;
	_ =	sdelay $0x1  }
0x3e5: {  	[tilespmem:s20+$0x30] =	vst v3;
	v3 =	vld [tilespmem:s20+$0x40]  }
0x3e6: {  	v60 =	vld [tilespmem:s18+$0x105C0];
	_ =	sdelay $0x4  }
0x3e7: {  	v3 =	vadd.f32 v60, v3;
	_ =	sdelay $0x1  }
0x3e8: {  	[tilespmem:s20+$0x40] =	vst v3;
	v3 =	vld [tilespmem:s20+$0x50]  }
0x3e9: {  	v61 =	vld [tilespmem:s18+$0x105D0];
	_ =	sdelay $0x4  }
0x3ea: {  	v3 =	vadd.f32 v61, v3;
	_ =	sdelay $0x1  }
0x3eb: {  	[tilespmem:s20+$0x50] =	vst v3;
	v3 =	vld [tilespmem:s20+$0x60]  }
0x3ec: {  	v62 =	vld [tilespmem:s18+$0x105E0];
	_ =	sdelay $0x4  }
0x3ed: {  	v3 =	vadd.f32 v62, v3;
	_ =	sdelay $0x1  }
0x3ee: {  	[tilespmem:s20+$0x60] =	vst v3;
	v3 =	vld [tilespmem:s20+$0x70]  }
0x3ef: {  	v63 =	vld [tilespmem:s18+$0x105F0];
	_ =	sdelay $0x1  }
0x3f0: {  	p0 =	sne.s32 s17, $0xF  }
.Ltmp6:
0x3f1: {  	_ = 	snop;
	(pc) =	sbr.rel @p0 .LBB2_15-.Ltmp6, $3  }
0x3f2: {  	_ = 	snop  }
0x3f3: {  	v3 =	vadd.f32 v63, v3;
	_ =	sdelay $0x1  }
0x3f4: {  	s16 =	sadd.s32 $0x80, s16;
	s17 =	sadd.s32 $0x1, s17;
	s14 =	sadd.s32 $0x100, s14;
	[tilespmem:s20+$0x70] =	vst v3  }
0x3f5: {  	s4 =	sadd.s32 $0x1, s4  }
0x3f6: {  	p0 =	sne.s32 s4, $0x8  }
.Ltmp7:
0x3f7: {  	s13 =	sadd.s32 s6, s13;
	(pc) =	sbr.rel @p0 .LBB2_14-.Ltmp7, $4  }
0x3f8: {  	[hbm4b:s13+s7] =	stream.linear.scatter [tilespmem:s28], [sflag:$0x3], $0x3000, $0x38;
	[tilespmem:$0x1B180] =	vst v63  }
0x3f9: {  	_ =	swait.ge [sflag:s29], $0x3000  }
0x3fa: {  	[sflag:s29] =	ssyncset.done $0x0  }
0x3fb: {  	s1 =	sadd.s32 $0x1000, s1;
	[sflag:s29] =	ssyncadd.s32 $0xFFFFD000  }
0x3fc: {  	s30 =	sadd.s32 $0x1, s30  }
0x3fd: {  	p0 =	sne.s32 s30, s12  }
.Ltmp8:
0x3fe: {  	_ = 	snop;
	(pc) =	sbr.rel @p0 .LBB2_1-.Ltmp8, $1  }
0x3ff: {  	_ =	sdelay $0x3  }
0x400: {  	_ =	sfence.sel $0x180000  }
0x401: {  	[bflag:$0x0] =	sbarrier.arrive $0xFFFF  }
0x402: {  	_ =	strace $0x90000047  }
0x403: {  	s0 =	stileid.u32;
	[bflag:$0x2] =	sbarrier.arrive $0xFFFF  }
0x404: {  	p0 =	sne.s32 s0, $0x0;
	s0 =	rddreg [dreg:$0x8]  }
0x405: {  	s0 =	sadd.s32 @!p0 $0x100000, s0  }
0x406: {  	[sflag:s0] =	ssyncadd.tile.s32 @!p0 $0x1;
	_ =	shalt  }
.Lfunc_end2:
_tile_overlayer_lowered:
.L_overlay_start_2:
0x407: {  	(tag) =	ssettag $0x2  }
0x408: {  	s0 =	rddreg [dreg:$0x0];
	s2 =	stileid.u32  }
0x409: {  	s1 =	rddreg [dreg:$0x1];
	p0 =	sne.s32 s2, $0x0  }
0x40a: {  	s3 =	rddreg [dreg:$0x2];
	[bflag:$0x3] =	sbarrier.arrive $0xFFFF;
	s2 =	simm.s32 @!p0 $0x1C03  }
0x40b: {  	[timem:s3], [sflag:s2] =	dma.local @!p0 [hbm:s0], s1  }
0x40c: {  	s0 =	simm.s32 @!p0 $0x3  }
0x40d: {  	_ =	swait.ge @!p0 [sflag:s0], s1  }
0x40e: {  	s1 =	ssub.s32 @!p0 $0x0, s1;
	[sflag:s0] =	ssyncset.done @!p0 $0x0  }
0x40f: {  	[sflag:s0] =	ssyncadd.s32 @!p0 s1  }
0x410: {  	[bflag:$0x3] =	sbarrier.arrive $0xFFFF  }
0x411: {  	_ =	shalt  }

</sc_bundles>
